<compile_context>
chip_gen: v7x
topology: tpu7x:2x2x1
jax: 0.10.2.dev20260603
libtpu: 0.0.44.dev20260713+nightly
codegen_flags: <defaults>
</compile_context>

<pallas_src>
import functools
import math

import numpy as _np

import jax
import jax.numpy as jnp
from jax import lax
from jax.experimental import pallas as pl
from jax.experimental.pallas import tpu as pltpu
from jax.experimental.pallas import tpu_sc as plsc

_CLASSES = 10
_SIZE = 64
_CMS = 8
_CTX = 128
_IN = 512
_B = 128
_ROWS = 2 ** _CMS
_LR = 0.01
_PRED_CLIP = 0.01
_WEIGHT_CLIP = 5.0
_CS = _CLASSES * _SIZE
_NDUMMY = 256
_NW = 32
_BLOCKS_PER_W = _CS // _NW


def _logit(x):
    return jnp.log(x) - jnp.log1p(-x)


def _index_body(maps_ref, bias_ref, ctxT_ref, gidg_ref, gids_ref):
    f32 = jnp.float32
    c = pl.program_id(0)
    s = pl.program_id(1)
    t = c * _SIZE + s
    d = jnp.dot(maps_ref[0, 0], ctxT_ref[...],
                preferred_element_type=f32)
    bits = (d > bias_ref[0]).astype(jnp.int32)
    pow2 = jnp.left_shift(
        1, lax.broadcasted_iota(jnp.int32, (_CMS, _B), 0))
    idx = jnp.sum(bits * pow2, axis=0, keepdims=True)
    idx_t = jnp.transpose(idx)
    eq = (idx_t == idx)
    sub_i = lax.broadcasted_iota(jnp.int32, (_B, _B), 0)
    lane_i = lax.broadcasted_iota(jnp.int32, (_B, _B), 1)
    loser = jnp.any(eq & (sub_i > lane_i), axis=0, keepdims=True)
    gidg = t * _ROWS + idx
    lane = lax.broadcasted_iota(jnp.int32, (1, _B), 1)
    dummy = _CS * _ROWS + ((t * _B + lane) % _NDUMMY)
    gidg_ref[0] = gidg
    gids_ref[0] = jnp.where(loser, dummy, gidg)


_LO = float(
    math.log(float(_np.float32(_PRED_CLIP)))
    - math.log1p(-float(_np.float32(_PRED_CLIP))))
_HI = float(
    math.log(float(_np.float32(1.0 - _PRED_CLIP)))
    - math.log1p(-float(_np.float32(1.0 - _PRED_CLIP))))


def _sc_body(w2_hbm, gidg_hbm, gids_hbm, lgt_hbm, tgt_hbm,
             out_hbm, olg_hbm,
             sel_v, lg_v, idxg_v, idxs_v, tgt_v, diff_v, olg_v, dot_v, sem):
    f32 = jnp.float32
    lo = _np.float32(_LO)
    hi = _np.float32(_HI)
    wid = lax.axis_index("s") * 2 + lax.axis_index("c")
    iota16 = lax.broadcasted_iota(jnp.int32, (16,), 0)
    base = wid * _BLOCKS_PER_W
    pltpu.sync_copy(tgt_hbm, tgt_v)

    def do_block(ti, _):
        t = base + ti
        c = t // _SIZE
        pltpu.sync_copy(gidg_hbm.at[t], idxg_v)
        pltpu.sync_copy(gids_hbm.at[t], idxs_v)
        pltpu.sync_copy(w2_hbm.at[pl.ds(t * _ROWS, _ROWS)],
                        out_hbm.at[pl.ds(t * _ROWS, _ROWS)])
        pltpu.async_copy(w2_hbm.at[idxg_v], sel_v, sem).wait()
        for h in range(2):
            pltpu.sync_copy(lgt_hbm.at[c, pl.ds(h * 64, 64)], lg_v)

            def zero_chunk(g, _):
                dot_v[pl.ds(h * 64 + g * 16, 16)] = jnp.zeros((16,), f32)
                return 0

            lax.fori_loop(0, 4, zero_chunk, 0)

            def dot_row(b, _):
                row = h * 64 + b
                acc = jnp.zeros((16,), f32)
                for k in range(_IN // 16):
                    cols = pl.ds(k * 16, 16)
                    acc = acc + sel_v[row, cols] * lg_v[b, cols]
                plsc.addupdate_scatter(
                    dot_v, [jnp.full((16,), row, jnp.int32)], acc)
                return 0

            lax.fori_loop(0, 64, dot_row, 0)

        def vec_chunk(g, _):
            sl = pl.ds(g * 16, 16)
            outc = jnp.clip(dot_v[sl], lo, hi)
            sig = 1.0 / (1.0 + jnp.exp(-outc))
            olg_v[sl] = outc
            diff_v[sl] = sig - tgt_v[c, sl]
            return 0

        lax.fori_loop(0, 8, vec_chunk, 0)

        for h in range(2):
            pltpu.sync_copy(lgt_hbm.at[c, pl.ds(h * 64, 64)], lg_v)

            def upd_row(b, _):
                row = h * 64 + b
                dvec = plsc.load_gather(diff_v, [jnp.full((16,), row,
                                                          jnp.int32)])

                for k in range(_IN // 16):
                    cols = pl.ds(k * 16, 16)
                    sc = sel_v[row, cols]
                    lg = lg_v[b, cols]
                    nv = jnp.clip(sc - _LR * dvec * lg,
                                  -_WEIGHT_CLIP, _WEIGHT_CLIP)
                    sel_v[row, cols] = nv
                return 0

            lax.fori_loop(0, 64, upd_row, 0)
        pltpu.async_copy(sel_v, out_hbm.at[idxs_v], sem).wait()
        pltpu.sync_copy(olg_v, olg_hbm.at[t])
        return 0

    lax.fori_loop(0, _BLOCKS_PER_W, do_block, 0)


@jax.jit
def kernel(logits, context, target, context_maps, context_bias, weights):
    f32 = jnp.float32
    bias = context_bias.reshape(_CS, _CMS, 1)

    gidg, gids = pl.pallas_call(
        _index_body,
        grid=(_CLASSES, _SIZE),
        in_specs=[
            pl.BlockSpec((1, 1, _CMS, _CTX), lambda c, s: (c, s, 0, 0)),
            pl.BlockSpec((1, _CMS, 1), lambda c, s: (c * _SIZE + s, 0, 0)),
            pl.BlockSpec((_CTX, _B), lambda c, s: (0, 0)),
        ],
        out_specs=[
            pl.BlockSpec((1, 1, _B), lambda c, s: (c * _SIZE + s, 0, 0)),
            pl.BlockSpec((1, 1, _B), lambda c, s: (c * _SIZE + s, 0, 0)),
        ],
        out_shape=[
            jax.ShapeDtypeStruct((_CS, 1, _B), jnp.int32),
            jax.ShapeDtypeStruct((_CS, 1, _B), jnp.int32),
        ],
    )(context_maps, bias, context.T)
    gidg = gidg.reshape(_CS, _B)
    gids = gids.reshape(_CS, _B)

    w2 = jnp.concatenate(
        [weights.reshape(_CS * _ROWS, _IN),
         jnp.zeros((_NDUMMY, _IN), f32)], axis=0)
    lgt = jnp.transpose(logits, (0, 2, 1))

    mesh = plsc.VectorSubcoreMesh(core_axis_name="c", subcore_axis_name="s")
    sc = pl.kernel(
        _sc_body,
        out_type=[
            jax.ShapeDtypeStruct((_CS * _ROWS + _NDUMMY, _IN), f32),
            jax.ShapeDtypeStruct((_CS, _B), f32),
        ],
        mesh=mesh,
        compiler_params=pltpu.CompilerParams(needs_layout_passes=False),
        scratch_types=[
            pltpu.VMEM((_B, _IN), f32),
            pltpu.VMEM((64, _IN), f32),
            pltpu.VMEM((_B,), jnp.int32),
            pltpu.VMEM((_B,), jnp.int32),
            pltpu.VMEM((_CLASSES, _B), f32),
            pltpu.VMEM((_B,), f32),
            pltpu.VMEM((_B,), f32),
            pltpu.VMEM((_B,), f32),
            pltpu.SemaphoreType.DMA,
        ],
    )
    w2_out, olg = sc(w2, gidg, gids, lgt, target)
    new_weights = w2_out[:_CS * _ROWS].reshape(
        _CLASSES, _SIZE, _ROWS, _IN)
    return olg.reshape(_CLASSES, _SIZE, _B), new_weights

# --- scband reference (transcript-rebuilt; emitter-appended) ---
"""Pipeline reference for scband-linear-33500744909353 (READ-ONLY COPY).

The authoritative reference and input builder live on the scoring server;
editing this copy changes nothing except your own understanding.
"""

import jax, jax.numpy as jnp
import numpy as np

CLASSES = 10
SIZE = 64
CMS = 8
CTX = 128
IN = 512
B = 128
LR = 0.01
PRED_CLIP = 0.01
WEIGHT_CLIP = 5.0


def _logit(x):
    return jnp.log(x) - jnp.log1p(-x)


def setup_inputs(seed: int = 0) -> dict:
    key = jax.random.key(seed)
    k1, k2, k3, k4, k5 = jax.random.split(key, 5)
    logits = jax.random.normal(k1, (CLASSES, IN, B), dtype=jnp.float32)
    context = jax.random.normal(k2, (B, CTX), dtype=jnp.float32)
    target = jax.random.uniform(k3, (CLASSES, B), dtype=jnp.float32)
    context_maps = jax.random.normal(k4, (CLASSES, SIZE, CMS, CTX), dtype=jnp.float32)
    context_maps = context_maps / jnp.linalg.norm(context_maps, axis=-1, keepdims=True)
    context_bias = jax.random.normal(k5, (CLASSES, SIZE, CMS, 1), dtype=jnp.float32)
    weights = jnp.full((CLASSES, SIZE, 2 ** CMS, IN), 1.0 / IN, dtype=jnp.float32)
    return {
        'logits': logits,
        'context': context,
        'target': target,
        'context_maps': context_maps,
        'context_bias': context_bias,
        'weights': weights,
    }


def reference(logits, context, target, context_maps, context_bias, weights):
    boolean_converter = jnp.array([[2 ** i] for i in range(CMS)], dtype=jnp.int32)
    # halfspace gating: project context through context maps
    distances = jnp.matmul(context_maps, context.T)  # [C, S, CMS, B]
    mapped_context_binary = (distances > context_bias).astype(jnp.int32)
    current_context_indices = jnp.sum(mapped_context_binary * boolean_converter, axis=-2)  # [C, S, B]
    c_idx = jnp.arange(CLASSES).reshape(-1, 1, 1)
    s_idx = jnp.arange(SIZE).reshape(1, -1, 1)
    # gather context-selected weight rows
    current_selected_weights = weights[c_idx, s_idx, current_context_indices, :]  # [C, S, B, IN]
    lg = jnp.expand_dims(logits, -3)  # [C, 1, IN, B]  (bias=False, so no concat)
    prod = jnp.matmul(current_selected_weights, lg)  # [C, S, B, B]
    out = jnp.diagonal(prod, axis1=-2, axis2=-1)  # [C, S, B]
    lo = _logit(jnp.float32(PRED_CLIP))
    hi = _logit(jnp.float32(1.0 - PRED_CLIP))
    output_logits = jnp.clip(out, lo, hi)
    # online GLN weight update (scatter-overwrite into weights table)
    sigmoids = jax.nn.sigmoid(output_logits)
    diff = sigmoids - jnp.expand_dims(target, 1)  # [C, S, B]
    update_values = LR * jnp.expand_dims(diff, 2) * lg  # [C, S, IN, B]
    new_rows = jnp.clip(
        current_selected_weights - jnp.transpose(update_values, (0, 1, 3, 2)),
        -WEIGHT_CLIP, WEIGHT_CLIP)
    new_weights = weights.at[c_idx, s_idx, current_context_indices, :].set(new_rows)
    return output_logits, new_weights

if __name__ == "__main__":
    import jax
    _d = setup_inputs()
    print(jax.jit(kernel)(*tuple(_d.values())))

</pallas_src>

<mosaic_0001>
#map = affine_map<(d0, d1) -> (0, 0)>
#map1 = affine_map<(d0, d1) -> (0, 0, 0)>
module attributes {stable_mosaic.version = 14 : i64} {
  func.func @_sc_body(%arg0: i32, %arg1: i32, %arg2: memref<164096x512xf32, #tpu.memory_space<hbm>>, %arg3: memref<640x128xi32, #tpu.memory_space<hbm>>, %arg4: memref<640x128xi32, #tpu.memory_space<hbm>>, %arg5: memref<10x128x512xf32, #tpu.memory_space<hbm>>, %arg6: memref<10x128xf32, #tpu.memory_space<hbm>>, %arg7: memref<164096x512xf32, #tpu.memory_space<hbm>>, %arg8: memref<640x128xf32, #tpu.memory_space<hbm>>, %arg9: memref<128x512xf32, #tpu.memory_space<vmem>>, %arg10: memref<64x512xf32, #tpu.memory_space<vmem>>, %arg11: memref<128xi32, #tpu.memory_space<vmem>>, %arg12: memref<128xi32, #tpu.memory_space<vmem>>, %arg13: memref<10x128xf32, #tpu.memory_space<vmem>>, %arg14: memref<128xf32, #tpu.memory_space<vmem>>, %arg15: memref<128xf32, #tpu.memory_space<vmem>>, %arg16: memref<128xf32, #tpu.memory_space<vmem>>, %arg17: memref<!tpu.dma_semaphore, #tpu.memory_space<semaphore_mem>>) attributes {dimension_semantics = [#tpu.dimension_semantics<core_parallel>, #tpu.dimension_semantics<subcore_parallel>], iteration_bounds = array<i64: 2, 16>, scalar_prefetch = 0 : i64, scratch_operands = 9 : i64, tpu.core_type = #tpu.core_type<sc_vector_subcore>, window_params = [{transform_indices = #map}, {transform_indices = #map}, {transform_indices = #map}, {transform_indices = #map1}, {transform_indices = #map}, {transform_indices = #map}, {transform_indices = #map}]} {
    %mul3A = arith.constant 2 : i32
    %mul3A_0 = arith.muli %arg1, %mul3A : i32
    %add3A = arith.addi %mul3A_0, %arg0 : i32
    %iota3A = tpu.iota {dimensions = array<i32: 0>} : vector<16xi32>
    %mul3A_1 = arith.constant 20 : i32
    %mul3A_2 = arith.muli %add3A, %mul3A_1 : i32
    "tpu.region"() ({
      %run_scoped3A = tpu.sem_alloc : memref<!tpu.dma_semaphore, #tpu.memory_space<semaphore_mem>>
      tpu.enqueue_dma source(%arg6 : memref<10x128xf32, #tpu.memory_space<hbm>>) target(%arg13 : memref<10x128xf32, #tpu.memory_space<vmem>>) target_semaphore(%run_scoped3A : memref<!tpu.dma_semaphore, #tpu.memory_space<semaphore_mem>>)
      tpu.wait_dma2 semaphore(%run_scoped3A : memref<!tpu.dma_semaphore, #tpu.memory_space<semaphore_mem>>) src(%arg6 : memref<10x128xf32, #tpu.memory_space<hbm>>) dst(%arg13 : memref<10x128xf32, #tpu.memory_space<vmem>>)
      tpu.yield
    }) : () -> ()
    %scan3A = arith.constant 0 : i32
    %scan3A_3 = arith.constant 0 : i32
    %scan3A_4 = arith.constant 20 : i32
    %scan3A_5 = arith.addi %scan3A_3, %scan3A_4 : i32
    %scan3A_6 = arith.constant 1 : i32
    %scan3A_7 = scf.for %scan3A_9 = %scan3A_3 to %scan3A_5 step %scan3A_6 iter_args(%scan3A_10 = %scan3A) -> (i32)  : i32 {
      %add3A_11 = arith.addi %mul3A_2, %scan3A_9 : i32
      %jit3A = arith.constant 64 : i32
      %div3A = arith.divsi %add3A_11, %jit3A : i32
      %sign3A = arith.constant 0 : i32
      %sign3A_12 = arith.cmpi sgt, %add3A_11, %sign3A : i32
      %sign3A_13 = arith.extui %sign3A_12 : i1 to i32
      %sign3A_14 = arith.constant 0 : i32
      %sign3A_15 = arith.cmpi slt, %add3A_11, %sign3A_14 : i32
      %sign3A_16 = arith.extui %sign3A_15 : i1 to i32
      %sign3A_17 = arith.subi %sign3A_13, %sign3A_16 : i32
      %sign3A_18 = arith.constant 0 : i32
      %sign3A_19 = arith.cmpi sgt, %jit3A, %sign3A_18 : i32
      %sign3A_20 = arith.extui %sign3A_19 : i1 to i32
      %sign3A_21 = arith.constant 0 : i32
      %sign3A_22 = arith.cmpi slt, %jit3A, %sign3A_21 : i32
      %sign3A_23 = arith.extui %sign3A_22 : i1 to i32
      %sign3A_24 = arith.subi %sign3A_20, %sign3A_23 : i32
      %ne3A = arith.cmpi ne, %sign3A_17, %sign3A_24 : i32
      %rem3A = arith.remsi %add3A_11, %jit3A : i32
      %ne3A_25 = arith.constant 0 : i32
      %ne3A_26 = arith.cmpi ne, %rem3A, %ne3A_25 : i32
      %and3A = arith.andi %ne3A, %ne3A_26 : i1
      %sub3A = arith.constant 1 : i32
      %sub3A_27 = arith.subi %div3A, %sub3A : i32
      %select_n3A = arith.select %and3A, %sub3A_27, %div3A : i32
      "tpu.region"() ({
        %run_scoped3A = tpu.sem_alloc : memref<!tpu.dma_semaphore, #tpu.memory_space<semaphore_mem>>
        %dma_start3A_92 = arith.constant 0 : i32
        %dma_start3A_93 = tpu.memref_slice %arg3[%add3A_11, %dma_start3A_92] : memref<640x128xi32, #tpu.memory_space<hbm>> -> memref<1x128xi32, #tpu.memory_space<hbm>>
        %dma_start3A_94 = tpu.memref_squeeze %dma_start3A_93 : memref<1x128xi32, #tpu.memory_space<hbm>> -> memref<128xi32, #tpu.memory_space<hbm>>
        %dma_start3A_95 = arith.constant 0 : i32
        %dma_start3A_96 = tpu.memref_slice %arg3[%add3A_11, %dma_start3A_95] : memref<640x128xi32, #tpu.memory_space<hbm>> -> memref<1x128xi32, #tpu.memory_space<hbm>>
        %dma_start3A_97 = tpu.memref_squeeze %dma_start3A_96 : memref<1x128xi32, #tpu.memory_space<hbm>> -> memref<128xi32, #tpu.memory_space<hbm>>
        tpu.enqueue_dma source(%dma_start3A_97 : memref<128xi32, #tpu.memory_space<hbm>>) target(%arg11 : memref<128xi32, #tpu.memory_space<vmem>>) target_semaphore(%run_scoped3A : memref<!tpu.dma_semaphore, #tpu.memory_space<semaphore_mem>>)
        %dma_wait3A_98 = arith.constant 0 : i32
        %dma_wait3A_99 = tpu.memref_slice %arg3[%add3A_11, %dma_wait3A_98] : memref<640x128xi32, #tpu.memory_space<hbm>> -> memref<1x128xi32, #tpu.memory_space<hbm>>
        %dma_wait3A_100 = tpu.memref_squeeze %dma_wait3A_99 : memref<1x128xi32, #tpu.memory_space<hbm>> -> memref<128xi32, #tpu.memory_space<hbm>>
        %dma_wait3A_101 = arith.constant 0 : i32
        %dma_wait3A_102 = tpu.memref_slice %arg3[%add3A_11, %dma_wait3A_101] : memref<640x128xi32, #tpu.memory_space<hbm>> -> memref<1x128xi32, #tpu.memory_space<hbm>>
        %dma_wait3A_103 = tpu.memref_squeeze %dma_wait3A_102 : memref<1x128xi32, #tpu.memory_space<hbm>> -> memref<128xi32, #tpu.memory_space<hbm>>
        tpu.wait_dma2 semaphore(%run_scoped3A : memref<!tpu.dma_semaphore, #tpu.memory_space<semaphore_mem>>) src(%dma_wait3A_103 : memref<128xi32, #tpu.memory_space<hbm>>) dst(%arg11 : memref<128xi32, #tpu.memory_space<vmem>>)
        tpu.yield
      }) : () -> ()
      "tpu.region"() ({
        %run_scoped3A = tpu.sem_alloc : memref<!tpu.dma_semaphore, #tpu.memory_space<semaphore_mem>>
        %dma_start3A_92 = arith.constant 0 : i32
        %dma_start3A_93 = tpu.memref_slice %arg4[%add3A_11, %dma_start3A_92] : memref<640x128xi32, #tpu.memory_space<hbm>> -> memref<1x128xi32, #tpu.memory_space<hbm>>
        %dma_start3A_94 = tpu.memref_squeeze %dma_start3A_93 : memref<1x128xi32, #tpu.memory_space<hbm>> -> memref<128xi32, #tpu.memory_space<hbm>>
        %dma_start3A_95 = arith.constant 0 : i32
        %dma_start3A_96 = tpu.memref_slice %arg4[%add3A_11, %dma_start3A_95] : memref<640x128xi32, #tpu.memory_space<hbm>> -> memref<1x128xi32, #tpu.memory_space<hbm>>
        %dma_start3A_97 = tpu.memref_squeeze %dma_start3A_96 : memref<1x128xi32, #tpu.memory_space<hbm>> -> memref<128xi32, #tpu.memory_space<hbm>>
        tpu.enqueue_dma source(%dma_start3A_97 : memref<128xi32, #tpu.memory_space<hbm>>) target(%arg12 : memref<128xi32, #tpu.memory_space<vmem>>) target_semaphore(%run_scoped3A : memref<!tpu.dma_semaphore, #tpu.memory_space<semaphore_mem>>)
        %dma_wait3A_98 = arith.constant 0 : i32
        %dma_wait3A_99 = tpu.memref_slice %arg4[%add3A_11, %dma_wait3A_98] : memref<640x128xi32, #tpu.memory_space<hbm>> -> memref<1x128xi32, #tpu.memory_space<hbm>>
        %dma_wait3A_100 = tpu.memref_squeeze %dma_wait3A_99 : memref<1x128xi32, #tpu.memory_space<hbm>> -> memref<128xi32, #tpu.memory_space<hbm>>
        %dma_wait3A_101 = arith.constant 0 : i32
        %dma_wait3A_102 = tpu.memref_slice %arg4[%add3A_11, %dma_wait3A_101] : memref<640x128xi32, #tpu.memory_space<hbm>> -> memref<1x128xi32, #tpu.memory_space<hbm>>
        %dma_wait3A_103 = tpu.memref_squeeze %dma_wait3A_102 : memref<1x128xi32, #tpu.memory_space<hbm>> -> memref<128xi32, #tpu.memory_space<hbm>>
        tpu.wait_dma2 semaphore(%run_scoped3A : memref<!tpu.dma_semaphore, #tpu.memory_space<semaphore_mem>>) src(%dma_wait3A_103 : memref<128xi32, #tpu.memory_space<hbm>>) dst(%arg12 : memref<128xi32, #tpu.memory_space<vmem>>)
        tpu.yield
      }) : () -> ()
      %mul3A_28 = arith.constant 256 : i32
      %mul3A_29 = arith.muli %add3A_11, %mul3A_28 : i32
      %mul3A_30 = arith.constant 256 : i32
      %mul3A_31 = arith.muli %add3A_11, %mul3A_30 : i32
      "tpu.region"() ({
        %run_scoped3A = tpu.sem_alloc : memref<!tpu.dma_semaphore, #tpu.memory_space<semaphore_mem>>
        %dma_start3A_92 = arith.constant 0 : i32
        %dma_start3A_93 = tpu.memref_slice %arg7[%mul3A_31, %dma_start3A_92] : memref<164096x512xf32, #tpu.memory_space<hbm>> -> memref<256x512xf32, #tpu.memory_space<hbm>>
        %dma_start3A_94 = arith.constant 0 : i32
        %dma_start3A_95 = tpu.memref_slice %arg2[%mul3A_29, %dma_start3A_94] : memref<164096x512xf32, #tpu.memory_space<hbm>> -> memref<256x512xf32, #tpu.memory_space<hbm>>
        tpu.enqueue_dma source(%dma_start3A_95 : memref<256x512xf32, #tpu.memory_space<hbm>>) target(%dma_start3A_93 : memref<256x512xf32, #tpu.memory_space<hbm>>) target_semaphore(%run_scoped3A : memref<!tpu.dma_semaphore, #tpu.memory_space<semaphore_mem>>)
        %dma_wait3A_96 = arith.constant 0 : i32
        %dma_wait3A_97 = tpu.memref_slice %arg7[%mul3A_31, %dma_wait3A_96] : memref<164096x512xf32, #tpu.memory_space<hbm>> -> memref<256x512xf32, #tpu.memory_space<hbm>>
        %dma_wait3A_98 = arith.constant 0 : i32
        %dma_wait3A_99 = tpu.memref_slice %arg2[%mul3A_29, %dma_wait3A_98] : memref<164096x512xf32, #tpu.memory_space<hbm>> -> memref<256x512xf32, #tpu.memory_space<hbm>>
        tpu.wait_dma2 semaphore(%run_scoped3A : memref<!tpu.dma_semaphore, #tpu.memory_space<semaphore_mem>>) src(%dma_wait3A_99 : memref<256x512xf32, #tpu.memory_space<hbm>>) dst(%dma_wait3A_97 : memref<256x512xf32, #tpu.memory_space<hbm>>)
        tpu.yield
      }) : () -> ()
      %dma_start3A = arith.constant 0 : i32
      %dma_start3A_32 = arith.constant 0 : i32
      %dma_start3A_33 = tpu.memref_slice %arg2[%dma_start3A, %dma_start3A_32] : memref<164096x512xf32, #tpu.memory_space<hbm>> -> memref<164096x512xf32, #tpu.memory_space<hbm>>
      tpu.enqueue_indirect_dma source(%dma_start3A_33 : memref<164096x512xf32, #tpu.memory_space<hbm>>) target(%arg9 : memref<128x512xf32, #tpu.memory_space<vmem>>) offsets(%arg11 : memref<128xi32, #tpu.memory_space<vmem>>) semaphore(%arg17 : memref<!tpu.dma_semaphore, #tpu.memory_space<semaphore_mem>>)
      %dma_wait3A = arith.constant 0 : i32
      %dma_wait3A_34 = arith.constant 0 : i32
      %dma_wait3A_35 = tpu.memref_slice %arg2[%dma_wait3A, %dma_wait3A_34] : memref<164096x512xf32, #tpu.memory_space<hbm>> -> memref<164096x512xf32, #tpu.memory_space<hbm>>
      tpu.wait_indirect_dma semaphore(%arg17 : memref<!tpu.dma_semaphore, #tpu.memory_space<semaphore_mem>>) src(%dma_wait3A_35 : memref<164096x512xf32, #tpu.memory_space<hbm>>) dst(%arg9 : memref<128x512xf32, #tpu.memory_space<vmem>>)
      "tpu.region"() ({
        %run_scoped3A = tpu.sem_alloc : memref<!tpu.dma_semaphore, #tpu.memory_space<semaphore_mem>>
        %dma_start3A_92 = arith.constant 0 : i32
        %dma_start3A_93 = arith.constant 0 : i32
        %dma_start3A_94 = tpu.memref_slice %arg5[%select_n3A, %dma_start3A_92, %dma_start3A_93] : memref<10x128x512xf32, #tpu.memory_space<hbm>> -> memref<1x64x512xf32, #tpu.memory_space<hbm>>
        %dma_start3A_95 = tpu.memref_squeeze %dma_start3A_94 : memref<1x64x512xf32, #tpu.memory_space<hbm>> -> memref<64x512xf32, #tpu.memory_space<hbm>>
        %dma_start3A_96 = arith.constant 0 : i32
        %dma_start3A_97 = arith.constant 0 : i32
        %dma_start3A_98 = tpu.memref_slice %arg5[%select_n3A, %dma_start3A_96, %dma_start3A_97] : memref<10x128x512xf32, #tpu.memory_space<hbm>> -> memref<1x64x512xf32, #tpu.memory_space<hbm>>
        %dma_start3A_99 = tpu.memref_squeeze %dma_start3A_98 : memref<1x64x512xf32, #tpu.memory_space<hbm>> -> memref<64x512xf32, #tpu.memory_space<hbm>>
        tpu.enqueue_dma source(%dma_start3A_99 : memref<64x512xf32, #tpu.memory_space<hbm>>) target(%arg10 : memref<64x512xf32, #tpu.memory_space<vmem>>) target_semaphore(%run_scoped3A : memref<!tpu.dma_semaphore, #tpu.memory_space<semaphore_mem>>)
        %dma_wait3A_100 = arith.constant 0 : i32
        %dma_wait3A_101 = arith.constant 0 : i32
        %dma_wait3A_102 = tpu.memref_slice %arg5[%select_n3A, %dma_wait3A_100, %dma_wait3A_101] : memref<10x128x512xf32, #tpu.memory_space<hbm>> -> memref<1x64x512xf32, #tpu.memory_space<hbm>>
        %dma_wait3A_103 = tpu.memref_squeeze %dma_wait3A_102 : memref<1x64x512xf32, #tpu.memory_space<hbm>> -> memref<64x512xf32, #tpu.memory_space<hbm>>
        %dma_wait3A_104 = arith.constant 0 : i32
        %dma_wait3A_105 = arith.constant 0 : i32
        %dma_wait3A_106 = tpu.memref_slice %arg5[%select_n3A, %dma_wait3A_104, %dma_wait3A_105] : memref<10x128x512xf32, #tpu.memory_space<hbm>> -> memref<1x64x512xf32, #tpu.memory_space<hbm>>
        %dma_wait3A_107 = tpu.memref_squeeze %dma_wait3A_106 : memref<1x64x512xf32, #tpu.memory_space<hbm>> -> memref<64x512xf32, #tpu.memory_space<hbm>>
        tpu.wait_dma2 semaphore(%run_scoped3A : memref<!tpu.dma_semaphore, #tpu.memory_space<semaphore_mem>>) src(%dma_wait3A_107 : memref<64x512xf32, #tpu.memory_space<hbm>>) dst(%arg10 : memref<64x512xf32, #tpu.memory_space<vmem>>)
        tpu.yield
      }) : () -> ()
      %scan3A_36 = arith.constant 0 : i32
      %scan3A_37 = arith.constant 0 : i32
      %scan3A_38 = arith.constant 4 : i32
      %scan3A_39 = arith.addi %scan3A_37, %scan3A_38 : i32
      %scan3A_40 = arith.constant 1 : i32
      %scan3A_41 = scf.for %scan3A_92 = %scan3A_37 to %scan3A_39 step %scan3A_40 iter_args(%scan3A_93 = %scan3A_36) -> (i32)  : i32 {
        %broadcast_in_dim3A = arith.constant 0.000000e+00 : f32
        %broadcast_in_dim3A_94 = vector.broadcast %broadcast_in_dim3A : f32 to vector<16xf32>
        %mul3A_95 = arith.constant 16 : i32
        %mul3A_96 = arith.muli %scan3A_92, %mul3A_95 : i32
        %add3A_97 = arith.constant 0 : i32
        %add3A_98 = arith.addi %add3A_97, %mul3A_96 : i32
        %swap3A = arith.index_cast %add3A_98 : i32 to index
        %swap3A_99 = tpu.vector_load %arg16[%swap3A] {strides = array<i32>} : memref<128xf32, #tpu.memory_space<vmem>>, vector<16xf32>,
        tpu.vector_store %arg16[%swap3A], %broadcast_in_dim3A_94 {strides = array<i32>} : memref<128xf32, #tpu.memory_space<vmem>>, vector<16xf32>,
        %scan3A_100 = arith.constant 0 : i32
        scf.yield %scan3A_100 : i32
      }
      %scan3A_42 = arith.constant 4 : i32
      %scan3A_43 = arith.constant 0 : i32
      %scan3A_44 = arith.constant 0 : i32
      %scan3A_45 = arith.constant 64 : i32
      %scan3A_46 = arith.addi %scan3A_44, %scan3A_45 : i32
      %scan3A_47 = arith.constant 1 : i32
      %scan3A_48 = scf.for %scan3A_92 = %scan3A_44 to %scan3A_46 step %scan3A_47 iter_args(%scan3A_93 = %scan3A_43) -> (i32)  : i32 {
        %add3A_94 = arith.constant 0 : i32
        %add3A_95 = arith.addi %add3A_94, %scan3A_92 : i32
        %broadcast_in_dim3A = arith.constant 0.000000e+00 : f32
        %broadcast_in_dim3A_96 = vector.broadcast %broadcast_in_dim3A : f32 to vector<16xf32>
        %get3A = arith.index_cast %add3A_95 : i32 to index
        %get3A_97 = arith.constant 0 : index
        %get3A_98 = tpu.vector_load %arg9[%get3A, %get3A_97] {strides = array<i32>} : memref<128x512xf32, #tpu.memory_space<vmem>>, vector<16xf32>,
        %get3A_99 = arith.index_cast %scan3A_92 : i32 to index
        %get3A_100 = arith.constant 0 : index
        %get3A_101 = tpu.vector_load %arg10[%get3A_99, %get3A_100] {strides = array<i32>} : memref<64x512xf32, #tpu.memory_space<vmem>>, vector<16xf32>,
        %mul3A_102 = arith.mulf %get3A_98, %get3A_101 : vector<16xf32>
        %add3A_103 = arith.addf %broadcast_in_dim3A_96, %mul3A_102 : vector<16xf32>
        %get3A_104 = arith.index_cast %add3A_95 : i32 to index
        %get3A_105 = arith.constant 16 : index
        %get3A_106 = tpu.vector_load %arg9[%get3A_104, %get3A_105] {strides = array<i32>} : memref<128x512xf32, #tpu.memory_space<vmem>>, vector<16xf32>,
        %get3A_107 = arith.index_cast %scan3A_92 : i32 to index
        %get3A_108 = arith.constant 16 : index
        %get3A_109 = tpu.vector_load %arg10[%get3A_107, %get3A_108] {strides = array<i32>} : memref<64x512xf32, #tpu.memory_space<vmem>>, vector<16xf32>,
        %mul3A_110 = arith.mulf %get3A_106, %get3A_109 : vector<16xf32>
        %add3A_111 = arith.addf %add3A_103, %mul3A_110 : vector<16xf32>
        %get3A_112 = arith.index_cast %add3A_95 : i32 to index
        %get3A_113 = arith.constant 32 : index
        %get3A_114 = tpu.vector_load %arg9[%get3A_112, %get3A_113] {strides = array<i32>} : memref<128x512xf32, #tpu.memory_space<vmem>>, vector<16xf32>,
        %get3A_115 = arith.index_cast %scan3A_92 : i32 to index
        %get3A_116 = arith.constant 32 : index
        %get3A_117 = tpu.vector_load %arg10[%get3A_115, %get3A_116] {strides = array<i32>} : memref<64x512xf32, #tpu.memory_space<vmem>>, vector<16xf32>,
        %mul3A_118 = arith.mulf %get3A_114, %get3A_117 : vector<16xf32>
        %add3A_119 = arith.addf %add3A_111, %mul3A_118 : vector<16xf32>
        %get3A_120 = arith.index_cast %add3A_95 : i32 to index
        %get3A_121 = arith.constant 48 : index
        %get3A_122 = tpu.vector_load %arg9[%get3A_120, %get3A_121] {strides = array<i32>} : memref<128x512xf32, #tpu.memory_space<vmem>>, vector<16xf32>,
        %get3A_123 = arith.index_cast %scan3A_92 : i32 to index
        %get3A_124 = arith.constant 48 : index
        %get3A_125 = tpu.vector_load %arg10[%get3A_123, %get3A_124] {strides = array<i32>} : memref<64x512xf32, #tpu.memory_space<vmem>>, vector<16xf32>,
        %mul3A_126 = arith.mulf %get3A_122, %get3A_125 : vector<16xf32>
        %add3A_127 = arith.addf %add3A_119, %mul3A_126 : vector<16xf32>
        %get3A_128 = arith.index_cast %add3A_95 : i32 to index
        %get3A_129 = arith.constant 64 : index
        %get3A_130 = tpu.vector_load %arg9[%get3A_128, %get3A_129] {strides = array<i32>} : memref<128x512xf32, #tpu.memory_space<vmem>>, vector<16xf32>,
        %get3A_131 = arith.index_cast %scan3A_92 : i32 to index
        %get3A_132 = arith.constant 64 : index
        %get3A_133 = tpu.vector_load %arg10[%get3A_131, %get3A_132] {strides = array<i32>} : memref<64x512xf32, #tpu.memory_space<vmem>>, vector<16xf32>,
        %mul3A_134 = arith.mulf %get3A_130, %get3A_133 : vector<16xf32>
        %add3A_135 = arith.addf %add3A_127, %mul3A_134 : vector<16xf32>
        %get3A_136 = arith.index_cast %add3A_95 : i32 to index
        %get3A_137 = arith.constant 80 : index
        %get3A_138 = tpu.vector_load %arg9[%get3A_136, %get3A_137] {strides = array<i32>} : memref<128x512xf32, #tpu.memory_space<vmem>>, vector<16xf32>,
        %get3A_139 = arith.index_cast %scan3A_92 : i32 to index
        %get3A_140 = arith.constant 80 : index
        %get3A_141 = tpu.vector_load %arg10[%get3A_139, %get3A_140] {strides = array<i32>} : memref<64x512xf32, #tpu.memory_space<vmem>>, vector<16xf32>,
        %mul3A_142 = arith.mulf %get3A_138, %get3A_141 : vector<16xf32>
        %add3A_143 = arith.addf %add3A_135, %mul3A_142 : vector<16xf32>
        %get3A_144 = arith.index_cast %add3A_95 : i32 to index
        %get3A_145 = arith.constant 96 : index
        %get3A_146 = tpu.vector_load %arg9[%get3A_144, %get3A_145] {strides = array<i32>} : memref<128x512xf32, #tpu.memory_space<vmem>>, vector<16xf32>,
        %get3A_147 = arith.index_cast %scan3A_92 : i32 to index
        %get3A_148 = arith.constant 96 : index
        %get3A_149 = tpu.vector_load %arg10[%get3A_147, %get3A_148] {strides = array<i32>} : memref<64x512xf32, #tpu.memory_space<vmem>>, vector<16xf32>,
        %mul3A_150 = arith.mulf %get3A_146, %get3A_149 : vector<16xf32>
        %add3A_151 = arith.addf %add3A_143, %mul3A_150 : vector<16xf32>
        %get3A_152 = arith.index_cast %add3A_95 : i32 to index
        %get3A_153 = arith.constant 112 : index
        %get3A_154 = tpu.vector_load %arg9[%get3A_152, %get3A_153] {strides = array<i32>} : memref<128x512xf32, #tpu.memory_space<vmem>>, vector<16xf32>,
        %get3A_155 = arith.index_cast %scan3A_92 : i32 to index
        %get3A_156 = arith.constant 112 : index
        %get3A_157 = tpu.vector_load %arg10[%get3A_155, %get3A_156] {strides = array<i32>} : memref<64x512xf32, #tpu.memory_space<vmem>>, vector<16xf32>,
        %mul3A_158 = arith.mulf %get3A_154, %get3A_157 : vector<16xf32>
        %add3A_159 = arith.addf %add3A_151, %mul3A_158 : vector<16xf32>
        %get3A_160 = arith.index_cast %add3A_95 : i32 to index
        %get3A_161 = arith.constant 128 : index
        %get3A_162 = tpu.vector_load %arg9[%get3A_160, %get3A_161] {strides = array<i32>} : memref<128x512xf32, #tpu.memory_space<vmem>>, vector<16xf32>,
        %get3A_163 = arith.index_cast %scan3A_92 : i32 to index
        %get3A_164 = arith.constant 128 : index
        %get3A_165 = tpu.vector_load %arg10[%get3A_163, %get3A_164] {strides = array<i32>} : memref<64x512xf32, #tpu.memory_space<vmem>>, vector<16xf32>,
        %mul3A_166 = arith.mulf %get3A_162, %get3A_165 : vector<16xf32>
        %add3A_167 = arith.addf %add3A_159, %mul3A_166 : vector<16xf32>
        %get3A_168 = arith.index_cast %add3A_95 : i32 to index
        %get3A_169 = arith.constant 144 : index
        %get3A_170 = tpu.vector_load %arg9[%get3A_168, %get3A_169] {strides = array<i32>} : memref<128x512xf32, #tpu.memory_space<vmem>>, vector<16xf32>,
        %get3A_171 = arith.index_cast %scan3A_92 : i32 to index
        %get3A_172 = arith.constant 144 : index
        %get3A_173 = tpu.vector_load %arg10[%get3A_171, %get3A_172] {strides = array<i32>} : memref<64x512xf32, #tpu.memory_space<vmem>>, vector<16xf32>,
        %mul3A_174 = arith.mulf %get3A_170, %get3A_173 : vector<16xf32>
        %add3A_175 = arith.addf %add3A_167, %mul3A_174 : vector<16xf32>
        %get3A_176 = arith.index_cast %add3A_95 : i32 to index
        %get3A_177 = arith.constant 160 : index
        %get3A_178 = tpu.vector_load %arg9[%get3A_176, %get3A_177] {strides = array<i32>} : memref<128x512xf32, #tpu.memory_space<vmem>>, vector<16xf32>,
        %get3A_179 = arith.index_cast %scan3A_92 : i32 to index
        %get3A_180 = arith.constant 160 : index
        %get3A_181 = tpu.vector_load %arg10[%get3A_179, %get3A_180] {strides = array<i32>} : memref<64x512xf32, #tpu.memory_space<vmem>>, vector<16xf32>,
        %mul3A_182 = arith.mulf %get3A_178, %get3A_181 : vector<16xf32>
        %add3A_183 = arith.addf %add3A_175, %mul3A_182 : vector<16xf32>
        %get3A_184 = arith.index_cast %add3A_95 : i32 to index
        %get3A_185 = arith.constant 176 : index
        %get3A_186 = tpu.vector_load %arg9[%get3A_184, %get3A_185] {strides = array<i32>} : memref<128x512xf32, #tpu.memory_space<vmem>>, vector<16xf32>,
        %get3A_187 = arith.index_cast %scan3A_92 : i32 to index
        %get3A_188 = arith.constant 176 : index
        %get3A_189 = tpu.vector_load %arg10[%get3A_187, %get3A_188] {strides = array<i32>} : memref<64x512xf32, #tpu.memory_space<vmem>>, vector<16xf32>,
        %mul3A_190 = arith.mulf %get3A_186, %get3A_189 : vector<16xf32>
        %add3A_191 = arith.addf %add3A_183, %mul3A_190 : vector<16xf32>
        %get3A_192 = arith.index_cast %add3A_95 : i32 to index
        %get3A_193 = arith.constant 192 : index
        %get3A_194 = tpu.vector_load %arg9[%get3A_192, %get3A_193] {strides = array<i32>} : memref<128x512xf32, #tpu.memory_space<vmem>>, vector<16xf32>,
        %get3A_195 = arith.index_cast %scan3A_92 : i32 to index
        %get3A_196 = arith.constant 192 : index
        %get3A_197 = tpu.vector_load %arg10[%get3A_195, %get3A_196] {strides = array<i32>} : memref<64x512xf32, #tpu.memory_space<vmem>>, vector<16xf32>,
        %mul3A_198 = arith.mulf %get3A_194, %get3A_197 : vector<16xf32>
        %add3A_199 = arith.addf %add3A_191, %mul3A_198 : vector<16xf32>
        %get3A_200 = arith.index_cast %add3A_95 : i32 to index
        %get3A_201 = arith.constant 208 : index
        %get3A_202 = tpu.vector_load %arg9[%get3A_200, %get3A_201] {strides = array<i32>} : memref<128x512xf32, #tpu.memory_space<vmem>>, vector<16xf32>,
        %get3A_203 = arith.index_cast %scan3A_92 : i32 to index
        %get3A_204 = arith.constant 208 : index
        %get3A_205 = tpu.vector_load %arg10[%get3A_203, %get3A_204] {strides = array<i32>} : memref<64x512xf32, #tpu.memory_space<vmem>>, vector<16xf32>,
        %mul3A_206 = arith.mulf %get3A_202, %get3A_205 : vector<16xf32>
        %add3A_207 = arith.addf %add3A_199, %mul3A_206 : vector<16xf32>
        %get3A_208 = arith.index_cast %add3A_95 : i32 to index
        %get3A_209 = arith.constant 224 : index
        %get3A_210 = tpu.vector_load %arg9[%get3A_208, %get3A_209] {strides = array<i32>} : memref<128x512xf32, #tpu.memory_space<vmem>>, vector<16xf32>,
        %get3A_211 = arith.index_cast %scan3A_92 : i32 to index
        %get3A_212 = arith.constant 224 : index
        %get3A_213 = tpu.vector_load %arg10[%get3A_211, %get3A_212] {strides = array<i32>} : memref<64x512xf32, #tpu.memory_space<vmem>>, vector<16xf32>,
        %mul3A_214 = arith.mulf %get3A_210, %get3A_213 : vector<16xf32>
        %add3A_215 = arith.addf %add3A_207, %mul3A_214 : vector<16xf32>
        %get3A_216 = arith.index_cast %add3A_95 : i32 to index
        %get3A_217 = arith.constant 240 : index
        %get3A_218 = tpu.vector_load %arg9[%get3A_216, %get3A_217] {strides = array<i32>} : memref<128x512xf32, #tpu.memory_space<vmem>>, vector<16xf32>,
        %get3A_219 = arith.index_cast %scan3A_92 : i32 to index
        %get3A_220 = arith.constant 240 : index
        %get3A_221 = tpu.vector_load %arg10[%get3A_219, %get3A_220] {strides = array<i32>} : memref<64x512xf32, #tpu.memory_space<vmem>>, vector<16xf32>,
        %mul3A_222 = arith.mulf %get3A_218, %get3A_221 : vector<16xf32>
        %add3A_223 = arith.addf %add3A_215, %mul3A_222 : vector<16xf32>
        %get3A_224 = arith.index_cast %add3A_95 : i32 to index
        %get3A_225 = arith.constant 256 : index
        %get3A_226 = tpu.vector_load %arg9[%get3A_224, %get3A_225] {strides = array<i32>} : memref<128x512xf32, #tpu.memory_space<vmem>>, vector<16xf32>,
        %get3A_227 = arith.index_cast %scan3A_92 : i32 to index
        %get3A_228 = arith.constant 256 : index
        %get3A_229 = tpu.vector_load %arg10[%get3A_227, %get3A_228] {strides = array<i32>} : memref<64x512xf32, #tpu.memory_space<vmem>>, vector<16xf32>,
        %mul3A_230 = arith.mulf %get3A_226, %get3A_229 : vector<16xf32>
        %add3A_231 = arith.addf %add3A_223, %mul3A_230 : vector<16xf32>
        %get3A_232 = arith.index_cast %add3A_95 : i32 to index
        %get3A_233 = arith.constant 272 : index
        %get3A_234 = tpu.vector_load %arg9[%get3A_232, %get3A_233] {strides = array<i32>} : memref<128x512xf32, #tpu.memory_space<vmem>>, vector<16xf32>,
        %get3A_235 = arith.index_cast %scan3A_92 : i32 to index
        %get3A_236 = arith.constant 272 : index
        %get3A_237 = tpu.vector_load %arg10[%get3A_235, %get3A_236] {strides = array<i32>} : memref<64x512xf32, #tpu.memory_space<vmem>>, vector<16xf32>,
        %mul3A_238 = arith.mulf %get3A_234, %get3A_237 : vector<16xf32>
        %add3A_239 = arith.addf %add3A_231, %mul3A_238 : vector<16xf32>
        %get3A_240 = arith.index_cast %add3A_95 : i32 to index
        %get3A_241 = arith.constant 288 : index
        %get3A_242 = tpu.vector_load %arg9[%get3A_240, %get3A_241] {strides = array<i32>} : memref<128x512xf32, #tpu.memory_space<vmem>>, vector<16xf32>,
        %get3A_243 = arith.index_cast %scan3A_92 : i32 to index
        %get3A_244 = arith.constant 288 : index
        %get3A_245 = tpu.vector_load %arg10[%get3A_243, %get3A_244] {strides = array<i32>} : memref<64x512xf32, #tpu.memory_space<vmem>>, vector<16xf32>,
        %mul3A_246 = arith.mulf %get3A_242, %get3A_245 : vector<16xf32>
        %add3A_247 = arith.addf %add3A_239, %mul3A_246 : vector<16xf32>
        %get3A_248 = arith.index_cast %add3A_95 : i32 to index
        %get3A_249 = arith.constant 304 : index
        %get3A_250 = tpu.vector_load %arg9[%get3A_248, %get3A_249] {strides = array<i32>} : memref<128x512xf32, #tpu.memory_space<vmem>>, vector<16xf32>,
        %get3A_251 = arith.index_cast %scan3A_92 : i32 to index
        %get3A_252 = arith.constant 304 : index
        %get3A_253 = tpu.vector_load %arg10[%get3A_251, %get3A_252] {strides = array<i32>} : memref<64x512xf32, #tpu.memory_space<vmem>>, vector<16xf32>,
        %mul3A_254 = arith.mulf %get3A_250, %get3A_253 : vector<16xf32>
        %add3A_255 = arith.addf %add3A_247, %mul3A_254 : vector<16xf32>
        %get3A_256 = arith.index_cast %add3A_95 : i32 to index
        %get3A_257 = arith.constant 320 : index
        %get3A_258 = tpu.vector_load %arg9[%get3A_256, %get3A_257] {strides = array<i32>} : memref<128x512xf32, #tpu.memory_space<vmem>>, vector<16xf32>,
        %get3A_259 = arith.index_cast %scan3A_92 : i32 to index
        %get3A_260 = arith.constant 320 : index
        %get3A_261 = tpu.vector_load %arg10[%get3A_259, %get3A_260] {strides = array<i32>} : memref<64x512xf32, #tpu.memory_space<vmem>>, vector<16xf32>,
        %mul3A_262 = arith.mulf %get3A_258, %get3A_261 : vector<16xf32>
        %add3A_263 = arith.addf %add3A_255, %mul3A_262 : vector<16xf32>
        %get3A_264 = arith.index_cast %add3A_95 : i32 to index
        %get3A_265 = arith.constant 336 : index
        %get3A_266 = tpu.vector_load %arg9[%get3A_264, %get3A_265] {strides = array<i32>} : memref<128x512xf32, #tpu.memory_space<vmem>>, vector<16xf32>,
        %get3A_267 = arith.index_cast %scan3A_92 : i32 to index
        %get3A_268 = arith.constant 336 : index
        %get3A_269 = tpu.vector_load %arg10[%get3A_267, %get3A_268] {strides = array<i32>} : memref<64x512xf32, #tpu.memory_space<vmem>>, vector<16xf32>,
        %mul3A_270 = arith.mulf %get3A_266, %get3A_269 : vector<16xf32>
        %add3A_271 = arith.addf %add3A_263, %mul3A_270 : vector<16xf32>
        %get3A_272 = arith.index_cast %add3A_95 : i32 to index
        %get3A_273 = arith.constant 352 : index
        %get3A_274 = tpu.vector_load %arg9[%get3A_272, %get3A_273] {strides = array<i32>} : memref<128x512xf32, #tpu.memory_space<vmem>>, vector<16xf32>,
        %get3A_275 = arith.index_cast %scan3A_92 : i32 to index
        %get3A_276 = arith.constant 352 : index
        %get3A_277 = tpu.vector_load %arg10[%get3A_275, %get3A_276] {strides = array<i32>} : memref<64x512xf32, #tpu.memory_space<vmem>>, vector<16xf32>,
        %mul3A_278 = arith.mulf %get3A_274, %get3A_277 : vector<16xf32>
        %add3A_279 = arith.addf %add3A_271, %mul3A_278 : vector<16xf32>
        %get3A_280 = arith.index_cast %add3A_95 : i32 to index
        %get3A_281 = arith.constant 368 : index
        %get3A_282 = tpu.vector_load %arg9[%get3A_280, %get3A_281] {strides = array<i32>} : memref<128x512xf32, #tpu.memory_space<vmem>>, vector<16xf32>,
        %get3A_283 = arith.index_cast %scan3A_92 : i32 to index
        %get3A_284 = arith.constant 368 : index
        %get3A_285 = tpu.vector_load %arg10[%get3A_283, %get3A_284] {strides = array<i32>} : memref<64x512xf32, #tpu.memory_space<vmem>>, vector<16xf32>,
        %mul3A_286 = arith.mulf %get3A_282, %get3A_285 : vector<16xf32>
        %add3A_287 = arith.addf %add3A_279, %mul3A_286 : vector<16xf32>
        %get3A_288 = arith.index_cast %add3A_95 : i32 to index
        %get3A_289 = arith.constant 384 : index
        %get3A_290 = tpu.vector_load %arg9[%get3A_288, %get3A_289] {strides = array<i32>} : memref<128x512xf32, #tpu.memory_space<vmem>>, vector<16xf32>,
        %get3A_291 = arith.index_cast %scan3A_92 : i32 to index
        %get3A_292 = arith.constant 384 : index
        %get3A_293 = tpu.vector_load %arg10[%get3A_291, %get3A_292] {strides = array<i32>} : memref<64x512xf32, #tpu.memory_space<vmem>>, vector<16xf32>,
        %mul3A_294 = arith.mulf %get3A_290, %get3A_293 : vector<16xf32>
        %add3A_295 = arith.addf %add3A_287, %mul3A_294 : vector<16xf32>
        %get3A_296 = arith.index_cast %add3A_95 : i32 to index
        %get3A_297 = arith.constant 400 : index
        %get3A_298 = tpu.vector_load %arg9[%get3A_296, %get3A_297] {strides = array<i32>} : memref<128x512xf32, #tpu.memory_space<vmem>>, vector<16xf32>,
        %get3A_299 = arith.index_cast %scan3A_92 : i32 to index
        %get3A_300 = arith.constant 400 : index
        %get3A_301 = tpu.vector_load %arg10[%get3A_299, %get3A_300] {strides = array<i32>} : memref<64x512xf32, #tpu.memory_space<vmem>>, vector<16xf32>,
        %mul3A_302 = arith.mulf %get3A_298, %get3A_301 : vector<16xf32>
        %add3A_303 = arith.addf %add3A_295, %mul3A_302 : vector<16xf32>
        %get3A_304 = arith.index_cast %add3A_95 : i32 to index
        %get3A_305 = arith.constant 416 : index
        %get3A_306 = tpu.vector_load %arg9[%get3A_304, %get3A_305] {strides = array<i32>} : memref<128x512xf32, #tpu.memory_space<vmem>>, vector<16xf32>,
        %get3A_307 = arith.index_cast %scan3A_92 : i32 to index
        %get3A_308 = arith.constant 416 : index
        %get3A_309 = tpu.vector_load %arg10[%get3A_307, %get3A_308] {strides = array<i32>} : memref<64x512xf32, #tpu.memory_space<vmem>>, vector<16xf32>,
        %mul3A_310 = arith.mulf %get3A_306, %get3A_309 : vector<16xf32>
        %add3A_311 = arith.addf %add3A_303, %mul3A_310 : vector<16xf32>
        %get3A_312 = arith.index_cast %add3A_95 : i32 to index
        %get3A_313 = arith.constant 432 : index
        %get3A_314 = tpu.vector_load %arg9[%get3A_312, %get3A_313] {strides = array<i32>} : memref<128x512xf32, #tpu.memory_space<vmem>>, vector<16xf32>,
        %get3A_315 = arith.index_cast %scan3A_92 : i32 to index
        %get3A_316 = arith.constant 432 : index
        %get3A_317 = tpu.vector_load %arg10[%get3A_315, %get3A_316] {strides = array<i32>} : memref<64x512xf32, #tpu.memory_space<vmem>>, vector<16xf32>,
        %mul3A_318 = arith.mulf %get3A_314, %get3A_317 : vector<16xf32>
        %add3A_319 = arith.addf %add3A_311, %mul3A_318 : vector<16xf32>
        %get3A_320 = arith.index_cast %add3A_95 : i32 to index
        %get3A_321 = arith.constant 448 : index
        %get3A_322 = tpu.vector_load %arg9[%get3A_320, %get3A_321] {strides = array<i32>} : memref<128x512xf32, #tpu.memory_space<vmem>>, vector<16xf32>,
        %get3A_323 = arith.index_cast %scan3A_92 : i32 to index
        %get3A_324 = arith.constant 448 : index
        %get3A_325 = tpu.vector_load %arg10[%get3A_323, %get3A_324] {strides = array<i32>} : memref<64x512xf32, #tpu.memory_space<vmem>>, vector<16xf32>,
        %mul3A_326 = arith.mulf %get3A_322, %get3A_325 : vector<16xf32>
        %add3A_327 = arith.addf %add3A_319, %mul3A_326 : vector<16xf32>
        %get3A_328 = arith.index_cast %add3A_95 : i32 to index
        %get3A_329 = arith.constant 464 : index
        %get3A_330 = tpu.vector_load %arg9[%get3A_328, %get3A_329] {strides = array<i32>} : memref<128x512xf32, #tpu.memory_space<vmem>>, vector<16xf32>,
        %get3A_331 = arith.index_cast %scan3A_92 : i32 to index
        %get3A_332 = arith.constant 464 : index
        %get3A_333 = tpu.vector_load %arg10[%get3A_331, %get3A_332] {strides = array<i32>} : memref<64x512xf32, #tpu.memory_space<vmem>>, vector<16xf32>,
        %mul3A_334 = arith.mulf %get3A_330, %get3A_333 : vector<16xf32>
        %add3A_335 = arith.addf %add3A_327, %mul3A_334 : vector<16xf32>
        %get3A_336 = arith.index_cast %add3A_95 : i32 to index
        %get3A_337 = arith.constant 480 : index
        %get3A_338 = tpu.vector_load %arg9[%get3A_336, %get3A_337] {strides = array<i32>} : memref<128x512xf32, #tpu.memory_space<vmem>>, vector<16xf32>,
        %get3A_339 = arith.index_cast %scan3A_92 : i32 to index
        %get3A_340 = arith.constant 480 : index
        %get3A_341 = tpu.vector_load %arg10[%get3A_339, %get3A_340] {strides = array<i32>} : memref<64x512xf32, #tpu.memory_space<vmem>>, vector<16xf32>,
        %mul3A_342 = arith.mulf %get3A_338, %get3A_341 : vector<16xf32>
        %add3A_343 = arith.addf %add3A_335, %mul3A_342 : vector<16xf32>
        %get3A_344 = arith.index_cast %add3A_95 : i32 to index
        %get3A_345 = arith.constant 496 : index
        %get3A_346 = tpu.vector_load %arg9[%get3A_344, %get3A_345] {strides = array<i32>} : memref<128x512xf32, #tpu.memory_space<vmem>>, vector<16xf32>,
        %get3A_347 = arith.index_cast %scan3A_92 : i32 to index
        %get3A_348 = arith.constant 496 : index
        %get3A_349 = tpu.vector_load %arg10[%get3A_347, %get3A_348] {strides = array<i32>} : memref<64x512xf32, #tpu.memory_space<vmem>>, vector<16xf32>,
        %mul3A_350 = arith.mulf %get3A_346, %get3A_349 : vector<16xf32>
        %add3A_351 = arith.addf %add3A_343, %mul3A_350 : vector<16xf32>
        %broadcast_in_dim3A_352 = vector.broadcast %add3A_95 : i32 to vector<16xi32>
        tpu.vector_store_idx %arg16[%broadcast_in_dim3A_352], %add3A_351 {add = true} : memref<128xf32, #tpu.memory_space<vmem>>[vector<16xi32>], vector<16xf32>,
        %scan3A_353 = arith.constant 0 : i32
        scf.yield %scan3A_353 : i32
      }
      %scan3A_49 = arith.constant 64 : i32
      "tpu.region"() ({
        %run_scoped3A = tpu.sem_alloc : memref<!tpu.dma_semaphore, #tpu.memory_space<semaphore_mem>>
        %dma_start3A_92 = arith.constant 64 : i32
        %dma_start3A_93 = arith.constant 0 : i32
        %dma_start3A_94 = tpu.memref_slice %arg5[%select_n3A, %dma_start3A_92, %dma_start3A_93] : memref<10x128x512xf32, #tpu.memory_space<hbm>> -> memref<1x64x512xf32, #tpu.memory_space<hbm>>
        %dma_start3A_95 = tpu.memref_squeeze %dma_start3A_94 : memref<1x64x512xf32, #tpu.memory_space<hbm>> -> memref<64x512xf32, #tpu.memory_space<hbm>>
        %dma_start3A_96 = arith.constant 64 : i32
        %dma_start3A_97 = arith.constant 0 : i32
        %dma_start3A_98 = tpu.memref_slice %arg5[%select_n3A, %dma_start3A_96, %dma_start3A_97] : memref<10x128x512xf32, #tpu.memory_space<hbm>> -> memref<1x64x512xf32, #tpu.memory_space<hbm>>
        %dma_start3A_99 = tpu.memref_squeeze %dma_start3A_98 : memref<1x64x512xf32, #tpu.memory_space<hbm>> -> memref<64x512xf32, #tpu.memory_space<hbm>>
        tpu.enqueue_dma source(%dma_start3A_99 : memref<64x512xf32, #tpu.memory_space<hbm>>) target(%arg10 : memref<64x512xf32, #tpu.memory_space<vmem>>) target_semaphore(%run_scoped3A : memref<!tpu.dma_semaphore, #tpu.memory_space<semaphore_mem>>)
        %dma_wait3A_100 = arith.constant 64 : i32
        %dma_wait3A_101 = arith.constant 0 : i32
        %dma_wait3A_102 = tpu.memref_slice %arg5[%select_n3A, %dma_wait3A_100, %dma_wait3A_101] : memref<10x128x512xf32, #tpu.memory_space<hbm>> -> memref<1x64x512xf32, #tpu.memory_space<hbm>>
        %dma_wait3A_103 = tpu.memref_squeeze %dma_wait3A_102 : memref<1x64x512xf32, #tpu.memory_space<hbm>> -> memref<64x512xf32, #tpu.memory_space<hbm>>
        %dma_wait3A_104 = arith.constant 64 : i32
        %dma_wait3A_105 = arith.constant 0 : i32
        %dma_wait3A_106 = tpu.memref_slice %arg5[%select_n3A, %dma_wait3A_104, %dma_wait3A_105] : memref<10x128x512xf32, #tpu.memory_space<hbm>> -> memref<1x64x512xf32, #tpu.memory_space<hbm>>
        %dma_wait3A_107 = tpu.memref_squeeze %dma_wait3A_106 : memref<1x64x512xf32, #tpu.memory_space<hbm>> -> memref<64x512xf32, #tpu.memory_space<hbm>>
        tpu.wait_dma2 semaphore(%run_scoped3A : memref<!tpu.dma_semaphore, #tpu.memory_space<semaphore_mem>>) src(%dma_wait3A_107 : memref<64x512xf32, #tpu.memory_space<hbm>>) dst(%arg10 : memref<64x512xf32, #tpu.memory_space<vmem>>)
        tpu.yield
      }) : () -> ()
      %scan3A_50 = arith.constant 0 : i32
      %scan3A_51 = arith.constant 0 : i32
      %scan3A_52 = arith.constant 4 : i32
      %scan3A_53 = arith.addi %scan3A_51, %scan3A_52 : i32
      %scan3A_54 = arith.constant 1 : i32
      %scan3A_55 = scf.for %scan3A_92 = %scan3A_51 to %scan3A_53 step %scan3A_54 iter_args(%scan3A_93 = %scan3A_50) -> (i32)  : i32 {
        %broadcast_in_dim3A = arith.constant 0.000000e+00 : f32
        %broadcast_in_dim3A_94 = vector.broadcast %broadcast_in_dim3A : f32 to vector<16xf32>
        %mul3A_95 = arith.constant 16 : i32
        %mul3A_96 = arith.muli %scan3A_92, %mul3A_95 : i32
        %add3A_97 = arith.constant 64 : i32
        %add3A_98 = arith.addi %add3A_97, %mul3A_96 : i32
        %swap3A = arith.index_cast %add3A_98 : i32 to index
        %swap3A_99 = tpu.vector_load %arg16[%swap3A] {strides = array<i32>} : memref<128xf32, #tpu.memory_space<vmem>>, vector<16xf32>,
        tpu.vector_store %arg16[%swap3A], %broadcast_in_dim3A_94 {strides = array<i32>} : memref<128xf32, #tpu.memory_space<vmem>>, vector<16xf32>,
        %scan3A_100 = arith.constant 0 : i32
        scf.yield %scan3A_100 : i32
      }
      %scan3A_56 = arith.constant 4 : i32
      %scan3A_57 = arith.constant 0 : i32
      %scan3A_58 = arith.constant 0 : i32
      %scan3A_59 = arith.constant 64 : i32
      %scan3A_60 = arith.addi %scan3A_58, %scan3A_59 : i32
      %scan3A_61 = arith.constant 1 : i32
      %scan3A_62 = scf.for %scan3A_92 = %scan3A_58 to %scan3A_60 step %scan3A_61 iter_args(%scan3A_93 = %scan3A_57) -> (i32)  : i32 {
        %add3A_94 = arith.constant 64 : i32
        %add3A_95 = arith.addi %add3A_94, %scan3A_92 : i32
        %broadcast_in_dim3A = arith.constant 0.000000e+00 : f32
        %broadcast_in_dim3A_96 = vector.broadcast %broadcast_in_dim3A : f32 to vector<16xf32>
        %get3A = arith.index_cast %add3A_95 : i32 to index
        %get3A_97 = arith.constant 0 : index
        %get3A_98 = tpu.vector_load %arg9[%get3A, %get3A_97] {strides = array<i32>} : memref<128x512xf32, #tpu.memory_space<vmem>>, vector<16xf32>,
        %get3A_99 = arith.index_cast %scan3A_92 : i32 to index
        %get3A_100 = arith.constant 0 : index
        %get3A_101 = tpu.vector_load %arg10[%get3A_99, %get3A_100] {strides = array<i32>} : memref<64x512xf32, #tpu.memory_space<vmem>>, vector<16xf32>,
        %mul3A_102 = arith.mulf %get3A_98, %get3A_101 : vector<16xf32>
        %add3A_103 = arith.addf %broadcast_in_dim3A_96, %mul3A_102 : vector<16xf32>
        %get3A_104 = arith.index_cast %add3A_95 : i32 to index
        %get3A_105 = arith.constant 16 : index
        %get3A_106 = tpu.vector_load %arg9[%get3A_104, %get3A_105] {strides = array<i32>} : memref<128x512xf32, #tpu.memory_space<vmem>>, vector<16xf32>,
        %get3A_107 = arith.index_cast %scan3A_92 : i32 to index
        %get3A_108 = arith.constant 16 : index
        %get3A_109 = tpu.vector_load %arg10[%get3A_107, %get3A_108] {strides = array<i32>} : memref<64x512xf32, #tpu.memory_space<vmem>>, vector<16xf32>,
        %mul3A_110 = arith.mulf %get3A_106, %get3A_109 : vector<16xf32>
        %add3A_111 = arith.addf %add3A_103, %mul3A_110 : vector<16xf32>
        %get3A_112 = arith.index_cast %add3A_95 : i32 to index
        %get3A_113 = arith.constant 32 : index
        %get3A_114 = tpu.vector_load %arg9[%get3A_112, %get3A_113] {strides = array<i32>} : memref<128x512xf32, #tpu.memory_space<vmem>>, vector<16xf32>,
        %get3A_115 = arith.index_cast %scan3A_92 : i32 to index
        %get3A_116 = arith.constant 32 : index
        %get3A_117 = tpu.vector_load %arg10[%get3A_115, %get3A_116] {strides = array<i32>} : memref<64x512xf32, #tpu.memory_space<vmem>>, vector<16xf32>,
        %mul3A_118 = arith.mulf %get3A_114, %get3A_117 : vector<16xf32>
        %add3A_119 = arith.addf %add3A_111, %mul3A_118 : vector<16xf32>
        %get3A_120 = arith.index_cast %add3A_95 : i32 to index
        %get3A_121 = arith.constant 48 : index
        %get3A_122 = tpu.vector_load %arg9[%get3A_120, %get3A_121] {strides = array<i32>} : memref<128x512xf32, #tpu.memory_space<vmem>>, vector<16xf32>,
        %get3A_123 = arith.index_cast %scan3A_92 : i32 to index
        %get3A_124 = arith.constant 48 : index
        %get3A_125 = tpu.vector_load %arg10[%get3A_123, %get3A_124] {strides = array<i32>} : memref<64x512xf32, #tpu.memory_space<vmem>>, vector<16xf32>,
        %mul3A_126 = arith.mulf %get3A_122, %get3A_125 : vector<16xf32>
        %add3A_127 = arith.addf %add3A_119, %mul3A_126 : vector<16xf32>
        %get3A_128 = arith.index_cast %add3A_95 : i32 to index
        %get3A_129 = arith.constant 64 : index
        %get3A_130 = tpu.vector_load %arg9[%get3A_128, %get3A_129] {strides = array<i32>} : memref<128x512xf32, #tpu.memory_space<vmem>>, vector<16xf32>,
        %get3A_131 = arith.index_cast %scan3A_92 : i32 to index
        %get3A_132 = arith.constant 64 : index
        %get3A_133 = tpu.vector_load %arg10[%get3A_131, %get3A_132] {strides = array<i32>} : memref<64x512xf32, #tpu.memory_space<vmem>>, vector<16xf32>,
        %mul3A_134 = arith.mulf %get3A_130, %get3A_133 : vector<16xf32>
        %add3A_135 = arith.addf %add3A_127, %mul3A_134 : vector<16xf32>
        %get3A_136 = arith.index_cast %add3A_95 : i32 to index
        %get3A_137 = arith.constant 80 : index
        %get3A_138 = tpu.vector_load %arg9[%get3A_136, %get3A_137] {strides = array<i32>} : memref<128x512xf32, #tpu.memory_space<vmem>>, vector<16xf32>,
        %get3A_139 = arith.index_cast %scan3A_92 : i32 to index
        %get3A_140 = arith.constant 80 : index
        %get3A_141 = tpu.vector_load %arg10[%get3A_139, %get3A_140] {strides = array<i32>} : memref<64x512xf32, #tpu.memory_space<vmem>>, vector<16xf32>,
        %mul3A_142 = arith.mulf %get3A_138, %get3A_141 : vector<16xf32>
        %add3A_143 = arith.addf %add3A_135, %mul3A_142 : vector<16xf32>
        %get3A_144 = arith.index_cast %add3A_95 : i32 to index
        %get3A_145 = arith.constant 96 : index
        %get3A_146 = tpu.vector_load %arg9[%get3A_144, %get3A_145] {strides = array<i32>} : memref<128x512xf32, #tpu.memory_space<vmem>>, vector<16xf32>,
        %get3A_147 = arith.index_cast %scan3A_92 : i32 to index
        %get3A_148 = arith.constant 96 : index
        %get3A_149 = tpu.vector_load %arg10[%get3A_147, %get3A_148] {strides = array<i32>} : memref<64x512xf32, #tpu.memory_space<vmem>>, vector<16xf32>,
        %mul3A_150 = arith.mulf %get3A_146, %get3A_149 : vector<16xf32>
        %add3A_151 = arith.addf %add3A_143, %mul3A_150 : vector<16xf32>
        %get3A_152 = arith.index_cast %add3A_95 : i32 to index
        %get3A_153 = arith.constant 112 : index
        %get3A_154 = tpu.vector_load %arg9[%get3A_152, %get3A_153] {strides = array<i32>} : memref<128x512xf32, #tpu.memory_space<vmem>>, vector<16xf32>,
        %get3A_155 = arith.index_cast %scan3A_92 : i32 to index
        %get3A_156 = arith.constant 112 : index
        %get3A_157 = tpu.vector_load %arg10[%get3A_155, %get3A_156] {strides = array<i32>} : memref<64x512xf32, #tpu.memory_space<vmem>>, vector<16xf32>,
        %mul3A_158 = arith.mulf %get3A_154, %get3A_157 : vector<16xf32>
        %add3A_159 = arith.addf %add3A_151, %mul3A_158 : vector<16xf32>
        %get3A_160 = arith.index_cast %add3A_95 : i32 to index
        %get3A_161 = arith.constant 128 : index
        %get3A_162 = tpu.vector_load %arg9[%get3A_160, %get3A_161] {strides = array<i32>} : memref<128x512xf32, #tpu.memory_space<vmem>>, vector<16xf32>,
        %get3A_163 = arith.index_cast %scan3A_92 : i32 to index
        %get3A_164 = arith.constant 128 : index
        %get3A_165 = tpu.vector_load %arg10[%get3A_163, %get3A_164] {strides = array<i32>} : memref<64x512xf32, #tpu.memory_space<vmem>>, vector<16xf32>,
        %mul3A_166 = arith.mulf %get3A_162, %get3A_165 : vector<16xf32>
        %add3A_167 = arith.addf %add3A_159, %mul3A_166 : vector<16xf32>
        %get3A_168 = arith.index_cast %add3A_95 : i32 to index
        %get3A_169 = arith.constant 144 : index
        %get3A_170 = tpu.vector_load %arg9[%get3A_168, %get3A_169] {strides = array<i32>} : memref<128x512xf32, #tpu.memory_space<vmem>>, vector<16xf32>,
        %get3A_171 = arith.index_cast %scan3A_92 : i32 to index
        %get3A_172 = arith.constant 144 : index
        %get3A_173 = tpu.vector_load %arg10[%get3A_171, %get3A_172] {strides = array<i32>} : memref<64x512xf32, #tpu.memory_space<vmem>>, vector<16xf32>,
        %mul3A_174 = arith.mulf %get3A_170, %get3A_173 : vector<16xf32>
        %add3A_175 = arith.addf %add3A_167, %mul3A_174 : vector<16xf32>
        %get3A_176 = arith.index_cast %add3A_95 : i32 to index
        %get3A_177 = arith.constant 160 : index
        %get3A_178 = tpu.vector_load %arg9[%get3A_176, %get3A_177] {strides = array<i32>} : memref<128x512xf32, #tpu.memory_space<vmem>>, vector<16xf32>,
        %get3A_179 = arith.index_cast %scan3A_92 : i32 to index
        %get3A_180 = arith.constant 160 : index
        %get3A_181 = tpu.vector_load %arg10[%get3A_179, %get3A_180] {strides = array<i32>} : memref<64x512xf32, #tpu.memory_space<vmem>>, vector<16xf32>,
        %mul3A_182 = arith.mulf %get3A_178, %get3A_181 : vector<16xf32>
        %add3A_183 = arith.addf %add3A_175, %mul3A_182 : vector<16xf32>
        %get3A_184 = arith.index_cast %add3A_95 : i32 to index
        %get3A_185 = arith.constant 176 : index
        %get3A_186 = tpu.vector_load %arg9[%get3A_184, %get3A_185] {strides = array<i32>} : memref<128x512xf32, #tpu.memory_space<vmem>>, vector<16xf32>,
        %get3A_187 = arith.index_cast %scan3A_92 : i32 to index
        %get3A_188 = arith.constant 176 : index
        %get3A_189 = tpu.vector_load %arg10[%get3A_187, %get3A_188] {strides = array<i32>} : memref<64x512xf32, #tpu.memory_space<vmem>>, vector<16xf32>,
        %mul3A_190 = arith.mulf %get3A_186, %get3A_189 : vector<16xf32>
        %add3A_191 = arith.addf %add3A_183, %mul3A_190 : vector<16xf32>
        %get3A_192 = arith.index_cast %add3A_95 : i32 to index
        %get3A_193 = arith.constant 192 : index
        %get3A_194 = tpu.vector_load %arg9[%get3A_192, %get3A_193] {strides = array<i32>} : memref<128x512xf32, #tpu.memory_space<vmem>>, vector<16xf32>,
        %get3A_195 = arith.index_cast %scan3A_92 : i32 to index
        %get3A_196 = arith.constant 192 : index
        %get3A_197 = tpu.vector_load %arg10[%get3A_195, %get3A_196] {strides = array<i32>} : memref<64x512xf32, #tpu.memory_space<vmem>>, vector<16xf32>,
        %mul3A_198 = arith.mulf %get3A_194, %get3A_197 : vector<16xf32>
        %add3A_199 = arith.addf %add3A_191, %mul3A_198 : vector<16xf32>
        %get3A_200 = arith.index_cast %add3A_95 : i32 to index
        %get3A_201 = arith.constant 208 : index
        %get3A_202 = tpu.vector_load %arg9[%get3A_200, %get3A_201] {strides = array<i32>} : memref<128x512xf32, #tpu.memory_space<vmem>>, vector<16xf32>,
        %get3A_203 = arith.index_cast %scan3A_92 : i32 to index
        %get3A_204 = arith.constant 208 : index
        %get3A_205 = tpu.vector_load %arg10[%get3A_203, %get3A_204] {strides = array<i32>} : memref<64x512xf32, #tpu.memory_space<vmem>>, vector<16xf32>,
        %mul3A_206 = arith.mulf %get3A_202, %get3A_205 : vector<16xf32>
        %add3A_207 = arith.addf %add3A_199, %mul3A_206 : vector<16xf32>
        %get3A_208 = arith.index_cast %add3A_95 : i32 to index
        %get3A_209 = arith.constant 224 : index
        %get3A_210 = tpu.vector_load %arg9[%get3A_208, %get3A_209] {strides = array<i32>} : memref<128x512xf32, #tpu.memory_space<vmem>>, vector<16xf32>,
        %get3A_211 = arith.index_cast %scan3A_92 : i32 to index
        %get3A_212 = arith.constant 224 : index
        %get3A_213 = tpu.vector_load %arg10[%get3A_211, %get3A_212] {strides = array<i32>} : memref<64x512xf32, #tpu.memory_space<vmem>>, vector<16xf32>,
        %mul3A_214 = arith.mulf %get3A_210, %get3A_213 : vector<16xf32>
        %add3A_215 = arith.addf %add3A_207, %mul3A_214 : vector<16xf32>
        %get3A_216 = arith.index_cast %add3A_95 : i32 to index
        %get3A_217 = arith.constant 240 : index
        %get3A_218 = tpu.vector_load %arg9[%get3A_216, %get3A_217] {strides = array<i32>} : memref<128x512xf32, #tpu.memory_space<vmem>>, vector<16xf32>,
        %get3A_219 = arith.index_cast %scan3A_92 : i32 to index
        %get3A_220 = arith.constant 240 : index
        %get3A_221 = tpu.vector_load %arg10[%get3A_219, %get3A_220] {strides = array<i32>} : memref<64x512xf32, #tpu.memory_space<vmem>>, vector<16xf32>,
        %mul3A_222 = arith.mulf %get3A_218, %get3A_221 : vector<16xf32>
        %add3A_223 = arith.addf %add3A_215, %mul3A_222 : vector<16xf32>
        %get3A_224 = arith.index_cast %add3A_95 : i32 to index
        %get3A_225 = arith.constant 256 : index
        %get3A_226 = tpu.vector_load %arg9[%get3A_224, %get3A_225] {strides = array<i32>} : memref<128x512xf32, #tpu.memory_space<vmem>>, vector<16xf32>,
        %get3A_227 = arith.index_cast %scan3A_92 : i32 to index
        %get3A_228 = arith.constant 256 : index
        %get3A_229 = tpu.vector_load %arg10[%get3A_227, %get3A_228] {strides = array<i32>} : memref<64x512xf32, #tpu.memory_space<vmem>>, vector<16xf32>,
        %mul3A_230 = arith.mulf %get3A_226, %get3A_229 : vector<16xf32>
        %add3A_231 = arith.addf %add3A_223, %mul3A_230 : vector<16xf32>
        %get3A_232 = arith.index_cast %add3A_95 : i32 to index
        %get3A_233 = arith.constant 272 : index
        %get3A_234 = tpu.vector_load %arg9[%get3A_232, %get3A_233] {strides = array<i32>} : memref<128x512xf32, #tpu.memory_space<vmem>>, vector<16xf32>,
        %get3A_235 = arith.index_cast %scan3A_92 : i32 to index
        %get3A_236 = arith.constant 272 : index
        %get3A_237 = tpu.vector_load %arg10[%get3A_235, %get3A_236] {strides = array<i32>} : memref<64x512xf32, #tpu.memory_space<vmem>>, vector<16xf32>,
        %mul3A_238 = arith.mulf %get3A_234, %get3A_237 : vector<16xf32>
        %add3A_239 = arith.addf %add3A_231, %mul3A_238 : vector<16xf32>
        %get3A_240 = arith.index_cast %add3A_95 : i32 to index
        %get3A_241 = arith.constant 288 : index
        %get3A_242 = tpu.vector_load %arg9[%get3A_240, %get3A_241] {strides = array<i32>} : memref<128x512xf32, #tpu.memory_space<vmem>>, vector<16xf32>,
        %get3A_243 = arith.index_cast %scan3A_92 : i32 to index
        %get3A_244 = arith.constant 288 : index
        %get3A_245 = tpu.vector_load %arg10[%get3A_243, %get3A_244] {strides = array<i32>} : memref<64x512xf32, #tpu.memory_space<vmem>>, vector<16xf32>,
        %mul3A_246 = arith.mulf %get3A_242, %get3A_245 : vector<16xf32>
        %add3A_247 = arith.addf %add3A_239, %mul3A_246 : vector<16xf32>
        %get3A_248 = arith.index_cast %add3A_95 : i32 to index
        %get3A_249 = arith.constant 304 : index
        %get3A_250 = tpu.vector_load %arg9[%get3A_248, %get3A_249] {strides = array<i32>} : memref<128x512xf32, #tpu.memory_space<vmem>>, vector<16xf32>,
        %get3A_251 = arith.index_cast %scan3A_92 : i32 to index
        %get3A_252 = arith.constant 304 : index
        %get3A_253 = tpu.vector_load %arg10[%get3A_251, %get3A_252] {strides = array<i32>} : memref<64x512xf32, #tpu.memory_space<vmem>>, vector<16xf32>,
        %mul3A_254 = arith.mulf %get3A_250, %get3A_253 : vector<16xf32>
        %add3A_255 = arith.addf %add3A_247, %mul3A_254 : vector<16xf32>
        %get3A_256 = arith.index_cast %add3A_95 : i32 to index
        %get3A_257 = arith.constant 320 : index
        %get3A_258 = tpu.vector_load %arg9[%get3A_256, %get3A_257] {strides = array<i32>} : memref<128x512xf32, #tpu.memory_space<vmem>>, vector<16xf32>,
        %get3A_259 = arith.index_cast %scan3A_92 : i32 to index
        %get3A_260 = arith.constant 320 : index
        %get3A_261 = tpu.vector_load %arg10[%get3A_259, %get3A_260] {strides = array<i32>} : memref<64x512xf32, #tpu.memory_space<vmem>>, vector<16xf32>,
        %mul3A_262 = arith.mulf %get3A_258, %get3A_261 : vector<16xf32>
        %add3A_263 = arith.addf %add3A_255, %mul3A_262 : vector<16xf32>
        %get3A_264 = arith.index_cast %add3A_95 : i32 to index
        %get3A_265 = arith.constant 336 : index
        %get3A_266 = tpu.vector_load %arg9[%get3A_264, %get3A_265] {strides = array<i32>} : memref<128x512xf32, #tpu.memory_space<vmem>>, vector<16xf32>,
        %get3A_267 = arith.index_cast %scan3A_92 : i32 to index
        %get3A_268 = arith.constant 336 : index
        %get3A_269 = tpu.vector_load %arg10[%get3A_267, %get3A_268] {strides = array<i32>} : memref<64x512xf32, #tpu.memory_space<vmem>>, vector<16xf32>,
        %mul3A_270 = arith.mulf %get3A_266, %get3A_269 : vector<16xf32>
        %add3A_271 = arith.addf %add3A_263, %mul3A_270 : vector<16xf32>
        %get3A_272 = arith.index_cast %add3A_95 : i32 to index
        %get3A_273 = arith.constant 352 : index
        %get3A_274 = tpu.vector_load %arg9[%get3A_272, %get3A_273] {strides = array<i32>} : memref<128x512xf32, #tpu.memory_space<vmem>>, vector<16xf32>,
        %get3A_275 = arith.index_cast %scan3A_92 : i32 to index
        %get3A_276 = arith.constant 352 : index
        %get3A_277 = tpu.vector_load %arg10[%get3A_275, %get3A_276] {strides = array<i32>} : memref<64x512xf32, #tpu.memory_space<vmem>>, vector<16xf32>,
        %mul3A_278 = arith.mulf %get3A_274, %get3A_277 : vector<16xf32>
        %add3A_279 = arith.addf %add3A_271, %mul3A_278 : vector<16xf32>
        %get3A_280 = arith.index_cast %add3A_95 : i32 to index
        %get3A_281 = arith.constant 368 : index
        %get3A_282 = tpu.vector_load %arg9[%get3A_280, %get3A_281] {strides = array<i32>} : memref<128x512xf32, #tpu.memory_space<vmem>>, vector<16xf32>,
        %get3A_283 = arith.index_cast %scan3A_92 : i32 to index
        %get3A_284 = arith.constant 368 : index
        %get3A_285 = tpu.vector_load %arg10[%get3A_283, %get3A_284] {strides = array<i32>} : memref<64x512xf32, #tpu.memory_space<vmem>>, vector<16xf32>,
        %mul3A_286 = arith.mulf %get3A_282, %get3A_285 : vector<16xf32>
        %add3A_287 = arith.addf %add3A_279, %mul3A_286 : vector<16xf32>
        %get3A_288 = arith.index_cast %add3A_95 : i32 to index
        %get3A_289 = arith.constant 384 : index
        %get3A_290 = tpu.vector_load %arg9[%get3A_288, %get3A_289] {strides = array<i32>} : memref<128x512xf32, #tpu.memory_space<vmem>>, vector<16xf32>,
        %get3A_291 = arith.index_cast %scan3A_92 : i32 to index
        %get3A_292 = arith.constant 384 : index
        %get3A_293 = tpu.vector_load %arg10[%get3A_291, %get3A_292] {strides = array<i32>} : memref<64x512xf32, #tpu.memory_space<vmem>>, vector<16xf32>,
        %mul3A_294 = arith.mulf %get3A_290, %get3A_293 : vector<16xf32>
        %add3A_295 = arith.addf %add3A_287, %mul3A_294 : vector<16xf32>
        %get3A_296 = arith.index_cast %add3A_95 : i32 to index
        %get3A_297 = arith.constant 400 : index
        %get3A_298 = tpu.vector_load %arg9[%get3A_296, %get3A_297] {strides = array<i32>} : memref<128x512xf32, #tpu.memory_space<vmem>>, vector<16xf32>,
        %get3A_299 = arith.index_cast %scan3A_92 : i32 to index
        %get3A_300 = arith.constant 400 : index
        %get3A_301 = tpu.vector_load %arg10[%get3A_299, %get3A_300] {strides = array<i32>} : memref<64x512xf32, #tpu.memory_space<vmem>>, vector<16xf32>,
        %mul3A_302 = arith.mulf %get3A_298, %get3A_301 : vector<16xf32>
        %add3A_303 = arith.addf %add3A_295, %mul3A_302 : vector<16xf32>
        %get3A_304 = arith.index_cast %add3A_95 : i32 to index
        %get3A_305 = arith.constant 416 : index
        %get3A_306 = tpu.vector_load %arg9[%get3A_304, %get3A_305] {strides = array<i32>} : memref<128x512xf32, #tpu.memory_space<vmem>>, vector<16xf32>,
        %get3A_307 = arith.index_cast %scan3A_92 : i32 to index
        %get3A_308 = arith.constant 416 : index
        %get3A_309 = tpu.vector_load %arg10[%get3A_307, %get3A_308] {strides = array<i32>} : memref<64x512xf32, #tpu.memory_space<vmem>>, vector<16xf32>,
        %mul3A_310 = arith.mulf %get3A_306, %get3A_309 : vector<16xf32>
        %add3A_311 = arith.addf %add3A_303, %mul3A_310 : vector<16xf32>
        %get3A_312 = arith.index_cast %add3A_95 : i32 to index
        %get3A_313 = arith.constant 432 : index
        %get3A_314 = tpu.vector_load %arg9[%get3A_312, %get3A_313] {strides = array<i32>} : memref<128x512xf32, #tpu.memory_space<vmem>>, vector<16xf32>,
        %get3A_315 = arith.index_cast %scan3A_92 : i32 to index
        %get3A_316 = arith.constant 432 : index
        %get3A_317 = tpu.vector_load %arg10[%get3A_315, %get3A_316] {strides = array<i32>} : memref<64x512xf32, #tpu.memory_space<vmem>>, vector<16xf32>,
        %mul3A_318 = arith.mulf %get3A_314, %get3A_317 : vector<16xf32>
        %add3A_319 = arith.addf %add3A_311, %mul3A_318 : vector<16xf32>
        %get3A_320 = arith.index_cast %add3A_95 : i32 to index
        %get3A_321 = arith.constant 448 : index
        %get3A_322 = tpu.vector_load %arg9[%get3A_320, %get3A_321] {strides = array<i32>} : memref<128x512xf32, #tpu.memory_space<vmem>>, vector<16xf32>,
        %get3A_323 = arith.index_cast %scan3A_92 : i32 to index
        %get3A_324 = arith.constant 448 : index
        %get3A_325 = tpu.vector_load %arg10[%get3A_323, %get3A_324] {strides = array<i32>} : memref<64x512xf32, #tpu.memory_space<vmem>>, vector<16xf32>,
        %mul3A_326 = arith.mulf %get3A_322, %get3A_325 : vector<16xf32>
        %add3A_327 = arith.addf %add3A_319, %mul3A_326 : vector<16xf32>
        %get3A_328 = arith.index_cast %add3A_95 : i32 to index
        %get3A_329 = arith.constant 464 : index
        %get3A_330 = tpu.vector_load %arg9[%get3A_328, %get3A_329] {strides = array<i32>} : memref<128x512xf32, #tpu.memory_space<vmem>>, vector<16xf32>,
        %get3A_331 = arith.index_cast %scan3A_92 : i32 to index
        %get3A_332 = arith.constant 464 : index
        %get3A_333 = tpu.vector_load %arg10[%get3A_331, %get3A_332] {strides = array<i32>} : memref<64x512xf32, #tpu.memory_space<vmem>>, vector<16xf32>,
        %mul3A_334 = arith.mulf %get3A_330, %get3A_333 : vector<16xf32>
        %add3A_335 = arith.addf %add3A_327, %mul3A_334 : vector<16xf32>
        %get3A_336 = arith.index_cast %add3A_95 : i32 to index
        %get3A_337 = arith.constant 480 : index
        %get3A_338 = tpu.vector_load %arg9[%get3A_336, %get3A_337] {strides = array<i32>} : memref<128x512xf32, #tpu.memory_space<vmem>>, vector<16xf32>,
        %get3A_339 = arith.index_cast %scan3A_92 : i32 to index
        %get3A_340 = arith.constant 480 : index
        %get3A_341 = tpu.vector_load %arg10[%get3A_339, %get3A_340] {strides = array<i32>} : memref<64x512xf32, #tpu.memory_space<vmem>>, vector<16xf32>,
        %mul3A_342 = arith.mulf %get3A_338, %get3A_341 : vector<16xf32>
        %add3A_343 = arith.addf %add3A_335, %mul3A_342 : vector<16xf32>
        %get3A_344 = arith.index_cast %add3A_95 : i32 to index
        %get3A_345 = arith.constant 496 : index
        %get3A_346 = tpu.vector_load %arg9[%get3A_344, %get3A_345] {strides = array<i32>} : memref<128x512xf32, #tpu.memory_space<vmem>>, vector<16xf32>,
        %get3A_347 = arith.index_cast %scan3A_92 : i32 to index
        %get3A_348 = arith.constant 496 : index
        %get3A_349 = tpu.vector_load %arg10[%get3A_347, %get3A_348] {strides = array<i32>} : memref<64x512xf32, #tpu.memory_space<vmem>>, vector<16xf32>,
        %mul3A_350 = arith.mulf %get3A_346, %get3A_349 : vector<16xf32>
        %add3A_351 = arith.addf %add3A_343, %mul3A_350 : vector<16xf32>
        %broadcast_in_dim3A_352 = vector.broadcast %add3A_95 : i32 to vector<16xi32>
        tpu.vector_store_idx %arg16[%broadcast_in_dim3A_352], %add3A_351 {add = true} : memref<128xf32, #tpu.memory_space<vmem>>[vector<16xi32>], vector<16xf32>,
        %scan3A_353 = arith.constant 0 : i32
        scf.yield %scan3A_353 : i32
      }
      %scan3A_63 = arith.constant 64 : i32
      %scan3A_64 = arith.constant 0 : i32
      %scan3A_65 = arith.constant 0 : i32
      %scan3A_66 = arith.constant 8 : i32
      %scan3A_67 = arith.addi %scan3A_65, %scan3A_66 : i32
      %scan3A_68 = arith.constant 1 : i32
      %scan3A_69 = scf.for %scan3A_92 = %scan3A_65 to %scan3A_67 step %scan3A_68 iter_args(%scan3A_93 = %scan3A_64) -> (i32)  : i32 {
        %mul3A_94 = arith.constant 16 : i32
        %mul3A_95 = arith.muli %scan3A_92, %mul3A_94 : i32
        %get3A = arith.index_cast %mul3A_95 : i32 to index
        %get3A_96 = tpu.vector_load %arg16[%get3A] {strides = array<i32>} : memref<128xf32, #tpu.memory_space<vmem>>, vector<16xf32>,
        %jit3A_97 = arith.constant -4.595120e+00 : f32
        %jit3A_98 = arith.constant 4.59512091 : f32
        %max3A = vector.broadcast %jit3A_97 : f32 to vector<16xf32>
        %max3A_99 = arith.maximumf %max3A, %get3A_96 : vector<16xf32>
        %min3A = vector.broadcast %jit3A_98 : f32 to vector<16xf32>
        %min3A_100 = arith.minimumf %min3A, %max3A_99 : vector<16xf32>
        %neg3A = arith.constant 0.000000e+00 : f32
        %neg3A_101 = vector.broadcast %neg3A : f32 to vector<16xf32>
        %neg3A_102 = arith.subf %neg3A_101, %min3A_100 : vector<16xf32>
        %exp3A = math.exp %neg3A_102 : vector<16xf32>
        %add3A_103 = arith.constant 1.000000e+00 : f32
        %add3A_104 = vector.broadcast %add3A_103 : f32 to vector<16xf32>
        %add3A_105 = arith.addf %add3A_104, %exp3A : vector<16xf32>
        %div3A_106 = arith.constant 1.000000e+00 : f32
        %div3A_107 = vector.broadcast %div3A_106 : f32 to vector<16xf32>
        %div3A_108 = arith.divf %div3A_107, %add3A_105 : vector<16xf32>
        %swap3A = arith.index_cast %mul3A_95 : i32 to index
        %swap3A_109 = tpu.vector_load %arg15[%swap3A] {strides = array<i32>} : memref<128xf32, #tpu.memory_space<vmem>>, vector<16xf32>,
        tpu.vector_store %arg15[%swap3A], %min3A_100 {strides = array<i32>} : memref<128xf32, #tpu.memory_space<vmem>>, vector<16xf32>,
        %get3A_110 = arith.index_cast %select_n3A : i32 to index
        %get3A_111 = arith.index_cast %mul3A_95 : i32 to index
        %get3A_112 = tpu.vector_load %arg13[%get3A_110, %get3A_111] {strides = array<i32>} : memref<10x128xf32, #tpu.memory_space<vmem>>, vector<16xf32>,
        %sub3A_113 = arith.subf %div3A_108, %get3A_112 : vector<16xf32>
        %swap3A_114 = arith.index_cast %mul3A_95 : i32 to index
        %swap3A_115 = tpu.vector_load %arg14[%swap3A_114] {strides = array<i32>} : memref<128xf32, #tpu.memory_space<vmem>>, vector<16xf32>,
        tpu.vector_store %arg14[%swap3A_114], %sub3A_113 {strides = array<i32>} : memref<128xf32, #tpu.memory_space<vmem>>, vector<16xf32>,
        %scan3A_116 = arith.constant 0 : i32
        scf.yield %scan3A_116 : i32
      }
      %scan3A_70 = arith.constant 8 : i32
      "tpu.region"() ({
        %run_scoped3A = tpu.sem_alloc : memref<!tpu.dma_semaphore, #tpu.memory_space<semaphore_mem>>
        %dma_start3A_92 = arith.constant 0 : i32
        %dma_start3A_93 = arith.constant 0 : i32
        %dma_start3A_94 = tpu.memref_slice %arg5[%select_n3A, %dma_start3A_92, %dma_start3A_93] : memref<10x128x512xf32, #tpu.memory_space<hbm>> -> memref<1x64x512xf32, #tpu.memory_space<hbm>>
        %dma_start3A_95 = tpu.memref_squeeze %dma_start3A_94 : memref<1x64x512xf32, #tpu.memory_space<hbm>> -> memref<64x512xf32, #tpu.memory_space<hbm>>
        %dma_start3A_96 = arith.constant 0 : i32
        %dma_start3A_97 = arith.constant 0 : i32
        %dma_start3A_98 = tpu.memref_slice %arg5[%select_n3A, %dma_start3A_96, %dma_start3A_97] : memref<10x128x512xf32, #tpu.memory_space<hbm>> -> memref<1x64x512xf32, #tpu.memory_space<hbm>>
        %dma_start3A_99 = tpu.memref_squeeze %dma_start3A_98 : memref<1x64x512xf32, #tpu.memory_space<hbm>> -> memref<64x512xf32, #tpu.memory_space<hbm>>
        tpu.enqueue_dma source(%dma_start3A_99 : memref<64x512xf32, #tpu.memory_space<hbm>>) target(%arg10 : memref<64x512xf32, #tpu.memory_space<vmem>>) target_semaphore(%run_scoped3A : memref<!tpu.dma_semaphore, #tpu.memory_space<semaphore_mem>>)
        %dma_wait3A_100 = arith.constant 0 : i32
        %dma_wait3A_101 = arith.constant 0 : i32
        %dma_wait3A_102 = tpu.memref_slice %arg5[%select_n3A, %dma_wait3A_100, %dma_wait3A_101] : memref<10x128x512xf32, #tpu.memory_space<hbm>> -> memref<1x64x512xf32, #tpu.memory_space<hbm>>
        %dma_wait3A_103 = tpu.memref_squeeze %dma_wait3A_102 : memref<1x64x512xf32, #tpu.memory_space<hbm>> -> memref<64x512xf32, #tpu.memory_space<hbm>>
        %dma_wait3A_104 = arith.constant 0 : i32
        %dma_wait3A_105 = arith.constant 0 : i32
        %dma_wait3A_106 = tpu.memref_slice %arg5[%select_n3A, %dma_wait3A_104, %dma_wait3A_105] : memref<10x128x512xf32, #tpu.memory_space<hbm>> -> memref<1x64x512xf32, #tpu.memory_space<hbm>>
        %dma_wait3A_107 = tpu.memref_squeeze %dma_wait3A_106 : memref<1x64x512xf32, #tpu.memory_space<hbm>> -> memref<64x512xf32, #tpu.memory_space<hbm>>
        tpu.wait_dma2 semaphore(%run_scoped3A : memref<!tpu.dma_semaphore, #tpu.memory_space<semaphore_mem>>) src(%dma_wait3A_107 : memref<64x512xf32, #tpu.memory_space<hbm>>) dst(%arg10 : memref<64x512xf32, #tpu.memory_space<vmem>>)
        tpu.yield
      }) : () -> ()
      %scan3A_71 = arith.constant 0 : i32
      %scan3A_72 = arith.constant 0 : i32
      %scan3A_73 = arith.constant 64 : i32
      %scan3A_74 = arith.addi %scan3A_72, %scan3A_73 : i32
      %scan3A_75 = arith.constant 1 : i32
      %scan3A_76 = scf.for %scan3A_92 = %scan3A_72 to %scan3A_74 step %scan3A_75 iter_args(%scan3A_93 = %scan3A_71) -> (i32)  : i32 {
        %add3A_94 = arith.constant 0 : i32
        %add3A_95 = arith.addi %add3A_94, %scan3A_92 : i32
        %broadcast_in_dim3A = vector.broadcast %add3A_95 : i32 to vector<16xi32>
        %gather3A = tpu.vector_load_idx %arg14[%broadcast_in_dim3A] : memref<128xf32, #tpu.memory_space<vmem>>[vector<16xi32>], vector<16xf32>,
        %get3A = arith.index_cast %add3A_95 : i32 to index
        %get3A_96 = arith.constant 0 : index
        %get3A_97 = tpu.vector_load %arg9[%get3A, %get3A_96] {strides = array<i32>} : memref<128x512xf32, #tpu.memory_space<vmem>>, vector<16xf32>,
        %get3A_98 = arith.index_cast %scan3A_92 : i32 to index
        %get3A_99 = arith.constant 0 : index
        %get3A_100 = tpu.vector_load %arg10[%get3A_98, %get3A_99] {strides = array<i32>} : memref<64x512xf32, #tpu.memory_space<vmem>>, vector<16xf32>,
        %mul3A_101 = arith.constant 0.00999999977 : f32
        %mul3A_102 = vector.broadcast %mul3A_101 : f32 to vector<16xf32>
        %mul3A_103 = arith.mulf %mul3A_102, %gather3A : vector<16xf32>
        %mul3A_104 = arith.mulf %mul3A_103, %get3A_100 : vector<16xf32>
        %sub3A_105 = arith.subf %get3A_97, %mul3A_104 : vector<16xf32>
        %jit3A_106 = arith.constant -5.000000e+00 : f32
        %jit3A_107 = arith.constant 5.000000e+00 : f32
        %max3A = vector.broadcast %jit3A_106 : f32 to vector<16xf32>
        %max3A_108 = arith.maximumf %max3A, %sub3A_105 : vector<16xf32>
        %min3A = vector.broadcast %jit3A_107 : f32 to vector<16xf32>
        %min3A_109 = arith.minimumf %min3A, %max3A_108 : vector<16xf32>
        %swap3A = arith.index_cast %add3A_95 : i32 to index
        %swap3A_110 = arith.constant 0 : index
        %swap3A_111 = tpu.vector_load %arg9[%swap3A, %swap3A_110] {strides = array<i32>} : memref<128x512xf32, #tpu.memory_space<vmem>>, vector<16xf32>,
        tpu.vector_store %arg9[%swap3A, %swap3A_110], %min3A_109 {strides = array<i32>} : memref<128x512xf32, #tpu.memory_space<vmem>>, vector<16xf32>,
        %get3A_112 = arith.index_cast %add3A_95 : i32 to index
        %get3A_113 = arith.constant 16 : index
        %get3A_114 = tpu.vector_load %arg9[%get3A_112, %get3A_113] {strides = array<i32>} : memref<128x512xf32, #tpu.memory_space<vmem>>, vector<16xf32>,
        %get3A_115 = arith.index_cast %scan3A_92 : i32 to index
        %get3A_116 = arith.constant 16 : index
        %get3A_117 = tpu.vector_load %arg10[%get3A_115, %get3A_116] {strides = array<i32>} : memref<64x512xf32, #tpu.memory_space<vmem>>, vector<16xf32>,
        %mul3A_118 = arith.constant 0.00999999977 : f32
        %mul3A_119 = vector.broadcast %mul3A_118 : f32 to vector<16xf32>
        %mul3A_120 = arith.mulf %mul3A_119, %gather3A : vector<16xf32>
        %mul3A_121 = arith.mulf %mul3A_120, %get3A_117 : vector<16xf32>
        %sub3A_122 = arith.subf %get3A_114, %mul3A_121 : vector<16xf32>
        %jit3A_123 = arith.constant -5.000000e+00 : f32
        %jit3A_124 = arith.constant 5.000000e+00 : f32
        %max3A_125 = vector.broadcast %jit3A_123 : f32 to vector<16xf32>
        %max3A_126 = arith.maximumf %max3A_125, %sub3A_122 : vector<16xf32>
        %min3A_127 = vector.broadcast %jit3A_124 : f32 to vector<16xf32>
        %min3A_128 = arith.minimumf %min3A_127, %max3A_126 : vector<16xf32>
        %swap3A_129 = arith.index_cast %add3A_95 : i32 to index
        %swap3A_130 = arith.constant 16 : index
        %swap3A_131 = tpu.vector_load %arg9[%swap3A_129, %swap3A_130] {strides = array<i32>} : memref<128x512xf32, #tpu.memory_space<vmem>>, vector<16xf32>,
        tpu.vector_store %arg9[%swap3A_129, %swap3A_130], %min3A_128 {strides = array<i32>} : memref<128x512xf32, #tpu.memory_space<vmem>>, vector<16xf32>,
        %get3A_132 = arith.index_cast %add3A_95 : i32 to index
        %get3A_133 = arith.constant 32 : index
        %get3A_134 = tpu.vector_load %arg9[%get3A_132, %get3A_133] {strides = array<i32>} : memref<128x512xf32, #tpu.memory_space<vmem>>, vector<16xf32>,
        %get3A_135 = arith.index_cast %scan3A_92 : i32 to index
        %get3A_136 = arith.constant 32 : index
        %get3A_137 = tpu.vector_load %arg10[%get3A_135, %get3A_136] {strides = array<i32>} : memref<64x512xf32, #tpu.memory_space<vmem>>, vector<16xf32>,
        %mul3A_138 = arith.constant 0.00999999977 : f32
        %mul3A_139 = vector.broadcast %mul3A_138 : f32 to vector<16xf32>
        %mul3A_140 = arith.mulf %mul3A_139, %gather3A : vector<16xf32>
        %mul3A_141 = arith.mulf %mul3A_140, %get3A_137 : vector<16xf32>
        %sub3A_142 = arith.subf %get3A_134, %mul3A_141 : vector<16xf32>
        %jit3A_143 = arith.constant -5.000000e+00 : f32
        %jit3A_144 = arith.constant 5.000000e+00 : f32
        %max3A_145 = vector.broadcast %jit3A_143 : f32 to vector<16xf32>
        %max3A_146 = arith.maximumf %max3A_145, %sub3A_142 : vector<16xf32>
        %min3A_147 = vector.broadcast %jit3A_144 : f32 to vector<16xf32>
        %min3A_148 = arith.minimumf %min3A_147, %max3A_146 : vector<16xf32>
        %swap3A_149 = arith.index_cast %add3A_95 : i32 to index
        %swap3A_150 = arith.constant 32 : index
        %swap3A_151 = tpu.vector_load %arg9[%swap3A_149, %swap3A_150] {strides = array<i32>} : memref<128x512xf32, #tpu.memory_space<vmem>>, vector<16xf32>,
        tpu.vector_store %arg9[%swap3A_149, %swap3A_150], %min3A_148 {strides = array<i32>} : memref<128x512xf32, #tpu.memory_space<vmem>>, vector<16xf32>,
        %get3A_152 = arith.index_cast %add3A_95 : i32 to index
        %get3A_153 = arith.constant 48 : index
        %get3A_154 = tpu.vector_load %arg9[%get3A_152, %get3A_153] {strides = array<i32>} : memref<128x512xf32, #tpu.memory_space<vmem>>, vector<16xf32>,
        %get3A_155 = arith.index_cast %scan3A_92 : i32 to index
        %get3A_156 = arith.constant 48 : index
        %get3A_157 = tpu.vector_load %arg10[%get3A_155, %get3A_156] {strides = array<i32>} : memref<64x512xf32, #tpu.memory_space<vmem>>, vector<16xf32>,
        %mul3A_158 = arith.constant 0.00999999977 : f32
        %mul3A_159 = vector.broadcast %mul3A_158 : f32 to vector<16xf32>
        %mul3A_160 = arith.mulf %mul3A_159, %gather3A : vector<16xf32>
        %mul3A_161 = arith.mulf %mul3A_160, %get3A_157 : vector<16xf32>
        %sub3A_162 = arith.subf %get3A_154, %mul3A_161 : vector<16xf32>
        %jit3A_163 = arith.constant -5.000000e+00 : f32
        %jit3A_164 = arith.constant 5.000000e+00 : f32
        %max3A_165 = vector.broadcast %jit3A_163 : f32 to vector<16xf32>
        %max3A_166 = arith.maximumf %max3A_165, %sub3A_162 : vector<16xf32>
        %min3A_167 = vector.broadcast %jit3A_164 : f32 to vector<16xf32>
        %min3A_168 = arith.minimumf %min3A_167, %max3A_166 : vector<16xf32>
        %swap3A_169 = arith.index_cast %add3A_95 : i32 to index
        %swap3A_170 = arith.constant 48 : index
        %swap3A_171 = tpu.vector_load %arg9[%swap3A_169, %swap3A_170] {strides = array<i32>} : memref<128x512xf32, #tpu.memory_space<vmem>>, vector<16xf32>,
        tpu.vector_store %arg9[%swap3A_169, %swap3A_170], %min3A_168 {strides = array<i32>} : memref<128x512xf32, #tpu.memory_space<vmem>>, vector<16xf32>,
        %get3A_172 = arith.index_cast %add3A_95 : i32 to index
        %get3A_173 = arith.constant 64 : index
        %get3A_174 = tpu.vector_load %arg9[%get3A_172, %get3A_173] {strides = array<i32>} : memref<128x512xf32, #tpu.memory_space<vmem>>, vector<16xf32>,
        %get3A_175 = arith.index_cast %scan3A_92 : i32 to index
        %get3A_176 = arith.constant 64 : index
        %get3A_177 = tpu.vector_load %arg10[%get3A_175, %get3A_176] {strides = array<i32>} : memref<64x512xf32, #tpu.memory_space<vmem>>, vector<16xf32>,
        %mul3A_178 = arith.constant 0.00999999977 : f32
        %mul3A_179 = vector.broadcast %mul3A_178 : f32 to vector<16xf32>
        %mul3A_180 = arith.mulf %mul3A_179, %gather3A : vector<16xf32>
        %mul3A_181 = arith.mulf %mul3A_180, %get3A_177 : vector<16xf32>
        %sub3A_182 = arith.subf %get3A_174, %mul3A_181 : vector<16xf32>
        %jit3A_183 = arith.constant -5.000000e+00 : f32
        %jit3A_184 = arith.constant 5.000000e+00 : f32
        %max3A_185 = vector.broadcast %jit3A_183 : f32 to vector<16xf32>
        %max3A_186 = arith.maximumf %max3A_185, %sub3A_182 : vector<16xf32>
        %min3A_187 = vector.broadcast %jit3A_184 : f32 to vector<16xf32>
        %min3A_188 = arith.minimumf %min3A_187, %max3A_186 : vector<16xf32>
        %swap3A_189 = arith.index_cast %add3A_95 : i32 to index
        %swap3A_190 = arith.constant 64 : index
        %swap3A_191 = tpu.vector_load %arg9[%swap3A_189, %swap3A_190] {strides = array<i32>} : memref<128x512xf32, #tpu.memory_space<vmem>>, vector<16xf32>,
        tpu.vector_store %arg9[%swap3A_189, %swap3A_190], %min3A_188 {strides = array<i32>} : memref<128x512xf32, #tpu.memory_space<vmem>>, vector<16xf32>,
        %get3A_192 = arith.index_cast %add3A_95 : i32 to index
        %get3A_193 = arith.constant 80 : index
        %get3A_194 = tpu.vector_load %arg9[%get3A_192, %get3A_193] {strides = array<i32>} : memref<128x512xf32, #tpu.memory_space<vmem>>, vector<16xf32>,
        %get3A_195 = arith.index_cast %scan3A_92 : i32 to index
        %get3A_196 = arith.constant 80 : index
        %get3A_197 = tpu.vector_load %arg10[%get3A_195, %get3A_196] {strides = array<i32>} : memref<64x512xf32, #tpu.memory_space<vmem>>, vector<16xf32>,
        %mul3A_198 = arith.constant 0.00999999977 : f32
        %mul3A_199 = vector.broadcast %mul3A_198 : f32 to vector<16xf32>
        %mul3A_200 = arith.mulf %mul3A_199, %gather3A : vector<16xf32>
        %mul3A_201 = arith.mulf %mul3A_200, %get3A_197 : vector<16xf32>
        %sub3A_202 = arith.subf %get3A_194, %mul3A_201 : vector<16xf32>
        %jit3A_203 = arith.constant -5.000000e+00 : f32
        %jit3A_204 = arith.constant 5.000000e+00 : f32
        %max3A_205 = vector.broadcast %jit3A_203 : f32 to vector<16xf32>
        %max3A_206 = arith.maximumf %max3A_205, %sub3A_202 : vector<16xf32>
        %min3A_207 = vector.broadcast %jit3A_204 : f32 to vector<16xf32>
        %min3A_208 = arith.minimumf %min3A_207, %max3A_206 : vector<16xf32>
        %swap3A_209 = arith.index_cast %add3A_95 : i32 to index
        %swap3A_210 = arith.constant 80 : index
        %swap3A_211 = tpu.vector_load %arg9[%swap3A_209, %swap3A_210] {strides = array<i32>} : memref<128x512xf32, #tpu.memory_space<vmem>>, vector<16xf32>,
        tpu.vector_store %arg9[%swap3A_209, %swap3A_210], %min3A_208 {strides = array<i32>} : memref<128x512xf32, #tpu.memory_space<vmem>>, vector<16xf32>,
        %get3A_212 = arith.index_cast %add3A_95 : i32 to index
        %get3A_213 = arith.constant 96 : index
        %get3A_214 = tpu.vector_load %arg9[%get3A_212, %get3A_213] {strides = array<i32>} : memref<128x512xf32, #tpu.memory_space<vmem>>, vector<16xf32>,
        %get3A_215 = arith.index_cast %scan3A_92 : i32 to index
        %get3A_216 = arith.constant 96 : index
        %get3A_217 = tpu.vector_load %arg10[%get3A_215, %get3A_216] {strides = array<i32>} : memref<64x512xf32, #tpu.memory_space<vmem>>, vector<16xf32>,
        %mul3A_218 = arith.constant 0.00999999977 : f32
        %mul3A_219 = vector.broadcast %mul3A_218 : f32 to vector<16xf32>
        %mul3A_220 = arith.mulf %mul3A_219, %gather3A : vector<16xf32>
        %mul3A_221 = arith.mulf %mul3A_220, %get3A_217 : vector<16xf32>
        %sub3A_222 = arith.subf %get3A_214, %mul3A_221 : vector<16xf32>
        %jit3A_223 = arith.constant -5.000000e+00 : f32
        %jit3A_224 = arith.constant 5.000000e+00 : f32
        %max3A_225 = vector.broadcast %jit3A_223 : f32 to vector<16xf32>
        %max3A_226 = arith.maximumf %max3A_225, %sub3A_222 : vector<16xf32>
        %min3A_227 = vector.broadcast %jit3A_224 : f32 to vector<16xf32>
        %min3A_228 = arith.minimumf %min3A_227, %max3A_226 : vector<16xf32>
        %swap3A_229 = arith.index_cast %add3A_95 : i32 to index
        %swap3A_230 = arith.constant 96 : index
        %swap3A_231 = tpu.vector_load %arg9[%swap3A_229, %swap3A_230] {strides = array<i32>} : memref<128x512xf32, #tpu.memory_space<vmem>>, vector<16xf32>,
        tpu.vector_store %arg9[%swap3A_229, %swap3A_230], %min3A_228 {strides = array<i32>} : memref<128x512xf32, #tpu.memory_space<vmem>>, vector<16xf32>,
        %get3A_232 = arith.index_cast %add3A_95 : i32 to index
        %get3A_233 = arith.constant 112 : index
        %get3A_234 = tpu.vector_load %arg9[%get3A_232, %get3A_233] {strides = array<i32>} : memref<128x512xf32, #tpu.memory_space<vmem>>, vector<16xf32>,
        %get3A_235 = arith.index_cast %scan3A_92 : i32 to index
        %get3A_236 = arith.constant 112 : index
        %get3A_237 = tpu.vector_load %arg10[%get3A_235, %get3A_236] {strides = array<i32>} : memref<64x512xf32, #tpu.memory_space<vmem>>, vector<16xf32>,
        %mul3A_238 = arith.constant 0.00999999977 : f32
        %mul3A_239 = vector.broadcast %mul3A_238 : f32 to vector<16xf32>
        %mul3A_240 = arith.mulf %mul3A_239, %gather3A : vector<16xf32>
        %mul3A_241 = arith.mulf %mul3A_240, %get3A_237 : vector<16xf32>
        %sub3A_242 = arith.subf %get3A_234, %mul3A_241 : vector<16xf32>
        %jit3A_243 = arith.constant -5.000000e+00 : f32
        %jit3A_244 = arith.constant 5.000000e+00 : f32
        %max3A_245 = vector.broadcast %jit3A_243 : f32 to vector<16xf32>
        %max3A_246 = arith.maximumf %max3A_245, %sub3A_242 : vector<16xf32>
        %min3A_247 = vector.broadcast %jit3A_244 : f32 to vector<16xf32>
        %min3A_248 = arith.minimumf %min3A_247, %max3A_246 : vector<16xf32>
        %swap3A_249 = arith.index_cast %add3A_95 : i32 to index
        %swap3A_250 = arith.constant 112 : index
        %swap3A_251 = tpu.vector_load %arg9[%swap3A_249, %swap3A_250] {strides = array<i32>} : memref<128x512xf32, #tpu.memory_space<vmem>>, vector<16xf32>,
        tpu.vector_store %arg9[%swap3A_249, %swap3A_250], %min3A_248 {strides = array<i32>} : memref<128x512xf32, #tpu.memory_space<vmem>>, vector<16xf32>,
        %get3A_252 = arith.index_cast %add3A_95 : i32 to index
        %get3A_253 = arith.constant 128 : index
        %get3A_254 = tpu.vector_load %arg9[%get3A_252, %get3A_253] {strides = array<i32>} : memref<128x512xf32, #tpu.memory_space<vmem>>, vector<16xf32>,
        %get3A_255 = arith.index_cast %scan3A_92 : i32 to index
        %get3A_256 = arith.constant 128 : index
        %get3A_257 = tpu.vector_load %arg10[%get3A_255, %get3A_256] {strides = array<i32>} : memref<64x512xf32, #tpu.memory_space<vmem>>, vector<16xf32>,
        %mul3A_258 = arith.constant 0.00999999977 : f32
        %mul3A_259 = vector.broadcast %mul3A_258 : f32 to vector<16xf32>
        %mul3A_260 = arith.mulf %mul3A_259, %gather3A : vector<16xf32>
        %mul3A_261 = arith.mulf %mul3A_260, %get3A_257 : vector<16xf32>
        %sub3A_262 = arith.subf %get3A_254, %mul3A_261 : vector<16xf32>
        %jit3A_263 = arith.constant -5.000000e+00 : f32
        %jit3A_264 = arith.constant 5.000000e+00 : f32
        %max3A_265 = vector.broadcast %jit3A_263 : f32 to vector<16xf32>
        %max3A_266 = arith.maximumf %max3A_265, %sub3A_262 : vector<16xf32>
        %min3A_267 = vector.broadcast %jit3A_264 : f32 to vector<16xf32>
        %min3A_268 = arith.minimumf %min3A_267, %max3A_266 : vector<16xf32>
        %swap3A_269 = arith.index_cast %add3A_95 : i32 to index
        %swap3A_270 = arith.constant 128 : index
        %swap3A_271 = tpu.vector_load %arg9[%swap3A_269, %swap3A_270] {strides = array<i32>} : memref<128x512xf32, #tpu.memory_space<vmem>>, vector<16xf32>,
        tpu.vector_store %arg9[%swap3A_269, %swap3A_270], %min3A_268 {strides = array<i32>} : memref<128x512xf32, #tpu.memory_space<vmem>>, vector<16xf32>,
        %get3A_272 = arith.index_cast %add3A_95 : i32 to index
        %get3A_273 = arith.constant 144 : index
        %get3A_274 = tpu.vector_load %arg9[%get3A_272, %get3A_273] {strides = array<i32>} : memref<128x512xf32, #tpu.memory_space<vmem>>, vector<16xf32>,
        %get3A_275 = arith.index_cast %scan3A_92 : i32 to index
        %get3A_276 = arith.constant 144 : index
        %get3A_277 = tpu.vector_load %arg10[%get3A_275, %get3A_276] {strides = array<i32>} : memref<64x512xf32, #tpu.memory_space<vmem>>, vector<16xf32>,
        %mul3A_278 = arith.constant 0.00999999977 : f32
        %mul3A_279 = vector.broadcast %mul3A_278 : f32 to vector<16xf32>
        %mul3A_280 = arith.mulf %mul3A_279, %gather3A : vector<16xf32>
        %mul3A_281 = arith.mulf %mul3A_280, %get3A_277 : vector<16xf32>
        %sub3A_282 = arith.subf %get3A_274, %mul3A_281 : vector<16xf32>
        %jit3A_283 = arith.constant -5.000000e+00 : f32
        %jit3A_284 = arith.constant 5.000000e+00 : f32
        %max3A_285 = vector.broadcast %jit3A_283 : f32 to vector<16xf32>
        %max3A_286 = arith.maximumf %max3A_285, %sub3A_282 : vector<16xf32>
        %min3A_287 = vector.broadcast %jit3A_284 : f32 to vector<16xf32>
        %min3A_288 = arith.minimumf %min3A_287, %max3A_286 : vector<16xf32>
        %swap3A_289 = arith.index_cast %add3A_95 : i32 to index
        %swap3A_290 = arith.constant 144 : index
        %swap3A_291 = tpu.vector_load %arg9[%swap3A_289, %swap3A_290] {strides = array<i32>} : memref<128x512xf32, #tpu.memory_space<vmem>>, vector<16xf32>,
        tpu.vector_store %arg9[%swap3A_289, %swap3A_290], %min3A_288 {strides = array<i32>} : memref<128x512xf32, #tpu.memory_space<vmem>>, vector<16xf32>,
        %get3A_292 = arith.index_cast %add3A_95 : i32 to index
        %get3A_293 = arith.constant 160 : index
        %get3A_294 = tpu.vector_load %arg9[%get3A_292, %get3A_293] {strides = array<i32>} : memref<128x512xf32, #tpu.memory_space<vmem>>, vector<16xf32>,
        %get3A_295 = arith.index_cast %scan3A_92 : i32 to index
        %get3A_296 = arith.constant 160 : index
        %get3A_297 = tpu.vector_load %arg10[%get3A_295, %get3A_296] {strides = array<i32>} : memref<64x512xf32, #tpu.memory_space<vmem>>, vector<16xf32>,
        %mul3A_298 = arith.constant 0.00999999977 : f32
        %mul3A_299 = vector.broadcast %mul3A_298 : f32 to vector<16xf32>
        %mul3A_300 = arith.mulf %mul3A_299, %gather3A : vector<16xf32>
        %mul3A_301 = arith.mulf %mul3A_300, %get3A_297 : vector<16xf32>
        %sub3A_302 = arith.subf %get3A_294, %mul3A_301 : vector<16xf32>
        %jit3A_303 = arith.constant -5.000000e+00 : f32
        %jit3A_304 = arith.constant 5.000000e+00 : f32
        %max3A_305 = vector.broadcast %jit3A_303 : f32 to vector<16xf32>
        %max3A_306 = arith.maximumf %max3A_305, %sub3A_302 : vector<16xf32>
        %min3A_307 = vector.broadcast %jit3A_304 : f32 to vector<16xf32>
        %min3A_308 = arith.minimumf %min3A_307, %max3A_306 : vector<16xf32>
        %swap3A_309 = arith.index_cast %add3A_95 : i32 to index
        %swap3A_310 = arith.constant 160 : index
        %swap3A_311 = tpu.vector_load %arg9[%swap3A_309, %swap3A_310] {strides = array<i32>} : memref<128x512xf32, #tpu.memory_space<vmem>>, vector<16xf32>,
        tpu.vector_store %arg9[%swap3A_309, %swap3A_310], %min3A_308 {strides = array<i32>} : memref<128x512xf32, #tpu.memory_space<vmem>>, vector<16xf32>,
        %get3A_312 = arith.index_cast %add3A_95 : i32 to index
        %get3A_313 = arith.constant 176 : index
        %get3A_314 = tpu.vector_load %arg9[%get3A_312, %get3A_313] {strides = array<i32>} : memref<128x512xf32, #tpu.memory_space<vmem>>, vector<16xf32>,
        %get3A_315 = arith.index_cast %scan3A_92 : i32 to index
        %get3A_316 = arith.constant 176 : index
        %get3A_317 = tpu.vector_load %arg10[%get3A_315, %get3A_316] {strides = array<i32>} : memref<64x512xf32, #tpu.memory_space<vmem>>, vector<16xf32>,
        %mul3A_318 = arith.constant 0.00999999977 : f32
        %mul3A_319 = vector.broadcast %mul3A_318 : f32 to vector<16xf32>
        %mul3A_320 = arith.mulf %mul3A_319, %gather3A : vector<16xf32>
        %mul3A_321 = arith.mulf %mul3A_320, %get3A_317 : vector<16xf32>
        %sub3A_322 = arith.subf %get3A_314, %mul3A_321 : vector<16xf32>
        %jit3A_323 = arith.constant -5.000000e+00 : f32
        %jit3A_324 = arith.constant 5.000000e+00 : f32
        %max3A_325 = vector.broadcast %jit3A_323 : f32 to vector<16xf32>
        %max3A_326 = arith.maximumf %max3A_325, %sub3A_322 : vector<16xf32>
        %min3A_327 = vector.broadcast %jit3A_324 : f32 to vector<16xf32>
        %min3A_328 = arith.minimumf %min3A_327, %max3A_326 : vector<16xf32>
        %swap3A_329 = arith.index_cast %add3A_95 : i32 to index
        %swap3A_330 = arith.constant 176 : index
        %swap3A_331 = tpu.vector_load %arg9[%swap3A_329, %swap3A_330] {strides = array<i32>} : memref<128x512xf32, #tpu.memory_space<vmem>>, vector<16xf32>,
        tpu.vector_store %arg9[%swap3A_329, %swap3A_330], %min3A_328 {strides = array<i32>} : memref<128x512xf32, #tpu.memory_space<vmem>>, vector<16xf32>,
        %get3A_332 = arith.index_cast %add3A_95 : i32 to index
        %get3A_333 = arith.constant 192 : index
        %get3A_334 = tpu.vector_load %arg9[%get3A_332, %get3A_333] {strides = array<i32>} : memref<128x512xf32, #tpu.memory_space<vmem>>, vector<16xf32>,
        %get3A_335 = arith.index_cast %scan3A_92 : i32 to index
        %get3A_336 = arith.constant 192 : index
        %get3A_337 = tpu.vector_load %arg10[%get3A_335, %get3A_336] {strides = array<i32>} : memref<64x512xf32, #tpu.memory_space<vmem>>, vector<16xf32>,
        %mul3A_338 = arith.constant 0.00999999977 : f32
        %mul3A_339 = vector.broadcast %mul3A_338 : f32 to vector<16xf32>
        %mul3A_340 = arith.mulf %mul3A_339, %gather3A : vector<16xf32>
        %mul3A_341 = arith.mulf %mul3A_340, %get3A_337 : vector<16xf32>
        %sub3A_342 = arith.subf %get3A_334, %mul3A_341 : vector<16xf32>
        %jit3A_343 = arith.constant -5.000000e+00 : f32
        %jit3A_344 = arith.constant 5.000000e+00 : f32
        %max3A_345 = vector.broadcast %jit3A_343 : f32 to vector<16xf32>
        %max3A_346 = arith.maximumf %max3A_345, %sub3A_342 : vector<16xf32>
        %min3A_347 = vector.broadcast %jit3A_344 : f32 to vector<16xf32>
        %min3A_348 = arith.minimumf %min3A_347, %max3A_346 : vector<16xf32>
        %swap3A_349 = arith.index_cast %add3A_95 : i32 to index
        %swap3A_350 = arith.constant 192 : index
        %swap3A_351 = tpu.vector_load %arg9[%swap3A_349, %swap3A_350] {strides = array<i32>} : memref<128x512xf32, #tpu.memory_space<vmem>>, vector<16xf32>,
        tpu.vector_store %arg9[%swap3A_349, %swap3A_350], %min3A_348 {strides = array<i32>} : memref<128x512xf32, #tpu.memory_space<vmem>>, vector<16xf32>,
        %get3A_352 = arith.index_cast %add3A_95 : i32 to index
        %get3A_353 = arith.constant 208 : index
        %get3A_354 = tpu.vector_load %arg9[%get3A_352, %get3A_353] {strides = array<i32>} : memref<128x512xf32, #tpu.memory_space<vmem>>, vector<16xf32>,
        %get3A_355 = arith.index_cast %scan3A_92 : i32 to index
        %get3A_356 = arith.constant 208 : index
        %get3A_357 = tpu.vector_load %arg10[%get3A_355, %get3A_356] {strides = array<i32>} : memref<64x512xf32, #tpu.memory_space<vmem>>, vector<16xf32>,
        %mul3A_358 = arith.constant 0.00999999977 : f32
        %mul3A_359 = vector.broadcast %mul3A_358 : f32 to vector<16xf32>
        %mul3A_360 = arith.mulf %mul3A_359, %gather3A : vector<16xf32>
        %mul3A_361 = arith.mulf %mul3A_360, %get3A_357 : vector<16xf32>
        %sub3A_362 = arith.subf %get3A_354, %mul3A_361 : vector<16xf32>
        %jit3A_363 = arith.constant -5.000000e+00 : f32
        %jit3A_364 = arith.constant 5.000000e+00 : f32
        %max3A_365 = vector.broadcast %jit3A_363 : f32 to vector<16xf32>
        %max3A_366 = arith.maximumf %max3A_365, %sub3A_362 : vector<16xf32>
        %min3A_367 = vector.broadcast %jit3A_364 : f32 to vector<16xf32>
        %min3A_368 = arith.minimumf %min3A_367, %max3A_366 : vector<16xf32>
        %swap3A_369 = arith.index_cast %add3A_95 : i32 to index
        %swap3A_370 = arith.constant 208 : index
        %swap3A_371 = tpu.vector_load %arg9[%swap3A_369, %swap3A_370] {strides = array<i32>} : memref<128x512xf32, #tpu.memory_space<vmem>>, vector<16xf32>,
        tpu.vector_store %arg9[%swap3A_369, %swap3A_370], %min3A_368 {strides = array<i32>} : memref<128x512xf32, #tpu.memory_space<vmem>>, vector<16xf32>,
        %get3A_372 = arith.index_cast %add3A_95 : i32 to index
        %get3A_373 = arith.constant 224 : index
        %get3A_374 = tpu.vector_load %arg9[%get3A_372, %get3A_373] {strides = array<i32>} : memref<128x512xf32, #tpu.memory_space<vmem>>, vector<16xf32>,
        %get3A_375 = arith.index_cast %scan3A_92 : i32 to index
        %get3A_376 = arith.constant 224 : index
        %get3A_377 = tpu.vector_load %arg10[%get3A_375, %get3A_376] {strides = array<i32>} : memref<64x512xf32, #tpu.memory_space<vmem>>, vector<16xf32>,
        %mul3A_378 = arith.constant 0.00999999977 : f32
        %mul3A_379 = vector.broadcast %mul3A_378 : f32 to vector<16xf32>
        %mul3A_380 = arith.mulf %mul3A_379, %gather3A : vector<16xf32>
        %mul3A_381 = arith.mulf %mul3A_380, %get3A_377 : vector<16xf32>
        %sub3A_382 = arith.subf %get3A_374, %mul3A_381 : vector<16xf32>
        %jit3A_383 = arith.constant -5.000000e+00 : f32
        %jit3A_384 = arith.constant 5.000000e+00 : f32
        %max3A_385 = vector.broadcast %jit3A_383 : f32 to vector<16xf32>
        %max3A_386 = arith.maximumf %max3A_385, %sub3A_382 : vector<16xf32>
        %min3A_387 = vector.broadcast %jit3A_384 : f32 to vector<16xf32>
        %min3A_388 = arith.minimumf %min3A_387, %max3A_386 : vector<16xf32>
        %swap3A_389 = arith.index_cast %add3A_95 : i32 to index
        %swap3A_390 = arith.constant 224 : index
        %swap3A_391 = tpu.vector_load %arg9[%swap3A_389, %swap3A_390] {strides = array<i32>} : memref<128x512xf32, #tpu.memory_space<vmem>>, vector<16xf32>,
        tpu.vector_store %arg9[%swap3A_389, %swap3A_390], %min3A_388 {strides = array<i32>} : memref<128x512xf32, #tpu.memory_space<vmem>>, vector<16xf32>,
        %get3A_392 = arith.index_cast %add3A_95 : i32 to index
        %get3A_393 = arith.constant 240 : index
        %get3A_394 = tpu.vector_load %arg9[%get3A_392, %get3A_393] {strides = array<i32>} : memref<128x512xf32, #tpu.memory_space<vmem>>, vector<16xf32>,
        %get3A_395 = arith.index_cast %scan3A_92 : i32 to index
        %get3A_396 = arith.constant 240 : index
        %get3A_397 = tpu.vector_load %arg10[%get3A_395, %get3A_396] {strides = array<i32>} : memref<64x512xf32, #tpu.memory_space<vmem>>, vector<16xf32>,
        %mul3A_398 = arith.constant 0.00999999977 : f32
        %mul3A_399 = vector.broadcast %mul3A_398 : f32 to vector<16xf32>
        %mul3A_400 = arith.mulf %mul3A_399, %gather3A : vector<16xf32>
        %mul3A_401 = arith.mulf %mul3A_400, %get3A_397 : vector<16xf32>
        %sub3A_402 = arith.subf %get3A_394, %mul3A_401 : vector<16xf32>
        %jit3A_403 = arith.constant -5.000000e+00 : f32
        %jit3A_404 = arith.constant 5.000000e+00 : f32
        %max3A_405 = vector.broadcast %jit3A_403 : f32 to vector<16xf32>
        %max3A_406 = arith.maximumf %max3A_405, %sub3A_402 : vector<16xf32>
        %min3A_407 = vector.broadcast %jit3A_404 : f32 to vector<16xf32>
        %min3A_408 = arith.minimumf %min3A_407, %max3A_406 : vector<16xf32>
        %swap3A_409 = arith.index_cast %add3A_95 : i32 to index
        %swap3A_410 = arith.constant 240 : index
        %swap3A_411 = tpu.vector_load %arg9[%swap3A_409, %swap3A_410] {strides = array<i32>} : memref<128x512xf32, #tpu.memory_space<vmem>>, vector<16xf32>,
        tpu.vector_store %arg9[%swap3A_409, %swap3A_410], %min3A_408 {strides = array<i32>} : memref<128x512xf32, #tpu.memory_space<vmem>>, vector<16xf32>,
        %get3A_412 = arith.index_cast %add3A_95 : i32 to index
        %get3A_413 = arith.constant 256 : index
        %get3A_414 = tpu.vector_load %arg9[%get3A_412, %get3A_413] {strides = array<i32>} : memref<128x512xf32, #tpu.memory_space<vmem>>, vector<16xf32>,
        %get3A_415 = arith.index_cast %scan3A_92 : i32 to index
        %get3A_416 = arith.constant 256 : index
        %get3A_417 = tpu.vector_load %arg10[%get3A_415, %get3A_416] {strides = array<i32>} : memref<64x512xf32, #tpu.memory_space<vmem>>, vector<16xf32>,
        %mul3A_418 = arith.constant 0.00999999977 : f32
        %mul3A_419 = vector.broadcast %mul3A_418 : f32 to vector<16xf32>
        %mul3A_420 = arith.mulf %mul3A_419, %gather3A : vector<16xf32>
        %mul3A_421 = arith.mulf %mul3A_420, %get3A_417 : vector<16xf32>
        %sub3A_422 = arith.subf %get3A_414, %mul3A_421 : vector<16xf32>
        %jit3A_423 = arith.constant -5.000000e+00 : f32
        %jit3A_424 = arith.constant 5.000000e+00 : f32
        %max3A_425 = vector.broadcast %jit3A_423 : f32 to vector<16xf32>
        %max3A_426 = arith.maximumf %max3A_425, %sub3A_422 : vector<16xf32>
        %min3A_427 = vector.broadcast %jit3A_424 : f32 to vector<16xf32>
        %min3A_428 = arith.minimumf %min3A_427, %max3A_426 : vector<16xf32>
        %swap3A_429 = arith.index_cast %add3A_95 : i32 to index
        %swap3A_430 = arith.constant 256 : index
        %swap3A_431 = tpu.vector_load %arg9[%swap3A_429, %swap3A_430] {strides = array<i32>} : memref<128x512xf32, #tpu.memory_space<vmem>>, vector<16xf32>,
        tpu.vector_store %arg9[%swap3A_429, %swap3A_430], %min3A_428 {strides = array<i32>} : memref<128x512xf32, #tpu.memory_space<vmem>>, vector<16xf32>,
        %get3A_432 = arith.index_cast %add3A_95 : i32 to index
        %get3A_433 = arith.constant 272 : index
        %get3A_434 = tpu.vector_load %arg9[%get3A_432, %get3A_433] {strides = array<i32>} : memref<128x512xf32, #tpu.memory_space<vmem>>, vector<16xf32>,
        %get3A_435 = arith.index_cast %scan3A_92 : i32 to index
        %get3A_436 = arith.constant 272 : index
        %get3A_437 = tpu.vector_load %arg10[%get3A_435, %get3A_436] {strides = array<i32>} : memref<64x512xf32, #tpu.memory_space<vmem>>, vector<16xf32>,
        %mul3A_438 = arith.constant 0.00999999977 : f32
        %mul3A_439 = vector.broadcast %mul3A_438 : f32 to vector<16xf32>
        %mul3A_440 = arith.mulf %mul3A_439, %gather3A : vector<16xf32>
        %mul3A_441 = arith.mulf %mul3A_440, %get3A_437 : vector<16xf32>
        %sub3A_442 = arith.subf %get3A_434, %mul3A_441 : vector<16xf32>
        %jit3A_443 = arith.constant -5.000000e+00 : f32
        %jit3A_444 = arith.constant 5.000000e+00 : f32
        %max3A_445 = vector.broadcast %jit3A_443 : f32 to vector<16xf32>
        %max3A_446 = arith.maximumf %max3A_445, %sub3A_442 : vector<16xf32>
        %min3A_447 = vector.broadcast %jit3A_444 : f32 to vector<16xf32>
        %min3A_448 = arith.minimumf %min3A_447, %max3A_446 : vector<16xf32>
        %swap3A_449 = arith.index_cast %add3A_95 : i32 to index
        %swap3A_450 = arith.constant 272 : index
        %swap3A_451 = tpu.vector_load %arg9[%swap3A_449, %swap3A_450] {strides = array<i32>} : memref<128x512xf32, #tpu.memory_space<vmem>>, vector<16xf32>,
        tpu.vector_store %arg9[%swap3A_449, %swap3A_450], %min3A_448 {strides = array<i32>} : memref<128x512xf32, #tpu.memory_space<vmem>>, vector<16xf32>,
        %get3A_452 = arith.index_cast %add3A_95 : i32 to index
        %get3A_453 = arith.constant 288 : index
        %get3A_454 = tpu.vector_load %arg9[%get3A_452, %get3A_453] {strides = array<i32>} : memref<128x512xf32, #tpu.memory_space<vmem>>, vector<16xf32>,
        %get3A_455 = arith.index_cast %scan3A_92 : i32 to index
        %get3A_456 = arith.constant 288 : index
        %get3A_457 = tpu.vector_load %arg10[%get3A_455, %get3A_456] {strides = array<i32>} : memref<64x512xf32, #tpu.memory_space<vmem>>, vector<16xf32>,
        %mul3A_458 = arith.constant 0.00999999977 : f32
        %mul3A_459 = vector.broadcast %mul3A_458 : f32 to vector<16xf32>
        %mul3A_460 = arith.mulf %mul3A_459, %gather3A : vector<16xf32>
        %mul3A_461 = arith.mulf %mul3A_460, %get3A_457 : vector<16xf32>
        %sub3A_462 = arith.subf %get3A_454, %mul3A_461 : vector<16xf32>
        %jit3A_463 = arith.constant -5.000000e+00 : f32
        %jit3A_464 = arith.constant 5.000000e+00 : f32
        %max3A_465 = vector.broadcast %jit3A_463 : f32 to vector<16xf32>
        %max3A_466 = arith.maximumf %max3A_465, %sub3A_462 : vector<16xf32>
        %min3A_467 = vector.broadcast %jit3A_464 : f32 to vector<16xf32>
        %min3A_468 = arith.minimumf %min3A_467, %max3A_466 : vector<16xf32>
        %swap3A_469 = arith.index_cast %add3A_95 : i32 to index
        %swap3A_470 = arith.constant 288 : index
        %swap3A_471 = tpu.vector_load %arg9[%swap3A_469, %swap3A_470] {strides = array<i32>} : memref<128x512xf32, #tpu.memory_space<vmem>>, vector<16xf32>,
        tpu.vector_store %arg9[%swap3A_469, %swap3A_470], %min3A_468 {strides = array<i32>} : memref<128x512xf32, #tpu.memory_space<vmem>>, vector<16xf32>,
        %get3A_472 = arith.index_cast %add3A_95 : i32 to index
        %get3A_473 = arith.constant 304 : index
        %get3A_474 = tpu.vector_load %arg9[%get3A_472, %get3A_473] {strides = array<i32>} : memref<128x512xf32, #tpu.memory_space<vmem>>, vector<16xf32>,
        %get3A_475 = arith.index_cast %scan3A_92 : i32 to index
        %get3A_476 = arith.constant 304 : index
        %get3A_477 = tpu.vector_load %arg10[%get3A_475, %get3A_476] {strides = array<i32>} : memref<64x512xf32, #tpu.memory_space<vmem>>, vector<16xf32>,
        %mul3A_478 = arith.constant 0.00999999977 : f32
        %mul3A_479 = vector.broadcast %mul3A_478 : f32 to vector<16xf32>
        %mul3A_480 = arith.mulf %mul3A_479, %gather3A : vector<16xf32>
        %mul3A_481 = arith.mulf %mul3A_480, %get3A_477 : vector<16xf32>
        %sub3A_482 = arith.subf %get3A_474, %mul3A_481 : vector<16xf32>
        %jit3A_483 = arith.constant -5.000000e+00 : f32
        %jit3A_484 = arith.constant 5.000000e+00 : f32
        %max3A_485 = vector.broadcast %jit3A_483 : f32 to vector<16xf32>
        %max3A_486 = arith.maximumf %max3A_485, %sub3A_482 : vector<16xf32>
        %min3A_487 = vector.broadcast %jit3A_484 : f32 to vector<16xf32>
        %min3A_488 = arith.minimumf %min3A_487, %max3A_486 : vector<16xf32>
        %swap3A_489 = arith.index_cast %add3A_95 : i32 to index
        %swap3A_490 = arith.constant 304 : index
        %swap3A_491 = tpu.vector_load %arg9[%swap3A_489, %swap3A_490] {strides = array<i32>} : memref<128x512xf32, #tpu.memory_space<vmem>>, vector<16xf32>,
        tpu.vector_store %arg9[%swap3A_489, %swap3A_490], %min3A_488 {strides = array<i32>} : memref<128x512xf32, #tpu.memory_space<vmem>>, vector<16xf32>,
        %get3A_492 = arith.index_cast %add3A_95 : i32 to index
        %get3A_493 = arith.constant 320 : index
        %get3A_494 = tpu.vector_load %arg9[%get3A_492, %get3A_493] {strides = array<i32>} : memref<128x512xf32, #tpu.memory_space<vmem>>, vector<16xf32>,
        %get3A_495 = arith.index_cast %scan3A_92 : i32 to index
        %get3A_496 = arith.constant 320 : index
        %get3A_497 = tpu.vector_load %arg10[%get3A_495, %get3A_496] {strides = array<i32>} : memref<64x512xf32, #tpu.memory_space<vmem>>, vector<16xf32>,
        %mul3A_498 = arith.constant 0.00999999977 : f32
        %mul3A_499 = vector.broadcast %mul3A_498 : f32 to vector<16xf32>
        %mul3A_500 = arith.mulf %mul3A_499, %gather3A : vector<16xf32>
        %mul3A_501 = arith.mulf %mul3A_500, %get3A_497 : vector<16xf32>
        %sub3A_502 = arith.subf %get3A_494, %mul3A_501 : vector<16xf32>
        %jit3A_503 = arith.constant -5.000000e+00 : f32
        %jit3A_504 = arith.constant 5.000000e+00 : f32
        %max3A_505 = vector.broadcast %jit3A_503 : f32 to vector<16xf32>
        %max3A_506 = arith.maximumf %max3A_505, %sub3A_502 : vector<16xf32>
        %min3A_507 = vector.broadcast %jit3A_504 : f32 to vector<16xf32>
        %min3A_508 = arith.minimumf %min3A_507, %max3A_506 : vector<16xf32>
        %swap3A_509 = arith.index_cast %add3A_95 : i32 to index
        %swap3A_510 = arith.constant 320 : index
        %swap3A_511 = tpu.vector_load %arg9[%swap3A_509, %swap3A_510] {strides = array<i32>} : memref<128x512xf32, #tpu.memory_space<vmem>>, vector<16xf32>,
        tpu.vector_store %arg9[%swap3A_509, %swap3A_510], %min3A_508 {strides = array<i32>} : memref<128x512xf32, #tpu.memory_space<vmem>>, vector<16xf32>,
        %get3A_512 = arith.index_cast %add3A_95 : i32 to index
        %get3A_513 = arith.constant 336 : index
        %get3A_514 = tpu.vector_load %arg9[%get3A_512, %get3A_513] {strides = array<i32>} : memref<128x512xf32, #tpu.memory_space<vmem>>, vector<16xf32>,
        %get3A_515 = arith.index_cast %scan3A_92 : i32 to index
        %get3A_516 = arith.constant 336 : index
        %get3A_517 = tpu.vector_load %arg10[%get3A_515, %get3A_516] {strides = array<i32>} : memref<64x512xf32, #tpu.memory_space<vmem>>, vector<16xf32>,
        %mul3A_518 = arith.constant 0.00999999977 : f32
        %mul3A_519 = vector.broadcast %mul3A_518 : f32 to vector<16xf32>
        %mul3A_520 = arith.mulf %mul3A_519, %gather3A : vector<16xf32>
        %mul3A_521 = arith.mulf %mul3A_520, %get3A_517 : vector<16xf32>
        %sub3A_522 = arith.subf %get3A_514, %mul3A_521 : vector<16xf32>
        %jit3A_523 = arith.constant -5.000000e+00 : f32
        %jit3A_524 = arith.constant 5.000000e+00 : f32
        %max3A_525 = vector.broadcast %jit3A_523 : f32 to vector<16xf32>
        %max3A_526 = arith.maximumf %max3A_525, %sub3A_522 : vector<16xf32>
        %min3A_527 = vector.broadcast %jit3A_524 : f32 to vector<16xf32>
        %min3A_528 = arith.minimumf %min3A_527, %max3A_526 : vector<16xf32>
        %swap3A_529 = arith.index_cast %add3A_95 : i32 to index
        %swap3A_530 = arith.constant 336 : index
        %swap3A_531 = tpu.vector_load %arg9[%swap3A_529, %swap3A_530] {strides = array<i32>} : memref<128x512xf32, #tpu.memory_space<vmem>>, vector<16xf32>,
        tpu.vector_store %arg9[%swap3A_529, %swap3A_530], %min3A_528 {strides = array<i32>} : memref<128x512xf32, #tpu.memory_space<vmem>>, vector<16xf32>,
        %get3A_532 = arith.index_cast %add3A_95 : i32 to index
        %get3A_533 = arith.constant 352 : index
        %get3A_534 = tpu.vector_load %arg9[%get3A_532, %get3A_533] {strides = array<i32>} : memref<128x512xf32, #tpu.memory_space<vmem>>, vector<16xf32>,
        %get3A_535 = arith.index_cast %scan3A_92 : i32 to index
        %get3A_536 = arith.constant 352 : index
        %get3A_537 = tpu.vector_load %arg10[%get3A_535, %get3A_536] {strides = array<i32>} : memref<64x512xf32, #tpu.memory_space<vmem>>, vector<16xf32>,
        %mul3A_538 = arith.constant 0.00999999977 : f32
        %mul3A_539 = vector.broadcast %mul3A_538 : f32 to vector<16xf32>
        %mul3A_540 = arith.mulf %mul3A_539, %gather3A : vector<16xf32>
        %mul3A_541 = arith.mulf %mul3A_540, %get3A_537 : vector<16xf32>
        %sub3A_542 = arith.subf %get3A_534, %mul3A_541 : vector<16xf32>
        %jit3A_543 = arith.constant -5.000000e+00 : f32
        %jit3A_544 = arith.constant 5.000000e+00 : f32
        %max3A_545 = vector.broadcast %jit3A_543 : f32 to vector<16xf32>
        %max3A_546 = arith.maximumf %max3A_545, %sub3A_542 : vector<16xf32>
        %min3A_547 = vector.broadcast %jit3A_544 : f32 to vector<16xf32>
        %min3A_548 = arith.minimumf %min3A_547, %max3A_546 : vector<16xf32>
        %swap3A_549 = arith.index_cast %add3A_95 : i32 to index
        %swap3A_550 = arith.constant 352 : index
        %swap3A_551 = tpu.vector_load %arg9[%swap3A_549, %swap3A_550] {strides = array<i32>} : memref<128x512xf32, #tpu.memory_space<vmem>>, vector<16xf32>,
        tpu.vector_store %arg9[%swap3A_549, %swap3A_550], %min3A_548 {strides = array<i32>} : memref<128x512xf32, #tpu.memory_space<vmem>>, vector<16xf32>,
        %get3A_552 = arith.index_cast %add3A_95 : i32 to index
        %get3A_553 = arith.constant 368 : index
        %get3A_554 = tpu.vector_load %arg9[%get3A_552, %get3A_553] {strides = array<i32>} : memref<128x512xf32, #tpu.memory_space<vmem>>, vector<16xf32>,
        %get3A_555 = arith.index_cast %scan3A_92 : i32 to index
        %get3A_556 = arith.constant 368 : index
        %get3A_557 = tpu.vector_load %arg10[%get3A_555, %get3A_556] {strides = array<i32>} : memref<64x512xf32, #tpu.memory_space<vmem>>, vector<16xf32>,
        %mul3A_558 = arith.constant 0.00999999977 : f32
        %mul3A_559 = vector.broadcast %mul3A_558 : f32 to vector<16xf32>
        %mul3A_560 = arith.mulf %mul3A_559, %gather3A : vector<16xf32>
        %mul3A_561 = arith.mulf %mul3A_560, %get3A_557 : vector<16xf32>
        %sub3A_562 = arith.subf %get3A_554, %mul3A_561 : vector<16xf32>
        %jit3A_563 = arith.constant -5.000000e+00 : f32
        %jit3A_564 = arith.constant 5.000000e+00 : f32
        %max3A_565 = vector.broadcast %jit3A_563 : f32 to vector<16xf32>
        %max3A_566 = arith.maximumf %max3A_565, %sub3A_562 : vector<16xf32>
        %min3A_567 = vector.broadcast %jit3A_564 : f32 to vector<16xf32>
        %min3A_568 = arith.minimumf %min3A_567, %max3A_566 : vector<16xf32>
        %swap3A_569 = arith.index_cast %add3A_95 : i32 to index
        %swap3A_570 = arith.constant 368 : index
        %swap3A_571 = tpu.vector_load %arg9[%swap3A_569, %swap3A_570] {strides = array<i32>} : memref<128x512xf32, #tpu.memory_space<vmem>>, vector<16xf32>,
        tpu.vector_store %arg9[%swap3A_569, %swap3A_570], %min3A_568 {strides = array<i32>} : memref<128x512xf32, #tpu.memory_space<vmem>>, vector<16xf32>,
        %get3A_572 = arith.index_cast %add3A_95 : i32 to index
        %get3A_573 = arith.constant 384 : index
        %get3A_574 = tpu.vector_load %arg9[%get3A_572, %get3A_573] {strides = array<i32>} : memref<128x512xf32, #tpu.memory_space<vmem>>, vector<16xf32>,
        %get3A_575 = arith.index_cast %scan3A_92 : i32 to index
        %get3A_576 = arith.constant 384 : index
        %get3A_577 = tpu.vector_load %arg10[%get3A_575, %get3A_576] {strides = array<i32>} : memref<64x512xf32, #tpu.memory_space<vmem>>, vector<16xf32>,
        %mul3A_578 = arith.constant 0.00999999977 : f32
        %mul3A_579 = vector.broadcast %mul3A_578 : f32 to vector<16xf32>
        %mul3A_580 = arith.mulf %mul3A_579, %gather3A : vector<16xf32>
        %mul3A_581 = arith.mulf %mul3A_580, %get3A_577 : vector<16xf32>
        %sub3A_582 = arith.subf %get3A_574, %mul3A_581 : vector<16xf32>
        %jit3A_583 = arith.constant -5.000000e+00 : f32
        %jit3A_584 = arith.constant 5.000000e+00 : f32
        %max3A_585 = vector.broadcast %jit3A_583 : f32 to vector<16xf32>
        %max3A_586 = arith.maximumf %max3A_585, %sub3A_582 : vector<16xf32>
        %min3A_587 = vector.broadcast %jit3A_584 : f32 to vector<16xf32>
        %min3A_588 = arith.minimumf %min3A_587, %max3A_586 : vector<16xf32>
        %swap3A_589 = arith.index_cast %add3A_95 : i32 to index
        %swap3A_590 = arith.constant 384 : index
        %swap3A_591 = tpu.vector_load %arg9[%swap3A_589, %swap3A_590] {strides = array<i32>} : memref<128x512xf32, #tpu.memory_space<vmem>>, vector<16xf32>,
        tpu.vector_store %arg9[%swap3A_589, %swap3A_590], %min3A_588 {strides = array<i32>} : memref<128x512xf32, #tpu.memory_space<vmem>>, vector<16xf32>,
        %get3A_592 = arith.index_cast %add3A_95 : i32 to index
        %get3A_593 = arith.constant 400 : index
        %get3A_594 = tpu.vector_load %arg9[%get3A_592, %get3A_593] {strides = array<i32>} : memref<128x512xf32, #tpu.memory_space<vmem>>, vector<16xf32>,
        %get3A_595 = arith.index_cast %scan3A_92 : i32 to index
        %get3A_596 = arith.constant 400 : index
        %get3A_597 = tpu.vector_load %arg10[%get3A_595, %get3A_596] {strides = array<i32>} : memref<64x512xf32, #tpu.memory_space<vmem>>, vector<16xf32>,
        %mul3A_598 = arith.constant 0.00999999977 : f32
        %mul3A_599 = vector.broadcast %mul3A_598 : f32 to vector<16xf32>
        %mul3A_600 = arith.mulf %mul3A_599, %gather3A : vector<16xf32>
        %mul3A_601 = arith.mulf %mul3A_600, %get3A_597 : vector<16xf32>
        %sub3A_602 = arith.subf %get3A_594, %mul3A_601 : vector<16xf32>
        %jit3A_603 = arith.constant -5.000000e+00 : f32
        %jit3A_604 = arith.constant 5.000000e+00 : f32
        %max3A_605 = vector.broadcast %jit3A_603 : f32 to vector<16xf32>
        %max3A_606 = arith.maximumf %max3A_605, %sub3A_602 : vector<16xf32>
        %min3A_607 = vector.broadcast %jit3A_604 : f32 to vector<16xf32>
        %min3A_608 = arith.minimumf %min3A_607, %max3A_606 : vector<16xf32>
        %swap3A_609 = arith.index_cast %add3A_95 : i32 to index
        %swap3A_610 = arith.constant 400 : index
        %swap3A_611 = tpu.vector_load %arg9[%swap3A_609, %swap3A_610] {strides = array<i32>} : memref<128x512xf32, #tpu.memory_space<vmem>>, vector<16xf32>,
        tpu.vector_store %arg9[%swap3A_609, %swap3A_610], %min3A_608 {strides = array<i32>} : memref<128x512xf32, #tpu.memory_space<vmem>>, vector<16xf32>,
        %get3A_612 = arith.index_cast %add3A_95 : i32 to index
        %get3A_613 = arith.constant 416 : index
        %get3A_614 = tpu.vector_load %arg9[%get3A_612, %get3A_613] {strides = array<i32>} : memref<128x512xf32, #tpu.memory_space<vmem>>, vector<16xf32>,
        %get3A_615 = arith.index_cast %scan3A_92 : i32 to index
        %get3A_616 = arith.constant 416 : index
        %get3A_617 = tpu.vector_load %arg10[%get3A_615, %get3A_616] {strides = array<i32>} : memref<64x512xf32, #tpu.memory_space<vmem>>, vector<16xf32>,
        %mul3A_618 = arith.constant 0.00999999977 : f32
        %mul3A_619 = vector.broadcast %mul3A_618 : f32 to vector<16xf32>
        %mul3A_620 = arith.mulf %mul3A_619, %gather3A : vector<16xf32>
        %mul3A_621 = arith.mulf %mul3A_620, %get3A_617 : vector<16xf32>
        %sub3A_622 = arith.subf %get3A_614, %mul3A_621 : vector<16xf32>
        %jit3A_623 = arith.constant -5.000000e+00 : f32
        %jit3A_624 = arith.constant 5.000000e+00 : f32
        %max3A_625 = vector.broadcast %jit3A_623 : f32 to vector<16xf32>
        %max3A_626 = arith.maximumf %max3A_625, %sub3A_622 : vector<16xf32>
        %min3A_627 = vector.broadcast %jit3A_624 : f32 to vector<16xf32>
        %min3A_628 = arith.minimumf %min3A_627, %max3A_626 : vector<16xf32>
        %swap3A_629 = arith.index_cast %add3A_95 : i32 to index
        %swap3A_630 = arith.constant 416 : index
        %swap3A_631 = tpu.vector_load %arg9[%swap3A_629, %swap3A_630] {strides = array<i32>} : memref<128x512xf32, #tpu.memory_space<vmem>>, vector<16xf32>,
        tpu.vector_store %arg9[%swap3A_629, %swap3A_630], %min3A_628 {strides = array<i32>} : memref<128x512xf32, #tpu.memory_space<vmem>>, vector<16xf32>,
        %get3A_632 = arith.index_cast %add3A_95 : i32 to index
        %get3A_633 = arith.constant 432 : index
        %get3A_634 = tpu.vector_load %arg9[%get3A_632, %get3A_633] {strides = array<i32>} : memref<128x512xf32, #tpu.memory_space<vmem>>, vector<16xf32>,
        %get3A_635 = arith.index_cast %scan3A_92 : i32 to index
        %get3A_636 = arith.constant 432 : index
        %get3A_637 = tpu.vector_load %arg10[%get3A_635, %get3A_636] {strides = array<i32>} : memref<64x512xf32, #tpu.memory_space<vmem>>, vector<16xf32>,
        %mul3A_638 = arith.constant 0.00999999977 : f32
        %mul3A_639 = vector.broadcast %mul3A_638 : f32 to vector<16xf32>
        %mul3A_640 = arith.mulf %mul3A_639, %gather3A : vector<16xf32>
        %mul3A_641 = arith.mulf %mul3A_640, %get3A_637 : vector<16xf32>
        %sub3A_642 = arith.subf %get3A_634, %mul3A_641 : vector<16xf32>
        %jit3A_643 = arith.constant -5.000000e+00 : f32
        %jit3A_644 = arith.constant 5.000000e+00 : f32
        %max3A_645 = vector.broadcast %jit3A_643 : f32 to vector<16xf32>
        %max3A_646 = arith.maximumf %max3A_645, %sub3A_642 : vector<16xf32>
        %min3A_647 = vector.broadcast %jit3A_644 : f32 to vector<16xf32>
        %min3A_648 = arith.minimumf %min3A_647, %max3A_646 : vector<16xf32>
        %swap3A_649 = arith.index_cast %add3A_95 : i32 to index
        %swap3A_650 = arith.constant 432 : index
        %swap3A_651 = tpu.vector_load %arg9[%swap3A_649, %swap3A_650] {strides = array<i32>} : memref<128x512xf32, #tpu.memory_space<vmem>>, vector<16xf32>,
        tpu.vector_store %arg9[%swap3A_649, %swap3A_650], %min3A_648 {strides = array<i32>} : memref<128x512xf32, #tpu.memory_space<vmem>>, vector<16xf32>,
        %get3A_652 = arith.index_cast %add3A_95 : i32 to index
        %get3A_653 = arith.constant 448 : index
        %get3A_654 = tpu.vector_load %arg9[%get3A_652, %get3A_653] {strides = array<i32>} : memref<128x512xf32, #tpu.memory_space<vmem>>, vector<16xf32>,
        %get3A_655 = arith.index_cast %scan3A_92 : i32 to index
        %get3A_656 = arith.constant 448 : index
        %get3A_657 = tpu.vector_load %arg10[%get3A_655, %get3A_656] {strides = array<i32>} : memref<64x512xf32, #tpu.memory_space<vmem>>, vector<16xf32>,
        %mul3A_658 = arith.constant 0.00999999977 : f32
        %mul3A_659 = vector.broadcast %mul3A_658 : f32 to vector<16xf32>
        %mul3A_660 = arith.mulf %mul3A_659, %gather3A : vector<16xf32>
        %mul3A_661 = arith.mulf %mul3A_660, %get3A_657 : vector<16xf32>
        %sub3A_662 = arith.subf %get3A_654, %mul3A_661 : vector<16xf32>
        %jit3A_663 = arith.constant -5.000000e+00 : f32
        %jit3A_664 = arith.constant 5.000000e+00 : f32
        %max3A_665 = vector.broadcast %jit3A_663 : f32 to vector<16xf32>
        %max3A_666 = arith.maximumf %max3A_665, %sub3A_662 : vector<16xf32>
        %min3A_667 = vector.broadcast %jit3A_664 : f32 to vector<16xf32>
        %min3A_668 = arith.minimumf %min3A_667, %max3A_666 : vector<16xf32>
        %swap3A_669 = arith.index_cast %add3A_95 : i32 to index
        %swap3A_670 = arith.constant 448 : index
        %swap3A_671 = tpu.vector_load %arg9[%swap3A_669, %swap3A_670] {strides = array<i32>} : memref<128x512xf32, #tpu.memory_space<vmem>>, vector<16xf32>,
        tpu.vector_store %arg9[%swap3A_669, %swap3A_670], %min3A_668 {strides = array<i32>} : memref<128x512xf32, #tpu.memory_space<vmem>>, vector<16xf32>,
        %get3A_672 = arith.index_cast %add3A_95 : i32 to index
        %get3A_673 = arith.constant 464 : index
        %get3A_674 = tpu.vector_load %arg9[%get3A_672, %get3A_673] {strides = array<i32>} : memref<128x512xf32, #tpu.memory_space<vmem>>, vector<16xf32>,
        %get3A_675 = arith.index_cast %scan3A_92 : i32 to index
        %get3A_676 = arith.constant 464 : index
        %get3A_677 = tpu.vector_load %arg10[%get3A_675, %get3A_676] {strides = array<i32>} : memref<64x512xf32, #tpu.memory_space<vmem>>, vector<16xf32>,
        %mul3A_678 = arith.constant 0.00999999977 : f32
        %mul3A_679 = vector.broadcast %mul3A_678 : f32 to vector<16xf32>
        %mul3A_680 = arith.mulf %mul3A_679, %gather3A : vector<16xf32>
        %mul3A_681 = arith.mulf %mul3A_680, %get3A_677 : vector<16xf32>
        %sub3A_682 = arith.subf %get3A_674, %mul3A_681 : vector<16xf32>
        %jit3A_683 = arith.constant -5.000000e+00 : f32
        %jit3A_684 = arith.constant 5.000000e+00 : f32
        %max3A_685 = vector.broadcast %jit3A_683 : f32 to vector<16xf32>
        %max3A_686 = arith.maximumf %max3A_685, %sub3A_682 : vector<16xf32>
        %min3A_687 = vector.broadcast %jit3A_684 : f32 to vector<16xf32>
        %min3A_688 = arith.minimumf %min3A_687, %max3A_686 : vector<16xf32>
        %swap3A_689 = arith.index_cast %add3A_95 : i32 to index
        %swap3A_690 = arith.constant 464 : index
        %swap3A_691 = tpu.vector_load %arg9[%swap3A_689, %swap3A_690] {strides = array<i32>} : memref<128x512xf32, #tpu.memory_space<vmem>>, vector<16xf32>,
        tpu.vector_store %arg9[%swap3A_689, %swap3A_690], %min3A_688 {strides = array<i32>} : memref<128x512xf32, #tpu.memory_space<vmem>>, vector<16xf32>,
        %get3A_692 = arith.index_cast %add3A_95 : i32 to index
        %get3A_693 = arith.constant 480 : index
        %get3A_694 = tpu.vector_load %arg9[%get3A_692, %get3A_693] {strides = array<i32>} : memref<128x512xf32, #tpu.memory_space<vmem>>, vector<16xf32>,
        %get3A_695 = arith.index_cast %scan3A_92 : i32 to index
        %get3A_696 = arith.constant 480 : index
        %get3A_697 = tpu.vector_load %arg10[%get3A_695, %get3A_696] {strides = array<i32>} : memref<64x512xf32, #tpu.memory_space<vmem>>, vector<16xf32>,
        %mul3A_698 = arith.constant 0.00999999977 : f32
        %mul3A_699 = vector.broadcast %mul3A_698 : f32 to vector<16xf32>
        %mul3A_700 = arith.mulf %mul3A_699, %gather3A : vector<16xf32>
        %mul3A_701 = arith.mulf %mul3A_700, %get3A_697 : vector<16xf32>
        %sub3A_702 = arith.subf %get3A_694, %mul3A_701 : vector<16xf32>
        %jit3A_703 = arith.constant -5.000000e+00 : f32
        %jit3A_704 = arith.constant 5.000000e+00 : f32
        %max3A_705 = vector.broadcast %jit3A_703 : f32 to vector<16xf32>
        %max3A_706 = arith.maximumf %max3A_705, %sub3A_702 : vector<16xf32>
        %min3A_707 = vector.broadcast %jit3A_704 : f32 to vector<16xf32>
        %min3A_708 = arith.minimumf %min3A_707, %max3A_706 : vector<16xf32>
        %swap3A_709 = arith.index_cast %add3A_95 : i32 to index
        %swap3A_710 = arith.constant 480 : index
        %swap3A_711 = tpu.vector_load %arg9[%swap3A_709, %swap3A_710] {strides = array<i32>} : memref<128x512xf32, #tpu.memory_space<vmem>>, vector<16xf32>,
        tpu.vector_store %arg9[%swap3A_709, %swap3A_710], %min3A_708 {strides = array<i32>} : memref<128x512xf32, #tpu.memory_space<vmem>>, vector<16xf32>,
        %get3A_712 = arith.index_cast %add3A_95 : i32 to index
        %get3A_713 = arith.constant 496 : index
        %get3A_714 = tpu.vector_load %arg9[%get3A_712, %get3A_713] {strides = array<i32>} : memref<128x512xf32, #tpu.memory_space<vmem>>, vector<16xf32>,
        %get3A_715 = arith.index_cast %scan3A_92 : i32 to index
        %get3A_716 = arith.constant 496 : index
        %get3A_717 = tpu.vector_load %arg10[%get3A_715, %get3A_716] {strides = array<i32>} : memref<64x512xf32, #tpu.memory_space<vmem>>, vector<16xf32>,
        %mul3A_718 = arith.constant 0.00999999977 : f32
        %mul3A_719 = vector.broadcast %mul3A_718 : f32 to vector<16xf32>
        %mul3A_720 = arith.mulf %mul3A_719, %gather3A : vector<16xf32>
        %mul3A_721 = arith.mulf %mul3A_720, %get3A_717 : vector<16xf32>
        %sub3A_722 = arith.subf %get3A_714, %mul3A_721 : vector<16xf32>
        %jit3A_723 = arith.constant -5.000000e+00 : f32
        %jit3A_724 = arith.constant 5.000000e+00 : f32
        %max3A_725 = vector.broadcast %jit3A_723 : f32 to vector<16xf32>
        %max3A_726 = arith.maximumf %max3A_725, %sub3A_722 : vector<16xf32>
        %min3A_727 = vector.broadcast %jit3A_724 : f32 to vector<16xf32>
        %min3A_728 = arith.minimumf %min3A_727, %max3A_726 : vector<16xf32>
        %swap3A_729 = arith.index_cast %add3A_95 : i32 to index
        %swap3A_730 = arith.constant 496 : index
        %swap3A_731 = tpu.vector_load %arg9[%swap3A_729, %swap3A_730] {strides = array<i32>} : memref<128x512xf32, #tpu.memory_space<vmem>>, vector<16xf32>,
        tpu.vector_store %arg9[%swap3A_729, %swap3A_730], %min3A_728 {strides = array<i32>} : memref<128x512xf32, #tpu.memory_space<vmem>>, vector<16xf32>,
        %scan3A_732 = arith.constant 0 : i32
        scf.yield %scan3A_732 : i32
      }
      %scan3A_77 = arith.constant 64 : i32
      "tpu.region"() ({
        %run_scoped3A = tpu.sem_alloc : memref<!tpu.dma_semaphore, #tpu.memory_space<semaphore_mem>>
        %dma_start3A_92 = arith.constant 64 : i32
        %dma_start3A_93 = arith.constant 0 : i32
        %dma_start3A_94 = tpu.memref_slice %arg5[%select_n3A, %dma_start3A_92, %dma_start3A_93] : memref<10x128x512xf32, #tpu.memory_space<hbm>> -> memref<1x64x512xf32, #tpu.memory_space<hbm>>
        %dma_start3A_95 = tpu.memref_squeeze %dma_start3A_94 : memref<1x64x512xf32, #tpu.memory_space<hbm>> -> memref<64x512xf32, #tpu.memory_space<hbm>>
        %dma_start3A_96 = arith.constant 64 : i32
        %dma_start3A_97 = arith.constant 0 : i32
        %dma_start3A_98 = tpu.memref_slice %arg5[%select_n3A, %dma_start3A_96, %dma_start3A_97] : memref<10x128x512xf32, #tpu.memory_space<hbm>> -> memref<1x64x512xf32, #tpu.memory_space<hbm>>
        %dma_start3A_99 = tpu.memref_squeeze %dma_start3A_98 : memref<1x64x512xf32, #tpu.memory_space<hbm>> -> memref<64x512xf32, #tpu.memory_space<hbm>>
        tpu.enqueue_dma source(%dma_start3A_99 : memref<64x512xf32, #tpu.memory_space<hbm>>) target(%arg10 : memref<64x512xf32, #tpu.memory_space<vmem>>) target_semaphore(%run_scoped3A : memref<!tpu.dma_semaphore, #tpu.memory_space<semaphore_mem>>)
        %dma_wait3A_100 = arith.constant 64 : i32
        %dma_wait3A_101 = arith.constant 0 : i32
        %dma_wait3A_102 = tpu.memref_slice %arg5[%select_n3A, %dma_wait3A_100, %dma_wait3A_101] : memref<10x128x512xf32, #tpu.memory_space<hbm>> -> memref<1x64x512xf32, #tpu.memory_space<hbm>>
        %dma_wait3A_103 = tpu.memref_squeeze %dma_wait3A_102 : memref<1x64x512xf32, #tpu.memory_space<hbm>> -> memref<64x512xf32, #tpu.memory_space<hbm>>
        %dma_wait3A_104 = arith.constant 64 : i32
        %dma_wait3A_105 = arith.constant 0 : i32
        %dma_wait3A_106 = tpu.memref_slice %arg5[%select_n3A, %dma_wait3A_104, %dma_wait3A_105] : memref<10x128x512xf32, #tpu.memory_space<hbm>> -> memref<1x64x512xf32, #tpu.memory_space<hbm>>
        %dma_wait3A_107 = tpu.memref_squeeze %dma_wait3A_106 : memref<1x64x512xf32, #tpu.memory_space<hbm>> -> memref<64x512xf32, #tpu.memory_space<hbm>>
        tpu.wait_dma2 semaphore(%run_scoped3A : memref<!tpu.dma_semaphore, #tpu.memory_space<semaphore_mem>>) src(%dma_wait3A_107 : memref<64x512xf32, #tpu.memory_space<hbm>>) dst(%arg10 : memref<64x512xf32, #tpu.memory_space<vmem>>)
        tpu.yield
      }) : () -> ()
      %scan3A_78 = arith.constant 0 : i32
      %scan3A_79 = arith.constant 0 : i32
      %scan3A_80 = arith.constant 64 : i32
      %scan3A_81 = arith.addi %scan3A_79, %scan3A_80 : i32
      %scan3A_82 = arith.constant 1 : i32
      %scan3A_83 = scf.for %scan3A_92 = %scan3A_79 to %scan3A_81 step %scan3A_82 iter_args(%scan3A_93 = %scan3A_78) -> (i32)  : i32 {
        %add3A_94 = arith.constant 64 : i32
        %add3A_95 = arith.addi %add3A_94, %scan3A_92 : i32
        %broadcast_in_dim3A = vector.broadcast %add3A_95 : i32 to vector<16xi32>
        %gather3A = tpu.vector_load_idx %arg14[%broadcast_in_dim3A] : memref<128xf32, #tpu.memory_space<vmem>>[vector<16xi32>], vector<16xf32>,
        %get3A = arith.index_cast %add3A_95 : i32 to index
        %get3A_96 = arith.constant 0 : index
        %get3A_97 = tpu.vector_load %arg9[%get3A, %get3A_96] {strides = array<i32>} : memref<128x512xf32, #tpu.memory_space<vmem>>, vector<16xf32>,
        %get3A_98 = arith.index_cast %scan3A_92 : i32 to index
        %get3A_99 = arith.constant 0 : index
        %get3A_100 = tpu.vector_load %arg10[%get3A_98, %get3A_99] {strides = array<i32>} : memref<64x512xf32, #tpu.memory_space<vmem>>, vector<16xf32>,
        %mul3A_101 = arith.constant 0.00999999977 : f32
        %mul3A_102 = vector.broadcast %mul3A_101 : f32 to vector<16xf32>
        %mul3A_103 = arith.mulf %mul3A_102, %gather3A : vector<16xf32>
        %mul3A_104 = arith.mulf %mul3A_103, %get3A_100 : vector<16xf32>
        %sub3A_105 = arith.subf %get3A_97, %mul3A_104 : vector<16xf32>
        %jit3A_106 = arith.constant -5.000000e+00 : f32
        %jit3A_107 = arith.constant 5.000000e+00 : f32
        %max3A = vector.broadcast %jit3A_106 : f32 to vector<16xf32>
        %max3A_108 = arith.maximumf %max3A, %sub3A_105 : vector<16xf32>
        %min3A = vector.broadcast %jit3A_107 : f32 to vector<16xf32>
        %min3A_109 = arith.minimumf %min3A, %max3A_108 : vector<16xf32>
        %swap3A = arith.index_cast %add3A_95 : i32 to index
        %swap3A_110 = arith.constant 0 : index
        %swap3A_111 = tpu.vector_load %arg9[%swap3A, %swap3A_110] {strides = array<i32>} : memref<128x512xf32, #tpu.memory_space<vmem>>, vector<16xf32>,
        tpu.vector_store %arg9[%swap3A, %swap3A_110], %min3A_109 {strides = array<i32>} : memref<128x512xf32, #tpu.memory_space<vmem>>, vector<16xf32>,
        %get3A_112 = arith.index_cast %add3A_95 : i32 to index
        %get3A_113 = arith.constant 16 : index
        %get3A_114 = tpu.vector_load %arg9[%get3A_112, %get3A_113] {strides = array<i32>} : memref<128x512xf32, #tpu.memory_space<vmem>>, vector<16xf32>,
        %get3A_115 = arith.index_cast %scan3A_92 : i32 to index
        %get3A_116 = arith.constant 16 : index
        %get3A_117 = tpu.vector_load %arg10[%get3A_115, %get3A_116] {strides = array<i32>} : memref<64x512xf32, #tpu.memory_space<vmem>>, vector<16xf32>,
        %mul3A_118 = arith.constant 0.00999999977 : f32
        %mul3A_119 = vector.broadcast %mul3A_118 : f32 to vector<16xf32>
        %mul3A_120 = arith.mulf %mul3A_119, %gather3A : vector<16xf32>
        %mul3A_121 = arith.mulf %mul3A_120, %get3A_117 : vector<16xf32>
        %sub3A_122 = arith.subf %get3A_114, %mul3A_121 : vector<16xf32>
        %jit3A_123 = arith.constant -5.000000e+00 : f32
        %jit3A_124 = arith.constant 5.000000e+00 : f32
        %max3A_125 = vector.broadcast %jit3A_123 : f32 to vector<16xf32>
        %max3A_126 = arith.maximumf %max3A_125, %sub3A_122 : vector<16xf32>
        %min3A_127 = vector.broadcast %jit3A_124 : f32 to vector<16xf32>
        %min3A_128 = arith.minimumf %min3A_127, %max3A_126 : vector<16xf32>
        %swap3A_129 = arith.index_cast %add3A_95 : i32 to index
        %swap3A_130 = arith.constant 16 : index
        %swap3A_131 = tpu.vector_load %arg9[%swap3A_129, %swap3A_130] {strides = array<i32>} : memref<128x512xf32, #tpu.memory_space<vmem>>, vector<16xf32>,
        tpu.vector_store %arg9[%swap3A_129, %swap3A_130], %min3A_128 {strides = array<i32>} : memref<128x512xf32, #tpu.memory_space<vmem>>, vector<16xf32>,
        %get3A_132 = arith.index_cast %add3A_95 : i32 to index
        %get3A_133 = arith.constant 32 : index
        %get3A_134 = tpu.vector_load %arg9[%get3A_132, %get3A_133] {strides = array<i32>} : memref<128x512xf32, #tpu.memory_space<vmem>>, vector<16xf32>,
        %get3A_135 = arith.index_cast %scan3A_92 : i32 to index
        %get3A_136 = arith.constant 32 : index
        %get3A_137 = tpu.vector_load %arg10[%get3A_135, %get3A_136] {strides = array<i32>} : memref<64x512xf32, #tpu.memory_space<vmem>>, vector<16xf32>,
        %mul3A_138 = arith.constant 0.00999999977 : f32
        %mul3A_139 = vector.broadcast %mul3A_138 : f32 to vector<16xf32>
        %mul3A_140 = arith.mulf %mul3A_139, %gather3A : vector<16xf32>
        %mul3A_141 = arith.mulf %mul3A_140, %get3A_137 : vector<16xf32>
        %sub3A_142 = arith.subf %get3A_134, %mul3A_141 : vector<16xf32>
        %jit3A_143 = arith.constant -5.000000e+00 : f32
        %jit3A_144 = arith.constant 5.000000e+00 : f32
        %max3A_145 = vector.broadcast %jit3A_143 : f32 to vector<16xf32>
        %max3A_146 = arith.maximumf %max3A_145, %sub3A_142 : vector<16xf32>
        %min3A_147 = vector.broadcast %jit3A_144 : f32 to vector<16xf32>
        %min3A_148 = arith.minimumf %min3A_147, %max3A_146 : vector<16xf32>
        %swap3A_149 = arith.index_cast %add3A_95 : i32 to index
        %swap3A_150 = arith.constant 32 : index
        %swap3A_151 = tpu.vector_load %arg9[%swap3A_149, %swap3A_150] {strides = array<i32>} : memref<128x512xf32, #tpu.memory_space<vmem>>, vector<16xf32>,
        tpu.vector_store %arg9[%swap3A_149, %swap3A_150], %min3A_148 {strides = array<i32>} : memref<128x512xf32, #tpu.memory_space<vmem>>, vector<16xf32>,
        %get3A_152 = arith.index_cast %add3A_95 : i32 to index
        %get3A_153 = arith.constant 48 : index
        %get3A_154 = tpu.vector_load %arg9[%get3A_152, %get3A_153] {strides = array<i32>} : memref<128x512xf32, #tpu.memory_space<vmem>>, vector<16xf32>,
        %get3A_155 = arith.index_cast %scan3A_92 : i32 to index
        %get3A_156 = arith.constant 48 : index
        %get3A_157 = tpu.vector_load %arg10[%get3A_155, %get3A_156] {strides = array<i32>} : memref<64x512xf32, #tpu.memory_space<vmem>>, vector<16xf32>,
        %mul3A_158 = arith.constant 0.00999999977 : f32
        %mul3A_159 = vector.broadcast %mul3A_158 : f32 to vector<16xf32>
        %mul3A_160 = arith.mulf %mul3A_159, %gather3A : vector<16xf32>
        %mul3A_161 = arith.mulf %mul3A_160, %get3A_157 : vector<16xf32>
        %sub3A_162 = arith.subf %get3A_154, %mul3A_161 : vector<16xf32>
        %jit3A_163 = arith.constant -5.000000e+00 : f32
        %jit3A_164 = arith.constant 5.000000e+00 : f32
        %max3A_165 = vector.broadcast %jit3A_163 : f32 to vector<16xf32>
        %max3A_166 = arith.maximumf %max3A_165, %sub3A_162 : vector<16xf32>
        %min3A_167 = vector.broadcast %jit3A_164 : f32 to vector<16xf32>
        %min3A_168 = arith.minimumf %min3A_167, %max3A_166 : vector<16xf32>
        %swap3A_169 = arith.index_cast %add3A_95 : i32 to index
        %swap3A_170 = arith.constant 48 : index
        %swap3A_171 = tpu.vector_load %arg9[%swap3A_169, %swap3A_170] {strides = array<i32>} : memref<128x512xf32, #tpu.memory_space<vmem>>, vector<16xf32>,
        tpu.vector_store %arg9[%swap3A_169, %swap3A_170], %min3A_168 {strides = array<i32>} : memref<128x512xf32, #tpu.memory_space<vmem>>, vector<16xf32>,
        %get3A_172 = arith.index_cast %add3A_95 : i32 to index
        %get3A_173 = arith.constant 64 : index
        %get3A_174 = tpu.vector_load %arg9[%get3A_172, %get3A_173] {strides = array<i32>} : memref<128x512xf32, #tpu.memory_space<vmem>>, vector<16xf32>,
        %get3A_175 = arith.index_cast %scan3A_92 : i32 to index
        %get3A_176 = arith.constant 64 : index
        %get3A_177 = tpu.vector_load %arg10[%get3A_175, %get3A_176] {strides = array<i32>} : memref<64x512xf32, #tpu.memory_space<vmem>>, vector<16xf32>,
        %mul3A_178 = arith.constant 0.00999999977 : f32
        %mul3A_179 = vector.broadcast %mul3A_178 : f32 to vector<16xf32>
        %mul3A_180 = arith.mulf %mul3A_179, %gather3A : vector<16xf32>
        %mul3A_181 = arith.mulf %mul3A_180, %get3A_177 : vector<16xf32>
        %sub3A_182 = arith.subf %get3A_174, %mul3A_181 : vector<16xf32>
        %jit3A_183 = arith.constant -5.000000e+00 : f32
        %jit3A_184 = arith.constant 5.000000e+00 : f32
        %max3A_185 = vector.broadcast %jit3A_183 : f32 to vector<16xf32>
        %max3A_186 = arith.maximumf %max3A_185, %sub3A_182 : vector<16xf32>
        %min3A_187 = vector.broadcast %jit3A_184 : f32 to vector<16xf32>
        %min3A_188 = arith.minimumf %min3A_187, %max3A_186 : vector<16xf32>
        %swap3A_189 = arith.index_cast %add3A_95 : i32 to index
        %swap3A_190 = arith.constant 64 : index
        %swap3A_191 = tpu.vector_load %arg9[%swap3A_189, %swap3A_190] {strides = array<i32>} : memref<128x512xf32, #tpu.memory_space<vmem>>, vector<16xf32>,
        tpu.vector_store %arg9[%swap3A_189, %swap3A_190], %min3A_188 {strides = array<i32>} : memref<128x512xf32, #tpu.memory_space<vmem>>, vector<16xf32>,
        %get3A_192 = arith.index_cast %add3A_95 : i32 to index
        %get3A_193 = arith.constant 80 : index
        %get3A_194 = tpu.vector_load %arg9[%get3A_192, %get3A_193] {strides = array<i32>} : memref<128x512xf32, #tpu.memory_space<vmem>>, vector<16xf32>,
        %get3A_195 = arith.index_cast %scan3A_92 : i32 to index
        %get3A_196 = arith.constant 80 : index
        %get3A_197 = tpu.vector_load %arg10[%get3A_195, %get3A_196] {strides = array<i32>} : memref<64x512xf32, #tpu.memory_space<vmem>>, vector<16xf32>,
        %mul3A_198 = arith.constant 0.00999999977 : f32
        %mul3A_199 = vector.broadcast %mul3A_198 : f32 to vector<16xf32>
        %mul3A_200 = arith.mulf %mul3A_199, %gather3A : vector<16xf32>
        %mul3A_201 = arith.mulf %mul3A_200, %get3A_197 : vector<16xf32>
        %sub3A_202 = arith.subf %get3A_194, %mul3A_201 : vector<16xf32>
        %jit3A_203 = arith.constant -5.000000e+00 : f32
        %jit3A_204 = arith.constant 5.000000e+00 : f32
        %max3A_205 = vector.broadcast %jit3A_203 : f32 to vector<16xf32>
        %max3A_206 = arith.maximumf %max3A_205, %sub3A_202 : vector<16xf32>
        %min3A_207 = vector.broadcast %jit3A_204 : f32 to vector<16xf32>
        %min3A_208 = arith.minimumf %min3A_207, %max3A_206 : vector<16xf32>
        %swap3A_209 = arith.index_cast %add3A_95 : i32 to index
        %swap3A_210 = arith.constant 80 : index
        %swap3A_211 = tpu.vector_load %arg9[%swap3A_209, %swap3A_210] {strides = array<i32>} : memref<128x512xf32, #tpu.memory_space<vmem>>, vector<16xf32>,
        tpu.vector_store %arg9[%swap3A_209, %swap3A_210], %min3A_208 {strides = array<i32>} : memref<128x512xf32, #tpu.memory_space<vmem>>, vector<16xf32>,
        %get3A_212 = arith.index_cast %add3A_95 : i32 to index
        %get3A_213 = arith.constant 96 : index
        %get3A_214 = tpu.vector_load %arg9[%get3A_212, %get3A_213] {strides = array<i32>} : memref<128x512xf32, #tpu.memory_space<vmem>>, vector<16xf32>,
        %get3A_215 = arith.index_cast %scan3A_92 : i32 to index
        %get3A_216 = arith.constant 96 : index
        %get3A_217 = tpu.vector_load %arg10[%get3A_215, %get3A_216] {strides = array<i32>} : memref<64x512xf32, #tpu.memory_space<vmem>>, vector<16xf32>,
        %mul3A_218 = arith.constant 0.00999999977 : f32
        %mul3A_219 = vector.broadcast %mul3A_218 : f32 to vector<16xf32>
        %mul3A_220 = arith.mulf %mul3A_219, %gather3A : vector<16xf32>
        %mul3A_221 = arith.mulf %mul3A_220, %get3A_217 : vector<16xf32>
        %sub3A_222 = arith.subf %get3A_214, %mul3A_221 : vector<16xf32>
        %jit3A_223 = arith.constant -5.000000e+00 : f32
        %jit3A_224 = arith.constant 5.000000e+00 : f32
        %max3A_225 = vector.broadcast %jit3A_223 : f32 to vector<16xf32>
        %max3A_226 = arith.maximumf %max3A_225, %sub3A_222 : vector<16xf32>
        %min3A_227 = vector.broadcast %jit3A_224 : f32 to vector<16xf32>
        %min3A_228 = arith.minimumf %min3A_227, %max3A_226 : vector<16xf32>
        %swap3A_229 = arith.index_cast %add3A_95 : i32 to index
        %swap3A_230 = arith.constant 96 : index
        %swap3A_231 = tpu.vector_load %arg9[%swap3A_229, %swap3A_230] {strides = array<i32>} : memref<128x512xf32, #tpu.memory_space<vmem>>, vector<16xf32>,
        tpu.vector_store %arg9[%swap3A_229, %swap3A_230], %min3A_228 {strides = array<i32>} : memref<128x512xf32, #tpu.memory_space<vmem>>, vector<16xf32>,
        %get3A_232 = arith.index_cast %add3A_95 : i32 to index
        %get3A_233 = arith.constant 112 : index
        %get3A_234 = tpu.vector_load %arg9[%get3A_232, %get3A_233] {strides = array<i32>} : memref<128x512xf32, #tpu.memory_space<vmem>>, vector<16xf32>,
        %get3A_235 = arith.index_cast %scan3A_92 : i32 to index
        %get3A_236 = arith.constant 112 : index
        %get3A_237 = tpu.vector_load %arg10[%get3A_235, %get3A_236] {strides = array<i32>} : memref<64x512xf32, #tpu.memory_space<vmem>>, vector<16xf32>,
        %mul3A_238 = arith.constant 0.00999999977 : f32
        %mul3A_239 = vector.broadcast %mul3A_238 : f32 to vector<16xf32>
        %mul3A_240 = arith.mulf %mul3A_239, %gather3A : vector<16xf32>
        %mul3A_241 = arith.mulf %mul3A_240, %get3A_237 : vector<16xf32>
        %sub3A_242 = arith.subf %get3A_234, %mul3A_241 : vector<16xf32>
        %jit3A_243 = arith.constant -5.000000e+00 : f32
        %jit3A_244 = arith.constant 5.000000e+00 : f32
        %max3A_245 = vector.broadcast %jit3A_243 : f32 to vector<16xf32>
        %max3A_246 = arith.maximumf %max3A_245, %sub3A_242 : vector<16xf32>
        %min3A_247 = vector.broadcast %jit3A_244 : f32 to vector<16xf32>
        %min3A_248 = arith.minimumf %min3A_247, %max3A_246 : vector<16xf32>
        %swap3A_249 = arith.index_cast %add3A_95 : i32 to index
        %swap3A_250 = arith.constant 112 : index
        %swap3A_251 = tpu.vector_load %arg9[%swap3A_249, %swap3A_250] {strides = array<i32>} : memref<128x512xf32, #tpu.memory_space<vmem>>, vector<16xf32>,
        tpu.vector_store %arg9[%swap3A_249, %swap3A_250], %min3A_248 {strides = array<i32>} : memref<128x512xf32, #tpu.memory_space<vmem>>, vector<16xf32>,
        %get3A_252 = arith.index_cast %add3A_95 : i32 to index
        %get3A_253 = arith.constant 128 : index
        %get3A_254 = tpu.vector_load %arg9[%get3A_252, %get3A_253] {strides = array<i32>} : memref<128x512xf32, #tpu.memory_space<vmem>>, vector<16xf32>,
        %get3A_255 = arith.index_cast %scan3A_92 : i32 to index
        %get3A_256 = arith.constant 128 : index
        %get3A_257 = tpu.vector_load %arg10[%get3A_255, %get3A_256] {strides = array<i32>} : memref<64x512xf32, #tpu.memory_space<vmem>>, vector<16xf32>,
        %mul3A_258 = arith.constant 0.00999999977 : f32
        %mul3A_259 = vector.broadcast %mul3A_258 : f32 to vector<16xf32>
        %mul3A_260 = arith.mulf %mul3A_259, %gather3A : vector<16xf32>
        %mul3A_261 = arith.mulf %mul3A_260, %get3A_257 : vector<16xf32>
        %sub3A_262 = arith.subf %get3A_254, %mul3A_261 : vector<16xf32>
        %jit3A_263 = arith.constant -5.000000e+00 : f32
        %jit3A_264 = arith.constant 5.000000e+00 : f32
        %max3A_265 = vector.broadcast %jit3A_263 : f32 to vector<16xf32>
        %max3A_266 = arith.maximumf %max3A_265, %sub3A_262 : vector<16xf32>
        %min3A_267 = vector.broadcast %jit3A_264 : f32 to vector<16xf32>
        %min3A_268 = arith.minimumf %min3A_267, %max3A_266 : vector<16xf32>
        %swap3A_269 = arith.index_cast %add3A_95 : i32 to index
        %swap3A_270 = arith.constant 128 : index
        %swap3A_271 = tpu.vector_load %arg9[%swap3A_269, %swap3A_270] {strides = array<i32>} : memref<128x512xf32, #tpu.memory_space<vmem>>, vector<16xf32>,
        tpu.vector_store %arg9[%swap3A_269, %swap3A_270], %min3A_268 {strides = array<i32>} : memref<128x512xf32, #tpu.memory_space<vmem>>, vector<16xf32>,
        %get3A_272 = arith.index_cast %add3A_95 : i32 to index
        %get3A_273 = arith.constant 144 : index
        %get3A_274 = tpu.vector_load %arg9[%get3A_272, %get3A_273] {strides = array<i32>} : memref<128x512xf32, #tpu.memory_space<vmem>>, vector<16xf32>,
        %get3A_275 = arith.index_cast %scan3A_92 : i32 to index
        %get3A_276 = arith.constant 144 : index
        %get3A_277 = tpu.vector_load %arg10[%get3A_275, %get3A_276] {strides = array<i32>} : memref<64x512xf32, #tpu.memory_space<vmem>>, vector<16xf32>,
        %mul3A_278 = arith.constant 0.00999999977 : f32
        %mul3A_279 = vector.broadcast %mul3A_278 : f32 to vector<16xf32>
        %mul3A_280 = arith.mulf %mul3A_279, %gather3A : vector<16xf32>
        %mul3A_281 = arith.mulf %mul3A_280, %get3A_277 : vector<16xf32>
        %sub3A_282 = arith.subf %get3A_274, %mul3A_281 : vector<16xf32>
        %jit3A_283 = arith.constant -5.000000e+00 : f32
        %jit3A_284 = arith.constant 5.000000e+00 : f32
        %max3A_285 = vector.broadcast %jit3A_283 : f32 to vector<16xf32>
        %max3A_286 = arith.maximumf %max3A_285, %sub3A_282 : vector<16xf32>
        %min3A_287 = vector.broadcast %jit3A_284 : f32 to vector<16xf32>
        %min3A_288 = arith.minimumf %min3A_287, %max3A_286 : vector<16xf32>
        %swap3A_289 = arith.index_cast %add3A_95 : i32 to index
        %swap3A_290 = arith.constant 144 : index
        %swap3A_291 = tpu.vector_load %arg9[%swap3A_289, %swap3A_290] {strides = array<i32>} : memref<128x512xf32, #tpu.memory_space<vmem>>, vector<16xf32>,
        tpu.vector_store %arg9[%swap3A_289, %swap3A_290], %min3A_288 {strides = array<i32>} : memref<128x512xf32, #tpu.memory_space<vmem>>, vector<16xf32>,
        %get3A_292 = arith.index_cast %add3A_95 : i32 to index
        %get3A_293 = arith.constant 160 : index
        %get3A_294 = tpu.vector_load %arg9[%get3A_292, %get3A_293] {strides = array<i32>} : memref<128x512xf32, #tpu.memory_space<vmem>>, vector<16xf32>,
        %get3A_295 = arith.index_cast %scan3A_92 : i32 to index
        %get3A_296 = arith.constant 160 : index
        %get3A_297 = tpu.vector_load %arg10[%get3A_295, %get3A_296] {strides = array<i32>} : memref<64x512xf32, #tpu.memory_space<vmem>>, vector<16xf32>,
        %mul3A_298 = arith.constant 0.00999999977 : f32
        %mul3A_299 = vector.broadcast %mul3A_298 : f32 to vector<16xf32>
        %mul3A_300 = arith.mulf %mul3A_299, %gather3A : vector<16xf32>
        %mul3A_301 = arith.mulf %mul3A_300, %get3A_297 : vector<16xf32>
        %sub3A_302 = arith.subf %get3A_294, %mul3A_301 : vector<16xf32>
        %jit3A_303 = arith.constant -5.000000e+00 : f32
        %jit3A_304 = arith.constant 5.000000e+00 : f32
        %max3A_305 = vector.broadcast %jit3A_303 : f32 to vector<16xf32>
        %max3A_306 = arith.maximumf %max3A_305, %sub3A_302 : vector<16xf32>
        %min3A_307 = vector.broadcast %jit3A_304 : f32 to vector<16xf32>
        %min3A_308 = arith.minimumf %min3A_307, %max3A_306 : vector<16xf32>
        %swap3A_309 = arith.index_cast %add3A_95 : i32 to index
        %swap3A_310 = arith.constant 160 : index
        %swap3A_311 = tpu.vector_load %arg9[%swap3A_309, %swap3A_310] {strides = array<i32>} : memref<128x512xf32, #tpu.memory_space<vmem>>, vector<16xf32>,
        tpu.vector_store %arg9[%swap3A_309, %swap3A_310], %min3A_308 {strides = array<i32>} : memref<128x512xf32, #tpu.memory_space<vmem>>, vector<16xf32>,
        %get3A_312 = arith.index_cast %add3A_95 : i32 to index
        %get3A_313 = arith.constant 176 : index
        %get3A_314 = tpu.vector_load %arg9[%get3A_312, %get3A_313] {strides = array<i32>} : memref<128x512xf32, #tpu.memory_space<vmem>>, vector<16xf32>,
        %get3A_315 = arith.index_cast %scan3A_92 : i32 to index
        %get3A_316 = arith.constant 176 : index
        %get3A_317 = tpu.vector_load %arg10[%get3A_315, %get3A_316] {strides = array<i32>} : memref<64x512xf32, #tpu.memory_space<vmem>>, vector<16xf32>,
        %mul3A_318 = arith.constant 0.00999999977 : f32
        %mul3A_319 = vector.broadcast %mul3A_318 : f32 to vector<16xf32>
        %mul3A_320 = arith.mulf %mul3A_319, %gather3A : vector<16xf32>
        %mul3A_321 = arith.mulf %mul3A_320, %get3A_317 : vector<16xf32>
        %sub3A_322 = arith.subf %get3A_314, %mul3A_321 : vector<16xf32>
        %jit3A_323 = arith.constant -5.000000e+00 : f32
        %jit3A_324 = arith.constant 5.000000e+00 : f32
        %max3A_325 = vector.broadcast %jit3A_323 : f32 to vector<16xf32>
        %max3A_326 = arith.maximumf %max3A_325, %sub3A_322 : vector<16xf32>
        %min3A_327 = vector.broadcast %jit3A_324 : f32 to vector<16xf32>
        %min3A_328 = arith.minimumf %min3A_327, %max3A_326 : vector<16xf32>
        %swap3A_329 = arith.index_cast %add3A_95 : i32 to index
        %swap3A_330 = arith.constant 176 : index
        %swap3A_331 = tpu.vector_load %arg9[%swap3A_329, %swap3A_330] {strides = array<i32>} : memref<128x512xf32, #tpu.memory_space<vmem>>, vector<16xf32>,
        tpu.vector_store %arg9[%swap3A_329, %swap3A_330], %min3A_328 {strides = array<i32>} : memref<128x512xf32, #tpu.memory_space<vmem>>, vector<16xf32>,
        %get3A_332 = arith.index_cast %add3A_95 : i32 to index
        %get3A_333 = arith.constant 192 : index
        %get3A_334 = tpu.vector_load %arg9[%get3A_332, %get3A_333] {strides = array<i32>} : memref<128x512xf32, #tpu.memory_space<vmem>>, vector<16xf32>,
        %get3A_335 = arith.index_cast %scan3A_92 : i32 to index
        %get3A_336 = arith.constant 192 : index
        %get3A_337 = tpu.vector_load %arg10[%get3A_335, %get3A_336] {strides = array<i32>} : memref<64x512xf32, #tpu.memory_space<vmem>>, vector<16xf32>,
        %mul3A_338 = arith.constant 0.00999999977 : f32
        %mul3A_339 = vector.broadcast %mul3A_338 : f32 to vector<16xf32>
        %mul3A_340 = arith.mulf %mul3A_339, %gather3A : vector<16xf32>
        %mul3A_341 = arith.mulf %mul3A_340, %get3A_337 : vector<16xf32>
        %sub3A_342 = arith.subf %get3A_334, %mul3A_341 : vector<16xf32>
        %jit3A_343 = arith.constant -5.000000e+00 : f32
        %jit3A_344 = arith.constant 5.000000e+00 : f32
        %max3A_345 = vector.broadcast %jit3A_343 : f32 to vector<16xf32>
        %max3A_346 = arith.maximumf %max3A_345, %sub3A_342 : vector<16xf32>
        %min3A_347 = vector.broadcast %jit3A_344 : f32 to vector<16xf32>
        %min3A_348 = arith.minimumf %min3A_347, %max3A_346 : vector<16xf32>
        %swap3A_349 = arith.index_cast %add3A_95 : i32 to index
        %swap3A_350 = arith.constant 192 : index
        %swap3A_351 = tpu.vector_load %arg9[%swap3A_349, %swap3A_350] {strides = array<i32>} : memref<128x512xf32, #tpu.memory_space<vmem>>, vector<16xf32>,
        tpu.vector_store %arg9[%swap3A_349, %swap3A_350], %min3A_348 {strides = array<i32>} : memref<128x512xf32, #tpu.memory_space<vmem>>, vector<16xf32>,
        %get3A_352 = arith.index_cast %add3A_95 : i32 to index
        %get3A_353 = arith.constant 208 : index
        %get3A_354 = tpu.vector_load %arg9[%get3A_352, %get3A_353] {strides = array<i32>} : memref<128x512xf32, #tpu.memory_space<vmem>>, vector<16xf32>,
        %get3A_355 = arith.index_cast %scan3A_92 : i32 to index
        %get3A_356 = arith.constant 208 : index
        %get3A_357 = tpu.vector_load %arg10[%get3A_355, %get3A_356] {strides = array<i32>} : memref<64x512xf32, #tpu.memory_space<vmem>>, vector<16xf32>,
        %mul3A_358 = arith.constant 0.00999999977 : f32
        %mul3A_359 = vector.broadcast %mul3A_358 : f32 to vector<16xf32>
        %mul3A_360 = arith.mulf %mul3A_359, %gather3A : vector<16xf32>
        %mul3A_361 = arith.mulf %mul3A_360, %get3A_357 : vector<16xf32>
        %sub3A_362 = arith.subf %get3A_354, %mul3A_361 : vector<16xf32>
        %jit3A_363 = arith.constant -5.000000e+00 : f32
        %jit3A_364 = arith.constant 5.000000e+00 : f32
        %max3A_365 = vector.broadcast %jit3A_363 : f32 to vector<16xf32>
        %max3A_366 = arith.maximumf %max3A_365, %sub3A_362 : vector<16xf32>
        %min3A_367 = vector.broadcast %jit3A_364 : f32 to vector<16xf32>
        %min3A_368 = arith.minimumf %min3A_367, %max3A_366 : vector<16xf32>
        %swap3A_369 = arith.index_cast %add3A_95 : i32 to index
        %swap3A_370 = arith.constant 208 : index
        %swap3A_371 = tpu.vector_load %arg9[%swap3A_369, %swap3A_370] {strides = array<i32>} : memref<128x512xf32, #tpu.memory_space<vmem>>, vector<16xf32>,
        tpu.vector_store %arg9[%swap3A_369, %swap3A_370], %min3A_368 {strides = array<i32>} : memref<128x512xf32, #tpu.memory_space<vmem>>, vector<16xf32>,
        %get3A_372 = arith.index_cast %add3A_95 : i32 to index
        %get3A_373 = arith.constant 224 : index
        %get3A_374 = tpu.vector_load %arg9[%get3A_372, %get3A_373] {strides = array<i32>} : memref<128x512xf32, #tpu.memory_space<vmem>>, vector<16xf32>,
        %get3A_375 = arith.index_cast %scan3A_92 : i32 to index
        %get3A_376 = arith.constant 224 : index
        %get3A_377 = tpu.vector_load %arg10[%get3A_375, %get3A_376] {strides = array<i32>} : memref<64x512xf32, #tpu.memory_space<vmem>>, vector<16xf32>,
        %mul3A_378 = arith.constant 0.00999999977 : f32
        %mul3A_379 = vector.broadcast %mul3A_378 : f32 to vector<16xf32>
        %mul3A_380 = arith.mulf %mul3A_379, %gather3A : vector<16xf32>
        %mul3A_381 = arith.mulf %mul3A_380, %get3A_377 : vector<16xf32>
        %sub3A_382 = arith.subf %get3A_374, %mul3A_381 : vector<16xf32>
        %jit3A_383 = arith.constant -5.000000e+00 : f32
        %jit3A_384 = arith.constant 5.000000e+00 : f32
        %max3A_385 = vector.broadcast %jit3A_383 : f32 to vector<16xf32>
        %max3A_386 = arith.maximumf %max3A_385, %sub3A_382 : vector<16xf32>
        %min3A_387 = vector.broadcast %jit3A_384 : f32 to vector<16xf32>
        %min3A_388 = arith.minimumf %min3A_387, %max3A_386 : vector<16xf32>
        %swap3A_389 = arith.index_cast %add3A_95 : i32 to index
        %swap3A_390 = arith.constant 224 : index
        %swap3A_391 = tpu.vector_load %arg9[%swap3A_389, %swap3A_390] {strides = array<i32>} : memref<128x512xf32, #tpu.memory_space<vmem>>, vector<16xf32>,
        tpu.vector_store %arg9[%swap3A_389, %swap3A_390], %min3A_388 {strides = array<i32>} : memref<128x512xf32, #tpu.memory_space<vmem>>, vector<16xf32>,
        %get3A_392 = arith.index_cast %add3A_95 : i32 to index
        %get3A_393 = arith.constant 240 : index
        %get3A_394 = tpu.vector_load %arg9[%get3A_392, %get3A_393] {strides = array<i32>} : memref<128x512xf32, #tpu.memory_space<vmem>>, vector<16xf32>,
        %get3A_395 = arith.index_cast %scan3A_92 : i32 to index
        %get3A_396 = arith.constant 240 : index
        %get3A_397 = tpu.vector_load %arg10[%get3A_395, %get3A_396] {strides = array<i32>} : memref<64x512xf32, #tpu.memory_space<vmem>>, vector<16xf32>,
        %mul3A_398 = arith.constant 0.00999999977 : f32
        %mul3A_399 = vector.broadcast %mul3A_398 : f32 to vector<16xf32>
        %mul3A_400 = arith.mulf %mul3A_399, %gather3A : vector<16xf32>
        %mul3A_401 = arith.mulf %mul3A_400, %get3A_397 : vector<16xf32>
        %sub3A_402 = arith.subf %get3A_394, %mul3A_401 : vector<16xf32>
        %jit3A_403 = arith.constant -5.000000e+00 : f32
        %jit3A_404 = arith.constant 5.000000e+00 : f32
        %max3A_405 = vector.broadcast %jit3A_403 : f32 to vector<16xf32>
        %max3A_406 = arith.maximumf %max3A_405, %sub3A_402 : vector<16xf32>
        %min3A_407 = vector.broadcast %jit3A_404 : f32 to vector<16xf32>
        %min3A_408 = arith.minimumf %min3A_407, %max3A_406 : vector<16xf32>
        %swap3A_409 = arith.index_cast %add3A_95 : i32 to index
        %swap3A_410 = arith.constant 240 : index
        %swap3A_411 = tpu.vector_load %arg9[%swap3A_409, %swap3A_410] {strides = array<i32>} : memref<128x512xf32, #tpu.memory_space<vmem>>, vector<16xf32>,
        tpu.vector_store %arg9[%swap3A_409, %swap3A_410], %min3A_408 {strides = array<i32>} : memref<128x512xf32, #tpu.memory_space<vmem>>, vector<16xf32>,
        %get3A_412 = arith.index_cast %add3A_95 : i32 to index
        %get3A_413 = arith.constant 256 : index
        %get3A_414 = tpu.vector_load %arg9[%get3A_412, %get3A_413] {strides = array<i32>} : memref<128x512xf32, #tpu.memory_space<vmem>>, vector<16xf32>,
        %get3A_415 = arith.index_cast %scan3A_92 : i32 to index
        %get3A_416 = arith.constant 256 : index
        %get3A_417 = tpu.vector_load %arg10[%get3A_415, %get3A_416] {strides = array<i32>} : memref<64x512xf32, #tpu.memory_space<vmem>>, vector<16xf32>,
        %mul3A_418 = arith.constant 0.00999999977 : f32
        %mul3A_419 = vector.broadcast %mul3A_418 : f32 to vector<16xf32>
        %mul3A_420 = arith.mulf %mul3A_419, %gather3A : vector<16xf32>
        %mul3A_421 = arith.mulf %mul3A_420, %get3A_417 : vector<16xf32>
        %sub3A_422 = arith.subf %get3A_414, %mul3A_421 : vector<16xf32>
        %jit3A_423 = arith.constant -5.000000e+00 : f32
        %jit3A_424 = arith.constant 5.000000e+00 : f32
        %max3A_425 = vector.broadcast %jit3A_423 : f32 to vector<16xf32>
        %max3A_426 = arith.maximumf %max3A_425, %sub3A_422 : vector<16xf32>
        %min3A_427 = vector.broadcast %jit3A_424 : f32 to vector<16xf32>
        %min3A_428 = arith.minimumf %min3A_427, %max3A_426 : vector<16xf32>
        %swap3A_429 = arith.index_cast %add3A_95 : i32 to index
        %swap3A_430 = arith.constant 256 : index
        %swap3A_431 = tpu.vector_load %arg9[%swap3A_429, %swap3A_430] {strides = array<i32>} : memref<128x512xf32, #tpu.memory_space<vmem>>, vector<16xf32>,
        tpu.vector_store %arg9[%swap3A_429, %swap3A_430], %min3A_428 {strides = array<i32>} : memref<128x512xf32, #tpu.memory_space<vmem>>, vector<16xf32>,
        %get3A_432 = arith.index_cast %add3A_95 : i32 to index
        %get3A_433 = arith.constant 272 : index
        %get3A_434 = tpu.vector_load %arg9[%get3A_432, %get3A_433] {strides = array<i32>} : memref<128x512xf32, #tpu.memory_space<vmem>>, vector<16xf32>,
        %get3A_435 = arith.index_cast %scan3A_92 : i32 to index
        %get3A_436 = arith.constant 272 : index
        %get3A_437 = tpu.vector_load %arg10[%get3A_435, %get3A_436] {strides = array<i32>} : memref<64x512xf32, #tpu.memory_space<vmem>>, vector<16xf32>,
        %mul3A_438 = arith.constant 0.00999999977 : f32
        %mul3A_439 = vector.broadcast %mul3A_438 : f32 to vector<16xf32>
        %mul3A_440 = arith.mulf %mul3A_439, %gather3A : vector<16xf32>
        %mul3A_441 = arith.mulf %mul3A_440, %get3A_437 : vector<16xf32>
        %sub3A_442 = arith.subf %get3A_434, %mul3A_441 : vector<16xf32>
        %jit3A_443 = arith.constant -5.000000e+00 : f32
        %jit3A_444 = arith.constant 5.000000e+00 : f32
        %max3A_445 = vector.broadcast %jit3A_443 : f32 to vector<16xf32>
        %max3A_446 = arith.maximumf %max3A_445, %sub3A_442 : vector<16xf32>
        %min3A_447 = vector.broadcast %jit3A_444 : f32 to vector<16xf32>
        %min3A_448 = arith.minimumf %min3A_447, %max3A_446 : vector<16xf32>
        %swap3A_449 = arith.index_cast %add3A_95 : i32 to index
        %swap3A_450 = arith.constant 272 : index
        %swap3A_451 = tpu.vector_load %arg9[%swap3A_449, %swap3A_450] {strides = array<i32>} : memref<128x512xf32, #tpu.memory_space<vmem>>, vector<16xf32>,
        tpu.vector_store %arg9[%swap3A_449, %swap3A_450], %min3A_448 {strides = array<i32>} : memref<128x512xf32, #tpu.memory_space<vmem>>, vector<16xf32>,
        %get3A_452 = arith.index_cast %add3A_95 : i32 to index
        %get3A_453 = arith.constant 288 : index
        %get3A_454 = tpu.vector_load %arg9[%get3A_452, %get3A_453] {strides = array<i32>} : memref<128x512xf32, #tpu.memory_space<vmem>>, vector<16xf32>,
        %get3A_455 = arith.index_cast %scan3A_92 : i32 to index
        %get3A_456 = arith.constant 288 : index
        %get3A_457 = tpu.vector_load %arg10[%get3A_455, %get3A_456] {strides = array<i32>} : memref<64x512xf32, #tpu.memory_space<vmem>>, vector<16xf32>,
        %mul3A_458 = arith.constant 0.00999999977 : f32
        %mul3A_459 = vector.broadcast %mul3A_458 : f32 to vector<16xf32>
        %mul3A_460 = arith.mulf %mul3A_459, %gather3A : vector<16xf32>
        %mul3A_461 = arith.mulf %mul3A_460, %get3A_457 : vector<16xf32>
        %sub3A_462 = arith.subf %get3A_454, %mul3A_461 : vector<16xf32>
        %jit3A_463 = arith.constant -5.000000e+00 : f32
        %jit3A_464 = arith.constant 5.000000e+00 : f32
        %max3A_465 = vector.broadcast %jit3A_463 : f32 to vector<16xf32>
        %max3A_466 = arith.maximumf %max3A_465, %sub3A_462 : vector<16xf32>
        %min3A_467 = vector.broadcast %jit3A_464 : f32 to vector<16xf32>
        %min3A_468 = arith.minimumf %min3A_467, %max3A_466 : vector<16xf32>
        %swap3A_469 = arith.index_cast %add3A_95 : i32 to index
        %swap3A_470 = arith.constant 288 : index
        %swap3A_471 = tpu.vector_load %arg9[%swap3A_469, %swap3A_470] {strides = array<i32>} : memref<128x512xf32, #tpu.memory_space<vmem>>, vector<16xf32>,
        tpu.vector_store %arg9[%swap3A_469, %swap3A_470], %min3A_468 {strides = array<i32>} : memref<128x512xf32, #tpu.memory_space<vmem>>, vector<16xf32>,
        %get3A_472 = arith.index_cast %add3A_95 : i32 to index
        %get3A_473 = arith.constant 304 : index
        %get3A_474 = tpu.vector_load %arg9[%get3A_472, %get3A_473] {strides = array<i32>} : memref<128x512xf32, #tpu.memory_space<vmem>>, vector<16xf32>,
        %get3A_475 = arith.index_cast %scan3A_92 : i32 to index
        %get3A_476 = arith.constant 304 : index
        %get3A_477 = tpu.vector_load %arg10[%get3A_475, %get3A_476] {strides = array<i32>} : memref<64x512xf32, #tpu.memory_space<vmem>>, vector<16xf32>,
        %mul3A_478 = arith.constant 0.00999999977 : f32
        %mul3A_479 = vector.broadcast %mul3A_478 : f32 to vector<16xf32>
        %mul3A_480 = arith.mulf %mul3A_479, %gather3A : vector<16xf32>
        %mul3A_481 = arith.mulf %mul3A_480, %get3A_477 : vector<16xf32>
        %sub3A_482 = arith.subf %get3A_474, %mul3A_481 : vector<16xf32>
        %jit3A_483 = arith.constant -5.000000e+00 : f32
        %jit3A_484 = arith.constant 5.000000e+00 : f32
        %max3A_485 = vector.broadcast %jit3A_483 : f32 to vector<16xf32>
        %max3A_486 = arith.maximumf %max3A_485, %sub3A_482 : vector<16xf32>
        %min3A_487 = vector.broadcast %jit3A_484 : f32 to vector<16xf32>
        %min3A_488 = arith.minimumf %min3A_487, %max3A_486 : vector<16xf32>
        %swap3A_489 = arith.index_cast %add3A_95 : i32 to index
        %swap3A_490 = arith.constant 304 : index
        %swap3A_491 = tpu.vector_load %arg9[%swap3A_489, %swap3A_490] {strides = array<i32>} : memref<128x512xf32, #tpu.memory_space<vmem>>, vector<16xf32>,
        tpu.vector_store %arg9[%swap3A_489, %swap3A_490], %min3A_488 {strides = array<i32>} : memref<128x512xf32, #tpu.memory_space<vmem>>, vector<16xf32>,
        %get3A_492 = arith.index_cast %add3A_95 : i32 to index
        %get3A_493 = arith.constant 320 : index
        %get3A_494 = tpu.vector_load %arg9[%get3A_492, %get3A_493] {strides = array<i32>} : memref<128x512xf32, #tpu.memory_space<vmem>>, vector<16xf32>,
        %get3A_495 = arith.index_cast %scan3A_92 : i32 to index
        %get3A_496 = arith.constant 320 : index
        %get3A_497 = tpu.vector_load %arg10[%get3A_495, %get3A_496] {strides = array<i32>} : memref<64x512xf32, #tpu.memory_space<vmem>>, vector<16xf32>,
        %mul3A_498 = arith.constant 0.00999999977 : f32
        %mul3A_499 = vector.broadcast %mul3A_498 : f32 to vector<16xf32>
        %mul3A_500 = arith.mulf %mul3A_499, %gather3A : vector<16xf32>
        %mul3A_501 = arith.mulf %mul3A_500, %get3A_497 : vector<16xf32>
        %sub3A_502 = arith.subf %get3A_494, %mul3A_501 : vector<16xf32>
        %jit3A_503 = arith.constant -5.000000e+00 : f32
        %jit3A_504 = arith.constant 5.000000e+00 : f32
        %max3A_505 = vector.broadcast %jit3A_503 : f32 to vector<16xf32>
        %max3A_506 = arith.maximumf %max3A_505, %sub3A_502 : vector<16xf32>
        %min3A_507 = vector.broadcast %jit3A_504 : f32 to vector<16xf32>
        %min3A_508 = arith.minimumf %min3A_507, %max3A_506 : vector<16xf32>
        %swap3A_509 = arith.index_cast %add3A_95 : i32 to index
        %swap3A_510 = arith.constant 320 : index
        %swap3A_511 = tpu.vector_load %arg9[%swap3A_509, %swap3A_510] {strides = array<i32>} : memref<128x512xf32, #tpu.memory_space<vmem>>, vector<16xf32>,
        tpu.vector_store %arg9[%swap3A_509, %swap3A_510], %min3A_508 {strides = array<i32>} : memref<128x512xf32, #tpu.memory_space<vmem>>, vector<16xf32>,
        %get3A_512 = arith.index_cast %add3A_95 : i32 to index
        %get3A_513 = arith.constant 336 : index
        %get3A_514 = tpu.vector_load %arg9[%get3A_512, %get3A_513] {strides = array<i32>} : memref<128x512xf32, #tpu.memory_space<vmem>>, vector<16xf32>,
        %get3A_515 = arith.index_cast %scan3A_92 : i32 to index
        %get3A_516 = arith.constant 336 : index
        %get3A_517 = tpu.vector_load %arg10[%get3A_515, %get3A_516] {strides = array<i32>} : memref<64x512xf32, #tpu.memory_space<vmem>>, vector<16xf32>,
        %mul3A_518 = arith.constant 0.00999999977 : f32
        %mul3A_519 = vector.broadcast %mul3A_518 : f32 to vector<16xf32>
        %mul3A_520 = arith.mulf %mul3A_519, %gather3A : vector<16xf32>
        %mul3A_521 = arith.mulf %mul3A_520, %get3A_517 : vector<16xf32>
        %sub3A_522 = arith.subf %get3A_514, %mul3A_521 : vector<16xf32>
        %jit3A_523 = arith.constant -5.000000e+00 : f32
        %jit3A_524 = arith.constant 5.000000e+00 : f32
        %max3A_525 = vector.broadcast %jit3A_523 : f32 to vector<16xf32>
        %max3A_526 = arith.maximumf %max3A_525, %sub3A_522 : vector<16xf32>
        %min3A_527 = vector.broadcast %jit3A_524 : f32 to vector<16xf32>
        %min3A_528 = arith.minimumf %min3A_527, %max3A_526 : vector<16xf32>
        %swap3A_529 = arith.index_cast %add3A_95 : i32 to index
        %swap3A_530 = arith.constant 336 : index
        %swap3A_531 = tpu.vector_load %arg9[%swap3A_529, %swap3A_530] {strides = array<i32>} : memref<128x512xf32, #tpu.memory_space<vmem>>, vector<16xf32>,
        tpu.vector_store %arg9[%swap3A_529, %swap3A_530], %min3A_528 {strides = array<i32>} : memref<128x512xf32, #tpu.memory_space<vmem>>, vector<16xf32>,
        %get3A_532 = arith.index_cast %add3A_95 : i32 to index
        %get3A_533 = arith.constant 352 : index
        %get3A_534 = tpu.vector_load %arg9[%get3A_532, %get3A_533] {strides = array<i32>} : memref<128x512xf32, #tpu.memory_space<vmem>>, vector<16xf32>,
        %get3A_535 = arith.index_cast %scan3A_92 : i32 to index
        %get3A_536 = arith.constant 352 : index
        %get3A_537 = tpu.vector_load %arg10[%get3A_535, %get3A_536] {strides = array<i32>} : memref<64x512xf32, #tpu.memory_space<vmem>>, vector<16xf32>,
        %mul3A_538 = arith.constant 0.00999999977 : f32
        %mul3A_539 = vector.broadcast %mul3A_538 : f32 to vector<16xf32>
        %mul3A_540 = arith.mulf %mul3A_539, %gather3A : vector<16xf32>
        %mul3A_541 = arith.mulf %mul3A_540, %get3A_537 : vector<16xf32>
        %sub3A_542 = arith.subf %get3A_534, %mul3A_541 : vector<16xf32>
        %jit3A_543 = arith.constant -5.000000e+00 : f32
        %jit3A_544 = arith.constant 5.000000e+00 : f32
        %max3A_545 = vector.broadcast %jit3A_543 : f32 to vector<16xf32>
        %max3A_546 = arith.maximumf %max3A_545, %sub3A_542 : vector<16xf32>
        %min3A_547 = vector.broadcast %jit3A_544 : f32 to vector<16xf32>
        %min3A_548 = arith.minimumf %min3A_547, %max3A_546 : vector<16xf32>
        %swap3A_549 = arith.index_cast %add3A_95 : i32 to index
        %swap3A_550 = arith.constant 352 : index
        %swap3A_551 = tpu.vector_load %arg9[%swap3A_549, %swap3A_550] {strides = array<i32>} : memref<128x512xf32, #tpu.memory_space<vmem>>, vector<16xf32>,
        tpu.vector_store %arg9[%swap3A_549, %swap3A_550], %min3A_548 {strides = array<i32>} : memref<128x512xf32, #tpu.memory_space<vmem>>, vector<16xf32>,
        %get3A_552 = arith.index_cast %add3A_95 : i32 to index
        %get3A_553 = arith.constant 368 : index
        %get3A_554 = tpu.vector_load %arg9[%get3A_552, %get3A_553] {strides = array<i32>} : memref<128x512xf32, #tpu.memory_space<vmem>>, vector<16xf32>,
        %get3A_555 = arith.index_cast %scan3A_92 : i32 to index
        %get3A_556 = arith.constant 368 : index
        %get3A_557 = tpu.vector_load %arg10[%get3A_555, %get3A_556] {strides = array<i32>} : memref<64x512xf32, #tpu.memory_space<vmem>>, vector<16xf32>,
        %mul3A_558 = arith.constant 0.00999999977 : f32
        %mul3A_559 = vector.broadcast %mul3A_558 : f32 to vector<16xf32>
        %mul3A_560 = arith.mulf %mul3A_559, %gather3A : vector<16xf32>
        %mul3A_561 = arith.mulf %mul3A_560, %get3A_557 : vector<16xf32>
        %sub3A_562 = arith.subf %get3A_554, %mul3A_561 : vector<16xf32>
        %jit3A_563 = arith.constant -5.000000e+00 : f32
        %jit3A_564 = arith.constant 5.000000e+00 : f32
        %max3A_565 = vector.broadcast %jit3A_563 : f32 to vector<16xf32>
        %max3A_566 = arith.maximumf %max3A_565, %sub3A_562 : vector<16xf32>
        %min3A_567 = vector.broadcast %jit3A_564 : f32 to vector<16xf32>
        %min3A_568 = arith.minimumf %min3A_567, %max3A_566 : vector<16xf32>
        %swap3A_569 = arith.index_cast %add3A_95 : i32 to index
        %swap3A_570 = arith.constant 368 : index
        %swap3A_571 = tpu.vector_load %arg9[%swap3A_569, %swap3A_570] {strides = array<i32>} : memref<128x512xf32, #tpu.memory_space<vmem>>, vector<16xf32>,
        tpu.vector_store %arg9[%swap3A_569, %swap3A_570], %min3A_568 {strides = array<i32>} : memref<128x512xf32, #tpu.memory_space<vmem>>, vector<16xf32>,
        %get3A_572 = arith.index_cast %add3A_95 : i32 to index
        %get3A_573 = arith.constant 384 : index
        %get3A_574 = tpu.vector_load %arg9[%get3A_572, %get3A_573] {strides = array<i32>} : memref<128x512xf32, #tpu.memory_space<vmem>>, vector<16xf32>,
        %get3A_575 = arith.index_cast %scan3A_92 : i32 to index
        %get3A_576 = arith.constant 384 : index
        %get3A_577 = tpu.vector_load %arg10[%get3A_575, %get3A_576] {strides = array<i32>} : memref<64x512xf32, #tpu.memory_space<vmem>>, vector<16xf32>,
        %mul3A_578 = arith.constant 0.00999999977 : f32
        %mul3A_579 = vector.broadcast %mul3A_578 : f32 to vector<16xf32>
        %mul3A_580 = arith.mulf %mul3A_579, %gather3A : vector<16xf32>
        %mul3A_581 = arith.mulf %mul3A_580, %get3A_577 : vector<16xf32>
        %sub3A_582 = arith.subf %get3A_574, %mul3A_581 : vector<16xf32>
        %jit3A_583 = arith.constant -5.000000e+00 : f32
        %jit3A_584 = arith.constant 5.000000e+00 : f32
        %max3A_585 = vector.broadcast %jit3A_583 : f32 to vector<16xf32>
        %max3A_586 = arith.maximumf %max3A_585, %sub3A_582 : vector<16xf32>
        %min3A_587 = vector.broadcast %jit3A_584 : f32 to vector<16xf32>
        %min3A_588 = arith.minimumf %min3A_587, %max3A_586 : vector<16xf32>
        %swap3A_589 = arith.index_cast %add3A_95 : i32 to index
        %swap3A_590 = arith.constant 384 : index
        %swap3A_591 = tpu.vector_load %arg9[%swap3A_589, %swap3A_590] {strides = array<i32>} : memref<128x512xf32, #tpu.memory_space<vmem>>, vector<16xf32>,
        tpu.vector_store %arg9[%swap3A_589, %swap3A_590], %min3A_588 {strides = array<i32>} : memref<128x512xf32, #tpu.memory_space<vmem>>, vector<16xf32>,
        %get3A_592 = arith.index_cast %add3A_95 : i32 to index
        %get3A_593 = arith.constant 400 : index
        %get3A_594 = tpu.vector_load %arg9[%get3A_592, %get3A_593] {strides = array<i32>} : memref<128x512xf32, #tpu.memory_space<vmem>>, vector<16xf32>,
        %get3A_595 = arith.index_cast %scan3A_92 : i32 to index
        %get3A_596 = arith.constant 400 : index
        %get3A_597 = tpu.vector_load %arg10[%get3A_595, %get3A_596] {strides = array<i32>} : memref<64x512xf32, #tpu.memory_space<vmem>>, vector<16xf32>,
        %mul3A_598 = arith.constant 0.00999999977 : f32
        %mul3A_599 = vector.broadcast %mul3A_598 : f32 to vector<16xf32>
        %mul3A_600 = arith.mulf %mul3A_599, %gather3A : vector<16xf32>
        %mul3A_601 = arith.mulf %mul3A_600, %get3A_597 : vector<16xf32>
        %sub3A_602 = arith.subf %get3A_594, %mul3A_601 : vector<16xf32>
        %jit3A_603 = arith.constant -5.000000e+00 : f32
        %jit3A_604 = arith.constant 5.000000e+00 : f32
        %max3A_605 = vector.broadcast %jit3A_603 : f32 to vector<16xf32>
        %max3A_606 = arith.maximumf %max3A_605, %sub3A_602 : vector<16xf32>
        %min3A_607 = vector.broadcast %jit3A_604 : f32 to vector<16xf32>
        %min3A_608 = arith.minimumf %min3A_607, %max3A_606 : vector<16xf32>
        %swap3A_609 = arith.index_cast %add3A_95 : i32 to index
        %swap3A_610 = arith.constant 400 : index
        %swap3A_611 = tpu.vector_load %arg9[%swap3A_609, %swap3A_610] {strides = array<i32>} : memref<128x512xf32, #tpu.memory_space<vmem>>, vector<16xf32>,
        tpu.vector_store %arg9[%swap3A_609, %swap3A_610], %min3A_608 {strides = array<i32>} : memref<128x512xf32, #tpu.memory_space<vmem>>, vector<16xf32>,
        %get3A_612 = arith.index_cast %add3A_95 : i32 to index
        %get3A_613 = arith.constant 416 : index
        %get3A_614 = tpu.vector_load %arg9[%get3A_612, %get3A_613] {strides = array<i32>} : memref<128x512xf32, #tpu.memory_space<vmem>>, vector<16xf32>,
        %get3A_615 = arith.index_cast %scan3A_92 : i32 to index
        %get3A_616 = arith.constant 416 : index
        %get3A_617 = tpu.vector_load %arg10[%get3A_615, %get3A_616] {strides = array<i32>} : memref<64x512xf32, #tpu.memory_space<vmem>>, vector<16xf32>,
        %mul3A_618 = arith.constant 0.00999999977 : f32
        %mul3A_619 = vector.broadcast %mul3A_618 : f32 to vector<16xf32>
        %mul3A_620 = arith.mulf %mul3A_619, %gather3A : vector<16xf32>
        %mul3A_621 = arith.mulf %mul3A_620, %get3A_617 : vector<16xf32>
        %sub3A_622 = arith.subf %get3A_614, %mul3A_621 : vector<16xf32>
        %jit3A_623 = arith.constant -5.000000e+00 : f32
        %jit3A_624 = arith.constant 5.000000e+00 : f32
        %max3A_625 = vector.broadcast %jit3A_623 : f32 to vector<16xf32>
        %max3A_626 = arith.maximumf %max3A_625, %sub3A_622 : vector<16xf32>
        %min3A_627 = vector.broadcast %jit3A_624 : f32 to vector<16xf32>
        %min3A_628 = arith.minimumf %min3A_627, %max3A_626 : vector<16xf32>
        %swap3A_629 = arith.index_cast %add3A_95 : i32 to index
        %swap3A_630 = arith.constant 416 : index
        %swap3A_631 = tpu.vector_load %arg9[%swap3A_629, %swap3A_630] {strides = array<i32>} : memref<128x512xf32, #tpu.memory_space<vmem>>, vector<16xf32>,
        tpu.vector_store %arg9[%swap3A_629, %swap3A_630], %min3A_628 {strides = array<i32>} : memref<128x512xf32, #tpu.memory_space<vmem>>, vector<16xf32>,
        %get3A_632 = arith.index_cast %add3A_95 : i32 to index
        %get3A_633 = arith.constant 432 : index
        %get3A_634 = tpu.vector_load %arg9[%get3A_632, %get3A_633] {strides = array<i32>} : memref<128x512xf32, #tpu.memory_space<vmem>>, vector<16xf32>,
        %get3A_635 = arith.index_cast %scan3A_92 : i32 to index
        %get3A_636 = arith.constant 432 : index
        %get3A_637 = tpu.vector_load %arg10[%get3A_635, %get3A_636] {strides = array<i32>} : memref<64x512xf32, #tpu.memory_space<vmem>>, vector<16xf32>,
        %mul3A_638 = arith.constant 0.00999999977 : f32
        %mul3A_639 = vector.broadcast %mul3A_638 : f32 to vector<16xf32>
        %mul3A_640 = arith.mulf %mul3A_639, %gather3A : vector<16xf32>
        %mul3A_641 = arith.mulf %mul3A_640, %get3A_637 : vector<16xf32>
        %sub3A_642 = arith.subf %get3A_634, %mul3A_641 : vector<16xf32>
        %jit3A_643 = arith.constant -5.000000e+00 : f32
        %jit3A_644 = arith.constant 5.000000e+00 : f32
        %max3A_645 = vector.broadcast %jit3A_643 : f32 to vector<16xf32>
        %max3A_646 = arith.maximumf %max3A_645, %sub3A_642 : vector<16xf32>
        %min3A_647 = vector.broadcast %jit3A_644 : f32 to vector<16xf32>
        %min3A_648 = arith.minimumf %min3A_647, %max3A_646 : vector<16xf32>
        %swap3A_649 = arith.index_cast %add3A_95 : i32 to index
        %swap3A_650 = arith.constant 432 : index
        %swap3A_651 = tpu.vector_load %arg9[%swap3A_649, %swap3A_650] {strides = array<i32>} : memref<128x512xf32, #tpu.memory_space<vmem>>, vector<16xf32>,
        tpu.vector_store %arg9[%swap3A_649, %swap3A_650], %min3A_648 {strides = array<i32>} : memref<128x512xf32, #tpu.memory_space<vmem>>, vector<16xf32>,
        %get3A_652 = arith.index_cast %add3A_95 : i32 to index
        %get3A_653 = arith.constant 448 : index
        %get3A_654 = tpu.vector_load %arg9[%get3A_652, %get3A_653] {strides = array<i32>} : memref<128x512xf32, #tpu.memory_space<vmem>>, vector<16xf32>,
        %get3A_655 = arith.index_cast %scan3A_92 : i32 to index
        %get3A_656 = arith.constant 448 : index
        %get3A_657 = tpu.vector_load %arg10[%get3A_655, %get3A_656] {strides = array<i32>} : memref<64x512xf32, #tpu.memory_space<vmem>>, vector<16xf32>,
        %mul3A_658 = arith.constant 0.00999999977 : f32
        %mul3A_659 = vector.broadcast %mul3A_658 : f32 to vector<16xf32>
        %mul3A_660 = arith.mulf %mul3A_659, %gather3A : vector<16xf32>
        %mul3A_661 = arith.mulf %mul3A_660, %get3A_657 : vector<16xf32>
        %sub3A_662 = arith.subf %get3A_654, %mul3A_661 : vector<16xf32>
        %jit3A_663 = arith.constant -5.000000e+00 : f32
        %jit3A_664 = arith.constant 5.000000e+00 : f32
        %max3A_665 = vector.broadcast %jit3A_663 : f32 to vector<16xf32>
        %max3A_666 = arith.maximumf %max3A_665, %sub3A_662 : vector<16xf32>
        %min3A_667 = vector.broadcast %jit3A_664 : f32 to vector<16xf32>
        %min3A_668 = arith.minimumf %min3A_667, %max3A_666 : vector<16xf32>
        %swap3A_669 = arith.index_cast %add3A_95 : i32 to index
        %swap3A_670 = arith.constant 448 : index
        %swap3A_671 = tpu.vector_load %arg9[%swap3A_669, %swap3A_670] {strides = array<i32>} : memref<128x512xf32, #tpu.memory_space<vmem>>, vector<16xf32>,
        tpu.vector_store %arg9[%swap3A_669, %swap3A_670], %min3A_668 {strides = array<i32>} : memref<128x512xf32, #tpu.memory_space<vmem>>, vector<16xf32>,
        %get3A_672 = arith.index_cast %add3A_95 : i32 to index
        %get3A_673 = arith.constant 464 : index
        %get3A_674 = tpu.vector_load %arg9[%get3A_672, %get3A_673] {strides = array<i32>} : memref<128x512xf32, #tpu.memory_space<vmem>>, vector<16xf32>,
        %get3A_675 = arith.index_cast %scan3A_92 : i32 to index
        %get3A_676 = arith.constant 464 : index
        %get3A_677 = tpu.vector_load %arg10[%get3A_675, %get3A_676] {strides = array<i32>} : memref<64x512xf32, #tpu.memory_space<vmem>>, vector<16xf32>,
        %mul3A_678 = arith.constant 0.00999999977 : f32
        %mul3A_679 = vector.broadcast %mul3A_678 : f32 to vector<16xf32>
        %mul3A_680 = arith.mulf %mul3A_679, %gather3A : vector<16xf32>
        %mul3A_681 = arith.mulf %mul3A_680, %get3A_677 : vector<16xf32>
        %sub3A_682 = arith.subf %get3A_674, %mul3A_681 : vector<16xf32>
        %jit3A_683 = arith.constant -5.000000e+00 : f32
        %jit3A_684 = arith.constant 5.000000e+00 : f32
        %max3A_685 = vector.broadcast %jit3A_683 : f32 to vector<16xf32>
        %max3A_686 = arith.maximumf %max3A_685, %sub3A_682 : vector<16xf32>
        %min3A_687 = vector.broadcast %jit3A_684 : f32 to vector<16xf32>
        %min3A_688 = arith.minimumf %min3A_687, %max3A_686 : vector<16xf32>
        %swap3A_689 = arith.index_cast %add3A_95 : i32 to index
        %swap3A_690 = arith.constant 464 : index
        %swap3A_691 = tpu.vector_load %arg9[%swap3A_689, %swap3A_690] {strides = array<i32>} : memref<128x512xf32, #tpu.memory_space<vmem>>, vector<16xf32>,
        tpu.vector_store %arg9[%swap3A_689, %swap3A_690], %min3A_688 {strides = array<i32>} : memref<128x512xf32, #tpu.memory_space<vmem>>, vector<16xf32>,
        %get3A_692 = arith.index_cast %add3A_95 : i32 to index
        %get3A_693 = arith.constant 480 : index
        %get3A_694 = tpu.vector_load %arg9[%get3A_692, %get3A_693] {strides = array<i32>} : memref<128x512xf32, #tpu.memory_space<vmem>>, vector<16xf32>,
        %get3A_695 = arith.index_cast %scan3A_92 : i32 to index
        %get3A_696 = arith.constant 480 : index
        %get3A_697 = tpu.vector_load %arg10[%get3A_695, %get3A_696] {strides = array<i32>} : memref<64x512xf32, #tpu.memory_space<vmem>>, vector<16xf32>,
        %mul3A_698 = arith.constant 0.00999999977 : f32
        %mul3A_699 = vector.broadcast %mul3A_698 : f32 to vector<16xf32>
        %mul3A_700 = arith.mulf %mul3A_699, %gather3A : vector<16xf32>
        %mul3A_701 = arith.mulf %mul3A_700, %get3A_697 : vector<16xf32>
        %sub3A_702 = arith.subf %get3A_694, %mul3A_701 : vector<16xf32>
        %jit3A_703 = arith.constant -5.000000e+00 : f32
        %jit3A_704 = arith.constant 5.000000e+00 : f32
        %max3A_705 = vector.broadcast %jit3A_703 : f32 to vector<16xf32>
        %max3A_706 = arith.maximumf %max3A_705, %sub3A_702 : vector<16xf32>
        %min3A_707 = vector.broadcast %jit3A_704 : f32 to vector<16xf32>
        %min3A_708 = arith.minimumf %min3A_707, %max3A_706 : vector<16xf32>
        %swap3A_709 = arith.index_cast %add3A_95 : i32 to index
        %swap3A_710 = arith.constant 480 : index
        %swap3A_711 = tpu.vector_load %arg9[%swap3A_709, %swap3A_710] {strides = array<i32>} : memref<128x512xf32, #tpu.memory_space<vmem>>, vector<16xf32>,
        tpu.vector_store %arg9[%swap3A_709, %swap3A_710], %min3A_708 {strides = array<i32>} : memref<128x512xf32, #tpu.memory_space<vmem>>, vector<16xf32>,
        %get3A_712 = arith.index_cast %add3A_95 : i32 to index
        %get3A_713 = arith.constant 496 : index
        %get3A_714 = tpu.vector_load %arg9[%get3A_712, %get3A_713] {strides = array<i32>} : memref<128x512xf32, #tpu.memory_space<vmem>>, vector<16xf32>,
        %get3A_715 = arith.index_cast %scan3A_92 : i32 to index
        %get3A_716 = arith.constant 496 : index
        %get3A_717 = tpu.vector_load %arg10[%get3A_715, %get3A_716] {strides = array<i32>} : memref<64x512xf32, #tpu.memory_space<vmem>>, vector<16xf32>,
        %mul3A_718 = arith.constant 0.00999999977 : f32
        %mul3A_719 = vector.broadcast %mul3A_718 : f32 to vector<16xf32>
        %mul3A_720 = arith.mulf %mul3A_719, %gather3A : vector<16xf32>
        %mul3A_721 = arith.mulf %mul3A_720, %get3A_717 : vector<16xf32>
        %sub3A_722 = arith.subf %get3A_714, %mul3A_721 : vector<16xf32>
        %jit3A_723 = arith.constant -5.000000e+00 : f32
        %jit3A_724 = arith.constant 5.000000e+00 : f32
        %max3A_725 = vector.broadcast %jit3A_723 : f32 to vector<16xf32>
        %max3A_726 = arith.maximumf %max3A_725, %sub3A_722 : vector<16xf32>
        %min3A_727 = vector.broadcast %jit3A_724 : f32 to vector<16xf32>
        %min3A_728 = arith.minimumf %min3A_727, %max3A_726 : vector<16xf32>
        %swap3A_729 = arith.index_cast %add3A_95 : i32 to index
        %swap3A_730 = arith.constant 496 : index
        %swap3A_731 = tpu.vector_load %arg9[%swap3A_729, %swap3A_730] {strides = array<i32>} : memref<128x512xf32, #tpu.memory_space<vmem>>, vector<16xf32>,
        tpu.vector_store %arg9[%swap3A_729, %swap3A_730], %min3A_728 {strides = array<i32>} : memref<128x512xf32, #tpu.memory_space<vmem>>, vector<16xf32>,
        %scan3A_732 = arith.constant 0 : i32
        scf.yield %scan3A_732 : i32
      }
      %scan3A_84 = arith.constant 64 : i32
      %dma_start3A_85 = arith.constant 0 : i32
      %dma_start3A_86 = arith.constant 0 : i32
      %dma_start3A_87 = tpu.memref_slice %arg7[%dma_start3A_85, %dma_start3A_86] : memref<164096x512xf32, #tpu.memory_space<hbm>> -> memref<164096x512xf32, #tpu.memory_space<hbm>>
      tpu.enqueue_indirect_dma source(%arg9 : memref<128x512xf32, #tpu.memory_space<vmem>>) target(%dma_start3A_87 : memref<164096x512xf32, #tpu.memory_space<hbm>>) offsets(%arg12 : memref<128xi32, #tpu.memory_space<vmem>>) semaphore(%arg17 : memref<!tpu.dma_semaphore, #tpu.memory_space<semaphore_mem>>)
      %dma_wait3A_88 = arith.constant 0 : i32
      %dma_wait3A_89 = arith.constant 0 : i32
      %dma_wait3A_90 = tpu.memref_slice %arg7[%dma_wait3A_88, %dma_wait3A_89] : memref<164096x512xf32, #tpu.memory_space<hbm>> -> memref<164096x512xf32, #tpu.memory_space<hbm>>
      tpu.wait_indirect_dma semaphore(%arg17 : memref<!tpu.dma_semaphore, #tpu.memory_space<semaphore_mem>>) src(%arg9 : memref<128x512xf32, #tpu.memory_space<vmem>>) dst(%dma_wait3A_90 : memref<164096x512xf32, #tpu.memory_space<hbm>>)
      "tpu.region"() ({
        %run_scoped3A = tpu.sem_alloc : memref<!tpu.dma_semaphore, #tpu.memory_space<semaphore_mem>>
        %dma_start3A_92 = arith.constant 0 : i32
        %dma_start3A_93 = tpu.memref_slice %arg8[%add3A_11, %dma_start3A_92] : memref<640x128xf32, #tpu.memory_space<hbm>> -> memref<1x128xf32, #tpu.memory_space<hbm>>
        %dma_start3A_94 = tpu.memref_squeeze %dma_start3A_93 : memref<1x128xf32, #tpu.memory_space<hbm>> -> memref<128xf32, #tpu.memory_space<hbm>>
        %dma_start3A_95 = arith.constant 0 : i32
        %dma_start3A_96 = tpu.memref_slice %arg8[%add3A_11, %dma_start3A_95] : memref<640x128xf32, #tpu.memory_space<hbm>> -> memref<1x128xf32, #tpu.memory_space<hbm>>
        %dma_start3A_97 = tpu.memref_squeeze %dma_start3A_96 : memref<1x128xf32, #tpu.memory_space<hbm>> -> memref<128xf32, #tpu.memory_space<hbm>>
        tpu.enqueue_dma source(%arg15 : memref<128xf32, #tpu.memory_space<vmem>>) target(%dma_start3A_97 : memref<128xf32, #tpu.memory_space<hbm>>) target_semaphore(%run_scoped3A : memref<!tpu.dma_semaphore, #tpu.memory_space<semaphore_mem>>)
        %dma_wait3A_98 = arith.constant 0 : i32
        %dma_wait3A_99 = tpu.memref_slice %arg8[%add3A_11, %dma_wait3A_98] : memref<640x128xf32, #tpu.memory_space<hbm>> -> memref<1x128xf32, #tpu.memory_space<hbm>>
        %dma_wait3A_100 = tpu.memref_squeeze %dma_wait3A_99 : memref<1x128xf32, #tpu.memory_space<hbm>> -> memref<128xf32, #tpu.memory_space<hbm>>
        %dma_wait3A_101 = arith.constant 0 : i32
        %dma_wait3A_102 = tpu.memref_slice %arg8[%add3A_11, %dma_wait3A_101] : memref<640x128xf32, #tpu.memory_space<hbm>> -> memref<1x128xf32, #tpu.memory_space<hbm>>
        %dma_wait3A_103 = tpu.memref_squeeze %dma_wait3A_102 : memref<1x128xf32, #tpu.memory_space<hbm>> -> memref<128xf32, #tpu.memory_space<hbm>>
        tpu.wait_dma2 semaphore(%run_scoped3A : memref<!tpu.dma_semaphore, #tpu.memory_space<semaphore_mem>>) src(%arg15 : memref<128xf32, #tpu.memory_space<vmem>>) dst(%dma_wait3A_103 : memref<128xf32, #tpu.memory_space<hbm>>)
        tpu.yield
      }) : () -> ()
      %scan3A_91 = arith.constant 0 : i32
      scf.yield %scan3A_91 : i32
    }
    %scan3A_8 = arith.constant 20 : i32
    return
  }
}

module attributes {stable_mosaic.version = 14 : i64} {
  func.func @_index_body(%arg0: i32, %arg1: i32, %arg2: memref<1x1x8x128xf32, #tpu.memory_space<vmem>>, %arg3: memref<1x8x1xf32, #tpu.memory_space<vmem>>, %arg4: memref<128x128xf32, #tpu.memory_space<vmem>>, %arg5: memref<1x1x128xi32, #tpu.memory_space<vmem>>, %arg6: memref<1x1x128xi32, #tpu.memory_space<vmem>>) attributes {dimension_semantics = [#tpu.dimension_semantics<arbitrary>, #tpu.dimension_semantics<arbitrary>], iteration_bounds = array<i64: 10, 64>, scalar_prefetch = 0 : i64, scratch_operands = 0 : i64, tpu.core_type = #tpu.core_type<tc>, window_params = [{transform_indices = @transform_0, window_bounds = array<i64: 1, 1, 8, 128>}, {transform_indices = @transform_1, window_bounds = array<i64: 1, 8, 1>}, {pipeline_mode = #tpu.pipeline_mode<synchronous>, transform_indices = @transform_2, window_bounds = array<i64: 128, 128>}, {transform_indices = @transform_3, window_bounds = array<i64: 1, 1, 128>}, {transform_indices = @transform_4, window_bounds = array<i64: 1, 1, 128>}]} {
    %mul3A = arith.constant 64 : i32
    %mul3A_0 = arith.muli %arg0, %mul3A : i32
    %add3A = arith.addi %mul3A_0, %arg1 : i32
    %get3A = arith.constant 0 : index
    %get3A_1 = arith.constant 0 : index
    %get3A_2 = arith.constant 0 : index
    %get3A_3 = arith.constant 0 : index
    %get3A_4 = vector.load %arg2[%get3A, %get3A_1, %get3A_2, %get3A_3] : memref<1x1x8x128xf32, #tpu.memory_space<vmem>>, vector<1x1x8x128xf32>
    %get3A_5 = vector.shape_cast %get3A_4 : vector<1x1x8x128xf32> to vector<8x128xf32>
    %get3A_6 = arith.constant 0 : index
    %get3A_7 = arith.constant 0 : index
    %get3A_8 = vector.load %arg4[%get3A_6, %get3A_7] : memref<128x128xf32, #tpu.memory_space<vmem>>, vector<128x128xf32>
    %dot_general3A = arith.constant dense<0.000000e+00> : vector<8x128xf32>
    %dot_general3A_9 = tpu.matmul %get3A_5, %get3A_8, %dot_general3A {dimension_numbers = #tpu.dot_dimension_numbers<[1], [0], [0], [1], [0, 0, 1, 1], [], []>, transpose_lhs_hint = false} : vector<8x128xf32>, vector<128x128xf32>, vector<8x128xf32> -> vector<8x128xf32>
    %get3A_10 = arith.constant 0 : index
    %get3A_11 = arith.constant 0 : index
    %get3A_12 = arith.constant 0 : index
    %get3A_13 = vector.load %arg3[%get3A_10, %get3A_11, %get3A_12] : memref<1x8x1xf32, #tpu.memory_space<vmem>>, vector<1x8x1xf32>
    %get3A_14 = vector.shape_cast %get3A_13 : vector<1x8x1xf32> to vector<8x1xf32>
    %gt3A = vector.broadcast %get3A_14 : vector<8x1xf32> to vector<8x128xf32>
    %gt3A_15 = arith.cmpf ogt, %dot_general3A_9, %gt3A : vector<8x128xf32>
    %convert_element_type3A = arith.extui %gt3A_15 : vector<8x128xi1> to vector<8x128xi32>
    %iota3A = tpu.iota {dimensions = array<i32: 0>} : vector<8x128xi32>
    %shift_left3A = arith.constant 1 : i32
    %shift_left3A_16 = vector.broadcast %shift_left3A : i32 to vector<8x128xi32>
    %shift_left3A_17 = arith.shli %shift_left3A_16, %iota3A : vector<8x128xi32>
    %mul3A_18 = arith.muli %convert_element_type3A, %shift_left3A_17 : vector<8x128xi32>
    %reduce_sum3A = arith.constant dense<0> : vector<128xi32>
    %reduce_sum3A_19 = vector.multi_reduction <add>, %mul3A_18, %reduce_sum3A [0] : vector<8x128xi32> to vector<128xi32>
    %broadcast_in_dim3A = vector.shape_cast %reduce_sum3A_19 : vector<128xi32> to vector<1x128xi32>
    %transpose3A = tpu.transpose %broadcast_in_dim3A, [1, 0] : vector<1x128xi32> -> vector<128x1xi32>
    %eq3A = vector.broadcast %transpose3A : vector<128x1xi32> to vector<128x128xi32>
    %eq3A_20 = vector.broadcast %broadcast_in_dim3A : vector<1x128xi32> to vector<128x128xi32>
    %eq3A_21 = arith.cmpi eq, %eq3A, %eq3A_20 : vector<128x128xi32>
    %iota3A_22 = tpu.iota {dimensions = array<i32: 0>} : vector<128x128xi32>
    %iota3A_23 = tpu.iota {dimensions = array<i32: 1>} : vector<128x128xi32>
    %gt3A_24 = arith.cmpi sgt, %iota3A_22, %iota3A_23 : vector<128x128xi32>
    %and3A = arith.andi %eq3A_21, %gt3A_24 : vector<128x128xi1>
    %reduce_or3A = arith.constant 1.000000e+00 : f32
    %reduce_or3A_25 = arith.constant 0.000000e+00 : f32
    %reduce_or3A_26 = vector.broadcast %reduce_or3A : f32 to vector<128x128xf32>
    %reduce_or3A_27 = vector.broadcast %reduce_or3A_25 : f32 to vector<128x128xf32>
    %reduce_or3A_28 = arith.select %and3A, %reduce_or3A_26, %reduce_or3A_27 : vector<128x128xi1>, vector<128x128xf32>
    %reduce_or3A_29 = arith.constant dense<0xFF800000> : vector<128xf32>
    %reduce_or3A_30 = vector.multi_reduction <maximumf>, %reduce_or3A_28, %reduce_or3A_29 [0] : vector<128x128xf32> to vector<128xf32>
    %reduce_or3A_31 = arith.constant 0.000000e+00 : f32
    %reduce_or3A_32 = vector.broadcast %reduce_or3A_31 : f32 to vector<128xf32>
    %reduce_or3A_33 = arith.cmpf ogt, %reduce_or3A_30, %reduce_or3A_32 : vector<128xf32>
    %broadcast_in_dim3A_34 = vector.shape_cast %reduce_or3A_33 : vector<128xi1> to vector<1x128xi1>
    %mul3A_35 = arith.constant 256 : i32
    %mul3A_36 = arith.muli %add3A, %mul3A_35 : i32
    %add3A_37 = vector.broadcast %mul3A_36 : i32 to vector<1x128xi32>
    %add3A_38 = arith.addi %add3A_37, %broadcast_in_dim3A : vector<1x128xi32>
    %iota3A_39 = tpu.iota {dimensions = array<i32: 1>} : vector<1x128xi32>
    %mul3A_40 = arith.constant 128 : i32
    %mul3A_41 = arith.muli %add3A, %mul3A_40 : i32
    %add3A_42 = vector.broadcast %mul3A_41 : i32 to vector<1x128xi32>
    %add3A_43 = arith.addi %add3A_42, %iota3A_39 : vector<1x128xi32>
    %jit3A = arith.constant 256 : i32
    %eq3A_44 = arith.constant 0 : i32
    %eq3A_45 = arith.cmpi eq, %jit3A, %eq3A_44 : i32
    %jit3A_46 = arith.constant 1 : i32
    %select_n3A = arith.select %eq3A_45, %jit3A_46, %jit3A : i32
    %rem3A = vector.broadcast %select_n3A : i32 to vector<1x128xi32>
    %rem3A_47 = arith.remsi %add3A_43, %rem3A : vector<1x128xi32>
    %ne3A = arith.constant 0 : i32
    %ne3A_48 = vector.broadcast %ne3A : i32 to vector<1x128xi32>
    %ne3A_49 = arith.cmpi ne, %rem3A_47, %ne3A_48 : vector<1x128xi32>
    %lt3A = arith.constant 0 : i32
    %lt3A_50 = vector.broadcast %lt3A : i32 to vector<1x128xi32>
    %lt3A_51 = arith.cmpi slt, %rem3A_47, %lt3A_50 : vector<1x128xi32>
    %lt3A_52 = arith.constant 0 : i32
    %lt3A_53 = arith.cmpi slt, %select_n3A, %lt3A_52 : i32
    %ne3A_54 = vector.broadcast %lt3A_53 : i1 to vector<1x128xi1>
    %ne3A_55 = vector.broadcast %ne3A_54 : vector<1x128xi1> to vector<1x128xi1>
    %ne3A_56 = arith.xori %lt3A_51, %ne3A_55 : vector<1x128xi1>
    %and3A_57 = arith.andi %ne3A_56, %ne3A_49 : vector<1x128xi1>
    %add3A_58 = vector.broadcast %select_n3A : i32 to vector<1x128xi32>
    %add3A_59 = arith.addi %rem3A_47, %add3A_58 : vector<1x128xi32>
    %select_n3A_60 = arith.select %and3A_57, %add3A_59, %rem3A_47 : vector<1x128xi1>, vector<1x128xi32>
    %add3A_61 = arith.constant 163840 : i32
    %add3A_62 = vector.broadcast %add3A_61 : i32 to vector<1x128xi32>
    %add3A_63 = arith.addi %add3A_62, %select_n3A_60 : vector<1x128xi32>
    %swap3A = arith.constant 0 : index
    %swap3A_64 = arith.constant 0 : index
    %swap3A_65 = arith.constant 0 : index
    %swap3A_66 = vector.load %arg5[%swap3A, %swap3A_64, %swap3A_65] : memref<1x1x128xi32, #tpu.memory_space<vmem>>, vector<1x1x128xi32>
    %swap3A_67 = vector.shape_cast %swap3A_66 : vector<1x1x128xi32> to vector<1x128xi32>
    %swap3A_68 = vector.shape_cast %add3A_38 : vector<1x128xi32> to vector<1x1x128xi32>
    tpu.vector_store %arg5[%swap3A, %swap3A_64, %swap3A_65], %swap3A_68 {strides = array<i32>} : memref<1x1x128xi32, #tpu.memory_space<vmem>>, vector<1x1x128xi32>,
    %select_n3A_69 = arith.select %broadcast_in_dim3A_34, %add3A_63, %add3A_38 : vector<1x128xi1>, vector<1x128xi32>
    %swap3A_70 = arith.constant 0 : index
    %swap3A_71 = arith.constant 0 : index
    %swap3A_72 = arith.constant 0 : index
    %swap3A_73 = vector.load %arg6[%swap3A_70, %swap3A_71, %swap3A_72] : memref<1x1x128xi32, #tpu.memory_space<vmem>>, vector<1x1x128xi32>
    %swap3A_74 = vector.shape_cast %swap3A_73 : vector<1x1x128xi32> to vector<1x128xi32>
    %swap3A_75 = vector.shape_cast %select_n3A_69 : vector<1x128xi32> to vector<1x1x128xi32>
    tpu.vector_store %arg6[%swap3A_70, %swap3A_71, %swap3A_72], %swap3A_75 {strides = array<i32>} : memref<1x1x128xi32, #tpu.memory_space<vmem>>, vector<1x1x128xi32>,
    return
  }
  func.func @transform_0(%arg0: i32, %arg1: i32) -> (i32, i32, i32, i32) {
    %c0_i32 = arith.constant 0 : i32
    %c0_i32_0 = arith.constant 0 : i32
    %c0_i32_1 = arith.constant 0 : i32
    return %arg0, %arg1, %c0_i32, %c0_i32_0 : i32, i32, i32, i32
  }
  func.func @transform_1(%arg0: i32, %arg1: i32) -> (i32, i32, i32) {
    %mul3A = arith.constant 64 : i32
    %mul3A_0 = arith.muli %arg0, %mul3A : i32
    %add3A = arith.addi %mul3A_0, %arg1 : i32
    %c0_i32 = arith.constant 0 : i32
    %c0_i32_1 = arith.constant 0 : i32
    %c0_i32_2 = arith.constant 0 : i32
    return %add3A, %c0_i32, %c0_i32_1 : i32, i32, i32
  }
  func.func @transform_2(%arg0: i32, %arg1: i32) -> (i32, i32) {
    %c0_i32 = arith.constant 0 : i32
    %c0_i32_0 = arith.constant 0 : i32
    %c0_i32_1 = arith.constant 0 : i32
    return %c0_i32, %c0_i32_0 : i32, i32
  }
  func.func @transform_3(%arg0: i32, %arg1: i32) -> (i32, i32, i32) {
    %mul3A = arith.constant 64 : i32
    %mul3A_0 = arith.muli %arg0, %mul3A : i32
    %add3A = arith.addi %mul3A_0, %arg1 : i32
    %c0_i32 = arith.constant 0 : i32
    %c0_i32_1 = arith.constant 0 : i32
    %c0_i32_2 = arith.constant 0 : i32
    return %add3A, %c0_i32, %c0_i32_1 : i32, i32, i32
  }
  func.func @transform_4(%arg0: i32, %arg1: i32) -> (i32, i32, i32) {
    %mul3A = arith.constant 64 : i32
    %mul3A_0 = arith.muli %arg0, %mul3A : i32
    %add3A = arith.addi %mul3A_0, %arg1 : i32
    %c0_i32 = arith.constant 0 : i32
    %c0_i32_1 = arith.constant 0 : i32
    %c0_i32_2 = arith.constant 0 : i32
    return %add3A, %c0_i32, %c0_i32_1 : i32, i32, i32
  }
}

</mosaic_0001>

<sc_bundles>
// kernel: kernel.4.cloned.1.call-start
scs
__scs_entry_jumppad:
0x0: {  	(pc) =	sbr.rel $0x88, $3  }
0x1: {  	(tag) =	ssettag $0x0;
	lr =	simm.s32 $0x1  }
0x2: {  	[smem:$0x3F9B] =	sst lr;
	_ =	strace $0xD0000000  }
0x3: {  	_ = 	snop  }
0x4: {  	_ = 	snop  }
0x5: {  	_ = 	snop  }
0x6: {  	_ = 	snop  }
0x7: {  	_ = 	snop  }
__scs_overlays_trampoline_lowered:
0x8: {  	[smem:$0x3FAA] =	sst s0  }
0x9: {  	[smem:$0x3FAB] =	sst s1  }
0xa: {  	[smem:$0x3FAC] =	sst s2  }
0xb: {  	[smem:$0x3FAD] =	sst s3  }
0xc: {  	[smem:$0x3FAE] =	sst s4  }
0xd: {  	[smem:$0x3FAF] =	sst s5  }
0xe: {  	[smem:$0x3FB0] =	sst s6  }
0xf: {  	[smem:$0x3FB1] =	sst s7  }
0x10: {  	[smem:$0x3FB2] =	sst s8  }
0x11: {  	[smem:$0x3FB3] =	sst s9;
	s0 =	simm.s32 @!p0 $0x0  }
0x12: {  	s1 =	sld [smem:$0x3F99];
	s0 =	simm.s32 @p0 $0x1  }
0x13: {  	[smem:$0x3FB4] =	sst s0;
	s0 =	simm.s32 @!p1 $0x0  }
0x14: {  	s2 =	sld [smem:$0x3F98];
	s0 =	simm.s32 @p1 $0x1  }
0x15: {  	[smem:$0x3FB5] =	sst s0;
	s0 =	simm.s32 @!p2 $0x0  }
0x16: {  	s3 =	sld [smem:$0x3FDB];
	s0 =	simm.s32 @p2 $0x1  }
0x17: {  	s4 =	simm.s32 $0x1BF5;
	[smem:$0x3FB7] =	sst s0  }
0x18: {  	s0 =	sld [smem:$0x3F9A];
	_ =	swait.ge [sflag:s4], $0x0  }
0x19: {  	s7 =	sld [smem:$0x3F9B]  }
0x1a: {  	s8 =	sadd.s32 $0xFFFFE003, lr  }
0x1b: {  	s9 =	sadd.s32 $0xFFFFFEF7, lr;
	s5 =	simm.s32 $0xFFFFFFFF;
	p2 =	slt.u32 s8, $0xFFFFF086  }
0x1c: {  	p1 =	slt.u32 s9, $0xF7A;
	s5 =	simm.s32 @!p2 $0x0  }
0x1d: {  	s5 =	simm.s32 @p1 $0x1;
	p0 =	seq.s32 s7, s2  }
0x1e: {  	s7 =	smul.u32 @!p0 $0xF7A, s2;
	p2 =	seq.s32 @!p0 s5, $0x0  }
0x1f: {  	s9 =	smul.u32 $0xF7A, s1;
	s8 =	simm.s32 @!p0 $0x1BF5;
	p2 =	por !p2, p0  }
0x20: {  	[sflag:s8] =	ssyncset.s32 @!p0 $0xFFFFF086;
	s6 =	sadd.s32 @!p0 s3, s7;
	s7 =	simm.s32 @!p0 $0x108  }
0x21: {  	s3 =	sadd.s32 s3, s9;
	s6 =	sadd.s32 @!p0 $0x88, s6;
	s7 =	simm.s32 @p2 $0x1082  }
0x22: {  	[simem:s7], [sflag:s8] =	dma.local @!p0 [hbm:s6], $0xF7A  }
0x23: {  	s9 =	sor.u32 $0xD0000000, s2;
	s6 =	simm.s32 $0x108;
	_ =	swait.ge @!p0 [sflag:s8], $0x0  }
0x24: {  	s3 =	sadd.s32 $0x88, s3;
	s6 =	simm.s32 @!p1 $0x1082;
	[sflag:s4] =	ssyncset.s32 $0xFFFFF086  }
0x25: {  	[simem:s6], [sflag:s4] =	dma.local [hbm:s3], $0xF7A  }
0x26: {  	[smem:$0x3F9B] =	sst s1;
	(tag) =	ssettag s2;
	_ =	strace s9  }
0x27: {  	s1 =	sld [smem:$0x3FAB]  }
0x28: {  	s2 =	sld [smem:$0x3FAC]  }
0x29: {  	s4 =	sld [smem:$0x3FAE]  }
0x2a: {  	p0 =	seq.s32 s5, $0x0;
	s5 =	sld [smem:$0x3FAF]  }
0x2b: {  	s6 =	sld [smem:$0x3FB0]  }
0x2c: {  	s7 =	sld [smem:$0x3FB1]  }
0x2d: {  	s3 =	simm.s32 $0x108;
	s8 =	sld [smem:$0x3FB2]  }
0x2e: {  	s3 =	simm.s32 @!p0 $0x1082;
	s9 =	sld [smem:$0x3FB3]  }
0x2f: {  	lr =	sadd.s32 s0, s3;
	s0 =	sld [smem:$0x3FAA]  }
0x30: {  	s3 =	sld [smem:$0x3FAD]  }
0x31: {  	[smem:$0x3FB6] =	sst s10  }
0x32: {  	s10 =	sld [smem:$0x3FB4];
	_ =	sdelay $0x3  }
0x33: {  	p0 =	seq.s32 s10, $0x1;
	s10 =	sld [smem:$0x3FB6];
	_ =	sdelay $0x3  }
0x34: {  	[smem:$0x3FB6] =	sst s10  }
0x35: {  	s10 =	sld [smem:$0x3FB5];
	_ =	sdelay $0x3  }
0x36: {  	p1 =	seq.s32 s10, $0x1;
	s10 =	sld [smem:$0x3FB6];
	_ =	sdelay $0x3  }
0x37: {  	[smem:$0x3FB6] =	sst s10  }
0x38: {  	s10 =	sld [smem:$0x3FB7]  }
0x39: {  	_ = 	snop;
	(pc) =	sbr.ind lr, $3  }
0x3a: {  	_ = 	snop  }
0x3b: {  	_ = 	snop  }
0x3c: {  	p2 =	seq.s32 s10, $0x1;
	s10 =	sld [smem:$0x3FB6]  }
0x3d: {  	_ =	shalt  }
0x3e: {  	_ =	shalt  }
0x3f: {  	_ =	shalt  }
0x40: {  	_ =	shalt  }
0x41: {  	_ =	shalt  }
0x42: {  	_ =	shalt  }
0x43: {  	_ =	shalt  }
0x44: {  	_ =	shalt  }
0x45: {  	_ =	shalt  }
0x46: {  	_ =	shalt  }
0x47: {  	_ =	shalt  }
0x48: {  	_ =	shalt  }
0x49: {  	_ =	shalt  }
0x4a: {  	_ =	shalt  }
0x4b: {  	_ =	shalt  }
0x4c: {  	_ =	shalt  }
0x4d: {  	_ =	shalt  }
0x4e: {  	_ =	shalt  }
0x4f: {  	_ =	shalt  }
0x50: {  	_ =	shalt  }
0x51: {  	_ =	shalt  }
0x52: {  	_ =	shalt  }
0x53: {  	_ =	shalt  }
0x54: {  	_ =	shalt  }
0x55: {  	_ =	shalt  }
0x56: {  	_ =	shalt  }
0x57: {  	_ =	shalt  }
0x58: {  	_ =	shalt  }
0x59: {  	_ =	shalt  }
0x5a: {  	_ =	shalt  }
0x5b: {  	_ =	shalt  }
0x5c: {  	_ =	shalt  }
0x5d: {  	_ =	shalt  }
0x5e: {  	_ =	shalt  }
0x5f: {  	_ =	shalt  }
0x60: {  	_ =	shalt  }
0x61: {  	_ =	shalt  }
0x62: {  	_ =	shalt  }
0x63: {  	_ =	shalt  }
0x64: {  	_ =	shalt  }
0x65: {  	_ =	shalt  }
0x66: {  	_ =	shalt  }
0x67: {  	_ =	shalt  }
0x68: {  	_ =	shalt  }
0x69: {  	_ =	shalt  }
0x6a: {  	_ =	shalt  }
0x6b: {  	_ =	shalt  }
0x6c: {  	_ =	shalt  }
0x6d: {  	_ =	shalt  }
0x6e: {  	_ =	shalt  }
0x6f: {  	_ =	shalt  }
0x70: {  	_ =	shalt  }
0x71: {  	_ =	shalt  }
0x72: {  	_ =	shalt  }
0x73: {  	_ =	shalt  }
0x74: {  	_ =	shalt  }
0x75: {  	_ =	shalt  }
0x76: {  	_ =	shalt  }
0x77: {  	_ =	shalt  }
0x78: {  	_ =	shalt  }
0x79: {  	_ =	shalt  }
0x7a: {  	_ =	shalt  }
0x7b: {  	_ =	shalt  }
0x7c: {  	_ =	shalt  }
0x7d: {  	_ =	shalt  }
0x7e: {  	_ =	shalt  }
0x7f: {  	_ =	shalt  }
0x80: {  	_ =	shalt  }
0x81: {  	_ =	shalt  }
0x82: {  	_ =	shalt  }
0x83: {  	_ =	shalt  }
0x84: {  	_ =	shalt  }
0x85: {  	_ =	shalt  }
0x86: {  	_ =	shalt  }
0x87: {  	_ =	shalt  }
.Lfunc_end0:
.L_simem_size_0:
called_computation_lowered:
.L_overlay_start_0:
0x88: {  	s2 =	sld [smem:$0x3FD9]  }
0x89: {  	s3 =	sld [smem:$0x3FFE];
	_ =	sdelay $0x1  }
0x8a: {  	s1 =	srdreg.scid  }
0x8b: {  	s0 =	sand.u32 $0x1, s1  }
0x8c: {  	s14 =	sshll.u32 s0, $0xA;
	s2 =	sadd.s32 s3, s2  }
0x8d: {  	s2 =	sadd.s32 s2, s14  }
0x8e: {  	[smem:$0x3FC2] =	sst s2  }
0x8f: {  	_ = 	snop  }
0x90: {  	s2 =	sld [smem:$0x3FD0];
	_ =	sdelay $0x2  }
0x91: {  	s4 =	simm.s32 $0xA;
	s5 =	simm.s32 $0x10;
	s15 =	sld [smem:$0x3FC7]  }
0x92: {  	[smem:s5], [sflag:s4] =	dma.local [hbm:s2], $0x1  }
0x93: {  	_ =	swait.eq [sflag:s4], $0x1  }
0x94: {  	[sflag:s4] =	ssyncset.done $0x0  }
0x95: {  	s16 =	sld [smem:$0x10];
	[sflag:s4] =	ssyncadd.s32 $0xFFFFFFFF  }
0x96: {  	s17 =	sld [smem:$0x11];
	(tm) =	ssettm $0x1  }
0x97: {  	s18 =	sld [smem:$0x3FFB];
	_ =	sdelay $0x3  }
0x98: {  	_ =	strace s18  }
0x99: {  	s5 =	sld [smem:$0x3FFC];
	_ =	sdelay $0x3  }
0x9a: {  	_ =	strace s5  }
0x9b: {  	s5 =	sld [smem:$0x3FFD];
	_ =	sdelay $0x3  }
0x9c: {  	_ =	strace s5  }
0x9d: {  	_ =	strace $0x8FFFFFFF  }
0x9e: {  	s19 =	sld [smem:$0x3FDB];
	_ =	sdelay $0x1  }
0x9f: {  	s6 =	simm.s32 $_scs_section_size  }
0xa0: {  	s7 =	simm.s32 $_size__tile_overlayer_lowered;
	s8 =	simm.s32 $_tile_overlayer_lowered  }
0xa1: {  	s22 =	simm.s32 $0x1BFF;
	s21 =	sshll.u32 s8, $0x1;
	s5 =	sadd.s32 s6, s19  }
0xa2: {  	s9 =	simm.s32 $0x0;
	s20 =	sshll.u32 s7, $0x1;
	s7 =	sadd.s32 s21, s5  }
0xa3: {  	[timem:s9], [sflag:s22] =	dma.local [hbm:s7], s20  }
0xa4: {  	_ =	swait.ge [sflag:s22], s20  }
0xa5: {  	s6 =	ssub.s32 $0x0, s20;
	[sflag:s22] =	ssyncset.done $0x0  }
0xa6: {  	[sflag:s22] =	ssyncadd.s32 s6;
	_ =	sdelay $0x1  }
0xa7: {  	s23 =	simm.s32 $0x1B8B  }
0xa8: {  	_ =	swait.ge [sflag:s23], $0x1  }
0xa9: {  	[sflag:s23] =	ssyncset.done $0x0  }
0xaa: {  	s25 =	simm.s32 $0x1B8E;
	s24 =	sld [smem:$0x3FFE];
	[sflag:s23] =	ssyncadd.s32 $0xFFFFFFFF  }
0xab: {  	s26 =	simm.s32 $execute0_lowered;
	[smem:$0x3FD2] =	sst s25  }
0xac: {  	s7 =	sshll.u32 s26, $0x1;
	_ =	strace $0x80000046;
	[dreg:$0x1] =	wrdreg $0xFFFFFFFF  }
0xad: {  	s28 =	simm.s32 $_size_execute0_lowered;
	s5 =	sadd.s32 s5, s7;
	[dreg:$0x0] =	wrdreg $0x0  }
0xae: {  	s7 =	sshll.u32 s28, $0x1;
	[dreg:$0x2] =	wrdreg s5  }
0xaf: {  	[dreg:$0x3] =	wrdreg s7  }
0xb0: {  	[dreg:$0x4] =	wrdreg $0xC0  }
0xb1: {  	_ =	task [dreg:s9], $0x5FFFF  }
0xb2: {  	[dreg:$0x1] =	wrdreg $0xFFFFFFFF  }
0xb3: {  	[dreg:$0x0] =	wrdreg $0x60  }
0xb4: {  	[dreg:$0x2] =	wrdreg s24  }
0xb5: {  	[dreg:$0x3] =	wrdreg s17  }
0xb6: {  	[dreg:$0x4] =	wrdreg s15  }
0xb7: {  	[dreg:$0x5] =	wrdreg s16  }
0xb8: {  	[dreg:$0x6] =	wrdreg $0x9  }
0xb9: {  	_ =	task.clear_ibuf [dreg:s9], $0x7FFFF;
	_ =	strace $0x90000046  }
0xba: {  	s29 =	simm.s32 $0x9;
	_ =	strace $0x80000048  }
0xbb: {  	_ =	swait.ge [sflag:s29], $0x1  }
0xbc: {  	[sflag:s29] =	ssyncadd.s32 $0xFFFFFFFF  }
0xbd: {  	_ =	strace $0x90000048  }
0xbe: {  	_ =	sfence  }
0xbf: {  	s30 =	sld [smem:$0x0];
	_ =	sdelay $0x2  }
0xc0: {  	s31 =	sshll.u32 s1, $0xD;
	s1 =	sshrl.u32 s1, $0x2  }
0xc1: {  	s3 =	sand.u32 $0x4000, s31;
	s1 =	sadd.s32 s1, s30  }
0xc2: {  	s0 =	sor.u32 s3, s0;
	s1 =	sshll.u32 s1, $0x11  }
0xc3: {  	s0 =	sor.u32 s1, s0  }
0xc4: {  	s0 =	sadd.s32 $0x8F2B, s0  }
0xc5: {  	[sflag:s0] =	ssyncadd.remote.s32 $0x1  }
0xc6: {  	_ =	sfence.sel $0xFFFF  }
0xc7: {  	[dreg:$0x0] =	wrdreg $0xFFFFFFFF;
	(pc) =	sbr.abs _section_cstart, $3  }
0xc8: {  	[dreg:$0x1] =	wrdreg $0xFFFFFFFF  }
0xc9: {  	_ =	task.clear_ibuf [dreg:s9], $0x2FFFF;
	_ =	strace $0x9FFFFFFF  }
0xca: {  	(tm) =	ssettm $0x7FFFFFFF  }
0xcb: {  	_ =	shalt  }
tec
execute0_lowered:
.L_overlay_start_1:
0x0: {  	(tag) =	ssettag $0x1  }
0x1: {  	s0 =	rddreg [dreg:$0x0];
	s1 =	simm.s32 $0x0  }
0x2: {  	s4 =	simm.s32 $0x0;
	s22 =	srdreg.scid;
	s7 =	stileid.u32  }
0x3: {  	s16 =	simm.s32 $0x2;
	s14 =	simm.s32 $0x1000;
	[smem:$0x7FF] =	sst s1  }
0x4: {  	s6 =	sadd.s32 $0x15400, s0;
	s1 =	sand.u32 $0x1, s22;
	s2 =	sadd.s32 $0xA19400, s0  }
0x5: {  	s3 =	sadd.s32 $0x1400, s0;
	_ =	strace $0x80000047;
	[dreg:$0x5] =	wrdreg s2  }
0x6: {  	s5 =	sshll.u32 s7, $0x1;
	s25 =	sadd.s32 $0x15500, s0;
	[dreg:$0x6] =	wrdreg s3  }
0x7: {  	s9 =	sadd.s32 $0xA1BC00, s0;
	s26 =	sadd.s32 $0x2400, s0;
	[dreg:$0xd] =	wrdreg s25  }
0x8: {  	s0 =	sadd.s32 $0xA1BD00, s0;
	s31 =	sshll.u32 s7, $0x6;
	[dreg:$0x8] =	wrdreg s26  }
0x9: {  	s23 =	ssub.s32 $0x2, s1;
	s1 =	sor.u32 s1, s5;
	[dreg:$0xe] =	wrdreg s0  }
0xa: {  	s0 =	sor.u32 $0x1C02, s31;
	s24 =	sshrl.u32 s23, $0x1;
	s1 =	smul.u32 $0x14, s1  }
0xb: {  	s15 =	simm.s32 $0x1800;
	v2 =	vlaneseq.u32;
	[dreg:$0xa] =	wrdreg s0;
	s2 =	ssub.s32 s23, s24  }
0xc: {  	s29 =	simm.s32 $0x18A00;
	vm0 =	vmmov $0xffff;
	v3 =	vimm.f32 $0.0e+00;
	v1 =	vshrl.u32 v2, $0x3;
	[dreg:$0x7] =	wrdreg s1;
	s28 =	smax.u32 s2, $0x1  }
0xd: {  	s30 =	simm.s32 $0x18900;
	v0 =	vand.u32 $0x7, v2;
	v2 =	vor.u32 $0x8, v2;
	v1 =	vmul.u32 $0x8, v1;
	s1 =	simm.s32 $0x0;
	[dreg:$0x9] =	wrdreg s28  }
.LBB2_1:
0xe: {  	[dreg:$0xb] =	wrdreg s1  }
0xf: {  	s0 =	rddreg [dreg:$0x2];
	s31 =	simm.s32 $0x18100  }
0x10: {  	[tilespmem:s31], [sflag:$0x2] =	stream.linear.gather [hbm4b:s0+s4], $0x500, $0x38;
	[tilespmem:$0x18A80] =	vst v63  }
0x11: {  	_ =	swait.ge [sflag:s16], $0x500  }
0x12: {  	[sflag:s16] =	ssyncset.done $0x0  }
0x13: {  	s1 =	simm.s32 $0x0;
	[sflag:s16] =	ssyncadd.s32 $0xFFFFFB00  }
.LBB2_2:
0x14: {  	s0 =	rddreg [dreg:$0x7]  }
0x15: {  	[dreg:$0xc] =	wrdreg s1;
	s2 =	sadd.s32 s0, s1  }
0x16: {  	s11 =	simm.s32 $0x2;
	s3 =	rddreg [dreg:$0x1];
	s0 =	sshll.u32 s2, $0x4  }
0x17: {  	s5 =	simm.s32 $0x18000;
	s1 =	simm.s32 $0x0;
	s3 =	sadd.s32 s3, s0  }
0x18: {  	[tilespmem:s5], [sflag:$0x2] =	stream.linear.gather [hbm4b:s3+s1], $0x80, $0x38;
	[tilespmem:$0x18A80] =	vst v63  }
0x19: {  	_ =	swait.ge [sflag:s11], $0x80  }
0x1a: {  	[sflag:s11] =	ssyncset.done $0x0;
	s5 =	rddreg [dreg:$0x5]  }
0x1b: {  	s7 =	simm.s32 $0x18080;
	[sflag:s11] =	ssyncadd.s32 $0xFFFFFF80;
	s3 =	sadd.s32 s5, s0  }
0x1c: {  	[tilespmem:s7], [sflag:$0x2] =	stream.linear.gather [hbm4b:s3+s1], $0x80, $0x38;
	[tilespmem:$0x18A80] =	vst v63  }
0x1d: {  	s7 =	sshll.u32 s2, $0xE;
	_ =	swait.ge [sflag:s11], $0x80  }
0x1e: {  	s5 =	sadd.s32 s6, s7;
	[sflag:s11] =	ssyncset.done $0x0  }
0x1f: {  	s3 =	sadd.s32 s9, s7;
	s7 =	rddreg [dreg:$0xa];
	[sflag:s11] =	ssyncadd.s32 $0xFFFFFF80  }
0x20: {  	[hbm:s3], [sflag:s7] =	dma.local [hbm:s5], $0x4000  }
0x21: {  	_ =	swait.ge [sflag:s11], $0x4000  }
0x22: {  	[sflag:s11] =	ssyncset.done $0x0  }
0x23: {  	[sflag:s11] =	ssyncadd.s32 $0xFFFFC000  }
0x24: {  	v4 =	vld [tilespmem:$0x18000];
	_ =	sdelay $0x4  }
0x25: {  	v5 =	vshll.u32 v4, $0x2  }
0x26: {  	v4 =	vand.u32 $0x7, v4;
	v5 =	vand.u32 $0xFFFFFFE0, v5  }
0x27: {  	v4 =	vor.u32 v4, v5  }
0x28: {  	v5 =	vperm.xlane v4, v0;
	_ =	sdelay $0x1  }
0x29: {  	v5 =	vadd.s32 v1, v5;
	_ =	sdelay $0x1  }
0x2a: {  	v4 =	vperm.xlane v4, v2;
	_ =	sdelay $0x1  }
0x2b: {  	v4 =	vadd.s32 v1, v4  }
0x2c: {  	[tilespmem:s1], [sflag:$0x1] =	stream.indirect_vreg.gather [hbm4b:s6+s1], $0x80, v5, vm0, $0xb8;
	[tilespmem:$0x18A80] =	vst v63  }
0x2d: {  	s4 =	simm.s32 $0x800;
	s11 =	rddreg [dreg:$0xd]  }
0x2e: {  	[tilespmem:s4], [sflag:$0x1] =	stream.indirect_vreg.gather [hbm4b:s11+s1], $0x80, v5, vm0, $0xb8;
	[tilespmem:$0x18A80] =	vst v63  }
0x2f: {  	_ = 	snop  }
0x30: {  	[tilespmem:s14], [sflag:$0x1] =	stream.indirect_vreg.gather [hbm4b:s6+s1], $0x80, v4, vm0, $0xb8;
	[tilespmem:$0x18A80] =	vst v63  }
0x31: {  	_ = 	snop  }
0x32: {  	[tilespmem:s15], [sflag:$0x1] =	stream.indirect_vreg.gather [hbm4b:s11+s1], $0x80, v4, vm0, $0xb8;
	[tilespmem:$0x18A80] =	vst v63  }
0x33: {  	v4 =	vld [tilespmem:$0x18010];
	_ =	sdelay $0x4  }
0x34: {  	v5 =	vshll.u32 v4, $0x2  }
0x35: {  	v4 =	vand.u32 $0x7, v4;
	v5 =	vand.u32 $0xFFFFFFE0, v5  }
0x36: {  	v4 =	vor.u32 v4, v5  }
0x37: {  	v5 =	vperm.xlane v4, v0;
	_ =	sdelay $0x1  }
0x38: {  	v5 =	vadd.s32 v1, v5;
	_ =	sdelay $0x1  }
0x39: {  	v4 =	vperm.xlane v4, v2;
	_ =	sdelay $0x1  }
0x3a: {  	s16 =	simm.s32 $0x2000;
	v4 =	vadd.s32 v1, v4  }
0x3b: {  	[tilespmem:s16], [sflag:$0x1] =	stream.indirect_vreg.gather [hbm4b:s6+s1], $0x80, v5, vm0, $0xb8;
	[tilespmem:$0x18A80] =	vst v63  }
0x3c: {  	s13 =	simm.s32 $0x2800  }
0x3d: {  	[tilespmem:s13], [sflag:$0x1] =	stream.indirect_vreg.gather [hbm4b:s11+s1], $0x80, v5, vm0, $0xb8;
	[tilespmem:$0x18A80] =	vst v63  }
0x3e: {  	s10 =	simm.s32 $0x3000  }
0x3f: {  	[tilespmem:s10], [sflag:$0x1] =	stream.indirect_vreg.gather [hbm4b:s6+s1], $0x80, v4, vm0, $0xb8;
	[tilespmem:$0x18A80] =	vst v63  }
0x40: {  	s10 =	simm.s32 $0x3800  }
0x41: {  	[tilespmem:s10], [sflag:$0x1] =	stream.indirect_vreg.gather [hbm4b:s11+s1], $0x80, v4, vm0, $0xb8;
	[tilespmem:$0x18A80] =	vst v63  }
0x42: {  	v4 =	vld [tilespmem:$0x18020];
	_ =	sdelay $0x4  }
0x43: {  	v5 =	vshll.u32 v4, $0x2  }
0x44: {  	v4 =	vand.u32 $0x7, v4;
	v5 =	vand.u32 $0xFFFFFFE0, v5  }
0x45: {  	v4 =	vor.u32 v4, v5  }
0x46: {  	v5 =	vperm.xlane v4, v0;
	_ =	sdelay $0x1  }
0x47: {  	v5 =	vadd.s32 v1, v5;
	_ =	sdelay $0x1  }
0x48: {  	v4 =	vperm.xlane v4, v2;
	_ =	sdelay $0x1  }
0x49: {  	s12 =	simm.s32 $0x4000;
	v4 =	vadd.s32 v1, v4  }
0x4a: {  	[tilespmem:s12], [sflag:$0x1] =	stream.indirect_vreg.gather [hbm4b:s6+s1], $0x80, v5, vm0, $0xb8;
	[tilespmem:$0x18A80] =	vst v63  }
0x4b: {  	s12 =	simm.s32 $0x4800  }
0x4c: {  	[tilespmem:s12], [sflag:$0x1] =	stream.indirect_vreg.gather [hbm4b:s11+s1], $0x80, v5, vm0, $0xb8;
	[tilespmem:$0x18A80] =	vst v63  }
0x4d: {  	s20 =	simm.s32 $0x5000  }
0x4e: {  	[tilespmem:s20], [sflag:$0x1] =	stream.indirect_vreg.gather [hbm4b:s6+s1], $0x80, v4, vm0, $0xb8;
	[tilespmem:$0x18A80] =	vst v63  }
0x4f: {  	s20 =	simm.s32 $0x5800  }
0x50: {  	[tilespmem:s20], [sflag:$0x1] =	stream.indirect_vreg.gather [hbm4b:s11+s1], $0x80, v4, vm0, $0xb8;
	[tilespmem:$0x18A80] =	vst v63  }
0x51: {  	v4 =	vld [tilespmem:$0x18030];
	_ =	sdelay $0x4  }
0x52: {  	v5 =	vshll.u32 v4, $0x2  }
0x53: {  	v4 =	vand.u32 $0x7, v4;
	v5 =	vand.u32 $0xFFFFFFE0, v5  }
0x54: {  	v4 =	vor.u32 v4, v5  }
0x55: {  	v5 =	vperm.xlane v4, v0;
	_ =	sdelay $0x1  }
0x56: {  	v5 =	vadd.s32 v1, v5;
	_ =	sdelay $0x1  }
0x57: {  	v4 =	vperm.xlane v4, v2;
	_ =	sdelay $0x1  }
0x58: {  	s19 =	simm.s32 $0x6000;
	v4 =	vadd.s32 v1, v4  }
0x59: {  	[tilespmem:s19], [sflag:$0x1] =	stream.indirect_vreg.gather [hbm4b:s6+s1], $0x80, v5, vm0, $0xb8;
	[tilespmem:$0x18A80] =	vst v63  }
0x5a: {  	s19 =	simm.s32 $0x6800  }
0x5b: {  	[tilespmem:s19], [sflag:$0x1] =	stream.indirect_vreg.gather [hbm4b:s11+s1], $0x80, v5, vm0, $0xb8;
	[tilespmem:$0x18A80] =	vst v63  }
0x5c: {  	s21 =	simm.s32 $0x7000  }
0x5d: {  	[tilespmem:s21], [sflag:$0x1] =	stream.indirect_vreg.gather [hbm4b:s6+s1], $0x80, v4, vm0, $0xb8;
	[tilespmem:$0x18A80] =	vst v63  }
0x5e: {  	s21 =	simm.s32 $0x7800  }
0x5f: {  	[tilespmem:s21], [sflag:$0x1] =	stream.indirect_vreg.gather [hbm4b:s11+s1], $0x80, v4, vm0, $0xb8;
	[tilespmem:$0x18A80] =	vst v63  }
0x60: {  	v4 =	vld [tilespmem:$0x18040];
	_ =	sdelay $0x4  }
0x61: {  	v5 =	vshll.u32 v4, $0x2  }
0x62: {  	v4 =	vand.u32 $0x7, v4;
	v5 =	vand.u32 $0xFFFFFFE0, v5  }
0x63: {  	v4 =	vor.u32 v4, v5  }
0x64: {  	v5 =	vperm.xlane v4, v0;
	_ =	sdelay $0x1  }
0x65: {  	v5 =	vadd.s32 v1, v5;
	_ =	sdelay $0x1  }
0x66: {  	v4 =	vperm.xlane v4, v2;
	_ =	sdelay $0x1  }
0x67: {  	s22 =	simm.s32 $0x8000;
	v4 =	vadd.s32 v1, v4  }
0x68: {  	[tilespmem:s22], [sflag:$0x1] =	stream.indirect_vreg.gather [hbm4b:s6+s1], $0x80, v5, vm0, $0xb8;
	[tilespmem:$0x18A80] =	vst v63  }
0x69: {  	s22 =	simm.s32 $0x8800  }
0x6a: {  	[tilespmem:s22], [sflag:$0x1] =	stream.indirect_vreg.gather [hbm4b:s11+s1], $0x80, v5, vm0, $0xb8;
	[tilespmem:$0x18A80] =	vst v63  }
0x6b: {  	s23 =	simm.s32 $0x9000  }
0x6c: {  	[tilespmem:s23], [sflag:$0x1] =	stream.indirect_vreg.gather [hbm4b:s6+s1], $0x80, v4, vm0, $0xb8;
	[tilespmem:$0x18A80] =	vst v63  }
0x6d: {  	s23 =	simm.s32 $0x9800  }
0x6e: {  	[tilespmem:s23], [sflag:$0x1] =	stream.indirect_vreg.gather [hbm4b:s11+s1], $0x80, v4, vm0, $0xb8;
	[tilespmem:$0x18A80] =	vst v63  }
0x6f: {  	v4 =	vld [tilespmem:$0x18050];
	_ =	sdelay $0x4  }
0x70: {  	v5 =	vshll.u32 v4, $0x2  }
0x71: {  	v4 =	vand.u32 $0x7, v4;
	v5 =	vand.u32 $0xFFFFFFE0, v5  }
0x72: {  	v4 =	vor.u32 v4, v5  }
0x73: {  	v5 =	vperm.xlane v4, v0;
	_ =	sdelay $0x1  }
0x74: {  	v5 =	vadd.s32 v1, v5;
	_ =	sdelay $0x1  }
0x75: {  	v4 =	vperm.xlane v4, v2;
	_ =	sdelay $0x1  }
0x76: {  	s24 =	simm.s32 $0xA000;
	v4 =	vadd.s32 v1, v4  }
0x77: {  	[tilespmem:s24], [sflag:$0x1] =	stream.indirect_vreg.gather [hbm4b:s6+s1], $0x80, v5, vm0, $0xb8;
	[tilespmem:$0x18A80] =	vst v63  }
0x78: {  	s24 =	simm.s32 $0xA800  }
0x79: {  	[tilespmem:s24], [sflag:$0x1] =	stream.indirect_vreg.gather [hbm4b:s11+s1], $0x80, v5, vm0, $0xb8;
	[tilespmem:$0x18A80] =	vst v63  }
0x7a: {  	s25 =	simm.s32 $0xB000  }
0x7b: {  	[tilespmem:s25], [sflag:$0x1] =	stream.indirect_vreg.gather [hbm4b:s6+s1], $0x80, v4, vm0, $0xb8;
	[tilespmem:$0x18A80] =	vst v63  }
0x7c: {  	s25 =	simm.s32 $0xB800  }
0x7d: {  	[tilespmem:s25], [sflag:$0x1] =	stream.indirect_vreg.gather [hbm4b:s11+s1], $0x80, v4, vm0, $0xb8;
	[tilespmem:$0x18A80] =	vst v63  }
0x7e: {  	v4 =	vld [tilespmem:$0x18060];
	_ =	sdelay $0x4  }
0x7f: {  	v5 =	vshll.u32 v4, $0x2  }
0x80: {  	v4 =	vand.u32 $0x7, v4;
	v5 =	vand.u32 $0xFFFFFFE0, v5  }
0x81: {  	v4 =	vor.u32 v4, v5  }
0x82: {  	v5 =	vperm.xlane v4, v0;
	_ =	sdelay $0x1  }
0x83: {  	v5 =	vadd.s32 v1, v5;
	_ =	sdelay $0x1  }
0x84: {  	v4 =	vperm.xlane v4, v2;
	_ =	sdelay $0x1  }
0x85: {  	s28 =	simm.s32 $0xC000;
	v4 =	vadd.s32 v1, v4  }
0x86: {  	[tilespmem:s28], [sflag:$0x1] =	stream.indirect_vreg.gather [hbm4b:s6+s1], $0x80, v5, vm0, $0xb8;
	[tilespmem:$0x18A80] =	vst v63  }
0x87: {  	s28 =	simm.s32 $0xC800  }
0x88: {  	[tilespmem:s28], [sflag:$0x1] =	stream.indirect_vreg.gather [hbm4b:s11+s1], $0x80, v5, vm0, $0xb8;
	[tilespmem:$0x18A80] =	vst v63  }
0x89: {  	s26 =	simm.s32 $0xD000  }
0x8a: {  	[tilespmem:s26], [sflag:$0x1] =	stream.indirect_vreg.gather [hbm4b:s6+s1], $0x80, v4, vm0, $0xb8;
	[tilespmem:$0x18A80] =	vst v63  }
0x8b: {  	s26 =	simm.s32 $0xD800  }
0x8c: {  	[tilespmem:s26], [sflag:$0x1] =	stream.indirect_vreg.gather [hbm4b:s11+s1], $0x80, v4, vm0, $0xb8;
	[tilespmem:$0x18A80] =	vst v63  }
0x8d: {  	v4 =	vld [tilespmem:$0x18070];
	_ =	sdelay $0x4  }
0x8e: {  	v5 =	vshll.u32 v4, $0x2  }
0x8f: {  	v4 =	vand.u32 $0x7, v4;
	v5 =	vand.u32 $0xFFFFFFE0, v5  }
0x90: {  	v4 =	vor.u32 v4, v5  }
0x91: {  	v5 =	vperm.xlane v4, v0;
	_ =	sdelay $0x1  }
0x92: {  	v5 =	vadd.s32 v1, v5;
	_ =	sdelay $0x1  }
0x93: {  	v4 =	vperm.xlane v4, v2;
	_ =	sdelay $0x1  }
0x94: {  	s17 =	simm.s32 $0xE000;
	v4 =	vadd.s32 v1, v4  }
0x95: {  	[tilespmem:s17], [sflag:$0x1] =	stream.indirect_vreg.gather [hbm4b:s6+s1], $0x80, v5, vm0, $0xb8;
	[tilespmem:$0x18A80] =	vst v63  }
0x96: {  	s18 =	simm.s32 $0xE800  }
0x97: {  	[tilespmem:s18], [sflag:$0x1] =	stream.indirect_vreg.gather [hbm4b:s11+s1], $0x80, v5, vm0, $0xb8;
	[tilespmem:$0x18A80] =	vst v63  }
0x98: {  	s8 =	simm.s32 $0xF000  }
0x99: {  	[tilespmem:s8], [sflag:$0x1] =	stream.indirect_vreg.gather [hbm4b:s6+s1], $0x80, v4, vm0, $0xb8;
	[tilespmem:$0x18A80] =	vst v63  }
0x9a: {  	s31 =	simm.s32 $0xF800  }
0x9b: {  	[tilespmem:s31], [sflag:$0x1] =	stream.indirect_vreg.gather [hbm4b:s11+s1], $0x80, v4, vm0, $0xb8;
	[tilespmem:$0x18A80] =	vst v63  }
0x9c: {  	s31 =	simm.s32 $0x1  }
0x9d: {  	s14 =	simm.s32 $0x10000;
	s15 =	sshrl.u32 s2, $0x6;
	_ =	swait.ge [sflag:s31], $0x10000  }
0x9e: {  	s5 =	sshll.u32 s15, $0xD;
	[sflag:s31] =	ssyncset.done $0x0;
	s13 =	rddreg [dreg:$0x6]  }
0x9f: {  	s16 =	simm.s32 $0x2;
	[sflag:s31] =	ssyncadd.s32 $0xFFFF0000;
	s2 =	sadd.s32 s13, s5  }
0xa0: {  	[tilespmem:s14], [sflag:$0x2] =	stream.linear.gather [hbm4b:s2+s1], $0x8000, $0x38;
	[tilespmem:$0x18A80] =	vst v63  }
0xa1: {  	_ =	swait.ge [sflag:s16], $0x8000  }
0xa2: {  	[sflag:s16] =	ssyncset.done $0x0  }
0xa3: {  	[sflag:s16] =	ssyncadd.s32 $0xFFFF8000  }
0xa4: {  	[tilespmem:$0x18A00] =	vst v3  }
0xa5: {  	[tilespmem:$0x18A10] =	vst v3  }
0xa6: {  	s3 =	simm.s32 $0x1;
	s17 =	sand.u32 $0x7000, s1;
	s18 =	sand.u32 $0x380, s1;
	[tilespmem:$0x18A20] =	vst v3  }
0xa7: {  	s14 =	sor.u32 s18, s17;
	s17 =	simm.s32 $0x0;
	s18 =	simm.s32 $0x0;
	[tilespmem:$0x18A30] =	vst v3  }
.LBB2_3:
0xa8: {  	p0 =	sne.s32 s3, $0x3F;
	v4 =	vld [tilespmem:s14+$0x10000]  }
0xa9: {  	v5 =	vld [tilespmem:s14+$0x0]  }
0xaa: {  	v6 =	vld [tilespmem:s14+$0x10]  }
0xab: {  	v7 =	vld [tilespmem:s14+$0x10010]  }
0xac: {  	v8 =	vld [tilespmem:s14+$0x20]  }
0xad: {  	v9 =	vld [tilespmem:s14+$0x10020]  }
0xae: {  	v4 =	vmul.f32 v4, v5;
	v5 =	vld [tilespmem:s14+$0x30]  }
0xaf: {  	v10 =	vld [tilespmem:s14+$0x10030]  }
0xb0: {  	v4 =	vadd.f32 $0.0e+00, v4;
	v6 =	vmul.f32 v7, v6;
	v7 =	vld [tilespmem:s14+$0x40]  }
0xb1: {  	v11 =	vld [tilespmem:s14+$0x10040]  }
0xb2: {  	v4 =	vadd.f32 v6, v4;
	v6 =	vmul.f32 v9, v8;
	v8 =	vld [tilespmem:s14+$0x50]  }
0xb3: {  	v9 =	vld [tilespmem:s14+$0x10050]  }
0xb4: {  	v4 =	vadd.f32 v6, v4;
	v5 =	vmul.f32 v10, v5;
	v6 =	vld [tilespmem:s14+$0x60]  }
0xb5: {  	v10 =	vld [tilespmem:s14+$0x10060]  }
0xb6: {  	v4 =	vadd.f32 v5, v4;
	v5 =	vmul.f32 v11, v7;
	v7 =	vld [tilespmem:s14+$0x70]  }
0xb7: {  	v11 =	vld [tilespmem:s14+$0x10070]  }
0xb8: {  	v4 =	vadd.f32 v5, v4;
	v5 =	vmul.f32 v9, v8;
	v8 =	vld [tilespmem:s14+$0x400]  }
0xb9: {  	v9 =	vld [tilespmem:s14+$0x10400]  }
0xba: {  	v4 =	vadd.f32 v5, v4;
	v5 =	vmul.f32 v10, v6;
	v6 =	vld [tilespmem:s14+$0x410]  }
0xbb: {  	v10 =	vld [tilespmem:s14+$0x10410]  }
0xbc: {  	v4 =	vadd.f32 v5, v4;
	v5 =	vmul.f32 v11, v7;
	v7 =	vld [tilespmem:s14+$0x420]  }
0xbd: {  	v11 =	vld [tilespmem:s14+$0x10420]  }
0xbe: {  	v4 =	vadd.f32 v5, v4;
	v5 =	vmul.f32 v9, v8;
	v8 =	vld [tilespmem:s14+$0x430]  }
0xbf: {  	v9 =	vld [tilespmem:s14+$0x10430]  }
0xc0: {  	v4 =	vadd.f32 v5, v4;
	v5 =	vmul.f32 v10, v6;
	v6 =	vld [tilespmem:s14+$0x440]  }
0xc1: {  	v10 =	vld [tilespmem:s14+$0x10440]  }
0xc2: {  	v4 =	vadd.f32 v5, v4;
	v5 =	vmul.f32 v11, v7;
	v7 =	vld [tilespmem:s14+$0x450]  }
0xc3: {  	v11 =	vld [tilespmem:s14+$0x10450]  }
0xc4: {  	v4 =	vadd.f32 v5, v4;
	v5 =	vmul.f32 v9, v8;
	v8 =	vld [tilespmem:s14+$0x460]  }
0xc5: {  	v9 =	vld [tilespmem:s14+$0x10460]  }
0xc6: {  	v4 =	vadd.f32 v5, v4;
	v5 =	vmul.f32 v10, v6;
	v6 =	vld [tilespmem:s14+$0x470]  }
0xc7: {  	v10 =	vld [tilespmem:s14+$0x10470]  }
0xc8: {  	v4 =	vadd.f32 v5, v4;
	v5 =	vmul.f32 v11, v7;
	v7 =	vld [tilespmem:s14+$0x800]  }
0xc9: {  	v11 =	vld [tilespmem:s14+$0x10800]  }
0xca: {  	v4 =	vadd.f32 v5, v4;
	v5 =	vmul.f32 v9, v8;
	v8 =	vld [tilespmem:s14+$0x810]  }
0xcb: {  	v9 =	vld [tilespmem:s14+$0x10810]  }
0xcc: {  	v4 =	vadd.f32 v5, v4;
	v5 =	vmul.f32 v10, v6;
	v6 =	vld [tilespmem:s14+$0x820]  }
0xcd: {  	v10 =	vld [tilespmem:s14+$0x10820]  }
0xce: {  	v4 =	vadd.f32 v5, v4;
	v5 =	vmul.f32 v11, v7;
	v7 =	vld [tilespmem:s14+$0x830]  }
0xcf: {  	v11 =	vld [tilespmem:s14+$0x10830]  }
0xd0: {  	v4 =	vadd.f32 v5, v4;
	v5 =	vmul.f32 v9, v8;
	v8 =	vld [tilespmem:s14+$0x840]  }
0xd1: {  	v9 =	vld [tilespmem:s14+$0x10840]  }
0xd2: {  	v4 =	vadd.f32 v5, v4;
	v5 =	vmul.f32 v10, v6;
	v6 =	vld [tilespmem:s14+$0x850]  }
0xd3: {  	v10 =	vld [tilespmem:s14+$0x10850]  }
0xd4: {  	v4 =	vadd.f32 v5, v4;
	v5 =	vmul.f32 v11, v7;
	v7 =	vld [tilespmem:s14+$0x860]  }
0xd5: {  	v11 =	vld [tilespmem:s14+$0x10860]  }
0xd6: {  	v4 =	vadd.f32 v5, v4;
	v5 =	vmul.f32 v9, v8;
	v8 =	vld [tilespmem:s14+$0x870]  }
0xd7: {  	v9 =	vld [tilespmem:s14+$0x10870]  }
0xd8: {  	v4 =	vadd.f32 v5, v4;
	v5 =	vmul.f32 v10, v6;
	v6 =	vld [tilespmem:s14+$0xC00]  }
0xd9: {  	v10 =	vld [tilespmem:s14+$0x10C00]  }
0xda: {  	v4 =	vadd.f32 v5, v4;
	v5 =	vmul.f32 v11, v7;
	v7 =	vld [tilespmem:s14+$0xC10]  }
0xdb: {  	v11 =	vld [tilespmem:s14+$0x10C10]  }
0xdc: {  	v4 =	vadd.f32 v5, v4;
	v5 =	vmul.f32 v9, v8;
	v8 =	vld [tilespmem:s14+$0xC20]  }
0xdd: {  	v9 =	vld [tilespmem:s14+$0x10C20]  }
0xde: {  	v4 =	vadd.f32 v5, v4;
	v5 =	vmul.f32 v10, v6;
	v6 =	vld [tilespmem:s14+$0xC30]  }
0xdf: {  	v10 =	vld [tilespmem:s14+$0x10C30]  }
0xe0: {  	v4 =	vadd.f32 v5, v4;
	v5 =	vmul.f32 v11, v7;
	v7 =	vld [tilespmem:s14+$0xC40]  }
0xe1: {  	v11 =	vld [tilespmem:s14+$0x10C40]  }
0xe2: {  	v4 =	vadd.f32 v5, v4;
	v5 =	vmul.f32 v9, v8;
	v8 =	vld [tilespmem:s14+$0xC50]  }
0xe3: {  	v9 =	vld [tilespmem:s14+$0x10C50]  }
0xe4: {  	v4 =	vadd.f32 v5, v4;
	v5 =	vmul.f32 v10, v6;
	v6 =	vld [tilespmem:s14+$0xC60]  }
0xe5: {  	v10 =	vld [tilespmem:s14+$0x10C60]  }
0xe6: {  	v4 =	vadd.f32 v5, v4;
	v5 =	vmul.f32 v11, v7;
	v7 =	vld [tilespmem:s14+$0xC70]  }
0xe7: {  	v11 =	vld [tilespmem:s14+$0x10C70]  }
0xe8: {  	v4 =	vadd.f32 v5, v4;
	v5 =	vmul.f32 v9, v8;
	_ =	sdelay $0x1  }
0xe9: {  	v4 =	vadd.f32 v5, v4;
	v5 =	vmul.f32 v10, v6  }
0xea: {  	v6 =	vmov s1;
	s1 =	smov.u32 s3  }
.Ltmp0:
0xeb: {  	v4 =	vadd.f32 v5, v4;
	v5 =	vmul.f32 v11, v7;
	(pc) =	sbr.rel @p0 .LBB2_3-.Ltmp0, $4  }
0xec: {  	_ = 	snop  }
0xed: {  	s17 =	sadd.s32 $0x80, s17;
	s18 =	sadd.s32 $0x200, s18;
	v4 =	vadd.f32 v5, v4  }
0xee: {  	s7 =	sand.u32 $0x7000, s18;
	s8 =	sand.u32 $0x380, s17  }
0xef: {  	s14 =	sor.u32 s8, s7;
	s3 =	sadd.s32 $0x1, s3;
	[tilespmem:v6+s29+$0x0] =	vst.idx.add.f32.msk $0xffff, v4  }
0xf0: {  	v4 =	vld [tilespmem:s14+$0x10000]  }
0xf1: {  	v5 =	vld [tilespmem:s14+$0x0]  }
0xf2: {  	v6 =	vld [tilespmem:s14+$0x10]  }
0xf3: {  	v7 =	vld [tilespmem:s14+$0x10010]  }
0xf4: {  	v8 =	vld [tilespmem:s14+$0x20]  }
0xf5: {  	v9 =	vld [tilespmem:s14+$0x10020]  }
0xf6: {  	v10 =	vld [tilespmem:s14+$0x10030];
	v4 =	vmul.f32 v4, v5  }
0xf7: {  	v5 =	vld [tilespmem:s14+$0x30]  }
0xf8: {  	v11 =	vld [tilespmem:s14+$0x10040];
	v6 =	vmul.f32 v7, v6;
	v4 =	vadd.f32 $0.0e+00, v4  }
0xf9: {  	v7 =	vld [tilespmem:s14+$0x40]  }
0xfa: {  	v40 =	vld [tilespmem:s14+$0x50];
	v4 =	vadd.f32 v6, v4;
	v6 =	vmul.f32 v9, v8  }
0xfb: {  	v41 =	vld [tilespmem:s14+$0x10050]  }
0xfc: {  	v42 =	vld [tilespmem:s14+$0x10060];
	v5 =	vmul.f32 v10, v5;
	v4 =	vadd.f32 v6, v4  }
0xfd: {  	v6 =	vld [tilespmem:s14+$0x60]  }
0xfe: {  	v43 =	vld [tilespmem:s14+$0x10070];
	v4 =	vadd.f32 v5, v4;
	v5 =	vmul.f32 v11, v7  }
0xff: {  	v7 =	vld [tilespmem:s14+$0x70]  }
0x100: {  	v44 =	vld [tilespmem:s14+$0x400];
	v4 =	vadd.f32 v5, v4;
	v5 =	vmul.f32 v41, v40  }
0x101: {  	v45 =	vld [tilespmem:s14+$0x10400]  }
0x102: {  	v46 =	vld [tilespmem:s14+$0x10410];
	v4 =	vadd.f32 v5, v4;
	v5 =	vmul.f32 v42, v6  }
0x103: {  	v6 =	vld [tilespmem:s14+$0x410]  }
0x104: {  	v47 =	vld [tilespmem:s14+$0x10420];
	v4 =	vadd.f32 v5, v4;
	v5 =	vmul.f32 v43, v7  }
0x105: {  	v7 =	vld [tilespmem:s14+$0x420]  }
0x106: {  	v48 =	vld [tilespmem:s14+$0x430];
	v4 =	vadd.f32 v5, v4;
	v5 =	vmul.f32 v45, v44  }
0x107: {  	v49 =	vld [tilespmem:s14+$0x10430]  }
0x108: {  	v50 =	vld [tilespmem:s14+$0x10440];
	v4 =	vadd.f32 v5, v4;
	v5 =	vmul.f32 v46, v6  }
0x109: {  	v6 =	vld [tilespmem:s14+$0x440]  }
0x10a: {  	v51 =	vld [tilespmem:s14+$0x10450];
	v4 =	vadd.f32 v5, v4;
	v5 =	vmul.f32 v47, v7  }
0x10b: {  	v7 =	vld [tilespmem:s14+$0x450]  }
0x10c: {  	v52 =	vld [tilespmem:s14+$0x460];
	v4 =	vadd.f32 v5, v4;
	v5 =	vmul.f32 v49, v48  }
0x10d: {  	v53 =	vld [tilespmem:s14+$0x10460]  }
0x10e: {  	v54 =	vld [tilespmem:s14+$0x10470];
	v4 =	vadd.f32 v5, v4;
	v5 =	vmul.f32 v50, v6  }
0x10f: {  	v6 =	vld [tilespmem:s14+$0x470]  }
0x110: {  	v55 =	vld [tilespmem:s14+$0x10800];
	v4 =	vadd.f32 v5, v4;
	v5 =	vmul.f32 v51, v7  }
0x111: {  	v7 =	vld [tilespmem:s14+$0x800]  }
0x112: {  	v56 =	vld [tilespmem:s14+$0x810];
	v4 =	vadd.f32 v5, v4;
	v5 =	vmul.f32 v53, v52  }
0x113: {  	v57 =	vld [tilespmem:s14+$0x10810]  }
0x114: {  	v58 =	vld [tilespmem:s14+$0x10820];
	v4 =	vadd.f32 v5, v4;
	v5 =	vmul.f32 v54, v6  }
0x115: {  	v6 =	vld [tilespmem:s14+$0x820]  }
0x116: {  	v59 =	vld [tilespmem:s14+$0x10830];
	v4 =	vadd.f32 v5, v4;
	v5 =	vmul.f32 v55, v7  }
0x117: {  	v7 =	vld [tilespmem:s14+$0x830]  }
0x118: {  	v60 =	vld [tilespmem:s14+$0x840];
	v4 =	vadd.f32 v5, v4;
	v5 =	vmul.f32 v57, v56  }
0x119: {  	v61 =	vld [tilespmem:s14+$0x10840]  }
0x11a: {  	v62 =	vld [tilespmem:s14+$0x10850];
	v4 =	vadd.f32 v5, v4;
	v5 =	vmul.f32 v58, v6  }
0x11b: {  	v6 =	vld [tilespmem:s14+$0x850]  }
0x11c: {  	v63 =	vld [tilespmem:s14+$0x10860];
	v4 =	vadd.f32 v5, v4;
	v5 =	vmul.f32 v59, v7  }
0x11d: {  	v7 =	vld [tilespmem:s14+$0x860]  }
0x11e: {  	v12 =	vld [tilespmem:s14+$0x870];
	v4 =	vadd.f32 v5, v4;
	v5 =	vmul.f32 v61, v60  }
0x11f: {  	v13 =	vld [tilespmem:s14+$0x10870]  }
0x120: {  	v14 =	vld [tilespmem:s14+$0x10C00];
	v4 =	vadd.f32 v5, v4;
	v5 =	vmul.f32 v62, v6  }
0x121: {  	v6 =	vld [tilespmem:s14+$0xC00]  }
0x122: {  	v15 =	vld [tilespmem:s14+$0x10C10];
	v4 =	vadd.f32 v5, v4;
	v5 =	vmul.f32 v63, v7  }
0x123: {  	v7 =	vld [tilespmem:s14+$0xC10]  }
0x124: {  	v16 =	vld [tilespmem:s14+$0xC20];
	v4 =	vadd.f32 v5, v4;
	v5 =	vmul.f32 v13, v12  }
0x125: {  	v17 =	vld [tilespmem:s14+$0x10C20]  }
0x126: {  	v18 =	vld [tilespmem:s14+$0x10C30];
	v4 =	vadd.f32 v5, v4;
	v5 =	vmul.f32 v14, v6  }
0x127: {  	v6 =	vld [tilespmem:s14+$0xC30]  }
0x128: {  	v19 =	vld [tilespmem:s14+$0x10C40];
	v4 =	vadd.f32 v5, v4;
	v5 =	vmul.f32 v15, v7  }
0x129: {  	v7 =	vld [tilespmem:s14+$0xC40]  }
0x12a: {  	v20 =	vld [tilespmem:s14+$0xC50];
	v4 =	vadd.f32 v5, v4;
	v5 =	vmul.f32 v17, v16  }
0x12b: {  	v21 =	vld [tilespmem:s14+$0x10C50]  }
0x12c: {  	v22 =	vld [tilespmem:s14+$0x10C60];
	v4 =	vadd.f32 v5, v4;
	v5 =	vmul.f32 v18, v6  }
0x12d: {  	v6 =	vld [tilespmem:s14+$0xC60]  }
0x12e: {  	v23 =	vld [tilespmem:s14+$0x10C70];
	v4 =	vadd.f32 v5, v4;
	v5 =	vmul.f32 v19, v7  }
0x12f: {  	v7 =	vld [tilespmem:s14+$0xC70]  }
0x130: {  	v4 =	vadd.f32 v5, v4;
	v5 =	vmul.f32 v21, v20;
	_ =	sdelay $0x1  }
0x131: {  	v4 =	vadd.f32 v5, v4;
	v5 =	vmul.f32 v22, v6  }
0x132: {  	v6 =	vmov s1  }
0x133: {  	v4 =	vadd.f32 v5, v4;
	v5 =	vmul.f32 v23, v7;
	_ =	sdelay $0x1  }
0x134: {  	v4 =	vadd.f32 v5, v4  }
0x135: {  	s14 =	rddreg [dreg:$0x8]  }
0x136: {  	s17 =	simm.s32 $0x0;
	s3 =	simm.s32 $0x10000;
	s5 =	sadd.s32 s5, s14;
	[tilespmem:v6+s29+$0x0] =	vst.idx.add.f32.msk $0xffff, v4  }
0x137: {  	[tilespmem:s3], [sflag:$0x2] =	stream.linear.gather [hbm4b:s5+s17], $0x8000, $0x38;
	[tilespmem:$0x18A80] =	vst v63  }
0x138: {  	_ =	swait.ge [sflag:s16], $0x8000  }
0x139: {  	[sflag:s16] =	ssyncset.done $0x0  }
0x13a: {  	[sflag:s16] =	ssyncadd.s32 $0xFFFF8000  }
0x13b: {  	[tilespmem:$0x18A40] =	vst v3  }
0x13c: {  	[tilespmem:$0x18A50] =	vst v3  }
0x13d: {  	s8 =	simm.s32 $0x8000;
	s18 =	sand.u32 $0x380, s17;
	s1 =	sand.u32 $0x7000, s17;
	[tilespmem:$0x18A60] =	vst v3  }
0x13e: {  	s8 =	sand.u32 $0xF000, s8;
	s1 =	sor.u32 s18, s1;
	[tilespmem:$0x18A70] =	vst v3  }
0x13f: {  	s3 =	sor.u32 s18, s8;
	v4 =	vld [tilespmem:s1+$0x10000]  }
0x140: {  	v5 =	vld [tilespmem:s3+$0x0]  }
0x141: {  	v6 =	vld [tilespmem:s3+$0x10]  }
0x142: {  	v7 =	vld [tilespmem:s1+$0x10010]  }
0x143: {  	v24 =	vld [tilespmem:s3+$0x20]  }
0x144: {  	v25 =	vld [tilespmem:s1+$0x10020]  }
0x145: {  	v26 =	vld [tilespmem:s1+$0x10030];
	v4 =	vmul.f32 v4, v5  }
0x146: {  	v5 =	vld [tilespmem:s3+$0x30]  }
0x147: {  	v27 =	vld [tilespmem:s1+$0x10040];
	v6 =	vmul.f32 v7, v6;
	v4 =	vadd.f32 $0.0e+00, v4  }
0x148: {  	v7 =	vld [tilespmem:s3+$0x40]  }
0x149: {  	v28 =	vld [tilespmem:s3+$0x50];
	v4 =	vadd.f32 v6, v4;
	v6 =	vmul.f32 v25, v24  }
0x14a: {  	v29 =	vld [tilespmem:s1+$0x10050]  }
0x14b: {  	v30 =	vld [tilespmem:s1+$0x10060];
	v5 =	vmul.f32 v26, v5;
	v4 =	vadd.f32 v6, v4  }
0x14c: {  	v6 =	vld [tilespmem:s3+$0x60]  }
0x14d: {  	v31 =	vld [tilespmem:s1+$0x10070];
	v4 =	vadd.f32 v5, v4;
	v5 =	vmul.f32 v27, v7  }
0x14e: {  	v7 =	vld [tilespmem:s3+$0x70]  }
0x14f: {  	v32 =	vld [tilespmem:s3+$0x400];
	v4 =	vadd.f32 v5, v4;
	v5 =	vmul.f32 v29, v28  }
0x150: {  	v33 =	vld [tilespmem:s1+$0x10400]  }
0x151: {  	v34 =	vld [tilespmem:s1+$0x10410];
	v4 =	vadd.f32 v5, v4;
	v5 =	vmul.f32 v30, v6  }
0x152: {  	v6 =	vld [tilespmem:s3+$0x410]  }
0x153: {  	v35 =	vld [tilespmem:s1+$0x10420];
	v4 =	vadd.f32 v5, v4;
	v5 =	vmul.f32 v31, v7  }
0x154: {  	v7 =	vld [tilespmem:s3+$0x420]  }
0x155: {  	v36 =	vld [tilespmem:s3+$0x430];
	v4 =	vadd.f32 v5, v4;
	v5 =	vmul.f32 v33, v32  }
0x156: {  	v37 =	vld [tilespmem:s1+$0x10430]  }
0x157: {  	v38 =	vld [tilespmem:s1+$0x10440];
	v4 =	vadd.f32 v5, v4;
	v5 =	vmul.f32 v34, v6  }
0x158: {  	v6 =	vld [tilespmem:s3+$0x440]  }
0x159: {  	v39 =	vld [tilespmem:s1+$0x10450];
	v4 =	vadd.f32 v5, v4;
	v5 =	vmul.f32 v35, v7  }
0x15a: {  	v7 =	vld [tilespmem:s3+$0x450]  }
0x15b: {  	v40 =	vld [tilespmem:s3+$0x460];
	v4 =	vadd.f32 v5, v4;
	v5 =	vmul.f32 v37, v36  }
0x15c: {  	v41 =	vld [tilespmem:s1+$0x10460]  }
0x15d: {  	v42 =	vld [tilespmem:s1+$0x10470];
	v4 =	vadd.f32 v5, v4;
	v5 =	vmul.f32 v38, v6  }
0x15e: {  	v6 =	vld [tilespmem:s3+$0x470]  }
0x15f: {  	v43 =	vld [tilespmem:s1+$0x10800];
	v4 =	vadd.f32 v5, v4;
	v5 =	vmul.f32 v39, v7  }
0x160: {  	v7 =	vld [tilespmem:s3+$0x800]  }
0x161: {  	v44 =	vld [tilespmem:s3+$0x810];
	v4 =	vadd.f32 v5, v4;
	v5 =	vmul.f32 v41, v40  }
0x162: {  	v45 =	vld [tilespmem:s1+$0x10810]  }
0x163: {  	v46 =	vld [tilespmem:s1+$0x10820];
	v4 =	vadd.f32 v5, v4;
	v5 =	vmul.f32 v42, v6  }
0x164: {  	v6 =	vld [tilespmem:s3+$0x820]  }
0x165: {  	v47 =	vld [tilespmem:s1+$0x10830];
	v4 =	vadd.f32 v5, v4;
	v5 =	vmul.f32 v43, v7  }
0x166: {  	v7 =	vld [tilespmem:s3+$0x830]  }
0x167: {  	v48 =	vld [tilespmem:s3+$0x840];
	v4 =	vadd.f32 v5, v4;
	v5 =	vmul.f32 v45, v44  }
0x168: {  	v49 =	vld [tilespmem:s1+$0x10840]  }
0x169: {  	v50 =	vld [tilespmem:s1+$0x10850];
	v4 =	vadd.f32 v5, v4;
	v5 =	vmul.f32 v46, v6  }
0x16a: {  	v6 =	vld [tilespmem:s3+$0x850]  }
0x16b: {  	v51 =	vld [tilespmem:s1+$0x10860];
	v4 =	vadd.f32 v5, v4;
	v5 =	vmul.f32 v47, v7  }
0x16c: {  	v7 =	vld [tilespmem:s3+$0x860]  }
0x16d: {  	v52 =	vld [tilespmem:s3+$0x870];
	v4 =	vadd.f32 v5, v4;
	v5 =	vmul.f32 v49, v48  }
0x16e: {  	v53 =	vld [tilespmem:s1+$0x10870]  }
0x16f: {  	v54 =	vld [tilespmem:s1+$0x10C00];
	v4 =	vadd.f32 v5, v4;
	v5 =	vmul.f32 v50, v6  }
0x170: {  	v6 =	vld [tilespmem:s3+$0xC00]  }
0x171: {  	v55 =	vld [tilespmem:s1+$0x10C10];
	v4 =	vadd.f32 v5, v4;
	v5 =	vmul.f32 v51, v7  }
0x172: {  	v7 =	vld [tilespmem:s3+$0xC10]  }
0x173: {  	v56 =	vld [tilespmem:s3+$0xC20];
	v4 =	vadd.f32 v5, v4;
	v5 =	vmul.f32 v53, v52  }
0x174: {  	v57 =	vld [tilespmem:s1+$0x10C20]  }
0x175: {  	v58 =	vld [tilespmem:s1+$0x10C30];
	v4 =	vadd.f32 v5, v4;
	v5 =	vmul.f32 v54, v6  }
0x176: {  	v6 =	vld [tilespmem:s3+$0xC30]  }
0x177: {  	v59 =	vld [tilespmem:s1+$0x10C40];
	v4 =	vadd.f32 v5, v4;
	v5 =	vmul.f32 v55, v7  }
0x178: {  	v7 =	vld [tilespmem:s3+$0xC40]  }
0x179: {  	v60 =	vld [tilespmem:s3+$0xC50];
	v4 =	vadd.f32 v5, v4;
	v5 =	vmul.f32 v57, v56  }
0x17a: {  	v61 =	vld [tilespmem:s1+$0x10C50]  }
0x17b: {  	v62 =	vld [tilespmem:s1+$0x10C60];
	v4 =	vadd.f32 v5, v4;
	v5 =	vmul.f32 v58, v6  }
0x17c: {  	v6 =	vld [tilespmem:s3+$0xC60]  }
0x17d: {  	v4 =	vadd.f32 v5, v4;
	v5 =	vmul.f32 v59, v7  }
0x17e: {  	v63 =	vld [tilespmem:s1+$0x10C70]  }
0x17f: {  	v7 =	vld [tilespmem:s3+$0xC70];
	v4 =	vadd.f32 v5, v4;
	v5 =	vmul.f32 v61, v60;
	_ =	sdelay $0x1  }
0x180: {  	v4 =	vadd.f32 v5, v4;
	v5 =	vmul.f32 v62, v6  }
0x181: {  	s7 =	simm.s32 $0x40  }
0x182: {  	v5 =	vadd.f32 v5, v4;
	v4 =	vmov s7  }
0x183: {  	v6 =	vmul.f32 v63, v7  }
0x184: {  	s14 =	simm.s32 $0x80  }
0x185: {  	s8 =	sand.u32 $0x380, s14;
	s17 =	simm.s32 $0x42;
	s3 =	simm.s32 $0x200;
	v5 =	vadd.f32 v6, v5  }
0x186: {  	s1 =	simm.s32 $0x41;
	s18 =	sand.u32 $0x7000, s3;
	s7 =	simm.s32 $0x8200  }
.LBB2_5:
0x187: {  	p0 =	seq.s32 s17, $0x7F;
	s7 =	sand.u32 $0xF000, s7;
	s18 =	sor.u32 s8, s18;
	[tilespmem:v4+s29+$0x0] =	vst.idx.add.f32.msk $0xffff, v5  }
0x188: {  	s7 =	sor.u32 s8, s7;
	v4 =	vld [tilespmem:s18+$0x10000]  }
0x189: {  	v5 =	vld [tilespmem:s7+$0x0]  }
0x18a: {  	v6 =	vld [tilespmem:s7+$0x10]  }
0x18b: {  	v7 =	vld [tilespmem:s18+$0x10010]  }
0x18c: {  	v8 =	vld [tilespmem:s7+$0x20]  }
0x18d: {  	v9 =	vld [tilespmem:s18+$0x10020]  }
0x18e: {  	v4 =	vmul.f32 v4, v5;
	v5 =	vld [tilespmem:s7+$0x30]  }
0x18f: {  	v10 =	vld [tilespmem:s18+$0x10030]  }
0x190: {  	v4 =	vadd.f32 $0.0e+00, v4;
	v6 =	vmul.f32 v7, v6;
	v7 =	vld [tilespmem:s7+$0x40]  }
0x191: {  	v11 =	vld [tilespmem:s18+$0x10040]  }
0x192: {  	v4 =	vadd.f32 v6, v4;
	v6 =	vmul.f32 v9, v8;
	v8 =	vld [tilespmem:s7+$0x50]  }
0x193: {  	v9 =	vld [tilespmem:s18+$0x10050]  }
0x194: {  	v4 =	vadd.f32 v6, v4;
	v5 =	vmul.f32 v10, v5;
	v6 =	vld [tilespmem:s7+$0x60]  }
0x195: {  	v10 =	vld [tilespmem:s18+$0x10060]  }
0x196: {  	v4 =	vadd.f32 v5, v4;
	v5 =	vmul.f32 v11, v7;
	v7 =	vld [tilespmem:s7+$0x70]  }
0x197: {  	v11 =	vld [tilespmem:s18+$0x10070]  }
0x198: {  	v4 =	vadd.f32 v5, v4;
	v5 =	vmul.f32 v9, v8;
	v8 =	vld [tilespmem:s7+$0x400]  }
0x199: {  	v9 =	vld [tilespmem:s18+$0x10400]  }
0x19a: {  	v4 =	vadd.f32 v5, v4;
	v5 =	vmul.f32 v10, v6;
	v6 =	vld [tilespmem:s7+$0x410]  }
0x19b: {  	v10 =	vld [tilespmem:s18+$0x10410]  }
0x19c: {  	v4 =	vadd.f32 v5, v4;
	v5 =	vmul.f32 v11, v7;
	v7 =	vld [tilespmem:s7+$0x420]  }
0x19d: {  	v11 =	vld [tilespmem:s18+$0x10420]  }
0x19e: {  	v4 =	vadd.f32 v5, v4;
	v5 =	vmul.f32 v9, v8;
	v8 =	vld [tilespmem:s7+$0x430]  }
0x19f: {  	v9 =	vld [tilespmem:s18+$0x10430]  }
0x1a0: {  	v4 =	vadd.f32 v5, v4;
	v5 =	vmul.f32 v10, v6;
	v6 =	vld [tilespmem:s7+$0x440]  }
0x1a1: {  	v10 =	vld [tilespmem:s18+$0x10440]  }
0x1a2: {  	v4 =	vadd.f32 v5, v4;
	v5 =	vmul.f32 v11, v7;
	v7 =	vld [tilespmem:s7+$0x450]  }
0x1a3: {  	v11 =	vld [tilespmem:s18+$0x10450]  }
0x1a4: {  	v4 =	vadd.f32 v5, v4;
	v5 =	vmul.f32 v9, v8;
	v8 =	vld [tilespmem:s7+$0x460]  }
0x1a5: {  	v9 =	vld [tilespmem:s18+$0x10460]  }
0x1a6: {  	v4 =	vadd.f32 v5, v4;
	v5 =	vmul.f32 v10, v6;
	v6 =	vld [tilespmem:s7+$0x470]  }
0x1a7: {  	v10 =	vld [tilespmem:s18+$0x10470]  }
0x1a8: {  	v4 =	vadd.f32 v5, v4;
	v5 =	vmul.f32 v11, v7;
	v7 =	vld [tilespmem:s7+$0x800]  }
0x1a9: {  	v11 =	vld [tilespmem:s18+$0x10800]  }
0x1aa: {  	v4 =	vadd.f32 v5, v4;
	v5 =	vmul.f32 v9, v8;
	v8 =	vld [tilespmem:s7+$0x810]  }
0x1ab: {  	v9 =	vld [tilespmem:s18+$0x10810]  }
0x1ac: {  	v4 =	vadd.f32 v5, v4;
	v5 =	vmul.f32 v10, v6;
	v6 =	vld [tilespmem:s7+$0x820]  }
0x1ad: {  	v10 =	vld [tilespmem:s18+$0x10820]  }
0x1ae: {  	v4 =	vadd.f32 v5, v4;
	v5 =	vmul.f32 v11, v7;
	v7 =	vld [tilespmem:s7+$0x830]  }
0x1af: {  	v11 =	vld [tilespmem:s18+$0x10830]  }
0x1b0: {  	v4 =	vadd.f32 v5, v4;
	v5 =	vmul.f32 v9, v8;
	v8 =	vld [tilespmem:s7+$0x840]  }
0x1b1: {  	v9 =	vld [tilespmem:s18+$0x10840]  }
0x1b2: {  	v4 =	vadd.f32 v5, v4;
	v5 =	vmul.f32 v10, v6;
	v6 =	vld [tilespmem:s7+$0x850]  }
0x1b3: {  	v10 =	vld [tilespmem:s18+$0x10850]  }
0x1b4: {  	v4 =	vadd.f32 v5, v4;
	v5 =	vmul.f32 v11, v7;
	v7 =	vld [tilespmem:s7+$0x860]  }
0x1b5: {  	v11 =	vld [tilespmem:s18+$0x10860]  }
0x1b6: {  	v4 =	vadd.f32 v5, v4;
	v5 =	vmul.f32 v9, v8;
	v8 =	vld [tilespmem:s7+$0x870]  }
0x1b7: {  	v9 =	vld [tilespmem:s18+$0x10870]  }
0x1b8: {  	v4 =	vadd.f32 v5, v4;
	v5 =	vmul.f32 v10, v6;
	v6 =	vld [tilespmem:s7+$0xC00]  }
0x1b9: {  	v10 =	vld [tilespmem:s18+$0x10C00]  }
0x1ba: {  	v4 =	vadd.f32 v5, v4;
	v5 =	vmul.f32 v11, v7;
	v7 =	vld [tilespmem:s7+$0xC10]  }
0x1bb: {  	v11 =	vld [tilespmem:s18+$0x10C10]  }
0x1bc: {  	v4 =	vadd.f32 v5, v4;
	v5 =	vmul.f32 v9, v8;
	v8 =	vld [tilespmem:s7+$0xC20]  }
0x1bd: {  	v9 =	vld [tilespmem:s18+$0x10C20]  }
0x1be: {  	v4 =	vadd.f32 v5, v4;
	v5 =	vmul.f32 v10, v6;
	v6 =	vld [tilespmem:s7+$0xC30]  }
0x1bf: {  	v10 =	vld [tilespmem:s18+$0x10C30]  }
0x1c0: {  	v4 =	vadd.f32 v5, v4;
	v5 =	vmul.f32 v11, v7;
	v7 =	vld [tilespmem:s7+$0xC40]  }
0x1c1: {  	v11 =	vld [tilespmem:s18+$0x10C40]  }
0x1c2: {  	v4 =	vadd.f32 v5, v4;
	v5 =	vmul.f32 v9, v8;
	v8 =	vld [tilespmem:s7+$0xC50]  }
0x1c3: {  	v9 =	vld [tilespmem:s18+$0x10C50]  }
0x1c4: {  	v4 =	vadd.f32 v5, v4;
	v5 =	vmul.f32 v10, v6;
	v6 =	vld [tilespmem:s7+$0xC60]  }
0x1c5: {  	v10 =	vld [tilespmem:s18+$0x10C60]  }
0x1c6: {  	v4 =	vadd.f32 v5, v4;
	v5 =	vmul.f32 v11, v7;
	v7 =	vld [tilespmem:s7+$0xC70]  }
0x1c7: {  	v11 =	vld [tilespmem:s18+$0x10C70]  }
0x1c8: {  	v4 =	vadd.f32 v5, v4;
	v5 =	vmul.f32 v9, v8;
	_ =	sdelay $0x1  }
0x1c9: {  	v5 =	vadd.f32 v5, v4;
	v6 =	vmul.f32 v10, v6  }
.Ltmp1:
0x1ca: {  	v4 =	vmov s1;
	s1 =	smov.u32 s17;
	(pc) =	sbr.rel @!p0 .LBB2_5-.Ltmp1, $4  }
0x1cb: {  	v5 =	vadd.f32 v6, v5;
	v6 =	vmul.f32 v11, v7  }
0x1cc: {  	s14 =	sadd.s32 $0x80, s14  }
0x1cd: {  	s3 =	sadd.s32 $0x200, s3;
	s8 =	sand.u32 $0x380, s14;
	v5 =	vadd.f32 v6, v5  }
0x1ce: {  	s7 =	sadd.s32 $0x8000, s3;
	s18 =	sand.u32 $0x7000, s3;
	s17 =	sadd.s32 $0x1, s17  }
0x1cf: {  	_ =	sdelay $0x3  }
0x1d0: {  	s7 =	sand.u32 $0xF000, s7;
	s3 =	sor.u32 s8, s18;
	[tilespmem:v4+s29+$0x0] =	vst.idx.add.f32.msk $0xffff, v5  }
0x1d1: {  	s7 =	sor.u32 s8, s7;
	v4 =	vld [tilespmem:s3+$0x10000]  }
0x1d2: {  	v5 =	vld [tilespmem:s7+$0x0]  }
0x1d3: {  	v7 =	vld [tilespmem:s3+$0x10010]  }
0x1d4: {  	v6 =	vld [tilespmem:s7+$0x10]  }
0x1d5: {  	v9 =	vld [tilespmem:s3+$0x10020]  }
0x1d6: {  	v8 =	vld [tilespmem:s7+$0x20]  }
0x1d7: {  	v10 =	vld [tilespmem:s3+$0x10030];
	v4 =	vmul.f32 v4, v5  }
0x1d8: {  	v5 =	vld [tilespmem:s7+$0x30]  }
0x1d9: {  	v11 =	vld [tilespmem:s3+$0x10040];
	v6 =	vmul.f32 v7, v6;
	v4 =	vadd.f32 $0.0e+00, v4  }
0x1da: {  	v7 =	vld [tilespmem:s7+$0x40]  }
0x1db: {  	v4 =	vadd.f32 v6, v4;
	v6 =	vmul.f32 v9, v8;
	v8 =	vld [tilespmem:s7+$0x50]  }
0x1dc: {  	v9 =	vld [tilespmem:s3+$0x10050]  }
0x1dd: {  	v5 =	vmul.f32 v10, v5;
	v10 =	vld [tilespmem:s3+$0x10060];
	v4 =	vadd.f32 v6, v4  }
0x1de: {  	v6 =	vld [tilespmem:s7+$0x60]  }
0x1df: {  	v4 =	vadd.f32 v5, v4;
	v5 =	vmul.f32 v11, v7;
	v7 =	vld [tilespmem:s7+$0x70]  }
0x1e0: {  	v11 =	vld [tilespmem:s3+$0x10070]  }
0x1e1: {  	v4 =	vadd.f32 v5, v4;
	v5 =	vmul.f32 v9, v8;
	v8 =	vld [tilespmem:s7+$0x400]  }
0x1e2: {  	v9 =	vld [tilespmem:s3+$0x10400]  }
0x1e3: {  	v4 =	vadd.f32 v5, v4;
	v5 =	vmul.f32 v10, v6;
	v6 =	vld [tilespmem:s7+$0x410]  }
0x1e4: {  	v10 =	vld [tilespmem:s3+$0x10410]  }
0x1e5: {  	v4 =	vadd.f32 v5, v4;
	v5 =	vmul.f32 v11, v7;
	v7 =	vld [tilespmem:s7+$0x420]  }
0x1e6: {  	v11 =	vld [tilespmem:s3+$0x10420]  }
0x1e7: {  	v4 =	vadd.f32 v5, v4;
	v5 =	vmul.f32 v9, v8;
	v8 =	vld [tilespmem:s7+$0x430]  }
0x1e8: {  	v9 =	vld [tilespmem:s3+$0x10430]  }
0x1e9: {  	v4 =	vadd.f32 v5, v4;
	v5 =	vmul.f32 v10, v6;
	v6 =	vld [tilespmem:s7+$0x440]  }
0x1ea: {  	v10 =	vld [tilespmem:s3+$0x10440]  }
0x1eb: {  	v4 =	vadd.f32 v5, v4;
	v5 =	vmul.f32 v11, v7;
	v7 =	vld [tilespmem:s7+$0x450]  }
0x1ec: {  	v11 =	vld [tilespmem:s3+$0x10450]  }
0x1ed: {  	v4 =	vadd.f32 v5, v4;
	v5 =	vmul.f32 v9, v8;
	v8 =	vld [tilespmem:s7+$0x460]  }
0x1ee: {  	v9 =	vld [tilespmem:s3+$0x10460]  }
0x1ef: {  	v4 =	vadd.f32 v5, v4;
	v5 =	vmul.f32 v10, v6;
	v6 =	vld [tilespmem:s7+$0x470]  }
0x1f0: {  	v10 =	vld [tilespmem:s3+$0x10470]  }
0x1f1: {  	v4 =	vadd.f32 v5, v4;
	v5 =	vmul.f32 v11, v7;
	v7 =	vld [tilespmem:s7+$0x800]  }
0x1f2: {  	v11 =	vld [tilespmem:s3+$0x10800]  }
0x1f3: {  	v4 =	vadd.f32 v5, v4;
	v5 =	vmul.f32 v9, v8;
	v8 =	vld [tilespmem:s7+$0x810]  }
0x1f4: {  	v9 =	vld [tilespmem:s3+$0x10810]  }
0x1f5: {  	v4 =	vadd.f32 v5, v4;
	v5 =	vmul.f32 v10, v6;
	v6 =	vld [tilespmem:s7+$0x820]  }
0x1f6: {  	v10 =	vld [tilespmem:s3+$0x10820]  }
0x1f7: {  	v4 =	vadd.f32 v5, v4;
	v5 =	vmul.f32 v11, v7;
	v7 =	vld [tilespmem:s7+$0x830]  }
0x1f8: {  	v11 =	vld [tilespmem:s3+$0x10830]  }
0x1f9: {  	v4 =	vadd.f32 v5, v4;
	v5 =	vmul.f32 v9, v8;
	v8 =	vld [tilespmem:s7+$0x840]  }
0x1fa: {  	v9 =	vld [tilespmem:s3+$0x10840]  }
0x1fb: {  	v4 =	vadd.f32 v5, v4;
	v5 =	vmul.f32 v10, v6;
	v6 =	vld [tilespmem:s7+$0x850]  }
0x1fc: {  	v10 =	vld [tilespmem:s3+$0x10850]  }
0x1fd: {  	v4 =	vadd.f32 v5, v4;
	v5 =	vmul.f32 v11, v7;
	v7 =	vld [tilespmem:s7+$0x860]  }
0x1fe: {  	v11 =	vld [tilespmem:s3+$0x10860]  }
0x1ff: {  	v4 =	vadd.f32 v5, v4;
	v5 =	vmul.f32 v9, v8;
	v8 =	vld [tilespmem:s7+$0x870]  }
0x200: {  	v9 =	vld [tilespmem:s3+$0x10870]  }
0x201: {  	v4 =	vadd.f32 v5, v4;
	v5 =	vmul.f32 v10, v6;
	v6 =	vld [tilespmem:s7+$0xC00]  }
0x202: {  	v10 =	vld [tilespmem:s3+$0x10C00]  }
0x203: {  	v4 =	vadd.f32 v5, v4;
	v5 =	vmul.f32 v11, v7;
	v7 =	vld [tilespmem:s7+$0xC10]  }
0x204: {  	v11 =	vld [tilespmem:s3+$0x10C10]  }
0x205: {  	v4 =	vadd.f32 v5, v4;
	v5 =	vmul.f32 v9, v8;
	v8 =	vld [tilespmem:s7+$0xC20]  }
0x206: {  	v9 =	vld [tilespmem:s3+$0x10C20]  }
0x207: {  	v4 =	vadd.f32 v5, v4;
	v5 =	vmul.f32 v10, v6;
	v6 =	vld [tilespmem:s7+$0xC30]  }
0x208: {  	v10 =	vld [tilespmem:s3+$0x10C30]  }
0x209: {  	v4 =	vadd.f32 v5, v4;
	v5 =	vmul.f32 v11, v7;
	v7 =	vld [tilespmem:s7+$0xC40]  }
0x20a: {  	v11 =	vld [tilespmem:s3+$0x10C40]  }
0x20b: {  	v4 =	vadd.f32 v5, v4;
	v5 =	vmul.f32 v9, v8;
	v8 =	vld [tilespmem:s7+$0xC50]  }
0x20c: {  	v9 =	vld [tilespmem:s3+$0x10C50]  }
0x20d: {  	v4 =	vadd.f32 v5, v4;
	v5 =	vmul.f32 v10, v6;
	v6 =	vld [tilespmem:s7+$0xC60]  }
0x20e: {  	v10 =	vld [tilespmem:s3+$0x10C60]  }
0x20f: {  	v4 =	vadd.f32 v5, v4;
	v5 =	vmul.f32 v11, v7;
	v7 =	vld [tilespmem:s7+$0xC70]  }
0x210: {  	v11 =	vld [tilespmem:s3+$0x10C70]  }
0x211: {  	v4 =	vadd.f32 v5, v4;
	v5 =	vmul.f32 v9, v8;
	_ =	sdelay $0x1  }
0x212: {  	v4 =	vadd.f32 v5, v4;
	v5 =	vmul.f32 v10, v6  }
0x213: {  	v6 =	vmov s1  }
0x214: {  	v4 =	vadd.f32 v5, v4;
	v5 =	vmul.f32 v11, v7;
	_ =	sdelay $0x1  }
0x215: {  	v4 =	vadd.f32 v5, v4;
	_ =	sdelay $0x1  }
0x216: {  	[tilespmem:v6+s29+$0x0] =	vst.idx.add.f32.msk $0xffff, v4  }
0x217: {  	v4 =	vld [tilespmem:$0x18A00];
	_ =	sdelay $0x4  }
0x218: {  	v4 =	vmax.f32 v4, $-4.595119950e+00  }
0x219: {  	v4 =	vmin.f32 v4, $4.595120910e+00  }
0x21a: {  	v5 =	vsub.f32 $0.0e+00, v4;
	_ =	sdelay $0x1  }
0x21b: {  	v5 =	vmul.f32 $1.442695020e+00, v5;
	_ =	sdelay $0x1  }
0x21c: {  	(erf) = vpow2.f32 v5;
	_ =	sdelay $0x1  }
0x21d: {  	v5 =	vld [tilespmem:$0x18A10];
	_ =	sdelay $0x4  }
0x21e: {  	v5 =	vmax.f32 v5, $-4.595119950e+00  }
0x21f: {  	v5 =	vmin.f32 v5, $4.595120910e+00  }
0x220: {  	v7 =	vsub.f32 $0.0e+00, v5;
	v6 =	vpop (erf)  }
0x221: {  	v6 =	vadd.f32 $1.000000000e+00, v6  }
0x222: {  	v7 =	vmul.f32 $1.442695020e+00, v7  }
0x223: {  	(erf) = vrcp.f32 v6  }
0x224: {  	(erf) = vpow2.f32 v7;
	_ =	sdelay $0x1  }
0x225: {  	v6 =	vld [tilespmem:$0x18A20];
	_ =	sdelay $0x4  }
0x226: {  	v6 =	vmax.f32 v6, $-4.595119950e+00  }
0x227: {  	v6 =	vmin.f32 v6, $4.595120910e+00;
	v7 =	vpop (erf)  }
0x228: {  	v9 =	vsub.f32 $0.0e+00, v6;
	v8 =	vpop (erf)  }
0x229: {  	v8 =	vadd.f32 $1.000000000e+00, v8  }
0x22a: {  	v9 =	vmul.f32 $1.442695020e+00, v9  }
0x22b: {  	(erf) = vrcp.f32 v8  }
0x22c: {  	(erf) = vpow2.f32 v9;
	_ =	sdelay $0x1  }
0x22d: {  	v8 =	vld [tilespmem:$0x18A30];
	_ =	sdelay $0x4  }
0x22e: {  	v8 =	vmax.f32 v8, $-4.595119950e+00  }
0x22f: {  	v8 =	vmin.f32 v8, $4.595120910e+00;
	v9 =	vpop (erf)  }
0x230: {  	v11 =	vsub.f32 $0.0e+00, v8;
	v10 =	vpop (erf)  }
0x231: {  	v10 =	vadd.f32 $1.000000000e+00, v10  }
0x232: {  	v11 =	vmul.f32 $1.442695020e+00, v11  }
0x233: {  	(erf) = vrcp.f32 v10  }
0x234: {  	(erf) = vpow2.f32 v11;
	_ =	sdelay $0x1  }
0x235: {  	v10 =	vld [tilespmem:$0x18A40]  }
0x236: {  	s14 =	sshll.u32 s15, $0x7  }
0x237: {  	s1 =	sand.u32 $0x3FFFFF80, s14;
	[tilespmem:$0x18980] =	vst v4  }
0x238: {  	v4 =	vld [tilespmem:s1+$0x18100];
	_ =	sdelay $0x1  }
0x239: {  	v10 =	vmax.f32 v10, $-4.595119950e+00  }
0x23a: {  	v10 =	vmin.f32 v10, $4.595120910e+00;
	v11 =	vpop (erf)  }
0x23b: {  	v13 =	vsub.f32 $0.0e+00, v10;
	v12 =	vpop (erf)  }
0x23c: {  	v4 =	vsub.f32 v7, v4;
	v7 =	vadd.f32 $1.000000000e+00, v12  }
0x23d: {  	[tilespmem:$0x18990] =	vst v5;
	v12 =	vmul.f32 $1.442695020e+00, v13  }
0x23e: {  	[tilespmem:$0x18900] =	vst v4;
	(erf) = vrcp.f32 v7  }
0x23f: {  	v4 =	vld [tilespmem:s1+$0x18110];
	(erf) = vpow2.f32 v12;
	_ =	sdelay $0x1  }
0x240: {  	v5 =	vld [tilespmem:$0x18A50];
	_ =	sdelay $0x2  }
0x241: {  	v4 =	vsub.f32 v9, v4;
	_ =	sdelay $0x1  }
0x242: {  	v5 =	vmax.f32 v5, $-4.595119950e+00  }
0x243: {  	v5 =	vmin.f32 v5, $4.595120910e+00;
	v7 =	vpop (erf)  }
0x244: {  	v9 =	vsub.f32 $0.0e+00, v5;
	[tilespmem:$0x18910] =	vst v4;
	v4 =	vpop (erf)  }
0x245: {  	v4 =	vadd.f32 $1.000000000e+00, v4  }
0x246: {  	v9 =	vmul.f32 $1.442695020e+00, v9  }
0x247: {  	[tilespmem:$0x189A0] =	vst v6;
	(erf) = vrcp.f32 v4  }
0x248: {  	v6 =	vld [tilespmem:s1+$0x18120];
	(erf) = vpow2.f32 v9;
	_ =	sdelay $0x1  }
0x249: {  	v4 =	vld [tilespmem:$0x18A60];
	_ =	sdelay $0x2  }
0x24a: {  	v6 =	vsub.f32 v11, v6  }
0x24b: {  	[tilespmem:$0x189B0] =	vst v8  }
0x24c: {  	[tilespmem:$0x18920] =	vst v6;
	v4 =	vmax.f32 v4, $-4.595119950e+00  }
0x24d: {  	v6 =	vld [tilespmem:s1+$0x18130];
	v4 =	vmin.f32 v4, $4.595120910e+00;
	v8 =	vpop (erf)  }
0x24e: {  	v11 =	vsub.f32 $0.0e+00, v4;
	v9 =	vpop (erf)  }
0x24f: {  	v9 =	vadd.f32 $1.000000000e+00, v9  }
0x250: {  	v11 =	vmul.f32 $1.442695020e+00, v11  }
0x251: {  	(erf) = vrcp.f32 v9  }
0x252: {  	v6 =	vsub.f32 v7, v6;
	(erf) = vpow2.f32 v11  }
0x253: {  	[tilespmem:$0x189C0] =	vst v10  }
0x254: {  	[tilespmem:$0x18930] =	vst v6;
	v6 =	vld [tilespmem:$0x18A70]  }
0x255: {  	v7 =	vld [tilespmem:s1+$0x18140];
	_ =	sdelay $0x3  }
0x256: {  	v6 =	vmax.f32 v6, $-4.595119950e+00  }
0x257: {  	v6 =	vmin.f32 v6, $4.595120910e+00;
	v7 =	vsub.f32 v8, v7;
	v8 =	vpop (erf)  }
0x258: {  	v10 =	vsub.f32 $0.0e+00, v6;
	v9 =	vpop (erf)  }
0x259: {  	[tilespmem:$0x18940] =	vst v7;
	v7 =	vadd.f32 $1.000000000e+00, v9  }
0x25a: {  	[tilespmem:$0x189D0] =	vst v5;
	v5 =	vmul.f32 $1.442695020e+00, v10  }
0x25b: {  	(erf) = vrcp.f32 v7  }
0x25c: {  	(erf) = vpow2.f32 v5  }
0x25d: {  	v7 =	vld [tilespmem:s1+$0x18150];
	_ =	sdelay $0x4  }
0x25e: {  	v5 =	vsub.f32 v8, v7  }
0x25f: {  	[tilespmem:$0x189E0] =	vst v4  }
0x260: {  	[tilespmem:$0x18950] =	vst v5;
	v4 =	vpop (erf)  }
0x261: {  	v5 =	vld [tilespmem:s1+$0x18160];
	v7 =	vpop (erf)  }
0x262: {  	v7 =	vadd.f32 $1.000000000e+00, v7;
	_ =	sdelay $0x1  }
0x263: {  	(erf) = vrcp.f32 v7;
	_ =	sdelay $0x1  }
0x264: {  	v4 =	vsub.f32 v4, v5  }
0x265: {  	[tilespmem:$0x189F0] =	vst v6  }
0x266: {  	[tilespmem:$0x18960] =	vst v4  }
0x267: {  	v4 =	vld [tilespmem:s1+$0x18170];
	_ =	sdelay $0x3  }
0x268: {  	v5 =	vpop (erf)  }
0x269: {  	v4 =	vsub.f32 v5, v4;
	_ =	sdelay $0x1  }
0x26a: {  	s15 =	simm.s32 $0x10000;
	s14 =	simm.s32 $0x0;
	[tilespmem:$0x18970] =	vst v4  }
0x26b: {  	[tilespmem:s15], [sflag:$0x2] =	stream.linear.gather [hbm4b:s2+s14], $0x8000, $0x38;
	[tilespmem:$0x18A80] =	vst v63  }
0x26c: {  	_ =	swait.ge [sflag:s16], $0x8000  }
0x26d: {  	s17 =	sand.u32 $0x7000, s14;
	s18 =	sand.u32 $0x380, s14;
	[sflag:s16] =	ssyncset.done $0x0  }
0x26e: {  	s1 =	sor.u32 s18, s17;
	[sflag:s16] =	ssyncadd.s32 $0xFFFF8000  }
0x26f: {  	v12 =	vld [tilespmem:s1+$0x10000]  }
0x270: {  	v24 =	vld [tilespmem:s1+$0x10010]  }
0x271: {  	v26 =	vld [tilespmem:s1+$0x10020]  }
0x272: {  	v27 =	vld [tilespmem:s1+$0x10030]  }
0x273: {  	v25 =	vld [tilespmem:s1+$0x10040]  }
0x274: {  	v23 =	vld [tilespmem:s1+$0x10050]  }
0x275: {  	v16 =	vld [tilespmem:s1+$0x10060]  }
0x276: {  	v17 =	vld [tilespmem:s1+$0x10070]  }
0x277: {  	v14 =	vld [tilespmem:s1+$0x10400]  }
0x278: {  	v13 =	vld [tilespmem:s1+$0x10410]  }
0x279: {  	v10 =	vld [tilespmem:s1+$0x10420]  }
0x27a: {  	v9 =	vld [tilespmem:s1+$0x10430]  }
0x27b: {  	v8 =	vld [tilespmem:s1+$0x10440]  }
0x27c: {  	v7 =	vld [tilespmem:s1+$0x10450]  }
0x27d: {  	s13 =	simm.s32 $0x800;
	s11 =	simm.s32 $0x2800;
	v6 =	vld [tilespmem:s1+$0x10460]  }
0x27e: {  	s8 =	simm.s32 $0x2000;
	v5 =	vmov s14;
	s2 =	simm.s32 $0x1;
	s15 =	simm.s32 $0x0;
	v4 =	vld [tilespmem:s1+$0x10470]  }
.LBB2_7:
0x27f: {  	p0 =	sne.s32 s2, $0x3F;
	v22 =	vld [tilespmem:s1+$0x10800]  }
0x280: {  	v19 =	vld [tilespmem:s1+$0x10810]  }
0x281: {  	v20 =	vld [tilespmem:s1+$0x10820]  }
0x282: {  	v18 =	vld [tilespmem:s1+$0x10830]  }
0x283: {  	v5 =	vld.idx.msk [tilespmem:v5+s30+$0x0], $0xffff  }
0x284: {  	v21 =	vld [tilespmem:s1+$0x10840]  }
0x285: {  	v15 =	vld [tilespmem:s1+$0x10850]  }
0x286: {  	v28 =	vld [tilespmem:s1+$0x30]  }
0x287: {  	v29 =	vld [tilespmem:s1+$0x10]  }
0x288: {  	v30 =	vld [tilespmem:s1+$0x0]  }
0x289: {  	v5 =	vmul.f32 $9.999999770e-03, v5;
	v31 =	vld [tilespmem:s1+$0x20]  }
0x28a: {  	v32 =	vld [tilespmem:s1+$0x40]  }
0x28b: {  	v33 =	vmul.f32 v12, v5;
	v24 =	vmul.f32 v24, v5;
	v11 =	vld [tilespmem:s1+$0x10860]  }
0x28c: {  	v26 =	vmul.f32 v26, v5;
	v27 =	vmul.f32 v27, v5;
	v12 =	vld [tilespmem:s1+$0x10870]  }
0x28d: {  	v25 =	vmul.f32 v25, v5;
	v24 =	vsub.f32 v29, v24;
	v30 =	vsub.f32 v30, v33;
	v29 =	vld [tilespmem:s1+$0x50]  }
0x28e: {  	v23 =	vmul.f32 v23, v5;
	v27 =	vsub.f32 v28, v27;
	v26 =	vsub.f32 v31, v26;
	v28 =	vld [tilespmem:s1+$0x410]  }
0x28f: {  	v24 =	vmax.f32 v24, $-5.000000000e+00;
	v30 =	vmax.f32 v30, $-5.000000000e+00;
	v25 =	vsub.f32 v32, v25;
	v31 =	vld [tilespmem:s1+$0x70]  }
0x290: {  	v24 =	vmin.f32 v24, $5.000000000e+00;
	v30 =	vmin.f32 v30, $5.000000000e+00;
	v26 =	vmax.f32 v26, $-5.000000000e+00;
	v32 =	vld [tilespmem:s1+$0x60]  }
0x291: {  	v27 =	vmax.f32 v27, $-5.000000000e+00;
	[tilespmem:s1+$0x0] =	vst v30;
	v26 =	vmin.f32 v26, $5.000000000e+00;
	v25 =	vmax.f32 v25, $-5.000000000e+00;
	v30 =	vld [tilespmem:s1+$0x400]  }
0x292: {  	[tilespmem:s1+$0x10] =	vst v24;
	v24 =	vmin.f32 v27, $5.000000000e+00;
	v25 =	vmin.f32 v25, $5.000000000e+00;
	v27 =	vsub.f32 v29, v23;
	v23 =	vld [tilespmem:s1+$0x10C00]  }
0x293: {  	v17 =	vmul.f32 v17, v5;
	[tilespmem:s1+$0x20] =	vst v26;
	v26 =	vmul.f32 v16, v5;
	v16 =	vld [tilespmem:s1+$0x10C10]  }
0x294: {  	v14 =	vmul.f32 v14, v5;
	v13 =	vmul.f32 v13, v5;
	[tilespmem:s1+$0x30] =	vst v24;
	v24 =	vmax.f32 v27, $-5.000000000e+00;
	v27 =	vld [tilespmem:s1+$0x420]  }
0x295: {  	v17 =	vsub.f32 v31, v17;
	[tilespmem:s1+$0x40] =	vst v25;
	v24 =	vmin.f32 v24, $5.000000000e+00;
	v25 =	vsub.f32 v32, v26;
	v26 =	vld [tilespmem:s1+$0x430]  }
0x296: {  	v10 =	vmul.f32 v10, v5;
	v13 =	vsub.f32 v28, v13;
	[tilespmem:s1+$0x50] =	vst v24;
	v14 =	vsub.f32 v30, v14;
	v24 =	vld [tilespmem:s1+$0x460]  }
0x297: {  	v9 =	vmul.f32 v9, v5;
	v17 =	vmax.f32 v17, $-5.000000000e+00;
	v25 =	vmax.f32 v25, $-5.000000000e+00;
	v28 =	vld [tilespmem:s1+$0x440]  }
0x298: {  	v17 =	vmin.f32 v17, $5.000000000e+00;
	v25 =	vmin.f32 v25, $5.000000000e+00;
	v14 =	vmax.f32 v14, $-5.000000000e+00;
	v29 =	vld [tilespmem:s1+$0x450]  }
0x299: {  	v13 =	vmax.f32 v13, $-5.000000000e+00;
	[tilespmem:s1+$0x60] =	vst v25;
	v14 =	vmin.f32 v14, $5.000000000e+00;
	v10 =	vsub.f32 v27, v10;
	v25 =	vld [tilespmem:s1+$0x10C20]  }
0x29a: {  	v8 =	vmul.f32 v8, v5;
	v13 =	vmin.f32 v13, $5.000000000e+00;
	[tilespmem:s1+$0x70] =	vst v17;
	v9 =	vsub.f32 v26, v9;
	v17 =	vld [tilespmem:s1+$0x10C30]  }
0x29b: {  	v7 =	vmul.f32 v7, v5;
	v6 =	vmul.f32 v6, v5;
	[tilespmem:s1+$0x400] =	vst v14;
	v10 =	vmax.f32 v10, $-5.000000000e+00;
	v14 =	vld [tilespmem:s1+$0x470]  }
0x29c: {  	[tilespmem:s1+$0x410] =	vst v13;
	v10 =	vmin.f32 v10, $5.000000000e+00;
	v9 =	vmax.f32 v9, $-5.000000000e+00;
	v8 =	vsub.f32 v28, v8;
	v13 =	vld [tilespmem:s1+$0x800]  }
0x29d: {  	v6 =	vsub.f32 v24, v6;
	[tilespmem:s1+$0x420] =	vst v10;
	v9 =	vmin.f32 v9, $5.000000000e+00;
	v7 =	vsub.f32 v29, v7;
	v10 =	vld [tilespmem:s1+$0x830]  }
0x29e: {  	v4 =	vmul.f32 v4, v5;
	[tilespmem:s1+$0x430] =	vst v9;
	v8 =	vmax.f32 v8, $-5.000000000e+00;
	v9 =	vmul.f32 v22, v5;
	v22 =	vld [tilespmem:s1+$0x810]  }
0x29f: {  	v6 =	vmax.f32 v6, $-5.000000000e+00;
	v8 =	vmin.f32 v8, $5.000000000e+00;
	v7 =	vmax.f32 v7, $-5.000000000e+00;
	v24 =	vld [tilespmem:s1+$0x820]  }
0x2a0: {  	v6 =	vmin.f32 v6, $5.000000000e+00;
	[tilespmem:s1+$0x440] =	vst v8;
	v7 =	vmin.f32 v7, $5.000000000e+00;
	v4 =	vsub.f32 v14, v4;
	v8 =	vld [tilespmem:s1+$0x840]  }
0x2a1: {  	[tilespmem:s1+$0x450] =	vst v7;
	v7 =	vsub.f32 v13, v9;
	v9 =	vmul.f32 v19, v5;
	v13 =	vmul.f32 v20, v5;
	v14 =	vld [tilespmem:s1+$0x10C40]  }
0x2a2: {  	[tilespmem:s1+$0x460] =	vst v6;
	v4 =	vmax.f32 v4, $-5.000000000e+00;
	v6 =	vmul.f32 v18, v5;
	v18 =	vmul.f32 v21, v5;
	v19 =	vld [tilespmem:s1+$0x10C50]  }
0x2a3: {  	v4 =	vmin.f32 v4, $5.000000000e+00;
	v7 =	vmax.f32 v7, $-5.000000000e+00;
	v9 =	vsub.f32 v22, v9;
	v20 =	vld [tilespmem:s1+$0x850]  }
0x2a4: {  	[tilespmem:s1+$0x470] =	vst v4;
	v4 =	vmin.f32 v7, $5.000000000e+00;
	v7 =	vsub.f32 v24, v13;
	v6 =	vsub.f32 v10, v6;
	v10 =	vld [tilespmem:s1+$0xC00]  }
0x2a5: {  	[tilespmem:s1+$0x800] =	vst v4;
	v4 =	vmax.f32 v9, $-5.000000000e+00;
	v8 =	vsub.f32 v8, v18;
	v9 =	vmul.f32 v15, v5;
	v13 =	vld [tilespmem:s1+$0x860]  }
0x2a6: {  	v4 =	vmin.f32 v4, $5.000000000e+00;
	v7 =	vmax.f32 v7, $-5.000000000e+00;
	v6 =	vmax.f32 v6, $-5.000000000e+00;
	v15 =	vld [tilespmem:s1+$0x870]  }
0x2a7: {  	[tilespmem:s1+$0x810] =	vst v4;
	v4 =	vmin.f32 v7, $5.000000000e+00;
	v6 =	vmin.f32 v6, $5.000000000e+00;
	v7 =	vmax.f32 v8, $-5.000000000e+00;
	v8 =	vld [tilespmem:s1+$0xC10]  }
0x2a8: {  	[tilespmem:s1+$0x820] =	vst v4;
	v4 =	vmin.f32 v7, $5.000000000e+00;
	v7 =	vsub.f32 v20, v9;
	v9 =	vmul.f32 v11, v5;
	v11 =	vld [tilespmem:s1+$0x10C60]  }
0x2a9: {  	[tilespmem:s1+$0x830] =	vst v6;
	v6 =	vmul.f32 v12, v5;
	v12 =	vmul.f32 v23, v5;
	v18 =	vld [tilespmem:s1+$0x10C70]  }
0x2aa: {  	[tilespmem:s1+$0x840] =	vst v4;
	v4 =	vmax.f32 v7, $-5.000000000e+00;
	v7 =	vsub.f32 v13, v9;
	v9 =	vmul.f32 v16, v5;
	v13 =	vld [tilespmem:s1+$0xC20]  }
0x2ab: {  	v4 =	vmin.f32 v4, $5.000000000e+00;
	v6 =	vsub.f32 v15, v6;
	v10 =	vsub.f32 v10, v12;
	v15 =	vld [tilespmem:s1+$0xC50]  }
0x2ac: {  	s14 =	sadd.s32 $0x80, s14;
	s15 =	sadd.s32 $0x200, s15;
	[tilespmem:s1+$0x850] =	vst v4;
	v4 =	vmax.f32 v7, $-5.000000000e+00;
	v7 =	vsub.f32 v8, v9;
	v8 =	vmul.f32 v25, v5;
	v9 =	vld [tilespmem:s1+$0xC30]  }
0x2ad: {  	s3 =	sand.u32 $0x7000, s15;
	s7 =	sand.u32 $0x380, s14;
	v4 =	vmin.f32 v4, $5.000000000e+00;
	v6 =	vmax.f32 v6, $-5.000000000e+00;
	v10 =	vmax.f32 v10, $-5.000000000e+00;
	v16 =	vld [tilespmem:s1+$0xC40]  }
0x2ae: {  	s3 =	sor.u32 s7, s3;
	[tilespmem:s1+$0x860] =	vst v4;
	v4 =	vmin.f32 v6, $5.000000000e+00;
	v6 =	vmin.f32 v10, $5.000000000e+00;
	v7 =	vmax.f32 v7, $-5.000000000e+00;
	v10 =	vld [tilespmem:s1+$0xC60]  }
0x2af: {  	v12 =	vld [tilespmem:s3+$0x10000];
	[tilespmem:s1+$0x870] =	vst v4;
	v4 =	vmin.f32 v7, $5.000000000e+00;
	v7 =	vsub.f32 v13, v8;
	v8 =	vmul.f32 v17, v5  }
0x2b0: {  	v13 =	vmul.f32 v19, v5;
	v24 =	vld [tilespmem:s3+$0x10010];
	[tilespmem:s1+$0xC00] =	vst v6;
	v6 =	vmul.f32 v14, v5  }
0x2b1: {  	[tilespmem:s1+$0xC10] =	vst v4;
	v4 =	vmax.f32 v7, $-5.000000000e+00;
	v7 =	vsub.f32 v9, v8;
	v8 =	vmul.f32 v11, v5;
	v9 =	vld [tilespmem:s1+$0xC70]  }
0x2b2: {  	v11 =	vsub.f32 v15, v13;
	v26 =	vld [tilespmem:s3+$0x10020];
	v4 =	vmin.f32 v4, $5.000000000e+00;
	v6 =	vsub.f32 v16, v6  }
0x2b3: {  	v5 =	vmul.f32 v18, v5;
	v27 =	vld [tilespmem:s3+$0x10030];
	[tilespmem:s1+$0xC20] =	vst v4;
	v4 =	vmax.f32 v7, $-5.000000000e+00;
	v7 =	vsub.f32 v10, v8  }
0x2b4: {  	v8 =	vmax.f32 v11, $-5.000000000e+00;
	v25 =	vld [tilespmem:s3+$0x10040];
	v4 =	vmin.f32 v4, $5.000000000e+00;
	v6 =	vmax.f32 v6, $-5.000000000e+00  }
0x2b5: {  	v23 =	vld [tilespmem:s3+$0x10050];
	[tilespmem:s1+$0xC30] =	vst v4;
	v4 =	vmin.f32 v6, $5.000000000e+00;
	v6 =	vmin.f32 v8, $5.000000000e+00;
	v7 =	vmax.f32 v7, $-5.000000000e+00  }
0x2b6: {  	v16 =	vld [tilespmem:s3+$0x10060];
	[tilespmem:s1+$0xC40] =	vst v4;
	v4 =	vmin.f32 v7, $5.000000000e+00;
	v5 =	vsub.f32 v9, v5  }
0x2b7: {  	v17 =	vld [tilespmem:s3+$0x10070];
	[tilespmem:s1+$0xC50] =	vst v6  }
0x2b8: {  	v14 =	vld [tilespmem:s3+$0x10400];
	[tilespmem:s1+$0xC60] =	vst v4;
	v4 =	vmax.f32 v5, $-5.000000000e+00  }
0x2b9: {  	v13 =	vld [tilespmem:s3+$0x10410];
	v4 =	vmin.f32 v4, $5.000000000e+00  }
0x2ba: {  	v10 =	vld [tilespmem:s3+$0x10420];
	[tilespmem:s1+$0xC70] =	vst v4;
	s1 =	smov.u32 s3  }
.Ltmp2:
0x2bb: {  	v9 =	vld [tilespmem:s1+$0x10430];
	(pc) =	sbr.rel @p0 .LBB2_7-.Ltmp2, $4  }
0x2bc: {  	v8 =	vld [tilespmem:s1+$0x10440]  }
0x2bd: {  	v7 =	vld [tilespmem:s1+$0x10450]  }
0x2be: {  	v6 =	vld [tilespmem:s1+$0x10460]  }
0x2bf: {  	v5 =	vmov s2;
	s2 =	sadd.s32 $0x1, s2;
	v4 =	vld [tilespmem:s1+$0x10470]  }
0x2c0: {  	_ =	sdelay $0x1  }
0x2c1: {  	v18 =	vld [tilespmem:s1+$0x10800]  }
0x2c2: {  	v20 =	vld [tilespmem:s1+$0x10820]  }
0x2c3: {  	v5 =	vld.idx.msk [tilespmem:v5+s30+$0x0], $0xffff  }
0x2c4: {  	v22 =	vld [tilespmem:s1+$0x10840]  }
0x2c5: {  	v11 =	vld [tilespmem:s1+$0x10850]  }
0x2c6: {  	v28 =	vld [tilespmem:s1+$0x0]  }
0x2c7: {  	v29 =	vld [tilespmem:s1+$0x10]  }
0x2c8: {  	v30 =	vld [tilespmem:s1+$0x30]  }
0x2c9: {  	v31 =	vld [tilespmem:s1+$0x20]  }
0x2ca: {  	v32 =	vld [tilespmem:s1+$0x40];
	v5 =	vmul.f32 $9.999999770e-03, v5  }
0x2cb: {  	v50 =	vld [tilespmem:s1+$0x50]  }
0x2cc: {  	v51 =	vld [tilespmem:s1+$0x70];
	v12 =	vmul.f32 v12, v5;
	v24 =	vmul.f32 v24, v5  }
0x2cd: {  	v33 =	vld [tilespmem:s1+$0x60];
	v26 =	vmul.f32 v26, v5;
	v27 =	vmul.f32 v27, v5  }
0x2ce: {  	v52 =	vld [tilespmem:s1+$0x400];
	v25 =	vmul.f32 v25, v5;
	v23 =	vmul.f32 v23, v5  }
0x2cf: {  	v56 =	vld [tilespmem:s1+$0x410];
	v16 =	vmul.f32 v16, v5;
	v17 =	vmul.f32 v17, v5  }
0x2d0: {  	v59 =	vld [tilespmem:s1+$0x420];
	v14 =	vmul.f32 v14, v5;
	v13 =	vmul.f32 v13, v5  }
0x2d1: {  	v60 =	vld [tilespmem:s1+$0x430];
	v10 =	vmul.f32 v10, v5;
	v9 =	vmul.f32 v9, v5  }
0x2d2: {  	v61 =	vld [tilespmem:s1+$0x460];
	v8 =	vmul.f32 v8, v5;
	v7 =	vmul.f32 v7, v5;
	v28 =	vsub.f32 v28, v12  }
0x2d3: {  	v62 =	vld [tilespmem:s1+$0x440];
	v6 =	vmul.f32 v6, v5;
	v24 =	vsub.f32 v29, v24;
	v26 =	vsub.f32 v31, v26  }
0x2d4: {  	v63 =	vld [tilespmem:s1+$0x450];
	v4 =	vmul.f32 v4, v5;
	v27 =	vsub.f32 v30, v27;
	v53 =	vsub.f32 v32, v25  }
0x2d5: {  	v40 =	vld [tilespmem:s1+$0x10C40];
	v38 =	vmul.f32 v18, v5;
	v23 =	vsub.f32 v50, v23;
	v16 =	vsub.f32 v33, v16  }
0x2d6: {  	v43 =	vld [tilespmem:s1+$0x10C50];
	v41 =	vmul.f32 v20, v5;
	v17 =	vsub.f32 v51, v17;
	v14 =	vsub.f32 v52, v14  }
0x2d7: {  	v19 =	vld [tilespmem:s1+$0x10810];
	v42 =	vmul.f32 v22, v5;
	v13 =	vsub.f32 v56, v13;
	v10 =	vsub.f32 v59, v10  }
0x2d8: {  	v21 =	vld [tilespmem:s1+$0x10830];
	v11 =	vmul.f32 v11, v5;
	v9 =	vsub.f32 v60, v9;
	v8 =	vsub.f32 v62, v8  }
0x2d9: {  	v15 =	vld [tilespmem:s1+$0x10860];
	v7 =	vsub.f32 v63, v7;
	v6 =	vsub.f32 v61, v6;
	v28 =	vmax.f32 v28, $-5.000000000e+00  }
0x2da: {  	v55 =	vld [tilespmem:s1+$0x10C00];
	v60 =	vmul.f32 v40, v5;
	v24 =	vmax.f32 v24, $-5.000000000e+00;
	v28 =	vmin.f32 v28, $5.000000000e+00  }
0x2db: {  	v58 =	vld [tilespmem:s1+$0x10C10];
	v62 =	vmul.f32 v43, v5;
	v26 =	vmax.f32 v26, $-5.000000000e+00;
	v24 =	vmin.f32 v24, $5.000000000e+00;
	[tilespmem:s1+$0x0] =	vst v28  }
0x2dc: {  	v34 =	vld [tilespmem:s1+$0x800];
	v27 =	vmax.f32 v27, $-5.000000000e+00;
	v23 =	vmax.f32 v23, $-5.000000000e+00;
	v54 =	vmin.f32 v26, $5.000000000e+00;
	[tilespmem:s1+$0x10] =	vst v24  }
0x2dd: {  	v36 =	vld [tilespmem:s1+$0x810];
	v16 =	vmax.f32 v16, $-5.000000000e+00;
	v17 =	vmax.f32 v17, $-5.000000000e+00;
	v57 =	vmin.f32 v27, $5.000000000e+00;
	[tilespmem:s1+$0x20] =	vst v54  }
0x2de: {  	v37 =	vld [tilespmem:s1+$0x820];
	v14 =	vmax.f32 v14, $-5.000000000e+00;
	v13 =	vmax.f32 v13, $-5.000000000e+00;
	v23 =	vmin.f32 v23, $5.000000000e+00;
	[tilespmem:s1+$0x30] =	vst v57  }
0x2df: {  	v44 =	vld [tilespmem:s1+$0x850];
	v10 =	vmax.f32 v10, $-5.000000000e+00;
	v9 =	vmax.f32 v9, $-5.000000000e+00;
	v16 =	vmin.f32 v16, $5.000000000e+00;
	[tilespmem:s1+$0x50] =	vst v23  }
0x2e0: {  	v33 =	vld [tilespmem:s1+$0x470];
	v8 =	vmax.f32 v8, $-5.000000000e+00;
	v7 =	vmax.f32 v7, $-5.000000000e+00;
	v13 =	vmin.f32 v13, $5.000000000e+00;
	[tilespmem:s1+$0x60] =	vst v16  }
0x2e1: {  	v12 =	vld [tilespmem:s1+$0x10870];
	v6 =	vmax.f32 v6, $-5.000000000e+00;
	v30 =	vmin.f32 v17, $5.000000000e+00;
	v9 =	vmin.f32 v9, $5.000000000e+00;
	[tilespmem:s1+$0x410] =	vst v13  }
0x2e2: {  	v32 =	vld [tilespmem:s1+$0x10C30];
	v14 =	vmin.f32 v14, $5.000000000e+00;
	v10 =	vmin.f32 v10, $5.000000000e+00;
	v8 =	vmin.f32 v8, $5.000000000e+00;
	[tilespmem:s1+$0x430] =	vst v9  }
0x2e3: {  	v35 =	vld [tilespmem:s1+$0x830];
	v7 =	vmin.f32 v7, $5.000000000e+00;
	v6 =	vmin.f32 v6, $5.000000000e+00;
	v24 =	vmax.f32 v53, $-5.000000000e+00;
	[tilespmem:s1+$0x440] =	vst v8  }
0x2e4: {  	v39 =	vld [tilespmem:s1+$0x840];
	[tilespmem:s1+$0x450] =	vst v7;
	v7 =	vmul.f32 v19, v5;
	v8 =	vsub.f32 v34, v38;
	v13 =	vsub.f32 v37, v41  }
0x2e5: {  	v45 =	vld [tilespmem:s1+$0x860];
	[tilespmem:s1+$0x460] =	vst v6;
	v6 =	vmul.f32 v21, v5;
	v9 =	vsub.f32 v44, v11;
	v4 =	vsub.f32 v33, v4  }
0x2e6: {  	v49 =	vld [tilespmem:s1+$0xC10];
	[tilespmem:s1+$0x70] =	vst v30;
	v53 =	vmul.f32 v58, v5;
	v24 =	vmin.f32 v24, $5.000000000e+00;
	v12 =	vmul.f32 v12, v5  }
0x2e7: {  	v47 =	vld [tilespmem:s1+$0x870];
	[tilespmem:s1+$0x400] =	vst v14;
	v59 =	vmul.f32 v32, v5;
	v7 =	vsub.f32 v36, v7;
	v4 =	vmax.f32 v4, $-5.000000000e+00  }
0x2e8: {  	v48 =	vld [tilespmem:s1+$0xC00];
	[tilespmem:s1+$0x420] =	vst v10;
	v8 =	vmax.f32 v8, $-5.000000000e+00;
	v6 =	vsub.f32 v35, v6;
	v4 =	vmin.f32 v4, $5.000000000e+00  }
0x2e9: {  	v31 =	vld [tilespmem:s1+$0x10C20];
	v46 =	vmax.f32 v13, $-5.000000000e+00;
	v7 =	vmax.f32 v7, $-5.000000000e+00;
	[tilespmem:s1+$0x470] =	vst v4;
	v4 =	vmin.f32 v8, $5.000000000e+00  }
0x2ea: {  	v50 =	vld [tilespmem:s1+$0x10C60];
	v9 =	vmax.f32 v9, $-5.000000000e+00;
	v6 =	vmax.f32 v6, $-5.000000000e+00;
	v7 =	vmin.f32 v7, $5.000000000e+00;
	[tilespmem:s1+$0x800] =	vst v4  }
0x2eb: {  	v51 =	vld [tilespmem:s1+$0xC20];
	v10 =	vsub.f32 v49, v53;
	v6 =	vmin.f32 v6, $5.000000000e+00;
	v4 =	vsub.f32 v39, v42;
	[tilespmem:s1+$0x810] =	vst v7  }
0x2ec: {  	v56 =	vld [tilespmem:s1+$0xC40];
	v12 =	vsub.f32 v47, v12;
	v7 =	vmin.f32 v46, $5.000000000e+00;
	[tilespmem:s1+$0x830] =	vst v6;
	v6 =	vmul.f32 v55, v5  }
0x2ed: {  	v54 =	vld [tilespmem:s1+$0xC30];
	v9 =	vmin.f32 v9, $5.000000000e+00;
	[tilespmem:s1+$0x820] =	vst v7;
	v7 =	vmul.f32 v15, v5;
	v4 =	vmax.f32 v4, $-5.000000000e+00  }
0x2ee: {  	v52 =	vld [tilespmem:s1+$0x10C70];
	[tilespmem:s1+$0x40] =	vst v24;
	v55 =	vmul.f32 v31, v5;
	v6 =	vsub.f32 v48, v6;
	v4 =	vmin.f32 v4, $5.000000000e+00  }
0x2ef: {  	v57 =	vmax.f32 v10, $-5.000000000e+00;
	v12 =	vmax.f32 v12, $-5.000000000e+00;
	v7 =	vsub.f32 v45, v7;
	[tilespmem:s1+$0x840] =	vst v4;
	v4 =	vld [tilespmem:s1+$0xC50]  }
0x2f0: {  	v58 =	vld [tilespmem:s1+$0xC60];
	[tilespmem:s1+$0x850] =	vst v9;
	v12 =	vmin.f32 v12, $5.000000000e+00;
	v8 =	vsub.f32 v51, v55;
	v6 =	vmax.f32 v6, $-5.000000000e+00  }
0x2f1: {  	v61 =	vld [tilespmem:s1+$0xC70];
	v9 =	vsub.f32 v56, v60;
	[tilespmem:s1+$0x870] =	vst v12;
	v7 =	vmax.f32 v7, $-5.000000000e+00;
	v6 =	vmin.f32 v6, $5.000000000e+00  }
0x2f2: {  	v13 =	vsub.f32 v54, v59;
	v8 =	vmax.f32 v8, $-5.000000000e+00;
	v7 =	vmin.f32 v7, $5.000000000e+00;
	[tilespmem:s1+$0xC00] =	vst v6  }
0x2f3: {  	v8 =	vmin.f32 v8, $5.000000000e+00;
	v6 =	vmul.f32 v50, v5;
	[tilespmem:s1+$0x860] =	vst v7;
	v7 =	vmin.f32 v57, $5.000000000e+00  }
0x2f4: {  	v5 =	vmul.f32 v52, v5;
	[tilespmem:s1+$0xC10] =	vst v7;
	v7 =	vmax.f32 v13, $-5.000000000e+00;
	v4 =	vsub.f32 v4, v62  }
0x2f5: {  	v63 =	vmax.f32 v9, $-5.000000000e+00;
	[tilespmem:s1+$0xC20] =	vst v8;
	v6 =	vsub.f32 v58, v6;
	v7 =	vmin.f32 v7, $5.000000000e+00  }
0x2f6: {  	v5 =	vsub.f32 v61, v5;
	[tilespmem:s1+$0xC30] =	vst v7;
	v7 =	vmin.f32 v63, $5.000000000e+00;
	v4 =	vmax.f32 v4, $-5.000000000e+00  }
0x2f7: {  	v6 =	vmax.f32 v6, $-5.000000000e+00;
	[tilespmem:s1+$0xC40] =	vst v7;
	v4 =	vmin.f32 v4, $5.000000000e+00  }
0x2f8: {  	v6 =	vmin.f32 v6, $5.000000000e+00;
	[tilespmem:s1+$0xC50] =	vst v4;
	v4 =	vmax.f32 v5, $-5.000000000e+00  }
0x2f9: {  	s3 =	simm.s32 $0x40;
	[tilespmem:s1+$0xC60] =	vst v6;
	v4 =	vmin.f32 v4, $5.000000000e+00  }
0x2fa: {  	s2 =	simm.s32 $0x0;
	s7 =	simm.s32 $0x10000;
	[tilespmem:s1+$0xC70] =	vst v4;
	v4 =	vmov s3  }
0x2fb: {  	[tilespmem:s7], [sflag:$0x2] =	stream.linear.gather [hbm4b:s5+s2], $0x8000, $0x38;
	[tilespmem:$0x18A80] =	vst v63  }
0x2fc: {  	_ =	swait.ge [sflag:s16], $0x8000  }
0x2fd: {  	[sflag:s16] =	ssyncset.done $0x0  }
0x2fe: {  	[sflag:s16] =	ssyncadd.s32 $0xFFFF8000  }
0x2ff: {  	s14 =	sand.u32 $0x380, s2;
	s15 =	sand.u32 $0x7000, s2;
	v4 =	vld.idx.msk [tilespmem:v4+s30+$0x0], $0xffff  }
0x300: {  	s17 =	simm.s32 $0x8000;
	s1 =	sor.u32 s14, s15  }
0x301: {  	s5 =	sand.u32 $0xF000, s17;
	v5 =	vld [tilespmem:s1+$0x10000]  }
0x302: {  	s5 =	sor.u32 s14, s5  }
0x303: {  	v6 =	vld [tilespmem:s5+$0x0]  }
0x304: {  	v4 =	vmul.f32 $9.999999770e-03, v4;
	_ =	sdelay $0x1  }
0x305: {  	v5 =	vmul.f32 v5, v4;
	_ =	sdelay $0x1  }
0x306: {  	v5 =	vsub.f32 v6, v5;
	_ =	sdelay $0x1  }
0x307: {  	v5 =	vmax.f32 v5, $-5.000000000e+00  }
0x308: {  	v5 =	vmin.f32 v5, $5.000000000e+00  }
0x309: {  	[tilespmem:s5+$0x0] =	vst v5  }
0x30a: {  	v5 =	vld [tilespmem:s1+$0x10010];
	_ =	sdelay $0x1  }
0x30b: {  	v6 =	vld [tilespmem:s5+$0x10];
	_ =	sdelay $0x2  }
0x30c: {  	v5 =	vmul.f32 v5, v4;
	_ =	sdelay $0x1  }
0x30d: {  	v5 =	vsub.f32 v6, v5;
	_ =	sdelay $0x1  }
0x30e: {  	v5 =	vmax.f32 v5, $-5.000000000e+00  }
0x30f: {  	v5 =	vmin.f32 v5, $5.000000000e+00  }
0x310: {  	[tilespmem:s5+$0x10] =	vst v5  }
0x311: {  	v5 =	vld [tilespmem:s1+$0x10020];
	_ =	sdelay $0x1  }
0x312: {  	v6 =	vld [tilespmem:s5+$0x20];
	_ =	sdelay $0x2  }
0x313: {  	v5 =	vmul.f32 v5, v4;
	_ =	sdelay $0x1  }
0x314: {  	v5 =	vsub.f32 v6, v5;
	_ =	sdelay $0x1  }
0x315: {  	v5 =	vmax.f32 v5, $-5.000000000e+00  }
0x316: {  	v5 =	vmin.f32 v5, $5.000000000e+00  }
0x317: {  	[tilespmem:s5+$0x20] =	vst v5  }
0x318: {  	v5 =	vld [tilespmem:s1+$0x10030];
	_ =	sdelay $0x1  }
0x319: {  	v6 =	vld [tilespmem:s5+$0x30];
	_ =	sdelay $0x2  }
0x31a: {  	v5 =	vmul.f32 v5, v4;
	_ =	sdelay $0x1  }
0x31b: {  	v5 =	vsub.f32 v6, v5;
	_ =	sdelay $0x1  }
0x31c: {  	v5 =	vmax.f32 v5, $-5.000000000e+00  }
0x31d: {  	v5 =	vmin.f32 v5, $5.000000000e+00  }
0x31e: {  	[tilespmem:s5+$0x30] =	vst v5  }
0x31f: {  	v5 =	vld [tilespmem:s1+$0x10040];
	_ =	sdelay $0x1  }
0x320: {  	v6 =	vld [tilespmem:s5+$0x40];
	_ =	sdelay $0x2  }
0x321: {  	v5 =	vmul.f32 v5, v4;
	_ =	sdelay $0x1  }
0x322: {  	v5 =	vsub.f32 v6, v5;
	_ =	sdelay $0x1  }
0x323: {  	v5 =	vmax.f32 v5, $-5.000000000e+00  }
0x324: {  	v5 =	vmin.f32 v5, $5.000000000e+00  }
0x325: {  	[tilespmem:s5+$0x40] =	vst v5  }
0x326: {  	v5 =	vld [tilespmem:s1+$0x10050];
	_ =	sdelay $0x1  }
0x327: {  	v6 =	vld [tilespmem:s5+$0x50];
	_ =	sdelay $0x2  }
0x328: {  	v5 =	vmul.f32 v5, v4;
	_ =	sdelay $0x1  }
0x329: {  	v5 =	vsub.f32 v6, v5;
	_ =	sdelay $0x1  }
0x32a: {  	v5 =	vmax.f32 v5, $-5.000000000e+00  }
0x32b: {  	v5 =	vmin.f32 v5, $5.000000000e+00  }
0x32c: {  	[tilespmem:s5+$0x50] =	vst v5  }
0x32d: {  	v5 =	vld [tilespmem:s1+$0x10060];
	_ =	sdelay $0x1  }
0x32e: {  	v6 =	vld [tilespmem:s5+$0x60];
	_ =	sdelay $0x2  }
0x32f: {  	v5 =	vmul.f32 v5, v4;
	_ =	sdelay $0x1  }
0x330: {  	v5 =	vsub.f32 v6, v5;
	_ =	sdelay $0x1  }
0x331: {  	v5 =	vmax.f32 v5, $-5.000000000e+00  }
0x332: {  	v5 =	vmin.f32 v5, $5.000000000e+00  }
0x333: {  	[tilespmem:s5+$0x60] =	vst v5  }
0x334: {  	v5 =	vld [tilespmem:s1+$0x10070];
	_ =	sdelay $0x1  }
0x335: {  	v6 =	vld [tilespmem:s5+$0x70];
	_ =	sdelay $0x2  }
0x336: {  	v5 =	vmul.f32 v5, v4;
	_ =	sdelay $0x1  }
0x337: {  	v5 =	vsub.f32 v6, v5;
	_ =	sdelay $0x1  }
0x338: {  	v5 =	vmax.f32 v5, $-5.000000000e+00  }
0x339: {  	v5 =	vmin.f32 v5, $5.000000000e+00  }
0x33a: {  	[tilespmem:s5+$0x70] =	vst v5  }
0x33b: {  	v5 =	vld [tilespmem:s1+$0x10400];
	_ =	sdelay $0x1  }
0x33c: {  	v6 =	vld [tilespmem:s5+$0x400];
	_ =	sdelay $0x2  }
0x33d: {  	v5 =	vmul.f32 v5, v4;
	_ =	sdelay $0x1  }
0x33e: {  	v5 =	vsub.f32 v6, v5;
	_ =	sdelay $0x1  }
0x33f: {  	v5 =	vmax.f32 v5, $-5.000000000e+00  }
0x340: {  	v5 =	vmin.f32 v5, $5.000000000e+00  }
0x341: {  	[tilespmem:s5+$0x400] =	vst v5  }
0x342: {  	v5 =	vld [tilespmem:s1+$0x10410];
	_ =	sdelay $0x1  }
0x343: {  	v6 =	vld [tilespmem:s5+$0x410];
	_ =	sdelay $0x2  }
0x344: {  	v5 =	vmul.f32 v5, v4;
	_ =	sdelay $0x1  }
0x345: {  	v5 =	vsub.f32 v6, v5;
	_ =	sdelay $0x1  }
0x346: {  	v5 =	vmax.f32 v5, $-5.000000000e+00  }
0x347: {  	v5 =	vmin.f32 v5, $5.000000000e+00  }
0x348: {  	[tilespmem:s5+$0x410] =	vst v5  }
0x349: {  	v5 =	vld [tilespmem:s1+$0x10420];
	_ =	sdelay $0x1  }
0x34a: {  	v6 =	vld [tilespmem:s5+$0x420];
	_ =	sdelay $0x2  }
0x34b: {  	v5 =	vmul.f32 v5, v4;
	_ =	sdelay $0x1  }
0x34c: {  	v5 =	vsub.f32 v6, v5;
	_ =	sdelay $0x1  }
0x34d: {  	v5 =	vmax.f32 v5, $-5.000000000e+00  }
0x34e: {  	v5 =	vmin.f32 v5, $5.000000000e+00  }
0x34f: {  	[tilespmem:s5+$0x420] =	vst v5  }
0x350: {  	v5 =	vld [tilespmem:s1+$0x10430];
	_ =	sdelay $0x1  }
0x351: {  	v6 =	vld [tilespmem:s5+$0x430];
	_ =	sdelay $0x2  }
0x352: {  	v5 =	vmul.f32 v5, v4;
	_ =	sdelay $0x1  }
0x353: {  	v5 =	vsub.f32 v6, v5;
	_ =	sdelay $0x1  }
0x354: {  	v5 =	vmax.f32 v5, $-5.000000000e+00  }
0x355: {  	v5 =	vmin.f32 v5, $5.000000000e+00  }
0x356: {  	[tilespmem:s5+$0x430] =	vst v5  }
0x357: {  	v5 =	vld [tilespmem:s1+$0x10440];
	_ =	sdelay $0x1  }
0x358: {  	v6 =	vld [tilespmem:s5+$0x440];
	_ =	sdelay $0x2  }
0x359: {  	v5 =	vmul.f32 v5, v4;
	_ =	sdelay $0x1  }
0x35a: {  	v5 =	vsub.f32 v6, v5;
	_ =	sdelay $0x1  }
0x35b: {  	v5 =	vmax.f32 v5, $-5.000000000e+00  }
0x35c: {  	v5 =	vmin.f32 v5, $5.000000000e+00  }
0x35d: {  	[tilespmem:s5+$0x440] =	vst v5  }
0x35e: {  	v5 =	vld [tilespmem:s1+$0x10450];
	_ =	sdelay $0x1  }
0x35f: {  	v6 =	vld [tilespmem:s5+$0x450];
	_ =	sdelay $0x2  }
0x360: {  	v5 =	vmul.f32 v5, v4;
	_ =	sdelay $0x1  }
0x361: {  	v5 =	vsub.f32 v6, v5;
	_ =	sdelay $0x1  }
0x362: {  	v5 =	vmax.f32 v5, $-5.000000000e+00  }
0x363: {  	v5 =	vmin.f32 v5, $5.000000000e+00  }
0x364: {  	[tilespmem:s5+$0x450] =	vst v5  }
0x365: {  	v5 =	vld [tilespmem:s1+$0x10460];
	_ =	sdelay $0x1  }
0x366: {  	v6 =	vld [tilespmem:s5+$0x460];
	_ =	sdelay $0x2  }
0x367: {  	v5 =	vmul.f32 v5, v4;
	_ =	sdelay $0x1  }
0x368: {  	v5 =	vsub.f32 v6, v5;
	_ =	sdelay $0x1  }
0x369: {  	v5 =	vmax.f32 v5, $-5.000000000e+00  }
0x36a: {  	v5 =	vmin.f32 v5, $5.000000000e+00  }
0x36b: {  	[tilespmem:s5+$0x460] =	vst v5  }
0x36c: {  	v5 =	vld [tilespmem:s1+$0x10470];
	_ =	sdelay $0x1  }
0x36d: {  	v6 =	vld [tilespmem:s5+$0x470];
	_ =	sdelay $0x2  }
0x36e: {  	v5 =	vmul.f32 v5, v4;
	_ =	sdelay $0x1  }
0x36f: {  	v5 =	vsub.f32 v6, v5;
	_ =	sdelay $0x1  }
0x370: {  	v5 =	vmax.f32 v5, $-5.000000000e+00  }
0x371: {  	v5 =	vmin.f32 v5, $5.000000000e+00  }
0x372: {  	[tilespmem:s5+$0x470] =	vst v5  }
0x373: {  	v5 =	vld [tilespmem:s1+$0x10800];
	_ =	sdelay $0x1  }
0x374: {  	v6 =	vld [tilespmem:s5+$0x800];
	_ =	sdelay $0x2  }
0x375: {  	v5 =	vmul.f32 v5, v4;
	_ =	sdelay $0x1  }
0x376: {  	v5 =	vsub.f32 v6, v5;
	_ =	sdelay $0x1  }
0x377: {  	v5 =	vmax.f32 v5, $-5.000000000e+00  }
0x378: {  	v5 =	vmin.f32 v5, $5.000000000e+00  }
0x379: {  	[tilespmem:s5+$0x800] =	vst v5  }
0x37a: {  	v5 =	vld [tilespmem:s1+$0x10810];
	_ =	sdelay $0x1  }
0x37b: {  	v6 =	vld [tilespmem:s5+$0x810];
	_ =	sdelay $0x2  }
0x37c: {  	v5 =	vmul.f32 v5, v4;
	_ =	sdelay $0x1  }
0x37d: {  	v5 =	vsub.f32 v6, v5;
	_ =	sdelay $0x1  }
0x37e: {  	v5 =	vmax.f32 v5, $-5.000000000e+00  }
0x37f: {  	v5 =	vmin.f32 v5, $5.000000000e+00  }
0x380: {  	[tilespmem:s5+$0x810] =	vst v5  }
0x381: {  	v5 =	vld [tilespmem:s1+$0x10820];
	_ =	sdelay $0x1  }
0x382: {  	v6 =	vld [tilespmem:s5+$0x820];
	_ =	sdelay $0x2  }
0x383: {  	v5 =	vmul.f32 v5, v4;
	_ =	sdelay $0x1  }
0x384: {  	v5 =	vsub.f32 v6, v5;
	_ =	sdelay $0x1  }
0x385: {  	v5 =	vmax.f32 v5, $-5.000000000e+00  }
0x386: {  	v5 =	vmin.f32 v5, $5.000000000e+00  }
0x387: {  	[tilespmem:s5+$0x820] =	vst v5  }
0x388: {  	v5 =	vld [tilespmem:s1+$0x10830];
	_ =	sdelay $0x1  }
0x389: {  	v6 =	vld [tilespmem:s5+$0x830];
	_ =	sdelay $0x2  }
0x38a: {  	v5 =	vmul.f32 v5, v4;
	_ =	sdelay $0x1  }
0x38b: {  	v5 =	vsub.f32 v6, v5;
	_ =	sdelay $0x1  }
0x38c: {  	v5 =	vmax.f32 v5, $-5.000000000e+00  }
0x38d: {  	v5 =	vmin.f32 v5, $5.000000000e+00  }
0x38e: {  	[tilespmem:s5+$0x830] =	vst v5  }
0x38f: {  	v5 =	vld [tilespmem:s1+$0x10840];
	_ =	sdelay $0x1  }
0x390: {  	v6 =	vld [tilespmem:s5+$0x840];
	_ =	sdelay $0x2  }
0x391: {  	v5 =	vmul.f32 v5, v4;
	_ =	sdelay $0x1  }
0x392: {  	v5 =	vsub.f32 v6, v5;
	_ =	sdelay $0x1  }
0x393: {  	v5 =	vmax.f32 v5, $-5.000000000e+00  }
0x394: {  	v5 =	vmin.f32 v5, $5.000000000e+00  }
0x395: {  	[tilespmem:s5+$0x840] =	vst v5  }
0x396: {  	v5 =	vld [tilespmem:s1+$0x10850];
	_ =	sdelay $0x1  }
0x397: {  	v6 =	vld [tilespmem:s5+$0x850];
	_ =	sdelay $0x2  }
0x398: {  	v5 =	vmul.f32 v5, v4;
	_ =	sdelay $0x1  }
0x399: {  	v5 =	vsub.f32 v6, v5;
	_ =	sdelay $0x1  }
0x39a: {  	v5 =	vmax.f32 v5, $-5.000000000e+00  }
0x39b: {  	v5 =	vmin.f32 v5, $5.000000000e+00  }
0x39c: {  	[tilespmem:s5+$0x850] =	vst v5  }
0x39d: {  	v5 =	vld [tilespmem:s1+$0x10860];
	_ =	sdelay $0x1  }
0x39e: {  	v6 =	vld [tilespmem:s5+$0x860];
	_ =	sdelay $0x2  }
0x39f: {  	v5 =	vmul.f32 v5, v4;
	_ =	sdelay $0x1  }
0x3a0: {  	v5 =	vsub.f32 v6, v5;
	_ =	sdelay $0x1  }
0x3a1: {  	v5 =	vmax.f32 v5, $-5.000000000e+00  }
0x3a2: {  	v5 =	vmin.f32 v5, $5.000000000e+00  }
0x3a3: {  	[tilespmem:s5+$0x860] =	vst v5  }
0x3a4: {  	v5 =	vld [tilespmem:s1+$0x10870];
	_ =	sdelay $0x1  }
0x3a5: {  	v6 =	vld [tilespmem:s5+$0x870];
	_ =	sdelay $0x2  }
0x3a6: {  	v5 =	vmul.f32 v5, v4;
	_ =	sdelay $0x1  }
0x3a7: {  	v5 =	vsub.f32 v6, v5;
	_ =	sdelay $0x1  }
0x3a8: {  	v5 =	vmax.f32 v5, $-5.000000000e+00  }
0x3a9: {  	v5 =	vmin.f32 v5, $5.000000000e+00  }
0x3aa: {  	[tilespmem:s5+$0x870] =	vst v5  }
0x3ab: {  	v5 =	vld [tilespmem:s1+$0x10C00];
	_ =	sdelay $0x1  }
0x3ac: {  	v6 =	vld [tilespmem:s5+$0xC00];
	_ =	sdelay $0x2  }
0x3ad: {  	v5 =	vmul.f32 v5, v4;
	_ =	sdelay $0x1  }
0x3ae: {  	v5 =	vsub.f32 v6, v5;
	_ =	sdelay $0x1  }
0x3af: {  	v5 =	vmax.f32 v5, $-5.000000000e+00  }
0x3b0: {  	v5 =	vmin.f32 v5, $5.000000000e+00  }
0x3b1: {  	[tilespmem:s5+$0xC00] =	vst v5  }
0x3b2: {  	v5 =	vld [tilespmem:s1+$0x10C10];
	_ =	sdelay $0x1  }
0x3b3: {  	v6 =	vld [tilespmem:s5+$0xC10];
	_ =	sdelay $0x2  }
0x3b4: {  	v5 =	vmul.f32 v5, v4;
	_ =	sdelay $0x1  }
0x3b5: {  	v5 =	vsub.f32 v6, v5;
	_ =	sdelay $0x1  }
0x3b6: {  	v5 =	vmax.f32 v5, $-5.000000000e+00  }
0x3b7: {  	v5 =	vmin.f32 v5, $5.000000000e+00  }
0x3b8: {  	[tilespmem:s5+$0xC10] =	vst v5  }
0x3b9: {  	v5 =	vld [tilespmem:s1+$0x10C20];
	_ =	sdelay $0x1  }
0x3ba: {  	v6 =	vld [tilespmem:s5+$0xC20];
	_ =	sdelay $0x2  }
0x3bb: {  	v5 =	vmul.f32 v5, v4;
	_ =	sdelay $0x1  }
0x3bc: {  	v5 =	vsub.f32 v6, v5;
	_ =	sdelay $0x1  }
0x3bd: {  	v5 =	vmax.f32 v5, $-5.000000000e+00  }
0x3be: {  	v5 =	vmin.f32 v5, $5.000000000e+00  }
0x3bf: {  	[tilespmem:s5+$0xC20] =	vst v5  }
0x3c0: {  	v5 =	vld [tilespmem:s1+$0x10C30];
	_ =	sdelay $0x1  }
0x3c1: {  	v6 =	vld [tilespmem:s5+$0xC30];
	_ =	sdelay $0x2  }
0x3c2: {  	v5 =	vmul.f32 v5, v4;
	_ =	sdelay $0x1  }
0x3c3: {  	v5 =	vsub.f32 v6, v5;
	_ =	sdelay $0x1  }
0x3c4: {  	v5 =	vmax.f32 v5, $-5.000000000e+00  }
0x3c5: {  	v5 =	vmin.f32 v5, $5.000000000e+00  }
0x3c6: {  	[tilespmem:s5+$0xC30] =	vst v5  }
0x3c7: {  	v5 =	vld [tilespmem:s1+$0x10C40];
	_ =	sdelay $0x1  }
0x3c8: {  	v6 =	vld [tilespmem:s5+$0xC40];
	_ =	sdelay $0x2  }
0x3c9: {  	v5 =	vmul.f32 v5, v4;
	_ =	sdelay $0x1  }
0x3ca: {  	v5 =	vsub.f32 v6, v5;
	_ =	sdelay $0x1  }
0x3cb: {  	v5 =	vmax.f32 v5, $-5.000000000e+00  }
0x3cc: {  	v5 =	vmin.f32 v5, $5.000000000e+00  }
0x3cd: {  	[tilespmem:s5+$0xC40] =	vst v5  }
0x3ce: {  	v5 =	vld [tilespmem:s1+$0x10C50];
	_ =	sdelay $0x1  }
0x3cf: {  	v6 =	vld [tilespmem:s5+$0xC50];
	_ =	sdelay $0x2  }
0x3d0: {  	v5 =	vmul.f32 v5, v4;
	_ =	sdelay $0x1  }
0x3d1: {  	v5 =	vsub.f32 v6, v5;
	_ =	sdelay $0x1  }
0x3d2: {  	v5 =	vmax.f32 v5, $-5.000000000e+00  }
0x3d3: {  	v5 =	vmin.f32 v5, $5.000000000e+00  }
0x3d4: {  	[tilespmem:s5+$0xC50] =	vst v5  }
0x3d5: {  	v5 =	vld [tilespmem:s1+$0x10C60];
	_ =	sdelay $0x1  }
0x3d6: {  	v6 =	vld [tilespmem:s5+$0xC60];
	_ =	sdelay $0x2  }
0x3d7: {  	v5 =	vmul.f32 v5, v4;
	_ =	sdelay $0x1  }
0x3d8: {  	v5 =	vsub.f32 v6, v5;
	_ =	sdelay $0x1  }
0x3d9: {  	v5 =	vmax.f32 v5, $-5.000000000e+00  }
0x3da: {  	v5 =	vmin.f32 v5, $5.000000000e+00  }
0x3db: {  	[tilespmem:s5+$0xC60] =	vst v5  }
0x3dc: {  	v5 =	vld [tilespmem:s1+$0x10C70];
	_ =	sdelay $0x1  }
0x3dd: {  	v6 =	vld [tilespmem:s5+$0xC70];
	_ =	sdelay $0x2  }
0x3de: {  	v5 =	vmul.f32 v5, v4  }
0x3df: {  	s18 =	simm.s32 $0x41  }
0x3e0: {  	s15 =	simm.s32 $0x0;
	s14 =	simm.s32 $0x42;
	v4 =	vmov s18;
	v5 =	vsub.f32 v6, v5  }
.LBB2_9:
0x3e1: {  	p0 =	sne.s32 s14, $0x7F  }
0x3e2: {  	v5 =	vmax.f32 v5, $-5.000000000e+00  }
0x3e3: {  	s2 =	sadd.s32 $0x200, s2;
	s15 =	sadd.s32 $0x80, s15;
	v5 =	vmin.f32 v5, $5.000000000e+00  }
0x3e4: {  	s3 =	sand.u32 $0x380, s15;
	s1 =	sand.u32 $0x7000, s2;
	[tilespmem:s5+$0xC70] =	vst v5  }
0x3e5: {  	s1 =	sor.u32 s3, s1;
	v4 =	vld.idx.msk [tilespmem:v4+s30+$0x0], $0xffff  }
0x3e6: {  	v5 =	vld [tilespmem:s1+$0x10000]  }
0x3e7: {  	s5 =	sadd.s32 $0x8000, s2  }
0x3e8: {  	s5 =	sand.u32 $0xF000, s5  }
0x3e9: {  	s5 =	sor.u32 s3, s5  }
0x3ea: {  	v6 =	vld [tilespmem:s5+$0x0]  }
0x3eb: {  	v4 =	vmul.f32 $9.999999770e-03, v4;
	_ =	sdelay $0x1  }
0x3ec: {  	v5 =	vmul.f32 v5, v4;
	_ =	sdelay $0x1  }
0x3ed: {  	v5 =	vsub.f32 v6, v5;
	_ =	sdelay $0x1  }
0x3ee: {  	v5 =	vmax.f32 v5, $-5.000000000e+00  }
0x3ef: {  	v5 =	vmin.f32 v5, $5.000000000e+00  }
0x3f0: {  	[tilespmem:s5+$0x0] =	vst v5  }
0x3f1: {  	v5 =	vld [tilespmem:s1+$0x10010];
	_ =	sdelay $0x1  }
0x3f2: {  	v6 =	vld [tilespmem:s5+$0x10];
	_ =	sdelay $0x2  }
0x3f3: {  	v5 =	vmul.f32 v5, v4;
	_ =	sdelay $0x1  }
0x3f4: {  	v5 =	vsub.f32 v6, v5;
	_ =	sdelay $0x1  }
0x3f5: {  	v5 =	vmax.f32 v5, $-5.000000000e+00  }
0x3f6: {  	v5 =	vmin.f32 v5, $5.000000000e+00  }
0x3f7: {  	[tilespmem:s5+$0x10] =	vst v5  }
0x3f8: {  	v5 =	vld [tilespmem:s1+$0x10020];
	_ =	sdelay $0x1  }
0x3f9: {  	v6 =	vld [tilespmem:s5+$0x20];
	_ =	sdelay $0x2  }
0x3fa: {  	v5 =	vmul.f32 v5, v4;
	_ =	sdelay $0x1  }
0x3fb: {  	v5 =	vsub.f32 v6, v5;
	_ =	sdelay $0x1  }
0x3fc: {  	v5 =	vmax.f32 v5, $-5.000000000e+00  }
0x3fd: {  	v5 =	vmin.f32 v5, $5.000000000e+00  }
0x3fe: {  	[tilespmem:s5+$0x20] =	vst v5  }
0x3ff: {  	v5 =	vld [tilespmem:s1+$0x10030];
	_ =	sdelay $0x1  }
0x400: {  	v6 =	vld [tilespmem:s5+$0x30];
	_ =	sdelay $0x2  }
0x401: {  	v5 =	vmul.f32 v5, v4;
	_ =	sdelay $0x1  }
0x402: {  	v5 =	vsub.f32 v6, v5;
	_ =	sdelay $0x1  }
0x403: {  	v5 =	vmax.f32 v5, $-5.000000000e+00  }
0x404: {  	v5 =	vmin.f32 v5, $5.000000000e+00  }
0x405: {  	[tilespmem:s5+$0x30] =	vst v5  }
0x406: {  	v5 =	vld [tilespmem:s1+$0x10040];
	_ =	sdelay $0x1  }
0x407: {  	v6 =	vld [tilespmem:s5+$0x40];
	_ =	sdelay $0x2  }
0x408: {  	v5 =	vmul.f32 v5, v4;
	_ =	sdelay $0x1  }
0x409: {  	v5 =	vsub.f32 v6, v5;
	_ =	sdelay $0x1  }
0x40a: {  	v5 =	vmax.f32 v5, $-5.000000000e+00  }
0x40b: {  	v5 =	vmin.f32 v5, $5.000000000e+00  }
0x40c: {  	[tilespmem:s5+$0x40] =	vst v5  }
0x40d: {  	v5 =	vld [tilespmem:s1+$0x10050];
	_ =	sdelay $0x1  }
0x40e: {  	v6 =	vld [tilespmem:s5+$0x50];
	_ =	sdelay $0x2  }
0x40f: {  	v5 =	vmul.f32 v5, v4;
	_ =	sdelay $0x1  }
0x410: {  	v5 =	vsub.f32 v6, v5;
	_ =	sdelay $0x1  }
0x411: {  	v5 =	vmax.f32 v5, $-5.000000000e+00  }
0x412: {  	v5 =	vmin.f32 v5, $5.000000000e+00  }
0x413: {  	[tilespmem:s5+$0x50] =	vst v5  }
0x414: {  	v5 =	vld [tilespmem:s1+$0x10060];
	_ =	sdelay $0x1  }
0x415: {  	v6 =	vld [tilespmem:s5+$0x60];
	_ =	sdelay $0x2  }
0x416: {  	v5 =	vmul.f32 v5, v4;
	_ =	sdelay $0x1  }
0x417: {  	v5 =	vsub.f32 v6, v5;
	_ =	sdelay $0x1  }
0x418: {  	v5 =	vmax.f32 v5, $-5.000000000e+00  }
0x419: {  	v5 =	vmin.f32 v5, $5.000000000e+00  }
0x41a: {  	[tilespmem:s5+$0x60] =	vst v5  }
0x41b: {  	v5 =	vld [tilespmem:s1+$0x10070];
	_ =	sdelay $0x1  }
0x41c: {  	v6 =	vld [tilespmem:s5+$0x70];
	_ =	sdelay $0x2  }
0x41d: {  	v5 =	vmul.f32 v5, v4;
	_ =	sdelay $0x1  }
0x41e: {  	v5 =	vsub.f32 v6, v5;
	_ =	sdelay $0x1  }
0x41f: {  	v5 =	vmax.f32 v5, $-5.000000000e+00  }
0x420: {  	v5 =	vmin.f32 v5, $5.000000000e+00  }
0x421: {  	[tilespmem:s5+$0x70] =	vst v5  }
0x422: {  	v5 =	vld [tilespmem:s1+$0x10400];
	_ =	sdelay $0x1  }
0x423: {  	v6 =	vld [tilespmem:s5+$0x400];
	_ =	sdelay $0x2  }
0x424: {  	v5 =	vmul.f32 v5, v4;
	_ =	sdelay $0x1  }
0x425: {  	v5 =	vsub.f32 v6, v5;
	_ =	sdelay $0x1  }
0x426: {  	v5 =	vmax.f32 v5, $-5.000000000e+00  }
0x427: {  	v5 =	vmin.f32 v5, $5.000000000e+00  }
0x428: {  	[tilespmem:s5+$0x400] =	vst v5  }
0x429: {  	v5 =	vld [tilespmem:s1+$0x10410];
	_ =	sdelay $0x1  }
0x42a: {  	v6 =	vld [tilespmem:s5+$0x410];
	_ =	sdelay $0x2  }
0x42b: {  	v5 =	vmul.f32 v5, v4;
	_ =	sdelay $0x1  }
0x42c: {  	v5 =	vsub.f32 v6, v5;
	_ =	sdelay $0x1  }
0x42d: {  	v5 =	vmax.f32 v5, $-5.000000000e+00  }
0x42e: {  	v5 =	vmin.f32 v5, $5.000000000e+00  }
0x42f: {  	[tilespmem:s5+$0x410] =	vst v5  }
0x430: {  	v5 =	vld [tilespmem:s1+$0x10420];
	_ =	sdelay $0x1  }
0x431: {  	v6 =	vld [tilespmem:s5+$0x420];
	_ =	sdelay $0x2  }
0x432: {  	v5 =	vmul.f32 v5, v4;
	_ =	sdelay $0x1  }
0x433: {  	v5 =	vsub.f32 v6, v5;
	_ =	sdelay $0x1  }
0x434: {  	v5 =	vmax.f32 v5, $-5.000000000e+00  }
0x435: {  	v5 =	vmin.f32 v5, $5.000000000e+00  }
0x436: {  	[tilespmem:s5+$0x420] =	vst v5  }
0x437: {  	v5 =	vld [tilespmem:s1+$0x10430];
	_ =	sdelay $0x1  }
0x438: {  	v6 =	vld [tilespmem:s5+$0x430];
	_ =	sdelay $0x2  }
0x439: {  	v5 =	vmul.f32 v5, v4;
	_ =	sdelay $0x1  }
0x43a: {  	v5 =	vsub.f32 v6, v5;
	_ =	sdelay $0x1  }
0x43b: {  	v5 =	vmax.f32 v5, $-5.000000000e+00  }
0x43c: {  	v5 =	vmin.f32 v5, $5.000000000e+00  }
0x43d: {  	[tilespmem:s5+$0x430] =	vst v5  }
0x43e: {  	v5 =	vld [tilespmem:s1+$0x10440];
	_ =	sdelay $0x1  }
0x43f: {  	v6 =	vld [tilespmem:s5+$0x440];
	_ =	sdelay $0x2  }
0x440: {  	v5 =	vmul.f32 v5, v4;
	_ =	sdelay $0x1  }
0x441: {  	v5 =	vsub.f32 v6, v5;
	_ =	sdelay $0x1  }
0x442: {  	v5 =	vmax.f32 v5, $-5.000000000e+00  }
0x443: {  	v5 =	vmin.f32 v5, $5.000000000e+00  }
0x444: {  	[tilespmem:s5+$0x440] =	vst v5  }
0x445: {  	v5 =	vld [tilespmem:s1+$0x10450];
	_ =	sdelay $0x1  }
0x446: {  	v6 =	vld [tilespmem:s5+$0x450];
	_ =	sdelay $0x2  }
0x447: {  	v5 =	vmul.f32 v5, v4;
	_ =	sdelay $0x1  }
0x448: {  	v5 =	vsub.f32 v6, v5;
	_ =	sdelay $0x1  }
0x449: {  	v5 =	vmax.f32 v5, $-5.000000000e+00  }
0x44a: {  	v5 =	vmin.f32 v5, $5.000000000e+00  }
0x44b: {  	[tilespmem:s5+$0x450] =	vst v5  }
0x44c: {  	v5 =	vld [tilespmem:s1+$0x10460];
	_ =	sdelay $0x1  }
0x44d: {  	v6 =	vld [tilespmem:s5+$0x460];
	_ =	sdelay $0x2  }
0x44e: {  	v5 =	vmul.f32 v5, v4;
	_ =	sdelay $0x1  }
0x44f: {  	v5 =	vsub.f32 v6, v5;
	_ =	sdelay $0x1  }
0x450: {  	v5 =	vmax.f32 v5, $-5.000000000e+00  }
0x451: {  	v5 =	vmin.f32 v5, $5.000000000e+00  }
0x452: {  	[tilespmem:s5+$0x460] =	vst v5  }
0x453: {  	v5 =	vld [tilespmem:s1+$0x10470];
	_ =	sdelay $0x1  }
0x454: {  	v6 =	vld [tilespmem:s5+$0x470];
	_ =	sdelay $0x2  }
0x455: {  	v5 =	vmul.f32 v5, v4;
	_ =	sdelay $0x1  }
0x456: {  	v5 =	vsub.f32 v6, v5;
	_ =	sdelay $0x1  }
0x457: {  	v5 =	vmax.f32 v5, $-5.000000000e+00  }
0x458: {  	v5 =	vmin.f32 v5, $5.000000000e+00  }
0x459: {  	[tilespmem:s5+$0x470] =	vst v5  }
0x45a: {  	v5 =	vld [tilespmem:s1+$0x10800];
	_ =	sdelay $0x1  }
0x45b: {  	v6 =	vld [tilespmem:s5+$0x800];
	_ =	sdelay $0x2  }
0x45c: {  	v5 =	vmul.f32 v5, v4;
	_ =	sdelay $0x1  }
0x45d: {  	v5 =	vsub.f32 v6, v5;
	_ =	sdelay $0x1  }
0x45e: {  	v5 =	vmax.f32 v5, $-5.000000000e+00  }
0x45f: {  	v5 =	vmin.f32 v5, $5.000000000e+00  }
0x460: {  	[tilespmem:s5+$0x800] =	vst v5  }
0x461: {  	v5 =	vld [tilespmem:s1+$0x10810];
	_ =	sdelay $0x1  }
0x462: {  	v6 =	vld [tilespmem:s5+$0x810];
	_ =	sdelay $0x2  }
0x463: {  	v5 =	vmul.f32 v5, v4;
	_ =	sdelay $0x1  }
0x464: {  	v5 =	vsub.f32 v6, v5;
	_ =	sdelay $0x1  }
0x465: {  	v5 =	vmax.f32 v5, $-5.000000000e+00  }
0x466: {  	v5 =	vmin.f32 v5, $5.000000000e+00  }
0x467: {  	[tilespmem:s5+$0x810] =	vst v5  }
0x468: {  	v5 =	vld [tilespmem:s1+$0x10820];
	_ =	sdelay $0x1  }
0x469: {  	v6 =	vld [tilespmem:s5+$0x820];
	_ =	sdelay $0x2  }
0x46a: {  	v5 =	vmul.f32 v5, v4;
	_ =	sdelay $0x1  }
0x46b: {  	v5 =	vsub.f32 v6, v5;
	_ =	sdelay $0x1  }
0x46c: {  	v5 =	vmax.f32 v5, $-5.000000000e+00  }
0x46d: {  	v5 =	vmin.f32 v5, $5.000000000e+00  }
0x46e: {  	[tilespmem:s5+$0x820] =	vst v5  }
0x46f: {  	v5 =	vld [tilespmem:s1+$0x10830];
	_ =	sdelay $0x1  }
0x470: {  	v6 =	vld [tilespmem:s5+$0x830];
	_ =	sdelay $0x2  }
0x471: {  	v5 =	vmul.f32 v5, v4;
	_ =	sdelay $0x1  }
0x472: {  	v5 =	vsub.f32 v6, v5;
	_ =	sdelay $0x1  }
0x473: {  	v5 =	vmax.f32 v5, $-5.000000000e+00  }
0x474: {  	v5 =	vmin.f32 v5, $5.000000000e+00  }
0x475: {  	[tilespmem:s5+$0x830] =	vst v5  }
0x476: {  	v5 =	vld [tilespmem:s1+$0x10840];
	_ =	sdelay $0x1  }
0x477: {  	v6 =	vld [tilespmem:s5+$0x840];
	_ =	sdelay $0x2  }
0x478: {  	v5 =	vmul.f32 v5, v4;
	_ =	sdelay $0x1  }
0x479: {  	v5 =	vsub.f32 v6, v5;
	_ =	sdelay $0x1  }
0x47a: {  	v5 =	vmax.f32 v5, $-5.000000000e+00  }
0x47b: {  	v5 =	vmin.f32 v5, $5.000000000e+00  }
0x47c: {  	[tilespmem:s5+$0x840] =	vst v5  }
0x47d: {  	v5 =	vld [tilespmem:s1+$0x10850];
	_ =	sdelay $0x1  }
0x47e: {  	v6 =	vld [tilespmem:s5+$0x850];
	_ =	sdelay $0x2  }
0x47f: {  	v5 =	vmul.f32 v5, v4;
	_ =	sdelay $0x1  }
0x480: {  	v5 =	vsub.f32 v6, v5;
	_ =	sdelay $0x1  }
0x481: {  	v5 =	vmax.f32 v5, $-5.000000000e+00  }
0x482: {  	v5 =	vmin.f32 v5, $5.000000000e+00  }
0x483: {  	[tilespmem:s5+$0x850] =	vst v5  }
0x484: {  	v5 =	vld [tilespmem:s1+$0x10860];
	_ =	sdelay $0x1  }
0x485: {  	v6 =	vld [tilespmem:s5+$0x860];
	_ =	sdelay $0x2  }
0x486: {  	v5 =	vmul.f32 v5, v4;
	_ =	sdelay $0x1  }
0x487: {  	v5 =	vsub.f32 v6, v5;
	_ =	sdelay $0x1  }
0x488: {  	v5 =	vmax.f32 v5, $-5.000000000e+00  }
0x489: {  	v5 =	vmin.f32 v5, $5.000000000e+00  }
0x48a: {  	[tilespmem:s5+$0x860] =	vst v5  }
0x48b: {  	v5 =	vld [tilespmem:s1+$0x10870];
	_ =	sdelay $0x1  }
0x48c: {  	v6 =	vld [tilespmem:s5+$0x870];
	_ =	sdelay $0x2  }
0x48d: {  	v5 =	vmul.f32 v5, v4;
	_ =	sdelay $0x1  }
0x48e: {  	v5 =	vsub.f32 v6, v5;
	_ =	sdelay $0x1  }
0x48f: {  	v5 =	vmax.f32 v5, $-5.000000000e+00  }
0x490: {  	v5 =	vmin.f32 v5, $5.000000000e+00  }
0x491: {  	[tilespmem:s5+$0x870] =	vst v5  }
0x492: {  	v5 =	vld [tilespmem:s1+$0x10C00];
	_ =	sdelay $0x1  }
0x493: {  	v6 =	vld [tilespmem:s5+$0xC00];
	_ =	sdelay $0x2  }
0x494: {  	v5 =	vmul.f32 v5, v4;
	_ =	sdelay $0x1  }
0x495: {  	v5 =	vsub.f32 v6, v5;
	_ =	sdelay $0x1  }
0x496: {  	v5 =	vmax.f32 v5, $-5.000000000e+00  }
0x497: {  	v5 =	vmin.f32 v5, $5.000000000e+00  }
0x498: {  	[tilespmem:s5+$0xC00] =	vst v5  }
0x499: {  	v5 =	vld [tilespmem:s1+$0x10C10];
	_ =	sdelay $0x1  }
0x49a: {  	v6 =	vld [tilespmem:s5+$0xC10];
	_ =	sdelay $0x2  }
0x49b: {  	v5 =	vmul.f32 v5, v4;
	_ =	sdelay $0x1  }
0x49c: {  	v5 =	vsub.f32 v6, v5;
	_ =	sdelay $0x1  }
0x49d: {  	v5 =	vmax.f32 v5, $-5.000000000e+00  }
0x49e: {  	v5 =	vmin.f32 v5, $5.000000000e+00  }
0x49f: {  	[tilespmem:s5+$0xC10] =	vst v5  }
0x4a0: {  	v5 =	vld [tilespmem:s1+$0x10C20];
	_ =	sdelay $0x1  }
0x4a1: {  	v6 =	vld [tilespmem:s5+$0xC20];
	_ =	sdelay $0x2  }
0x4a2: {  	v5 =	vmul.f32 v5, v4;
	_ =	sdelay $0x1  }
0x4a3: {  	v5 =	vsub.f32 v6, v5;
	_ =	sdelay $0x1  }
0x4a4: {  	v5 =	vmax.f32 v5, $-5.000000000e+00  }
0x4a5: {  	v5 =	vmin.f32 v5, $5.000000000e+00  }
0x4a6: {  	[tilespmem:s5+$0xC20] =	vst v5  }
0x4a7: {  	v5 =	vld [tilespmem:s1+$0x10C30];
	_ =	sdelay $0x1  }
0x4a8: {  	v6 =	vld [tilespmem:s5+$0xC30];
	_ =	sdelay $0x2  }
0x4a9: {  	v5 =	vmul.f32 v5, v4;
	_ =	sdelay $0x1  }
0x4aa: {  	v5 =	vsub.f32 v6, v5;
	_ =	sdelay $0x1  }
0x4ab: {  	v5 =	vmax.f32 v5, $-5.000000000e+00  }
0x4ac: {  	v5 =	vmin.f32 v5, $5.000000000e+00  }
0x4ad: {  	[tilespmem:s5+$0xC30] =	vst v5  }
0x4ae: {  	v5 =	vld [tilespmem:s1+$0x10C40];
	_ =	sdelay $0x1  }
0x4af: {  	v6 =	vld [tilespmem:s5+$0xC40];
	_ =	sdelay $0x2  }
0x4b0: {  	v5 =	vmul.f32 v5, v4;
	_ =	sdelay $0x1  }
0x4b1: {  	v5 =	vsub.f32 v6, v5;
	_ =	sdelay $0x1  }
0x4b2: {  	v5 =	vmax.f32 v5, $-5.000000000e+00  }
0x4b3: {  	v5 =	vmin.f32 v5, $5.000000000e+00  }
0x4b4: {  	[tilespmem:s5+$0xC40] =	vst v5  }
0x4b5: {  	v5 =	vld [tilespmem:s1+$0x10C50];
	_ =	sdelay $0x1  }
0x4b6: {  	v6 =	vld [tilespmem:s5+$0xC50];
	_ =	sdelay $0x2  }
0x4b7: {  	v5 =	vmul.f32 v5, v4;
	_ =	sdelay $0x1  }
0x4b8: {  	v5 =	vsub.f32 v6, v5;
	_ =	sdelay $0x1  }
0x4b9: {  	v5 =	vmax.f32 v5, $-5.000000000e+00  }
0x4ba: {  	v5 =	vmin.f32 v5, $5.000000000e+00  }
0x4bb: {  	[tilespmem:s5+$0xC50] =	vst v5  }
0x4bc: {  	v5 =	vld [tilespmem:s1+$0x10C60];
	_ =	sdelay $0x1  }
0x4bd: {  	v6 =	vld [tilespmem:s5+$0xC60];
	_ =	sdelay $0x2  }
0x4be: {  	v5 =	vmul.f32 v5, v4;
	_ =	sdelay $0x1  }
0x4bf: {  	v5 =	vsub.f32 v6, v5;
	_ =	sdelay $0x1  }
0x4c0: {  	v5 =	vmax.f32 v5, $-5.000000000e+00  }
0x4c1: {  	v5 =	vmin.f32 v5, $5.000000000e+00  }
0x4c2: {  	[tilespmem:s5+$0xC60] =	vst v5  }
0x4c3: {  	v5 =	vld [tilespmem:s1+$0x10C70];
	_ =	sdelay $0x1  }
0x4c4: {  	v6 =	vld [tilespmem:s5+$0xC70]  }
.Ltmp3:
0x4c5: {  	(pc) =	sbr.rel @p0 .LBB2_9-.Ltmp3, $3  }
0x4c6: {  	_ = 	snop  }
0x4c7: {  	v5 =	vmul.f32 v5, v4;
	_ =	sdelay $0x1  }
0x4c8: {  	v4 =	vmov s14;
	s14 =	sadd.s32 $0x1, s14;
	v5 =	vsub.f32 v6, v5  }
0x4c9: {  	_ = 	snop  }
0x4ca: {  	v5 =	vmax.f32 v5, $-5.000000000e+00  }
0x4cb: {  	v5 =	vmin.f32 v5, $5.000000000e+00  }
0x4cc: {  	s1 =	sadd.s32 $0x200, s2;
	s3 =	sadd.s32 $0x80, s15;
	[tilespmem:s5+$0xC70] =	vst v5  }
0x4cd: {  	s3 =	sand.u32 $0x380, s3;
	s4 =	sand.u32 $0x7000, s1;
	v4 =	vld.idx.msk [tilespmem:v4+s30+$0x0], $0xffff  }
0x4ce: {  	s1 =	sadd.s32 $0x8000, s1;
	s2 =	sor.u32 s3, s4  }
0x4cf: {  	s1 =	sand.u32 $0xF000, s1;
	v5 =	vld [tilespmem:s2+$0x10000]  }
0x4d0: {  	s1 =	sor.u32 s3, s1  }
0x4d1: {  	v6 =	vld [tilespmem:s1+$0x0]  }
0x4d2: {  	v4 =	vmul.f32 $9.999999770e-03, v4;
	_ =	sdelay $0x1  }
0x4d3: {  	v5 =	vmul.f32 v5, v4;
	_ =	sdelay $0x1  }
0x4d4: {  	v5 =	vsub.f32 v6, v5;
	_ =	sdelay $0x1  }
0x4d5: {  	v5 =	vmax.f32 v5, $-5.000000000e+00  }
0x4d6: {  	v5 =	vmin.f32 v5, $5.000000000e+00  }
0x4d7: {  	[tilespmem:s1+$0x0] =	vst v5  }
0x4d8: {  	v5 =	vld [tilespmem:s2+$0x10010];
	_ =	sdelay $0x1  }
0x4d9: {  	v33 =	vld [tilespmem:s1+$0x10];
	_ =	sdelay $0x2  }
0x4da: {  	v5 =	vmul.f32 v5, v4;
	_ =	sdelay $0x1  }
0x4db: {  	v5 =	vsub.f32 v33, v5;
	_ =	sdelay $0x1  }
0x4dc: {  	v5 =	vmax.f32 v5, $-5.000000000e+00  }
0x4dd: {  	v5 =	vmin.f32 v5, $5.000000000e+00  }
0x4de: {  	[tilespmem:s1+$0x10] =	vst v5  }
0x4df: {  	v5 =	vld [tilespmem:s2+$0x10020];
	_ =	sdelay $0x1  }
0x4e0: {  	v34 =	vld [tilespmem:s1+$0x20];
	_ =	sdelay $0x2  }
0x4e1: {  	v5 =	vmul.f32 v5, v4;
	_ =	sdelay $0x1  }
0x4e2: {  	v5 =	vsub.f32 v34, v5;
	_ =	sdelay $0x1  }
0x4e3: {  	v5 =	vmax.f32 v5, $-5.000000000e+00  }
0x4e4: {  	v5 =	vmin.f32 v5, $5.000000000e+00  }
0x4e5: {  	[tilespmem:s1+$0x20] =	vst v5  }
0x4e6: {  	v5 =	vld [tilespmem:s2+$0x10030];
	_ =	sdelay $0x1  }
0x4e7: {  	v35 =	vld [tilespmem:s1+$0x30];
	_ =	sdelay $0x2  }
0x4e8: {  	v5 =	vmul.f32 v5, v4;
	_ =	sdelay $0x1  }
0x4e9: {  	v5 =	vsub.f32 v35, v5;
	_ =	sdelay $0x1  }
0x4ea: {  	v5 =	vmax.f32 v5, $-5.000000000e+00  }
0x4eb: {  	v5 =	vmin.f32 v5, $5.000000000e+00  }
0x4ec: {  	[tilespmem:s1+$0x30] =	vst v5  }
0x4ed: {  	v5 =	vld [tilespmem:s2+$0x10040];
	_ =	sdelay $0x1  }
0x4ee: {  	v36 =	vld [tilespmem:s1+$0x40];
	_ =	sdelay $0x2  }
0x4ef: {  	v5 =	vmul.f32 v5, v4;
	_ =	sdelay $0x1  }
0x4f0: {  	v5 =	vsub.f32 v36, v5;
	_ =	sdelay $0x1  }
0x4f1: {  	v5 =	vmax.f32 v5, $-5.000000000e+00  }
0x4f2: {  	v5 =	vmin.f32 v5, $5.000000000e+00  }
0x4f3: {  	[tilespmem:s1+$0x40] =	vst v5  }
0x4f4: {  	v5 =	vld [tilespmem:s2+$0x10050];
	_ =	sdelay $0x1  }
0x4f5: {  	v37 =	vld [tilespmem:s1+$0x50];
	_ =	sdelay $0x2  }
0x4f6: {  	v5 =	vmul.f32 v5, v4;
	_ =	sdelay $0x1  }
0x4f7: {  	v5 =	vsub.f32 v37, v5;
	_ =	sdelay $0x1  }
0x4f8: {  	v5 =	vmax.f32 v5, $-5.000000000e+00  }
0x4f9: {  	v5 =	vmin.f32 v5, $5.000000000e+00  }
0x4fa: {  	[tilespmem:s1+$0x50] =	vst v5  }
0x4fb: {  	v5 =	vld [tilespmem:s2+$0x10060];
	_ =	sdelay $0x1  }
0x4fc: {  	v38 =	vld [tilespmem:s1+$0x60];
	_ =	sdelay $0x2  }
0x4fd: {  	v5 =	vmul.f32 v5, v4;
	_ =	sdelay $0x1  }
0x4fe: {  	v5 =	vsub.f32 v38, v5;
	_ =	sdelay $0x1  }
0x4ff: {  	v5 =	vmax.f32 v5, $-5.000000000e+00  }
0x500: {  	v5 =	vmin.f32 v5, $5.000000000e+00  }
0x501: {  	[tilespmem:s1+$0x60] =	vst v5  }
0x502: {  	v5 =	vld [tilespmem:s2+$0x10070];
	_ =	sdelay $0x1  }
0x503: {  	v39 =	vld [tilespmem:s1+$0x70];
	_ =	sdelay $0x2  }
0x504: {  	v5 =	vmul.f32 v5, v4;
	_ =	sdelay $0x1  }
0x505: {  	v5 =	vsub.f32 v39, v5;
	_ =	sdelay $0x1  }
0x506: {  	v5 =	vmax.f32 v5, $-5.000000000e+00  }
0x507: {  	v5 =	vmin.f32 v5, $5.000000000e+00  }
0x508: {  	[tilespmem:s1+$0x70] =	vst v5  }
0x509: {  	v5 =	vld [tilespmem:s2+$0x10400];
	_ =	sdelay $0x1  }
0x50a: {  	v40 =	vld [tilespmem:s1+$0x400];
	_ =	sdelay $0x2  }
0x50b: {  	v5 =	vmul.f32 v5, v4;
	_ =	sdelay $0x1  }
0x50c: {  	v5 =	vsub.f32 v40, v5;
	_ =	sdelay $0x1  }
0x50d: {  	v5 =	vmax.f32 v5, $-5.000000000e+00  }
0x50e: {  	v5 =	vmin.f32 v5, $5.000000000e+00  }
0x50f: {  	[tilespmem:s1+$0x400] =	vst v5  }
0x510: {  	v5 =	vld [tilespmem:s2+$0x10410];
	_ =	sdelay $0x1  }
0x511: {  	v41 =	vld [tilespmem:s1+$0x410];
	_ =	sdelay $0x2  }
0x512: {  	v5 =	vmul.f32 v5, v4;
	_ =	sdelay $0x1  }
0x513: {  	v5 =	vsub.f32 v41, v5;
	_ =	sdelay $0x1  }
0x514: {  	v5 =	vmax.f32 v5, $-5.000000000e+00  }
0x515: {  	v5 =	vmin.f32 v5, $5.000000000e+00  }
0x516: {  	[tilespmem:s1+$0x410] =	vst v5  }
0x517: {  	v5 =	vld [tilespmem:s2+$0x10420];
	_ =	sdelay $0x1  }
0x518: {  	v42 =	vld [tilespmem:s1+$0x420];
	_ =	sdelay $0x2  }
0x519: {  	v5 =	vmul.f32 v5, v4;
	_ =	sdelay $0x1  }
0x51a: {  	v5 =	vsub.f32 v42, v5;
	_ =	sdelay $0x1  }
0x51b: {  	v5 =	vmax.f32 v5, $-5.000000000e+00  }
0x51c: {  	v5 =	vmin.f32 v5, $5.000000000e+00  }
0x51d: {  	[tilespmem:s1+$0x420] =	vst v5  }
0x51e: {  	v5 =	vld [tilespmem:s2+$0x10430];
	_ =	sdelay $0x1  }
0x51f: {  	v43 =	vld [tilespmem:s1+$0x430];
	_ =	sdelay $0x2  }
0x520: {  	v5 =	vmul.f32 v5, v4;
	_ =	sdelay $0x1  }
0x521: {  	v5 =	vsub.f32 v43, v5;
	_ =	sdelay $0x1  }
0x522: {  	v5 =	vmax.f32 v5, $-5.000000000e+00  }
0x523: {  	v5 =	vmin.f32 v5, $5.000000000e+00  }
0x524: {  	[tilespmem:s1+$0x430] =	vst v5  }
0x525: {  	v5 =	vld [tilespmem:s2+$0x10440];
	_ =	sdelay $0x1  }
0x526: {  	v44 =	vld [tilespmem:s1+$0x440];
	_ =	sdelay $0x2  }
0x527: {  	v5 =	vmul.f32 v5, v4;
	_ =	sdelay $0x1  }
0x528: {  	v5 =	vsub.f32 v44, v5;
	_ =	sdelay $0x1  }
0x529: {  	v5 =	vmax.f32 v5, $-5.000000000e+00  }
0x52a: {  	v5 =	vmin.f32 v5, $5.000000000e+00  }
0x52b: {  	[tilespmem:s1+$0x440] =	vst v5  }
0x52c: {  	v5 =	vld [tilespmem:s2+$0x10450];
	_ =	sdelay $0x1  }
0x52d: {  	v45 =	vld [tilespmem:s1+$0x450];
	_ =	sdelay $0x2  }
0x52e: {  	v5 =	vmul.f32 v5, v4;
	_ =	sdelay $0x1  }
0x52f: {  	v5 =	vsub.f32 v45, v5;
	_ =	sdelay $0x1  }
0x530: {  	v5 =	vmax.f32 v5, $-5.000000000e+00  }
0x531: {  	v5 =	vmin.f32 v5, $5.000000000e+00  }
0x532: {  	[tilespmem:s1+$0x450] =	vst v5  }
0x533: {  	v5 =	vld [tilespmem:s2+$0x10460];
	_ =	sdelay $0x1  }
0x534: {  	v46 =	vld [tilespmem:s1+$0x460];
	_ =	sdelay $0x2  }
0x535: {  	v5 =	vmul.f32 v5, v4;
	_ =	sdelay $0x1  }
0x536: {  	v5 =	vsub.f32 v46, v5;
	_ =	sdelay $0x1  }
0x537: {  	v5 =	vmax.f32 v5, $-5.000000000e+00  }
0x538: {  	v5 =	vmin.f32 v5, $5.000000000e+00  }
0x539: {  	[tilespmem:s1+$0x460] =	vst v5  }
0x53a: {  	v5 =	vld [tilespmem:s2+$0x10470];
	_ =	sdelay $0x1  }
0x53b: {  	v47 =	vld [tilespmem:s1+$0x470];
	_ =	sdelay $0x2  }
0x53c: {  	v5 =	vmul.f32 v5, v4;
	_ =	sdelay $0x1  }
0x53d: {  	v5 =	vsub.f32 v47, v5;
	_ =	sdelay $0x1  }
0x53e: {  	v5 =	vmax.f32 v5, $-5.000000000e+00  }
0x53f: {  	v5 =	vmin.f32 v5, $5.000000000e+00  }
0x540: {  	[tilespmem:s1+$0x470] =	vst v5  }
0x541: {  	v5 =	vld [tilespmem:s2+$0x10800];
	_ =	sdelay $0x1  }
0x542: {  	v48 =	vld [tilespmem:s1+$0x800];
	_ =	sdelay $0x2  }
0x543: {  	v5 =	vmul.f32 v5, v4;
	_ =	sdelay $0x1  }
0x544: {  	v5 =	vsub.f32 v48, v5;
	_ =	sdelay $0x1  }
0x545: {  	v5 =	vmax.f32 v5, $-5.000000000e+00  }
0x546: {  	v5 =	vmin.f32 v5, $5.000000000e+00  }
0x547: {  	[tilespmem:s1+$0x800] =	vst v5  }
0x548: {  	v5 =	vld [tilespmem:s2+$0x10810];
	_ =	sdelay $0x1  }
0x549: {  	v49 =	vld [tilespmem:s1+$0x810];
	_ =	sdelay $0x2  }
0x54a: {  	v5 =	vmul.f32 v5, v4;
	_ =	sdelay $0x1  }
0x54b: {  	v5 =	vsub.f32 v49, v5;
	_ =	sdelay $0x1  }
0x54c: {  	v5 =	vmax.f32 v5, $-5.000000000e+00  }
0x54d: {  	v5 =	vmin.f32 v5, $5.000000000e+00  }
0x54e: {  	[tilespmem:s1+$0x810] =	vst v5  }
0x54f: {  	v5 =	vld [tilespmem:s2+$0x10820];
	_ =	sdelay $0x1  }
0x550: {  	v50 =	vld [tilespmem:s1+$0x820];
	_ =	sdelay $0x2  }
0x551: {  	v5 =	vmul.f32 v5, v4;
	_ =	sdelay $0x1  }
0x552: {  	v5 =	vsub.f32 v50, v5;
	_ =	sdelay $0x1  }
0x553: {  	v5 =	vmax.f32 v5, $-5.000000000e+00  }
0x554: {  	v5 =	vmin.f32 v5, $5.000000000e+00  }
0x555: {  	[tilespmem:s1+$0x820] =	vst v5  }
0x556: {  	v5 =	vld [tilespmem:s2+$0x10830];
	_ =	sdelay $0x1  }
0x557: {  	v51 =	vld [tilespmem:s1+$0x830];
	_ =	sdelay $0x2  }
0x558: {  	v5 =	vmul.f32 v5, v4;
	_ =	sdelay $0x1  }
0x559: {  	v5 =	vsub.f32 v51, v5;
	_ =	sdelay $0x1  }
0x55a: {  	v5 =	vmax.f32 v5, $-5.000000000e+00  }
0x55b: {  	v5 =	vmin.f32 v5, $5.000000000e+00  }
0x55c: {  	[tilespmem:s1+$0x830] =	vst v5  }
0x55d: {  	v5 =	vld [tilespmem:s2+$0x10840];
	_ =	sdelay $0x1  }
0x55e: {  	v52 =	vld [tilespmem:s1+$0x840];
	_ =	sdelay $0x2  }
0x55f: {  	v5 =	vmul.f32 v5, v4;
	_ =	sdelay $0x1  }
0x560: {  	v5 =	vsub.f32 v52, v5;
	_ =	sdelay $0x1  }
0x561: {  	v5 =	vmax.f32 v5, $-5.000000000e+00  }
0x562: {  	v5 =	vmin.f32 v5, $5.000000000e+00  }
0x563: {  	[tilespmem:s1+$0x840] =	vst v5  }
0x564: {  	v5 =	vld [tilespmem:s2+$0x10850];
	_ =	sdelay $0x1  }
0x565: {  	v53 =	vld [tilespmem:s1+$0x850];
	_ =	sdelay $0x2  }
0x566: {  	v5 =	vmul.f32 v5, v4;
	_ =	sdelay $0x1  }
0x567: {  	v5 =	vsub.f32 v53, v5;
	_ =	sdelay $0x1  }
0x568: {  	v5 =	vmax.f32 v5, $-5.000000000e+00  }
0x569: {  	v5 =	vmin.f32 v5, $5.000000000e+00  }
0x56a: {  	[tilespmem:s1+$0x850] =	vst v5  }
0x56b: {  	v5 =	vld [tilespmem:s2+$0x10860];
	_ =	sdelay $0x1  }
0x56c: {  	v54 =	vld [tilespmem:s1+$0x860];
	_ =	sdelay $0x2  }
0x56d: {  	v5 =	vmul.f32 v5, v4;
	_ =	sdelay $0x1  }
0x56e: {  	v5 =	vsub.f32 v54, v5;
	_ =	sdelay $0x1  }
0x56f: {  	v5 =	vmax.f32 v5, $-5.000000000e+00  }
0x570: {  	v5 =	vmin.f32 v5, $5.000000000e+00  }
0x571: {  	[tilespmem:s1+$0x860] =	vst v5  }
0x572: {  	v5 =	vld [tilespmem:s2+$0x10870];
	_ =	sdelay $0x1  }
0x573: {  	v55 =	vld [tilespmem:s1+$0x870];
	_ =	sdelay $0x2  }
0x574: {  	v5 =	vmul.f32 v5, v4;
	_ =	sdelay $0x1  }
0x575: {  	v5 =	vsub.f32 v55, v5;
	_ =	sdelay $0x1  }
0x576: {  	v5 =	vmax.f32 v5, $-5.000000000e+00  }
0x577: {  	v5 =	vmin.f32 v5, $5.000000000e+00  }
0x578: {  	[tilespmem:s1+$0x870] =	vst v5  }
0x579: {  	v5 =	vld [tilespmem:s2+$0x10C00];
	_ =	sdelay $0x1  }
0x57a: {  	v56 =	vld [tilespmem:s1+$0xC00];
	_ =	sdelay $0x2  }
0x57b: {  	v5 =	vmul.f32 v5, v4;
	_ =	sdelay $0x1  }
0x57c: {  	v5 =	vsub.f32 v56, v5;
	_ =	sdelay $0x1  }
0x57d: {  	v5 =	vmax.f32 v5, $-5.000000000e+00  }
0x57e: {  	v5 =	vmin.f32 v5, $5.000000000e+00  }
0x57f: {  	[tilespmem:s1+$0xC00] =	vst v5  }
0x580: {  	v5 =	vld [tilespmem:s2+$0x10C10];
	_ =	sdelay $0x1  }
0x581: {  	v57 =	vld [tilespmem:s1+$0xC10];
	_ =	sdelay $0x2  }
0x582: {  	v5 =	vmul.f32 v5, v4;
	_ =	sdelay $0x1  }
0x583: {  	v5 =	vsub.f32 v57, v5;
	_ =	sdelay $0x1  }
0x584: {  	v5 =	vmax.f32 v5, $-5.000000000e+00  }
0x585: {  	v5 =	vmin.f32 v5, $5.000000000e+00  }
0x586: {  	[tilespmem:s1+$0xC10] =	vst v5  }
0x587: {  	v5 =	vld [tilespmem:s2+$0x10C20];
	_ =	sdelay $0x1  }
0x588: {  	v58 =	vld [tilespmem:s1+$0xC20];
	_ =	sdelay $0x2  }
0x589: {  	v5 =	vmul.f32 v5, v4;
	_ =	sdelay $0x1  }
0x58a: {  	v5 =	vsub.f32 v58, v5;
	_ =	sdelay $0x1  }
0x58b: {  	v5 =	vmax.f32 v5, $-5.000000000e+00  }
0x58c: {  	v5 =	vmin.f32 v5, $5.000000000e+00  }
0x58d: {  	[tilespmem:s1+$0xC20] =	vst v5  }
0x58e: {  	v5 =	vld [tilespmem:s2+$0x10C30];
	_ =	sdelay $0x1  }
0x58f: {  	v59 =	vld [tilespmem:s1+$0xC30];
	_ =	sdelay $0x2  }
0x590: {  	v5 =	vmul.f32 v5, v4;
	_ =	sdelay $0x1  }
0x591: {  	v5 =	vsub.f32 v59, v5;
	_ =	sdelay $0x1  }
0x592: {  	v5 =	vmax.f32 v5, $-5.000000000e+00  }
0x593: {  	v5 =	vmin.f32 v5, $5.000000000e+00  }
0x594: {  	[tilespmem:s1+$0xC30] =	vst v5  }
0x595: {  	v5 =	vld [tilespmem:s2+$0x10C40];
	_ =	sdelay $0x1  }
0x596: {  	v60 =	vld [tilespmem:s1+$0xC40];
	_ =	sdelay $0x2  }
0x597: {  	v5 =	vmul.f32 v5, v4;
	_ =	sdelay $0x1  }
0x598: {  	v5 =	vsub.f32 v60, v5;
	_ =	sdelay $0x1  }
0x599: {  	v5 =	vmax.f32 v5, $-5.000000000e+00  }
0x59a: {  	v5 =	vmin.f32 v5, $5.000000000e+00  }
0x59b: {  	[tilespmem:s1+$0xC40] =	vst v5  }
0x59c: {  	v5 =	vld [tilespmem:s2+$0x10C50];
	_ =	sdelay $0x1  }
0x59d: {  	v61 =	vld [tilespmem:s1+$0xC50];
	_ =	sdelay $0x2  }
0x59e: {  	v5 =	vmul.f32 v5, v4;
	_ =	sdelay $0x1  }
0x59f: {  	v5 =	vsub.f32 v61, v5;
	_ =	sdelay $0x1  }
0x5a0: {  	v5 =	vmax.f32 v5, $-5.000000000e+00  }
0x5a1: {  	v5 =	vmin.f32 v5, $5.000000000e+00  }
0x5a2: {  	[tilespmem:s1+$0xC50] =	vst v5  }
0x5a3: {  	v5 =	vld [tilespmem:s2+$0x10C60];
	_ =	sdelay $0x1  }
0x5a4: {  	v62 =	vld [tilespmem:s1+$0xC60];
	_ =	sdelay $0x2  }
0x5a5: {  	v5 =	vmul.f32 v5, v4;
	_ =	sdelay $0x1  }
0x5a6: {  	v5 =	vsub.f32 v62, v5;
	_ =	sdelay $0x1  }
0x5a7: {  	v5 =	vmax.f32 v5, $-5.000000000e+00  }
0x5a8: {  	v5 =	vmin.f32 v5, $5.000000000e+00  }
0x5a9: {  	[tilespmem:s1+$0xC60] =	vst v5  }
0x5aa: {  	v5 =	vld [tilespmem:s2+$0x10C70];
	_ =	sdelay $0x1  }
0x5ab: {  	v63 =	vld [tilespmem:s1+$0xC70];
	_ =	sdelay $0x2  }
0x5ac: {  	v4 =	vmul.f32 v5, v4;
	_ =	sdelay $0x1  }
0x5ad: {  	v4 =	vsub.f32 v63, v4;
	_ =	sdelay $0x1  }
0x5ae: {  	v4 =	vmax.f32 v4, $-5.000000000e+00  }
0x5af: {  	v4 =	vmin.f32 v4, $5.000000000e+00  }
0x5b0: {  	[tilespmem:s1+$0xC70] =	vst v4  }
0x5b1: {  	v4 =	vld [tilespmem:$0x18080];
	_ =	sdelay $0x4  }
0x5b2: {  	v5 =	vshll.u32 v4, $0x2  }
0x5b3: {  	v4 =	vand.u32 $0x7, v4;
	v5 =	vand.u32 $0xFFFFFFE0, v5  }
0x5b4: {  	v4 =	vor.u32 v4, v5  }
0x5b5: {  	v5 =	vperm.xlane v4, v0;
	_ =	sdelay $0x1  }
0x5b6: {  	v5 =	vadd.s32 v1, v5;
	_ =	sdelay $0x1  }
0x5b7: {  	v4 =	vperm.xlane v4, v2;
	_ =	sdelay $0x1  }
0x5b8: {  	s3 =	simm.s32 $0x0;
	v4 =	vadd.s32 v1, v4  }
0x5b9: {  	[hbm4b:s9+s3] =	stream.indirect_vreg.scatter [tilespmem:s3], [sflag:$0x1], $0x80, v5, vm0, $0xb8;
	[tilespmem:$0x18A80] =	vst v63  }
0x5ba: {  	s5 =	rddreg [dreg:$0xe]  }
0x5bb: {  	[hbm4b:s5+s3] =	stream.indirect_vreg.scatter [tilespmem:s13], [sflag:$0x1], $0x80, v5, vm0, $0xb8;
	[tilespmem:$0x18A80] =	vst v63  }
0x5bc: {  	s14 =	simm.s32 $0x1000  }
0x5bd: {  	[hbm4b:s9+s3] =	stream.indirect_vreg.scatter [tilespmem:s14], [sflag:$0x1], $0x80, v4, vm0, $0xb8;
	[tilespmem:$0x18A80] =	vst v63  }
0x5be: {  	s15 =	simm.s32 $0x1800  }
0x5bf: {  	[hbm4b:s5+s3] =	stream.indirect_vreg.scatter [tilespmem:s15], [sflag:$0x1], $0x80, v4, vm0, $0xb8;
	[tilespmem:$0x18A80] =	vst v63  }
0x5c0: {  	v4 =	vld [tilespmem:$0x18090];
	_ =	sdelay $0x4  }
0x5c1: {  	v5 =	vshll.u32 v4, $0x2  }
0x5c2: {  	v4 =	vand.u32 $0x7, v4;
	v5 =	vand.u32 $0xFFFFFFE0, v5  }
0x5c3: {  	v4 =	vor.u32 v4, v5  }
0x5c4: {  	v5 =	vperm.xlane v4, v0;
	_ =	sdelay $0x1  }
0x5c5: {  	v5 =	vadd.s32 v1, v5;
	_ =	sdelay $0x1  }
0x5c6: {  	v4 =	vperm.xlane v4, v2;
	_ =	sdelay $0x1  }
0x5c7: {  	v4 =	vadd.s32 v1, v4  }
0x5c8: {  	[hbm4b:s9+s3] =	stream.indirect_vreg.scatter [tilespmem:s8], [sflag:$0x1], $0x80, v5, vm0, $0xb8;
	[tilespmem:$0x18A80] =	vst v63  }
0x5c9: {  	_ = 	snop  }
0x5ca: {  	[hbm4b:s5+s3] =	stream.indirect_vreg.scatter [tilespmem:s11], [sflag:$0x1], $0x80, v5, vm0, $0xb8;
	[tilespmem:$0x18A80] =	vst v63  }
0x5cb: {  	s7 =	simm.s32 $0x3000  }
0x5cc: {  	[hbm4b:s9+s3] =	stream.indirect_vreg.scatter [tilespmem:s7], [sflag:$0x1], $0x80, v4, vm0, $0xb8;
	[tilespmem:$0x18A80] =	vst v63  }
0x5cd: {  	_ = 	snop  }
0x5ce: {  	[hbm4b:s5+s3] =	stream.indirect_vreg.scatter [tilespmem:s10], [sflag:$0x1], $0x80, v4, vm0, $0xb8;
	[tilespmem:$0x18A80] =	vst v63  }
0x5cf: {  	v4 =	vld [tilespmem:$0x180A0];
	_ =	sdelay $0x4  }
0x5d0: {  	v5 =	vshll.u32 v4, $0x2  }
0x5d1: {  	v4 =	vand.u32 $0x7, v4;
	v5 =	vand.u32 $0xFFFFFFE0, v5  }
0x5d2: {  	v4 =	vor.u32 v4, v5  }
0x5d3: {  	v5 =	vperm.xlane v4, v0;
	_ =	sdelay $0x1  }
0x5d4: {  	v5 =	vadd.s32 v1, v5;
	_ =	sdelay $0x1  }
0x5d5: {  	v4 =	vperm.xlane v4, v2;
	_ =	sdelay $0x1  }
0x5d6: {  	s8 =	simm.s32 $0x4000;
	v4 =	vadd.s32 v1, v4  }
0x5d7: {  	[hbm4b:s9+s3] =	stream.indirect_vreg.scatter [tilespmem:s8], [sflag:$0x1], $0x80, v5, vm0, $0xb8;
	[tilespmem:$0x18A80] =	vst v63  }
0x5d8: {  	_ = 	snop  }
0x5d9: {  	[hbm4b:s5+s3] =	stream.indirect_vreg.scatter [tilespmem:s12], [sflag:$0x1], $0x80, v5, vm0, $0xb8;
	[tilespmem:$0x18A80] =	vst v63  }
0x5da: {  	s10 =	simm.s32 $0x5000  }
0x5db: {  	[hbm4b:s9+s3] =	stream.indirect_vreg.scatter [tilespmem:s10], [sflag:$0x1], $0x80, v4, vm0, $0xb8;
	[tilespmem:$0x18A80] =	vst v63  }
0x5dc: {  	_ = 	snop  }
0x5dd: {  	[hbm4b:s5+s3] =	stream.indirect_vreg.scatter [tilespmem:s20], [sflag:$0x1], $0x80, v4, vm0, $0xb8;
	[tilespmem:$0x18A80] =	vst v63  }
0x5de: {  	v4 =	vld [tilespmem:$0x180B0];
	_ =	sdelay $0x4  }
0x5df: {  	v5 =	vshll.u32 v4, $0x2  }
0x5e0: {  	v4 =	vand.u32 $0x7, v4;
	v5 =	vand.u32 $0xFFFFFFE0, v5  }
0x5e1: {  	v4 =	vor.u32 v4, v5  }
0x5e2: {  	v5 =	vperm.xlane v4, v0;
	_ =	sdelay $0x1  }
0x5e3: {  	v5 =	vadd.s32 v1, v5;
	_ =	sdelay $0x1  }
0x5e4: {  	v4 =	vperm.xlane v4, v2;
	_ =	sdelay $0x1  }
0x5e5: {  	s11 =	simm.s32 $0x6000;
	v4 =	vadd.s32 v1, v4  }
0x5e6: {  	[hbm4b:s9+s3] =	stream.indirect_vreg.scatter [tilespmem:s11], [sflag:$0x1], $0x80, v5, vm0, $0xb8;
	[tilespmem:$0x18A80] =	vst v63  }
0x5e7: {  	_ = 	snop  }
0x5e8: {  	[hbm4b:s5+s3] =	stream.indirect_vreg.scatter [tilespmem:s19], [sflag:$0x1], $0x80, v5, vm0, $0xb8;
	[tilespmem:$0x18A80] =	vst v63  }
0x5e9: {  	s12 =	simm.s32 $0x7000  }
0x5ea: {  	[hbm4b:s9+s3] =	stream.indirect_vreg.scatter [tilespmem:s12], [sflag:$0x1], $0x80, v4, vm0, $0xb8;
	[tilespmem:$0x18A80] =	vst v63  }
0x5eb: {  	_ = 	snop  }
0x5ec: {  	[hbm4b:s5+s3] =	stream.indirect_vreg.scatter [tilespmem:s21], [sflag:$0x1], $0x80, v4, vm0, $0xb8;
	[tilespmem:$0x18A80] =	vst v63  }
0x5ed: {  	v4 =	vld [tilespmem:$0x180C0];
	_ =	sdelay $0x4  }
0x5ee: {  	v5 =	vshll.u32 v4, $0x2  }
0x5ef: {  	v4 =	vand.u32 $0x7, v4;
	v5 =	vand.u32 $0xFFFFFFE0, v5  }
0x5f0: {  	v4 =	vor.u32 v4, v5  }
0x5f1: {  	v5 =	vperm.xlane v4, v0;
	_ =	sdelay $0x1  }
0x5f2: {  	v5 =	vadd.s32 v1, v5;
	_ =	sdelay $0x1  }
0x5f3: {  	v4 =	vperm.xlane v4, v2;
	_ =	sdelay $0x1  }
0x5f4: {  	s13 =	simm.s32 $0x8000;
	v4 =	vadd.s32 v1, v4  }
0x5f5: {  	[hbm4b:s9+s3] =	stream.indirect_vreg.scatter [tilespmem:s13], [sflag:$0x1], $0x80, v5, vm0, $0xb8;
	[tilespmem:$0x18A80] =	vst v63  }
0x5f6: {  	_ = 	snop  }
0x5f7: {  	[hbm4b:s5+s3] =	stream.indirect_vreg.scatter [tilespmem:s22], [sflag:$0x1], $0x80, v5, vm0, $0xb8;
	[tilespmem:$0x18A80] =	vst v63  }
0x5f8: {  	s17 =	simm.s32 $0x9000  }
0x5f9: {  	[hbm4b:s9+s3] =	stream.indirect_vreg.scatter [tilespmem:s17], [sflag:$0x1], $0x80, v4, vm0, $0xb8;
	[tilespmem:$0x18A80] =	vst v63  }
0x5fa: {  	_ = 	snop  }
0x5fb: {  	[hbm4b:s5+s3] =	stream.indirect_vreg.scatter [tilespmem:s23], [sflag:$0x1], $0x80, v4, vm0, $0xb8;
	[tilespmem:$0x18A80] =	vst v63  }
0x5fc: {  	v4 =	vld [tilespmem:$0x180D0];
	_ =	sdelay $0x4  }
0x5fd: {  	v5 =	vshll.u32 v4, $0x2  }
0x5fe: {  	v4 =	vand.u32 $0x7, v4;
	v5 =	vand.u32 $0xFFFFFFE0, v5  }
0x5ff: {  	v4 =	vor.u32 v4, v5  }
0x600: {  	v5 =	vperm.xlane v4, v0;
	_ =	sdelay $0x1  }
0x601: {  	v5 =	vadd.s32 v1, v5;
	_ =	sdelay $0x1  }
0x602: {  	v4 =	vperm.xlane v4, v2;
	_ =	sdelay $0x1  }
0x603: {  	s18 =	simm.s32 $0xA000;
	v4 =	vadd.s32 v1, v4  }
0x604: {  	[hbm4b:s9+s3] =	stream.indirect_vreg.scatter [tilespmem:s18], [sflag:$0x1], $0x80, v5, vm0, $0xb8;
	[tilespmem:$0x18A80] =	vst v63  }
0x605: {  	_ = 	snop  }
0x606: {  	[hbm4b:s5+s3] =	stream.indirect_vreg.scatter [tilespmem:s24], [sflag:$0x1], $0x80, v5, vm0, $0xb8;
	[tilespmem:$0x18A80] =	vst v63  }
0x607: {  	s19 =	simm.s32 $0xB000  }
0x608: {  	[hbm4b:s9+s3] =	stream.indirect_vreg.scatter [tilespmem:s19], [sflag:$0x1], $0x80, v4, vm0, $0xb8;
	[tilespmem:$0x18A80] =	vst v63  }
0x609: {  	_ = 	snop  }
0x60a: {  	[hbm4b:s5+s3] =	stream.indirect_vreg.scatter [tilespmem:s25], [sflag:$0x1], $0x80, v4, vm0, $0xb8;
	[tilespmem:$0x18A80] =	vst v63  }
0x60b: {  	v4 =	vld [tilespmem:$0x180E0];
	_ =	sdelay $0x4  }
0x60c: {  	v5 =	vshll.u32 v4, $0x2  }
0x60d: {  	v4 =	vand.u32 $0x7, v4;
	v5 =	vand.u32 $0xFFFFFFE0, v5  }
0x60e: {  	v4 =	vor.u32 v4, v5  }
0x60f: {  	v5 =	vperm.xlane v4, v0;
	_ =	sdelay $0x1  }
0x610: {  	v5 =	vadd.s32 v1, v5;
	_ =	sdelay $0x1  }
0x611: {  	v4 =	vperm.xlane v4, v2;
	_ =	sdelay $0x1  }
0x612: {  	s20 =	simm.s32 $0xC000;
	v4 =	vadd.s32 v1, v4  }
0x613: {  	[hbm4b:s9+s3] =	stream.indirect_vreg.scatter [tilespmem:s20], [sflag:$0x1], $0x80, v5, vm0, $0xb8;
	[tilespmem:$0x18A80] =	vst v63  }
0x614: {  	_ = 	snop  }
0x615: {  	[hbm4b:s5+s3] =	stream.indirect_vreg.scatter [tilespmem:s28], [sflag:$0x1], $0x80, v5, vm0, $0xb8;
	[tilespmem:$0x18A80] =	vst v63  }
0x616: {  	s21 =	simm.s32 $0xD000  }
0x617: {  	[hbm4b:s9+s3] =	stream.indirect_vreg.scatter [tilespmem:s21], [sflag:$0x1], $0x80, v4, vm0, $0xb8;
	[tilespmem:$0x18A80] =	vst v63  }
0x618: {  	_ = 	snop  }
0x619: {  	[hbm4b:s5+s3] =	stream.indirect_vreg.scatter [tilespmem:s26], [sflag:$0x1], $0x80, v4, vm0, $0xb8;
	[tilespmem:$0x18A80] =	vst v63  }
0x61a: {  	v4 =	vld [tilespmem:$0x180F0];
	_ =	sdelay $0x4  }
0x61b: {  	v5 =	vshll.u32 v4, $0x2  }
0x61c: {  	v4 =	vand.u32 $0x7, v4;
	v5 =	vand.u32 $0xFFFFFFE0, v5  }
0x61d: {  	v4 =	vor.u32 v4, v5  }
0x61e: {  	v5 =	vperm.xlane v4, v0;
	_ =	sdelay $0x1  }
0x61f: {  	v5 =	vadd.s32 v1, v5;
	_ =	sdelay $0x1  }
0x620: {  	v4 =	vperm.xlane v4, v2;
	_ =	sdelay $0x1  }
0x621: {  	s22 =	simm.s32 $0xE000;
	v4 =	vadd.s32 v1, v4  }
0x622: {  	[hbm4b:s9+s3] =	stream.indirect_vreg.scatter [tilespmem:s22], [sflag:$0x1], $0x80, v5, vm0, $0xb8;
	[tilespmem:$0x18A80] =	vst v63  }
0x623: {  	s23 =	simm.s32 $0xE800  }
0x624: {  	[hbm4b:s5+s3] =	stream.indirect_vreg.scatter [tilespmem:s23], [sflag:$0x1], $0x80, v5, vm0, $0xb8;
	[tilespmem:$0x18A80] =	vst v63  }
0x625: {  	s24 =	simm.s32 $0xF000  }
0x626: {  	[hbm4b:s9+s3] =	stream.indirect_vreg.scatter [tilespmem:s24], [sflag:$0x1], $0x80, v4, vm0, $0xb8;
	[tilespmem:$0x18A80] =	vst v63  }
0x627: {  	s25 =	simm.s32 $0xF800  }
0x628: {  	[hbm4b:s5+s3] =	stream.indirect_vreg.scatter [tilespmem:s25], [sflag:$0x1], $0x80, v4, vm0, $0xb8;
	[tilespmem:$0x18A80] =	vst v63  }
0x629: {  	_ =	swait.ge [sflag:s31], $0x10000  }
0x62a: {  	[sflag:s31] =	ssyncset.done $0x0  }
0x62b: {  	[sflag:s31] =	ssyncadd.s32 $0xFFFF0000  }
0x62c: {  	s26 =	rddreg [dreg:$0x3]  }
0x62d: {  	s28 =	simm.s32 $0x18980;
	s0 =	sadd.s32 s26, s0  }
0x62e: {  	[hbm4b:s0+s3] =	stream.linear.scatter [tilespmem:s28], [sflag:$0x2], $0x80, $0x38;
	[tilespmem:$0x18A80] =	vst v63  }
0x62f: {  	_ =	swait.ge [sflag:s16], $0x80  }
0x630: {  	s31 =	rddreg [dreg:$0xc]  }
0x631: {  	s1 =	sadd.s32 $0x1, s31  }
0x632: {  	p0 =	sne.s32 s1, $0x14  }
.Ltmp4:
0x633: {  	_ = 	snop;
	(pc) =	sbr.rel @p0 .LBB2_2-.Ltmp4, $3  }
0x634: {  	_ =	sdelay $0x1  }
0x635: {  	[sflag:s16] =	ssyncset.done $0x0  }
0x636: {  	s4 =	simm.s32 $0x0;
	[sflag:s16] =	ssyncadd.s32 $0xFFFFFF80  }
0x637: {  	s1 =	rddreg [dreg:$0xb]  }
0x638: {  	s0 =	rddreg [dreg:$0x9];
	s1 =	sadd.s32 $0x1, s1  }
0x639: {  	p0 =	sne.s32 s1, s0  }
.Ltmp5:
0x63a: {  	_ = 	snop;
	(pc) =	sbr.rel @p0 .LBB2_1-.Ltmp5, $1  }
0x63b: {  	_ =	sdelay $0x3  }
0x63c: {  	_ =	sfence.sel $0x180000  }
0x63d: {  	[bflag:$0x0] =	sbarrier.arrive $0xFFFF  }
0x63e: {  	_ =	strace $0x90000047  }
0x63f: {  	s0 =	stileid.u32;
	[bflag:$0x2] =	sbarrier.arrive $0xFFFF  }
0x640: {  	p0 =	sne.s32 s0, $0x0;
	s0 =	rddreg [dreg:$0x4]  }
0x641: {  	s0 =	sadd.s32 @!p0 $0x100000, s0  }
0x642: {  	[sflag:s0] =	ssyncadd.tile.s32 @!p0 $0x1;
	_ =	shalt  }
.Lfunc_end2:
_tile_overlayer_lowered:
.L_overlay_start_2:
0x643: {  	(tag) =	ssettag $0x2  }
0x644: {  	s0 =	rddreg [dreg:$0x0];
	s2 =	stileid.u32  }
0x645: {  	s1 =	rddreg [dreg:$0x1];
	p0 =	sne.s32 s2, $0x0  }
0x646: {  	s3 =	rddreg [dreg:$0x2];
	[bflag:$0x3] =	sbarrier.arrive $0xFFFF;
	s2 =	simm.s32 @!p0 $0x1C02  }
0x647: {  	[timem:s3], [sflag:s2] =	dma.local @!p0 [hbm:s0], s1  }
0x648: {  	s0 =	simm.s32 @!p0 $0x2  }
0x649: {  	_ =	swait.ge @!p0 [sflag:s0], s1  }
0x64a: {  	s1 =	ssub.s32 @!p0 $0x0, s1;
	[sflag:s0] =	ssyncset.done @!p0 $0x0  }
0x64b: {  	[sflag:s0] =	ssyncadd.s32 @!p0 s1  }
0x64c: {  	[bflag:$0x3] =	sbarrier.arrive $0xFFFF  }
0x64d: {  	_ =	shalt  }

</sc_bundles>
